<compile_context>
chip_gen: v7x
topology: tpu7x:2x2x1
jax: 0.10.2.dev20260603
libtpu: 0.0.44.dev20260713+nightly
codegen_flags: <defaults>
</compile_context>

<pallas_src>
import functools

import jax
import jax.numpy as jnp
import numpy as np
from jax.experimental import pallas as pl
from jax.experimental.pallas import tpu as pltpu
from jax.experimental.pallas import tpu_sc as plsc

_WIDTH = 32
_WPAD = 128
_LEVEL = 3
_KW = [128, 64, 32]
_DOWN = [24000, 6000, 1500]
_MID = [48000, 12000, 3000]
_UP = [6000, 1500]
_NN = 13125
_NROWS = 13440
_NPTS = 10000

_E_TRUE = [24000, 6000, 1500, 3000, 1500, 12000, 6000, 48000]
_LKW = [128, 64, 32, 32, 32, 64, 64, 128]
_HAS_MID = [False, False, False, True, False, True, False, True]

_CH = 2048
_CHUNKS = [-(-e // _CH) for e in _E_TRUE]
_SEC = [c * _CH for c in _CHUNKS]
_NE_PAD = sum(_SEC)
_NCHUNKS = sum(_CHUNKS)
_CSTART = np.cumsum([0] + _CHUNKS[:-1]).tolist()
_CEND = (np.cumsum(_CHUNKS) - 1).tolist()
_ESTART = np.cumsum([0] + _SEC[:-1]).tolist()
_VEND = [s + e for s, e in zip(_ESTART, _E_TRUE)]
_INV = [1.0 / (e * _WIDTH) for e in _E_TRUE]

_NC, _NS = 2, 16
_NW = _NC * _NS
_GCH = 128

_SEGS = [0, 12, 28, _NCHUNKS]

_SUM_S = np.zeros((1024, _WPAD), dtype=np.float32)
_SUM_S[:, :_WIDTH] = np.repeat(np.eye(_WIDTH, dtype=np.float32), _WIDTH, axis=0)


def _relu(v):
    return jnp.maximum(v, 0.0)


def _dot(a, b):
    return jax.lax.dot_general(a, b, (((1,), (0,)), ((), ())),
                               preferred_element_type=jnp.float32)


def _wprep_body(wl_ref, bl_ref, s_ref, wo_ref, bo_ref):
    wo_ref[0] = _dot(wl_ref[0], s_ref[...])
    bo_ref[0] = _dot(bl_ref[0], s_ref[...])


def _wprep(wl_raw, bl_raw, s_mat):
    return pl.pallas_call(
        _wprep_body,
        grid=(8,),
        in_specs=[
            pl.BlockSpec((1, 128, 1024), lambda i: (i, 0, 0)),
            pl.BlockSpec((1, 1, 1024), lambda i: (i, 0, 0)),
            pl.BlockSpec((1024, _WPAD), lambda i: (0, 0)),
        ],
        out_specs=[
            pl.BlockSpec((1, 128, _WPAD), lambda i: (i, 0, 0)),
            pl.BlockSpec((1, 1, _WPAD), lambda i: (i, 0, 0)),
        ],
        out_shape=[
            jax.ShapeDtypeStruct((8, 128, _WPAD), jnp.float32),
            jax.ShapeDtypeStruct((8, 1, _WPAD), jnp.float32),
        ],
    )(wl_raw, bl_raw, s_mat)


def _h0_body(x_ref, w_ref, b_ref, o_ref):
    o_ref[...] = _dot(x_ref[...], w_ref[...]) + b_ref[...]


def _h0(x_pad, w_in, b_in):
    return pl.pallas_call(
        _h0_body,
        out_shape=jax.ShapeDtypeStruct((_NROWS, _WPAD), jnp.float32),
    )(x_pad, w_in, b_in)


_NBUF = 6
_GLA = 3


def _gather_body(cpt, table_hbm, idx_hbm, out_hbm, idx_v, *bufsems):
    bufs = bufsems[:_NBUF]
    gsems = bufsems[_NBUF:2 * _NBUF]
    wsems = bufsems[2 * _NBUF:]
    cid = jax.lax.axis_index("c")
    sid = jax.lax.axis_index("s")
    wid = sid * _NC + cid
    pltpu.sync_copy(idx_hbm.at[wid], idx_v)

    def gcopy(c):
        return pltpu.make_async_copy(
            table_hbm.at[idx_v.at[c]], bufs[c % _NBUF], gsems[c % _NBUF])

    def wcopy(c):
        return pltpu.make_async_copy(
            bufs[c % _NBUF],
            out_hbm.at[pl.ds(wid * (cpt * _GCH) + c * _GCH, _GCH)],
            wsems[c % _NBUF])

    for c in range(cpt):
        if c >= _NBUF:
            wcopy(c - _NBUF).wait()
        gcopy(c).start()
        if c >= _GLA:
            gcopy(c - _GLA).wait()
            wcopy(c - _GLA).start()
    for c in range(max(0, cpt - _GLA), cpt):
        gcopy(c).wait()
        wcopy(c).start()
    for c in range(max(0, cpt - _NBUF), cpt):
        wcopy(c).wait()


def _sc_gather(h0p, idx3):
    cpt = idx3.shape[1]
    mesh = plsc.VectorSubcoreMesh(core_axis_name="c", subcore_axis_name="s")
    f = pl.kernel(
        functools.partial(_gather_body, cpt),
        out_type=jax.ShapeDtypeStruct((_NW * cpt * _GCH, _WPAD), jnp.float32),
        mesh=mesh,
        scratch_types=(
            [pltpu.VMEM((cpt, _GCH), jnp.int32)]
            + [pltpu.VMEM((_GCH, _WPAD), jnp.float32)] * _NBUF
            + [pltpu.SemaphoreType.DMA] * (2 * _NBUF)
        ),
    )
    return f(h0p, idx3)


def _chain_body(lo, sin_ref, ea_ref, g_ref, w0_ref, b0_ref, w1_ref, b1_ref,
                w2_ref, b2_ref, wl_ref, bl_ref, out_ref, acc_sm, s_sm):
    i = pl.program_id(0)
    gi = i + lo
    lyr = jnp.int32(0)
    for b in _CSTART[1:]:
        lyr = lyr + (gi >= b).astype(jnp.int32)

    @pl.when(i == 0)
    def _():
        acc_sm[...] = jnp.zeros((1, _WPAD), jnp.float32)
        for j in range(8):
            s_sm[j] = sin_ref[0, j]
            out_ref[0, j] = sin_ref[0, j]

    a = ea_ref[...]
    a = _relu(_dot(a, w0_ref[0]) + b0_ref[0])
    a = _relu(_dot(a, w1_ref[0]) + b1_ref[0])
    a = _relu(_dot(a, w2_ref[0]) + b2_ref[0])
    k = _dot(a, wl_ref[0]) + bl_ref[0]

    v = g_ref[...]
    for j in range(7):
        v = jnp.where(lyr > j, _relu(v + s_sm[j]), v)

    vend = jnp.int32(_VEND[0])
    for j in range(1, 8):
        vend = jnp.where(lyr == j, jnp.int32(_VEND[j]), vend)
    row = gi * _CH + jax.lax.broadcasted_iota(jnp.int32, (_CH, _WPAD), 0)
    psum = jnp.sum(jnp.where(row < vend, v * k, 0.0), axis=0, keepdims=True)

    acc = acc_sm[...] + psum
    for j in range(8):
        @pl.when(gi == _CEND[j])
        def _(j=j):
            sval = jnp.sum(acc) * _INV[j]
            s_sm[j] = sval
            out_ref[0, j] = sval
            acc_sm[...] = jnp.zeros((1, _WPAD), jnp.float32)

    is_end = (gi == _CEND[0])
    for j in range(1, 8):
        is_end = jnp.logical_or(is_end, gi == _CEND[j])

    @pl.when(jnp.logical_not(is_end))
    def _():
        acc_sm[...] = acc


def _chain_seg(lo, hi, s_in, ea_seg, g_seg,
               w0s, b0s, w1s, b1s, w2s, b2s, wls, bls):
    def lmap(i):
        lyr = jnp.int32(0)
        for b in _CSTART[1:]:
            lyr = lyr + (i + lo >= b).astype(jnp.int32)
        return lyr

    w3 = lambda d0, d1: pl.BlockSpec((1, d0, d1), lambda i: (lmap(i), 0, 0))
    return pl.pallas_call(
        functools.partial(_chain_body, lo),
        grid=(hi - lo,),
        in_specs=[
            pl.BlockSpec(memory_space=pltpu.SMEM),
            pl.BlockSpec((_CH, 8), lambda i: (i, 0)),
            pl.BlockSpec((_CH, _WPAD), lambda i: (i, 0)),
            w3(8, 8), w3(1, 8), w3(8, 128), w3(1, 128),
            w3(128, 128), w3(1, 128), w3(128, _WPAD), w3(1, _WPAD),
        ],
        out_specs=pl.BlockSpec(memory_space=pltpu.SMEM),
        out_shape=jax.ShapeDtypeStruct((1, 8), jnp.float32),
        scratch_shapes=[
            pltpu.VMEM((1, _WPAD), jnp.float32),
            pltpu.SMEM((8,), jnp.float32),
        ],
    )(s_in, ea_seg, g_seg, w0s, b0s, w1s, b1s, w2s, b2s, wls, bls)


def _head_body(h_ref, s_ref, w1_ref, b1_ref, w2_ref, b2_ref, o_ref):
    v = h_ref[...]
    for j in range(8):
        v = _relu(v + s_ref[0, j])
    y = _relu(_dot(v, w1_ref[...]) + b1_ref[...])
    o_ref[...] = (jnp.sum(y * w2_ref[...], axis=1, keepdims=True)
                  + b2_ref[0, 0])


def _head(h0p, s8, w1, b1, w2row, b2):
    return pl.pallas_call(
        _head_body,
        grid=(10,),
        in_specs=[
            pl.BlockSpec((1000, _WPAD), lambda i: (i, 0)),
            pl.BlockSpec(memory_space=pltpu.SMEM),
            pl.BlockSpec((_WPAD, 256), lambda i: (0, 0)),
            pl.BlockSpec((1, 256), lambda i: (0, 0)),
            pl.BlockSpec((1, 256), lambda i: (0, 0)),
            pl.BlockSpec(memory_space=pltpu.SMEM),
        ],
        out_specs=pl.BlockSpec((1000, 1), lambda i: (i, 0)),
        out_shape=jax.ShapeDtypeStruct((_NPTS, 1), jnp.float32),
    )(h0p, s8, w1, b1, w2row, b2)


def _layer_params(params):
    dk, mk, uk = params["down_k"], params["mid_k"], params["up_k"]
    return [dk[0], dk[1], dk[2], mk[2], uk[1], mk[1], uk[0], mk[0]]


def _sections(edge_attr_down, edge_attr_mid, edge_attr_up,
              edge_index_down, edge_index_mid, edge_index_up):
    d0 = np.cumsum([0] + _DOWN[:-1]).tolist()
    m0 = np.cumsum([0] + _MID[:-1]).tolist()
    u0 = np.cumsum([0] + _UP[:-1]).tolist()
    spec = [
        (edge_attr_down, edge_index_down, d0[0], _DOWN[0]),
        (edge_attr_down, edge_index_down, d0[1], _DOWN[1]),
        (edge_attr_down, edge_index_down, d0[2], _DOWN[2]),
        (edge_attr_mid, edge_index_mid, m0[2], _MID[2]),
        (edge_attr_up, edge_index_up, u0[1], _UP[1]),
        (edge_attr_mid, edge_index_mid, m0[1], _MID[1]),
        (edge_attr_up, edge_index_up, u0[0], _UP[0]),
        (edge_attr_mid, edge_index_mid, m0[0], _MID[0]),
    ]
    eas, idxs = [], []
    for (ea, ei, s, n), sec in zip(spec, _SEC):
        eas.append(jnp.pad(ea[s:s + n], ((0, sec - n), (0, 2))))
        idxs.append(jnp.pad(ei[1, s:s + n], (0, sec - n)))
    return jnp.concatenate(eas, axis=0), jnp.concatenate(idxs, axis=0)


def _stack_weights(params):
    lps = _layer_params(params)
    w0s = np.zeros((8, 8, 8), np.float32)
    b0s = np.zeros((8, 1, 8), np.float32)
    w1s = np.zeros((8, 8, 128), np.float32)
    b1s = np.zeros((8, 1, 128), np.float32)
    w2s = np.zeros((8, 128, 128), np.float32)
    b2s = np.zeros((8, 1, 128), np.float32)
    wlr = np.zeros((8, 128, 1024), np.float32)
    blr = np.zeros((8, 1, 1024), np.float32)
    w0s = jnp.asarray(w0s)
    b0s, w1s, b1s, w2s, b2s, wlr, blr = map(
        jnp.asarray, (b0s, w1s, b1s, w2s, b2s, wlr, blr))
    eye = jnp.eye(128, dtype=jnp.float32)
    for l, (p, kw, has_mid) in enumerate(zip(lps, _LKW, _HAS_MID)):
        W, b = p["W"], p["b"]
        w0s = w0s.at[l, :6, :6].set(W[0])
        b0s = b0s.at[l, 0, :6].set(b[0])
        w1s = w1s.at[l, :6, :kw].set(W[1])
        b1s = b1s.at[l, 0, :kw].set(b[1])
        if has_mid:
            w2s = w2s.at[l, :kw, :kw].set(W[2])
            b2s = b2s.at[l, 0, :kw].set(b[2])
        else:
            w2s = w2s.at[l].set(eye)
        wlr = wlr.at[l, :kw, :].set(W[-1])
        blr = blr.at[l, 0, :].set(b[-1])
    return w0s, b0s, w1s, b1s, w2s, b2s, wlr, blr


def kernel(x, edge_attr_down, edge_attr_mid, edge_attr_up, params,
           edge_index_down, edge_index_mid, edge_index_up,
           range_down, range_mid, range_up):
    del range_down, range_mid, range_up
    ea_all, src_all = _sections(edge_attr_down, edge_attr_mid, edge_attr_up,
                                edge_index_down, edge_index_mid, edge_index_up)
    w0s, b0s, w1s, b1s, w2s, b2s, wlr, blr = _stack_weights(params)
    wls, bls = _wprep(wlr, blr, jnp.asarray(_SUM_S))

    x_pad = jnp.pad(x, ((0, _NROWS - _NN), (0, 2)))
    w_in = jnp.pad(params["mlp_in"]["W"][0], ((0, 2), (0, _WPAD - _WIDTH)))
    b_in = jnp.pad(params["mlp_in"]["b"][0].reshape(1, _WIDTH),
                   ((0, 0), (0, _WPAD - _WIDTH)))
    h0p = _h0(x_pad, w_in, b_in)

    gs = []
    for lo, hi in zip(_SEGS[:-1], _SEGS[1:]):
        rows = (hi - lo) * _CH
        idx = src_all[lo * _CH:hi * _CH].reshape(
            _NW, rows // (_NW * _GCH), _GCH)
        gs.append(_sc_gather(h0p, idx))

    s = jnp.zeros((1, 8), jnp.float32)
    for (lo, hi), g_seg in zip(zip(_SEGS[:-1], _SEGS[1:]), gs):
        s = _chain_seg(lo, hi, s, ea_all[lo * _CH:hi * _CH], g_seg,
                       w0s, b0s, w1s, b1s, w2s, b2s, wls, bls)
    s8 = s

    w1 = jnp.pad(params["mlp_out1"]["W"][0], ((0, _WPAD - _WIDTH), (0, 0)))
    b1 = params["mlp_out1"]["b"][0].reshape(1, 256)
    w2row = params["mlp_out2"]["W"][0].reshape(1, 256)
    b2 = params["mlp_out2"]["b"][0].reshape(1, 1)
    return _head(h0p, s8, w1, b1, w2row, b2)

# --- scband reference (transcript-rebuilt; emitter-appended) ---
"""Pipeline reference for scband-mgkn-2808908612211 (READ-ONLY COPY).

The authoritative reference and input builder live on the scoring server;
editing this copy changes nothing except your own understanding.
"""

import jax, jax.numpy as jnp
import numpy as np

WIDTH = 32
LEVEL = 3
KER_WIDTH = 256
KER_IN = 6
POINTS = [10000, 2500, 625]
N_NODES = 13125
KW = [KER_WIDTH // 2 ** (l + 1) for l in range(LEVEL)]
DOWN_COUNTS = [24000, 6000, 1500]
MID_COUNTS = [48000, 12000, 3000]
UP_COUNTS = [6000, 1500]
SQRT2 = float(np.sqrt(2.0))


def _mlp_params(key, in_dim, sizes):
    Ws, bs = [], []
    d = in_dim
    for s in sizes:
        key, k1 = jax.random.split(key)
        Ws.append(jax.random.normal(k1, (d, s), dtype=jnp.float32) / np.sqrt(d))
        bs.append(jnp.zeros((s,), dtype=jnp.float32))
        d = s
    return {"W": Ws, "b": bs}


def _ranges(counts):
    c = np.concatenate([[0], np.cumsum(counts)]).astype(np.int32)
    return np.stack([c[:-1], c[1:]], axis=1)


def setup_inputs(seed: int = 0):
    key = jax.random.key(seed)
    ks = jax.random.split(key, 12)
    nd, nm, nu = sum(DOWN_COUNTS), sum(MID_COUNTS), sum(UP_COUNTS)
    x = jax.random.normal(ks[0], (N_NODES, 6), dtype=jnp.float32)
    edge_index_down = jax.random.randint(ks[1], (2, nd), 0, N_NODES, dtype=jnp.int32)
    edge_attr_down = jax.random.normal(ks[2], (nd, KER_IN), dtype=jnp.float32)
    edge_index_mid = jax.random.randint(ks[3], (2, nm), 0, N_NODES, dtype=jnp.int32)
    edge_attr_mid = jax.random.normal(ks[4], (nm, KER_IN), dtype=jnp.float32)
    edge_index_up = jax.random.randint(ks[5], (2, nu), 0, N_NODES, dtype=jnp.int32)
    edge_attr_up = jax.random.normal(ks[6], (nu, KER_IN), dtype=jnp.float32)
    params = {
        "mlp_in": _mlp_params(ks[7], 6, [WIDTH]),
        "down_k": [_mlp_params(jax.random.fold_in(ks[8], l), KER_IN, [KER_IN, KW[l], WIDTH ** 2]) for l in range(LEVEL)],
        "mid_k": [_mlp_params(jax.random.fold_in(ks[9], l), KER_IN, [KER_IN, KW[l], KW[l], WIDTH ** 2]) for l in range(LEVEL)],
        "up_k": [_mlp_params(jax.random.fold_in(ks[10], l), KER_IN, [KER_IN, KW[l], WIDTH ** 2]) for l in range(1, LEVEL)],
        "mlp_out1": _mlp_params(jax.random.fold_in(ks[11], 0), WIDTH, [KER_WIDTH]),
        "mlp_out2": _mlp_params(jax.random.fold_in(ks[11], 1), KER_WIDTH, [1]),
    }
    return {"x": x, "edge_attr_down": edge_attr_down, "edge_attr_mid": edge_attr_mid,
            "edge_attr_up": edge_attr_up, "params": params,
            "edge_index_down": edge_index_down, "edge_index_mid": edge_index_mid,
            "edge_index_up": edge_index_up, "range_down": _ranges(DOWN_COUNTS),
            "range_mid": _ranges(MID_COUNTS), "range_up": _ranges(UP_COUNTS)}


def _mlp_apply(p, x, linear_out=True, residual=False):
    n = len(p["W"])
    for i in range(n):
        is_out = i == n - 1
        y = x @ p["W"][i] + p["b"][i]
        if not (is_out and linear_out):
            y = jax.nn.relu(y)
        if residual and x.shape == y.shape:
            x = (y + x) / SQRT2
        else:
            x = y
    return x


def _nnconv(p, x, ei, ea):
    weight = _mlp_apply(p, ea).reshape(-1, WIDTH, WIDTH)
    x_j = x[ei[1]][:, None]
    msgs = jnp.matmul(x_j, weight).squeeze(1)
    return jnp.mean(msgs)


def reference(x, edge_attr_down, edge_attr_mid, edge_attr_up, params,
              edge_index_down, edge_index_mid, edge_index_up,
              range_down, range_mid, range_up):
    h = _mlp_apply(params["mlp_in"], x)
    for l in range(LEVEL):
        s = range_down[l, 0]
        n = DOWN_COUNTS[l]
        ei = jax.lax.dynamic_slice_in_dim(edge_index_down, s, n, axis=1)
        ea = jax.lax.dynamic_slice_in_dim(edge_attr_down, s, n, axis=0)
        h = h + _nnconv(params["down_k"][l], h, ei, ea)
        h = jax.nn.relu(h)
    for l in reversed(range(LEVEL)):
        s = range_mid[l, 0]
        n = MID_COUNTS[l]
        ei = jax.lax.dynamic_slice_in_dim(edge_index_mid, s, n, axis=1)
        ea = jax.lax.dynamic_slice_in_dim(edge_attr_mid, s, n, axis=0)
        h = h + _nnconv(params["mid_k"][l], h, ei, ea)
        h = jax.nn.relu(h)
        if l > 0:
            s = range_up[l - 1, 0]
            n = UP_COUNTS[l - 1]
            ei = jax.lax.dynamic_slice_in_dim(edge_index_up, s, n, axis=1)
            ea = jax.lax.dynamic_slice_in_dim(edge_attr_up, s, n, axis=0)
            h = h + _nnconv(params["up_k"][l - 1], h, ei, ea)
            h = jax.nn.relu(h)
    out = _mlp_apply(params["mlp_out1"], h[:POINTS[0]])
    out = jax.nn.relu(out)
    out = _mlp_apply(params["mlp_out2"], out)
    return out

if __name__ == "__main__":
    import jax
    _d = setup_inputs()
    print(jax.jit(kernel)(*tuple(_d.values())))

</pallas_src>

<mosaic_0001>
#map = affine_map<(d0, d1) -> (0, 0)>
#map1 = affine_map<(d0, d1) -> (0, 0, 0)>
module attributes {stable_mosaic.version = 14 : i64} {
  func.func @_gather_body(%arg0: i32, %arg1: i32, %arg2: memref<13440x128xf32, #tpu.memory_space<hbm>>, %arg3: memref<32x12x128xi32, #tpu.memory_space<hbm>>, %arg4: memref<49152x128xf32, #tpu.memory_space<hbm>>, %arg5: memref<12x128xi32, #tpu.memory_space<vmem>>, %arg6: memref<128x128xf32, #tpu.memory_space<vmem>>, %arg7: memref<128x128xf32, #tpu.memory_space<vmem>>, %arg8: memref<128x128xf32, #tpu.memory_space<vmem>>, %arg9: memref<128x128xf32, #tpu.memory_space<vmem>>, %arg10: memref<128x128xf32, #tpu.memory_space<vmem>>, %arg11: memref<128x128xf32, #tpu.memory_space<vmem>>, %arg12: memref<!tpu.dma_semaphore, #tpu.memory_space<semaphore_mem>>, %arg13: memref<!tpu.dma_semaphore, #tpu.memory_space<semaphore_mem>>, %arg14: memref<!tpu.dma_semaphore, #tpu.memory_space<semaphore_mem>>, %arg15: memref<!tpu.dma_semaphore, #tpu.memory_space<semaphore_mem>>, %arg16: memref<!tpu.dma_semaphore, #tpu.memory_space<semaphore_mem>>, %arg17: memref<!tpu.dma_semaphore, #tpu.memory_space<semaphore_mem>>, %arg18: memref<!tpu.dma_semaphore, #tpu.memory_space<semaphore_mem>>, %arg19: memref<!tpu.dma_semaphore, #tpu.memory_space<semaphore_mem>>, %arg20: memref<!tpu.dma_semaphore, #tpu.memory_space<semaphore_mem>>, %arg21: memref<!tpu.dma_semaphore, #tpu.memory_space<semaphore_mem>>, %arg22: memref<!tpu.dma_semaphore, #tpu.memory_space<semaphore_mem>>, %arg23: memref<!tpu.dma_semaphore, #tpu.memory_space<semaphore_mem>>) attributes {dimension_semantics = [#tpu.dimension_semantics<core_parallel>, #tpu.dimension_semantics<subcore_parallel>], iteration_bounds = array<i64: 2, 16>, scalar_prefetch = 0 : i64, scratch_operands = 19 : i64, tpu.core_type = #tpu.core_type<sc_vector_subcore>, window_params = [{transform_indices = #map}, {transform_indices = #map1}, {transform_indices = #map}]} {
    %mul3A = arith.constant 2 : i32
    %mul3A_0 = arith.muli %arg1, %mul3A : i32
    %add3A = arith.addi %mul3A_0, %arg0 : i32
    "tpu.region"() ({
      %run_scoped3A = tpu.sem_alloc : memref<!tpu.dma_semaphore, #tpu.memory_space<semaphore_mem>>
      %dma_start3A_359 = arith.constant 0 : i32
      %dma_start3A_360 = arith.constant 0 : i32
      %dma_start3A_361 = tpu.memref_slice %arg3[%add3A, %dma_start3A_359, %dma_start3A_360] : memref<32x12x128xi32, #tpu.memory_space<hbm>> -> memref<1x12x128xi32, #tpu.memory_space<hbm>>
      %dma_start3A_362 = tpu.memref_squeeze %dma_start3A_361 : memref<1x12x128xi32, #tpu.memory_space<hbm>> -> memref<12x128xi32, #tpu.memory_space<hbm>>
      %dma_start3A_363 = arith.constant 0 : i32
      %dma_start3A_364 = arith.constant 0 : i32
      %dma_start3A_365 = tpu.memref_slice %arg3[%add3A, %dma_start3A_363, %dma_start3A_364] : memref<32x12x128xi32, #tpu.memory_space<hbm>> -> memref<1x12x128xi32, #tpu.memory_space<hbm>>
      %dma_start3A_366 = tpu.memref_squeeze %dma_start3A_365 : memref<1x12x128xi32, #tpu.memory_space<hbm>> -> memref<12x128xi32, #tpu.memory_space<hbm>>
      tpu.enqueue_dma source(%dma_start3A_366 : memref<12x128xi32, #tpu.memory_space<hbm>>) target(%arg5 : memref<12x128xi32, #tpu.memory_space<vmem>>) target_semaphore(%run_scoped3A : memref<!tpu.dma_semaphore, #tpu.memory_space<semaphore_mem>>)
      %dma_wait3A_367 = arith.constant 0 : i32
      %dma_wait3A_368 = arith.constant 0 : i32
      %dma_wait3A_369 = tpu.memref_slice %arg3[%add3A, %dma_wait3A_367, %dma_wait3A_368] : memref<32x12x128xi32, #tpu.memory_space<hbm>> -> memref<1x12x128xi32, #tpu.memory_space<hbm>>
      %dma_wait3A_370 = tpu.memref_squeeze %dma_wait3A_369 : memref<1x12x128xi32, #tpu.memory_space<hbm>> -> memref<12x128xi32, #tpu.memory_space<hbm>>
      %dma_wait3A_371 = arith.constant 0 : i32
      %dma_wait3A_372 = arith.constant 0 : i32
      %dma_wait3A_373 = tpu.memref_slice %arg3[%add3A, %dma_wait3A_371, %dma_wait3A_372] : memref<32x12x128xi32, #tpu.memory_space<hbm>> -> memref<1x12x128xi32, #tpu.memory_space<hbm>>
      %dma_wait3A_374 = tpu.memref_squeeze %dma_wait3A_373 : memref<1x12x128xi32, #tpu.memory_space<hbm>> -> memref<12x128xi32, #tpu.memory_space<hbm>>
      tpu.wait_dma2 semaphore(%run_scoped3A : memref<!tpu.dma_semaphore, #tpu.memory_space<semaphore_mem>>) src(%dma_wait3A_374 : memref<12x128xi32, #tpu.memory_space<hbm>>) dst(%arg5 : memref<12x128xi32, #tpu.memory_space<vmem>>)
      tpu.yield
    }) : () -> ()
    %dma_start3A = arith.constant 0 : i32
    %dma_start3A_1 = arith.constant 0 : i32
    %dma_start3A_2 = tpu.memref_slice %arg5[%dma_start3A, %dma_start3A_1] : memref<12x128xi32, #tpu.memory_space<vmem>> -> memref<1x128xi32, #tpu.memory_space<vmem>>
    %dma_start3A_3 = tpu.memref_squeeze %dma_start3A_2 : memref<1x128xi32, #tpu.memory_space<vmem>> -> memref<128xi32, #tpu.memory_space<vmem>>
    %dma_start3A_4 = arith.constant 0 : i32
    %dma_start3A_5 = arith.constant 0 : i32
    %dma_start3A_6 = tpu.memref_slice %arg2[%dma_start3A_4, %dma_start3A_5] : memref<13440x128xf32, #tpu.memory_space<hbm>> -> memref<13440x128xf32, #tpu.memory_space<hbm>>
    tpu.enqueue_indirect_dma source(%dma_start3A_6 : memref<13440x128xf32, #tpu.memory_space<hbm>>) target(%arg6 : memref<128x128xf32, #tpu.memory_space<vmem>>) offsets(%dma_start3A_3 : memref<128xi32, #tpu.memory_space<vmem>>) semaphore(%arg12 : memref<!tpu.dma_semaphore, #tpu.memory_space<semaphore_mem>>)
    %dma_start3A_7 = arith.constant 1 : i32
    %dma_start3A_8 = arith.constant 0 : i32
    %dma_start3A_9 = tpu.memref_slice %arg5[%dma_start3A_7, %dma_start3A_8] : memref<12x128xi32, #tpu.memory_space<vmem>> -> memref<1x128xi32, #tpu.memory_space<vmem>>
    %dma_start3A_10 = tpu.memref_squeeze %dma_start3A_9 : memref<1x128xi32, #tpu.memory_space<vmem>> -> memref<128xi32, #tpu.memory_space<vmem>>
    %dma_start3A_11 = arith.constant 0 : i32
    %dma_start3A_12 = arith.constant 0 : i32
    %dma_start3A_13 = tpu.memref_slice %arg2[%dma_start3A_11, %dma_start3A_12] : memref<13440x128xf32, #tpu.memory_space<hbm>> -> memref<13440x128xf32, #tpu.memory_space<hbm>>
    tpu.enqueue_indirect_dma source(%dma_start3A_13 : memref<13440x128xf32, #tpu.memory_space<hbm>>) target(%arg7 : memref<128x128xf32, #tpu.memory_space<vmem>>) offsets(%dma_start3A_10 : memref<128xi32, #tpu.memory_space<vmem>>) semaphore(%arg13 : memref<!tpu.dma_semaphore, #tpu.memory_space<semaphore_mem>>)
    %dma_start3A_14 = arith.constant 2 : i32
    %dma_start3A_15 = arith.constant 0 : i32
    %dma_start3A_16 = tpu.memref_slice %arg5[%dma_start3A_14, %dma_start3A_15] : memref<12x128xi32, #tpu.memory_space<vmem>> -> memref<1x128xi32, #tpu.memory_space<vmem>>
    %dma_start3A_17 = tpu.memref_squeeze %dma_start3A_16 : memref<1x128xi32, #tpu.memory_space<vmem>> -> memref<128xi32, #tpu.memory_space<vmem>>
    %dma_start3A_18 = arith.constant 0 : i32
    %dma_start3A_19 = arith.constant 0 : i32
    %dma_start3A_20 = tpu.memref_slice %arg2[%dma_start3A_18, %dma_start3A_19] : memref<13440x128xf32, #tpu.memory_space<hbm>> -> memref<13440x128xf32, #tpu.memory_space<hbm>>
    tpu.enqueue_indirect_dma source(%dma_start3A_20 : memref<13440x128xf32, #tpu.memory_space<hbm>>) target(%arg8 : memref<128x128xf32, #tpu.memory_space<vmem>>) offsets(%dma_start3A_17 : memref<128xi32, #tpu.memory_space<vmem>>) semaphore(%arg14 : memref<!tpu.dma_semaphore, #tpu.memory_space<semaphore_mem>>)
    %dma_start3A_21 = arith.constant 3 : i32
    %dma_start3A_22 = arith.constant 0 : i32
    %dma_start3A_23 = tpu.memref_slice %arg5[%dma_start3A_21, %dma_start3A_22] : memref<12x128xi32, #tpu.memory_space<vmem>> -> memref<1x128xi32, #tpu.memory_space<vmem>>
    %dma_start3A_24 = tpu.memref_squeeze %dma_start3A_23 : memref<1x128xi32, #tpu.memory_space<vmem>> -> memref<128xi32, #tpu.memory_space<vmem>>
    %dma_start3A_25 = arith.constant 0 : i32
    %dma_start3A_26 = arith.constant 0 : i32
    %dma_start3A_27 = tpu.memref_slice %arg2[%dma_start3A_25, %dma_start3A_26] : memref<13440x128xf32, #tpu.memory_space<hbm>> -> memref<13440x128xf32, #tpu.memory_space<hbm>>
    tpu.enqueue_indirect_dma source(%dma_start3A_27 : memref<13440x128xf32, #tpu.memory_space<hbm>>) target(%arg9 : memref<128x128xf32, #tpu.memory_space<vmem>>) offsets(%dma_start3A_24 : memref<128xi32, #tpu.memory_space<vmem>>) semaphore(%arg15 : memref<!tpu.dma_semaphore, #tpu.memory_space<semaphore_mem>>)
    %dma_wait3A = arith.constant 0 : i32
    %dma_wait3A_28 = arith.constant 0 : i32
    %dma_wait3A_29 = tpu.memref_slice %arg5[%dma_wait3A, %dma_wait3A_28] : memref<12x128xi32, #tpu.memory_space<vmem>> -> memref<1x128xi32, #tpu.memory_space<vmem>>
    %dma_wait3A_30 = tpu.memref_squeeze %dma_wait3A_29 : memref<1x128xi32, #tpu.memory_space<vmem>> -> memref<128xi32, #tpu.memory_space<vmem>>
    %dma_wait3A_31 = arith.constant 0 : i32
    %dma_wait3A_32 = arith.constant 0 : i32
    %dma_wait3A_33 = tpu.memref_slice %arg2[%dma_wait3A_31, %dma_wait3A_32] : memref<13440x128xf32, #tpu.memory_space<hbm>> -> memref<13440x128xf32, #tpu.memory_space<hbm>>
    tpu.wait_indirect_dma semaphore(%arg12 : memref<!tpu.dma_semaphore, #tpu.memory_space<semaphore_mem>>) src(%dma_wait3A_33 : memref<13440x128xf32, #tpu.memory_space<hbm>>) dst(%arg6 : memref<128x128xf32, #tpu.memory_space<vmem>>)
    %mul3A_34 = arith.constant 1536 : i32
    %mul3A_35 = arith.muli %add3A, %mul3A_34 : i32
    %add3A_36 = arith.constant 0 : i32
    %add3A_37 = arith.addi %mul3A_35, %add3A_36 : i32
    %dma_start3A_38 = arith.constant 0 : i32
    %dma_start3A_39 = tpu.memref_slice %arg4[%add3A_37, %dma_start3A_38] : memref<49152x128xf32, #tpu.memory_space<hbm>> -> memref<128x128xf32, #tpu.memory_space<hbm>>
    %dma_start3A_40 = arith.constant 0 : i32
    %dma_start3A_41 = tpu.memref_slice %arg4[%add3A_37, %dma_start3A_40] : memref<49152x128xf32, #tpu.memory_space<hbm>> -> memref<128x128xf32, #tpu.memory_space<hbm>>
    tpu.enqueue_dma source(%arg6 : memref<128x128xf32, #tpu.memory_space<vmem>>) target(%dma_start3A_41 : memref<128x128xf32, #tpu.memory_space<hbm>>) target_semaphore(%arg18 : memref<!tpu.dma_semaphore, #tpu.memory_space<semaphore_mem>>)
    %dma_start3A_42 = arith.constant 4 : i32
    %dma_start3A_43 = arith.constant 0 : i32
    %dma_start3A_44 = tpu.memref_slice %arg5[%dma_start3A_42, %dma_start3A_43] : memref<12x128xi32, #tpu.memory_space<vmem>> -> memref<1x128xi32, #tpu.memory_space<vmem>>
    %dma_start3A_45 = tpu.memref_squeeze %dma_start3A_44 : memref<1x128xi32, #tpu.memory_space<vmem>> -> memref<128xi32, #tpu.memory_space<vmem>>
    %dma_start3A_46 = arith.constant 0 : i32
    %dma_start3A_47 = arith.constant 0 : i32
    %dma_start3A_48 = tpu.memref_slice %arg2[%dma_start3A_46, %dma_start3A_47] : memref<13440x128xf32, #tpu.memory_space<hbm>> -> memref<13440x128xf32, #tpu.memory_space<hbm>>
    tpu.enqueue_indirect_dma source(%dma_start3A_48 : memref<13440x128xf32, #tpu.memory_space<hbm>>) target(%arg10 : memref<128x128xf32, #tpu.memory_space<vmem>>) offsets(%dma_start3A_45 : memref<128xi32, #tpu.memory_space<vmem>>) semaphore(%arg16 : memref<!tpu.dma_semaphore, #tpu.memory_space<semaphore_mem>>)
    %dma_wait3A_49 = arith.constant 1 : i32
    %dma_wait3A_50 = arith.constant 0 : i32
    %dma_wait3A_51 = tpu.memref_slice %arg5[%dma_wait3A_49, %dma_wait3A_50] : memref<12x128xi32, #tpu.memory_space<vmem>> -> memref<1x128xi32, #tpu.memory_space<vmem>>
    %dma_wait3A_52 = tpu.memref_squeeze %dma_wait3A_51 : memref<1x128xi32, #tpu.memory_space<vmem>> -> memref<128xi32, #tpu.memory_space<vmem>>
    %dma_wait3A_53 = arith.constant 0 : i32
    %dma_wait3A_54 = arith.constant 0 : i32
    %dma_wait3A_55 = tpu.memref_slice %arg2[%dma_wait3A_53, %dma_wait3A_54] : memref<13440x128xf32, #tpu.memory_space<hbm>> -> memref<13440x128xf32, #tpu.memory_space<hbm>>
    tpu.wait_indirect_dma semaphore(%arg13 : memref<!tpu.dma_semaphore, #tpu.memory_space<semaphore_mem>>) src(%dma_wait3A_55 : memref<13440x128xf32, #tpu.memory_space<hbm>>) dst(%arg7 : memref<128x128xf32, #tpu.memory_space<vmem>>)
    %mul3A_56 = arith.constant 1536 : i32
    %mul3A_57 = arith.muli %add3A, %mul3A_56 : i32
    %add3A_58 = arith.constant 128 : i32
    %add3A_59 = arith.addi %mul3A_57, %add3A_58 : i32
    %dma_start3A_60 = arith.constant 0 : i32
    %dma_start3A_61 = tpu.memref_slice %arg4[%add3A_59, %dma_start3A_60] : memref<49152x128xf32, #tpu.memory_space<hbm>> -> memref<128x128xf32, #tpu.memory_space<hbm>>
    %dma_start3A_62 = arith.constant 0 : i32
    %dma_start3A_63 = tpu.memref_slice %arg4[%add3A_59, %dma_start3A_62] : memref<49152x128xf32, #tpu.memory_space<hbm>> -> memref<128x128xf32, #tpu.memory_space<hbm>>
    tpu.enqueue_dma source(%arg7 : memref<128x128xf32, #tpu.memory_space<vmem>>) target(%dma_start3A_63 : memref<128x128xf32, #tpu.memory_space<hbm>>) target_semaphore(%arg19 : memref<!tpu.dma_semaphore, #tpu.memory_space<semaphore_mem>>)
    %dma_start3A_64 = arith.constant 5 : i32
    %dma_start3A_65 = arith.constant 0 : i32
    %dma_start3A_66 = tpu.memref_slice %arg5[%dma_start3A_64, %dma_start3A_65] : memref<12x128xi32, #tpu.memory_space<vmem>> -> memref<1x128xi32, #tpu.memory_space<vmem>>
    %dma_start3A_67 = tpu.memref_squeeze %dma_start3A_66 : memref<1x128xi32, #tpu.memory_space<vmem>> -> memref<128xi32, #tpu.memory_space<vmem>>
    %dma_start3A_68 = arith.constant 0 : i32
    %dma_start3A_69 = arith.constant 0 : i32
    %dma_start3A_70 = tpu.memref_slice %arg2[%dma_start3A_68, %dma_start3A_69] : memref<13440x128xf32, #tpu.memory_space<hbm>> -> memref<13440x128xf32, #tpu.memory_space<hbm>>
    tpu.enqueue_indirect_dma source(%dma_start3A_70 : memref<13440x128xf32, #tpu.memory_space<hbm>>) target(%arg11 : memref<128x128xf32, #tpu.memory_space<vmem>>) offsets(%dma_start3A_67 : memref<128xi32, #tpu.memory_space<vmem>>) semaphore(%arg17 : memref<!tpu.dma_semaphore, #tpu.memory_space<semaphore_mem>>)
    %dma_wait3A_71 = arith.constant 2 : i32
    %dma_wait3A_72 = arith.constant 0 : i32
    %dma_wait3A_73 = tpu.memref_slice %arg5[%dma_wait3A_71, %dma_wait3A_72] : memref<12x128xi32, #tpu.memory_space<vmem>> -> memref<1x128xi32, #tpu.memory_space<vmem>>
    %dma_wait3A_74 = tpu.memref_squeeze %dma_wait3A_73 : memref<1x128xi32, #tpu.memory_space<vmem>> -> memref<128xi32, #tpu.memory_space<vmem>>
    %dma_wait3A_75 = arith.constant 0 : i32
    %dma_wait3A_76 = arith.constant 0 : i32
    %dma_wait3A_77 = tpu.memref_slice %arg2[%dma_wait3A_75, %dma_wait3A_76] : memref<13440x128xf32, #tpu.memory_space<hbm>> -> memref<13440x128xf32, #tpu.memory_space<hbm>>
    tpu.wait_indirect_dma semaphore(%arg14 : memref<!tpu.dma_semaphore, #tpu.memory_space<semaphore_mem>>) src(%dma_wait3A_77 : memref<13440x128xf32, #tpu.memory_space<hbm>>) dst(%arg8 : memref<128x128xf32, #tpu.memory_space<vmem>>)
    %mul3A_78 = arith.constant 1536 : i32
    %mul3A_79 = arith.muli %add3A, %mul3A_78 : i32
    %add3A_80 = arith.constant 256 : i32
    %add3A_81 = arith.addi %mul3A_79, %add3A_80 : i32
    %dma_start3A_82 = arith.constant 0 : i32
    %dma_start3A_83 = tpu.memref_slice %arg4[%add3A_81, %dma_start3A_82] : memref<49152x128xf32, #tpu.memory_space<hbm>> -> memref<128x128xf32, #tpu.memory_space<hbm>>
    %dma_start3A_84 = arith.constant 0 : i32
    %dma_start3A_85 = tpu.memref_slice %arg4[%add3A_81, %dma_start3A_84] : memref<49152x128xf32, #tpu.memory_space<hbm>> -> memref<128x128xf32, #tpu.memory_space<hbm>>
    tpu.enqueue_dma source(%arg8 : memref<128x128xf32, #tpu.memory_space<vmem>>) target(%dma_start3A_85 : memref<128x128xf32, #tpu.memory_space<hbm>>) target_semaphore(%arg20 : memref<!tpu.dma_semaphore, #tpu.memory_space<semaphore_mem>>)
    %mul3A_86 = arith.constant 1536 : i32
    %mul3A_87 = arith.muli %add3A, %mul3A_86 : i32
    %add3A_88 = arith.constant 0 : i32
    %add3A_89 = arith.addi %mul3A_87, %add3A_88 : i32
    %dma_wait3A_90 = arith.constant 0 : i32
    %dma_wait3A_91 = tpu.memref_slice %arg4[%add3A_89, %dma_wait3A_90] : memref<49152x128xf32, #tpu.memory_space<hbm>> -> memref<128x128xf32, #tpu.memory_space<hbm>>
    %dma_wait3A_92 = arith.constant 0 : i32
    %dma_wait3A_93 = tpu.memref_slice %arg4[%add3A_89, %dma_wait3A_92] : memref<49152x128xf32, #tpu.memory_space<hbm>> -> memref<128x128xf32, #tpu.memory_space<hbm>>
    tpu.wait_dma2 semaphore(%arg18 : memref<!tpu.dma_semaphore, #tpu.memory_space<semaphore_mem>>) src(%arg6 : memref<128x128xf32, #tpu.memory_space<vmem>>) dst(%dma_wait3A_93 : memref<128x128xf32, #tpu.memory_space<hbm>>)
    %dma_start3A_94 = arith.constant 6 : i32
    %dma_start3A_95 = arith.constant 0 : i32
    %dma_start3A_96 = tpu.memref_slice %arg5[%dma_start3A_94, %dma_start3A_95] : memref<12x128xi32, #tpu.memory_space<vmem>> -> memref<1x128xi32, #tpu.memory_space<vmem>>
    %dma_start3A_97 = tpu.memref_squeeze %dma_start3A_96 : memref<1x128xi32, #tpu.memory_space<vmem>> -> memref<128xi32, #tpu.memory_space<vmem>>
    %dma_start3A_98 = arith.constant 0 : i32
    %dma_start3A_99 = arith.constant 0 : i32
    %dma_start3A_100 = tpu.memref_slice %arg2[%dma_start3A_98, %dma_start3A_99] : memref<13440x128xf32, #tpu.memory_space<hbm>> -> memref<13440x128xf32, #tpu.memory_space<hbm>>
    tpu.enqueue_indirect_dma source(%dma_start3A_100 : memref<13440x128xf32, #tpu.memory_space<hbm>>) target(%arg6 : memref<128x128xf32, #tpu.memory_space<vmem>>) offsets(%dma_start3A_97 : memref<128xi32, #tpu.memory_space<vmem>>) semaphore(%arg12 : memref<!tpu.dma_semaphore, #tpu.memory_space<semaphore_mem>>)
    %dma_wait3A_101 = arith.constant 3 : i32
    %dma_wait3A_102 = arith.constant 0 : i32
    %dma_wait3A_103 = tpu.memref_slice %arg5[%dma_wait3A_101, %dma_wait3A_102] : memref<12x128xi32, #tpu.memory_space<vmem>> -> memref<1x128xi32, #tpu.memory_space<vmem>>
    %dma_wait3A_104 = tpu.memref_squeeze %dma_wait3A_103 : memref<1x128xi32, #tpu.memory_space<vmem>> -> memref<128xi32, #tpu.memory_space<vmem>>
    %dma_wait3A_105 = arith.constant 0 : i32
    %dma_wait3A_106 = arith.constant 0 : i32
    %dma_wait3A_107 = tpu.memref_slice %arg2[%dma_wait3A_105, %dma_wait3A_106] : memref<13440x128xf32, #tpu.memory_space<hbm>> -> memref<13440x128xf32, #tpu.memory_space<hbm>>
    tpu.wait_indirect_dma semaphore(%arg15 : memref<!tpu.dma_semaphore, #tpu.memory_space<semaphore_mem>>) src(%dma_wait3A_107 : memref<13440x128xf32, #tpu.memory_space<hbm>>) dst(%arg9 : memref<128x128xf32, #tpu.memory_space<vmem>>)
    %mul3A_108 = arith.constant 1536 : i32
    %mul3A_109 = arith.muli %add3A, %mul3A_108 : i32
    %add3A_110 = arith.constant 384 : i32
    %add3A_111 = arith.addi %mul3A_109, %add3A_110 : i32
    %dma_start3A_112 = arith.constant 0 : i32
    %dma_start3A_113 = tpu.memref_slice %arg4[%add3A_111, %dma_start3A_112] : memref<49152x128xf32, #tpu.memory_space<hbm>> -> memref<128x128xf32, #tpu.memory_space<hbm>>
    %dma_start3A_114 = arith.constant 0 : i32
    %dma_start3A_115 = tpu.memref_slice %arg4[%add3A_111, %dma_start3A_114] : memref<49152x128xf32, #tpu.memory_space<hbm>> -> memref<128x128xf32, #tpu.memory_space<hbm>>
    tpu.enqueue_dma source(%arg9 : memref<128x128xf32, #tpu.memory_space<vmem>>) target(%dma_start3A_115 : memref<128x128xf32, #tpu.memory_space<hbm>>) target_semaphore(%arg21 : memref<!tpu.dma_semaphore, #tpu.memory_space<semaphore_mem>>)
    %mul3A_116 = arith.constant 1536 : i32
    %mul3A_117 = arith.muli %add3A, %mul3A_116 : i32
    %add3A_118 = arith.constant 128 : i32
    %add3A_119 = arith.addi %mul3A_117, %add3A_118 : i32
    %dma_wait3A_120 = arith.constant 0 : i32
    %dma_wait3A_121 = tpu.memref_slice %arg4[%add3A_119, %dma_wait3A_120] : memref<49152x128xf32, #tpu.memory_space<hbm>> -> memref<128x128xf32, #tpu.memory_space<hbm>>
    %dma_wait3A_122 = arith.constant 0 : i32
    %dma_wait3A_123 = tpu.memref_slice %arg4[%add3A_119, %dma_wait3A_122] : memref<49152x128xf32, #tpu.memory_space<hbm>> -> memref<128x128xf32, #tpu.memory_space<hbm>>
    tpu.wait_dma2 semaphore(%arg19 : memref<!tpu.dma_semaphore, #tpu.memory_space<semaphore_mem>>) src(%arg7 : memref<128x128xf32, #tpu.memory_space<vmem>>) dst(%dma_wait3A_123 : memref<128x128xf32, #tpu.memory_space<hbm>>)
    %dma_start3A_124 = arith.constant 7 : i32
    %dma_start3A_125 = arith.constant 0 : i32
    %dma_start3A_126 = tpu.memref_slice %arg5[%dma_start3A_124, %dma_start3A_125] : memref<12x128xi32, #tpu.memory_space<vmem>> -> memref<1x128xi32, #tpu.memory_space<vmem>>
    %dma_start3A_127 = tpu.memref_squeeze %dma_start3A_126 : memref<1x128xi32, #tpu.memory_space<vmem>> -> memref<128xi32, #tpu.memory_space<vmem>>
    %dma_start3A_128 = arith.constant 0 : i32
    %dma_start3A_129 = arith.constant 0 : i32
    %dma_start3A_130 = tpu.memref_slice %arg2[%dma_start3A_128, %dma_start3A_129] : memref<13440x128xf32, #tpu.memory_space<hbm>> -> memref<13440x128xf32, #tpu.memory_space<hbm>>
    tpu.enqueue_indirect_dma source(%dma_start3A_130 : memref<13440x128xf32, #tpu.memory_space<hbm>>) target(%arg7 : memref<128x128xf32, #tpu.memory_space<vmem>>) offsets(%dma_start3A_127 : memref<128xi32, #tpu.memory_space<vmem>>) semaphore(%arg13 : memref<!tpu.dma_semaphore, #tpu.memory_space<semaphore_mem>>)
    %dma_wait3A_131 = arith.constant 4 : i32
    %dma_wait3A_132 = arith.constant 0 : i32
    %dma_wait3A_133 = tpu.memref_slice %arg5[%dma_wait3A_131, %dma_wait3A_132] : memref<12x128xi32, #tpu.memory_space<vmem>> -> memref<1x128xi32, #tpu.memory_space<vmem>>
    %dma_wait3A_134 = tpu.memref_squeeze %dma_wait3A_133 : memref<1x128xi32, #tpu.memory_space<vmem>> -> memref<128xi32, #tpu.memory_space<vmem>>
    %dma_wait3A_135 = arith.constant 0 : i32
    %dma_wait3A_136 = arith.constant 0 : i32
    %dma_wait3A_137 = tpu.memref_slice %arg2[%dma_wait3A_135, %dma_wait3A_136] : memref<13440x128xf32, #tpu.memory_space<hbm>> -> memref<13440x128xf32, #tpu.memory_space<hbm>>
    tpu.wait_indirect_dma semaphore(%arg16 : memref<!tpu.dma_semaphore, #tpu.memory_space<semaphore_mem>>) src(%dma_wait3A_137 : memref<13440x128xf32, #tpu.memory_space<hbm>>) dst(%arg10 : memref<128x128xf32, #tpu.memory_space<vmem>>)
    %mul3A_138 = arith.constant 1536 : i32
    %mul3A_139 = arith.muli %add3A, %mul3A_138 : i32
    %add3A_140 = arith.constant 512 : i32
    %add3A_141 = arith.addi %mul3A_139, %add3A_140 : i32
    %dma_start3A_142 = arith.constant 0 : i32
    %dma_start3A_143 = tpu.memref_slice %arg4[%add3A_141, %dma_start3A_142] : memref<49152x128xf32, #tpu.memory_space<hbm>> -> memref<128x128xf32, #tpu.memory_space<hbm>>
    %dma_start3A_144 = arith.constant 0 : i32
    %dma_start3A_145 = tpu.memref_slice %arg4[%add3A_141, %dma_start3A_144] : memref<49152x128xf32, #tpu.memory_space<hbm>> -> memref<128x128xf32, #tpu.memory_space<hbm>>
    tpu.enqueue_dma source(%arg10 : memref<128x128xf32, #tpu.memory_space<vmem>>) target(%dma_start3A_145 : memref<128x128xf32, #tpu.memory_space<hbm>>) target_semaphore(%arg22 : memref<!tpu.dma_semaphore, #tpu.memory_space<semaphore_mem>>)
    %mul3A_146 = arith.constant 1536 : i32
    %mul3A_147 = arith.muli %add3A, %mul3A_146 : i32
    %add3A_148 = arith.constant 256 : i32
    %add3A_149 = arith.addi %mul3A_147, %add3A_148 : i32
    %dma_wait3A_150 = arith.constant 0 : i32
    %dma_wait3A_151 = tpu.memref_slice %arg4[%add3A_149, %dma_wait3A_150] : memref<49152x128xf32, #tpu.memory_space<hbm>> -> memref<128x128xf32, #tpu.memory_space<hbm>>
    %dma_wait3A_152 = arith.constant 0 : i32
    %dma_wait3A_153 = tpu.memref_slice %arg4[%add3A_149, %dma_wait3A_152] : memref<49152x128xf32, #tpu.memory_space<hbm>> -> memref<128x128xf32, #tpu.memory_space<hbm>>
    tpu.wait_dma2 semaphore(%arg20 : memref<!tpu.dma_semaphore, #tpu.memory_space<semaphore_mem>>) src(%arg8 : memref<128x128xf32, #tpu.memory_space<vmem>>) dst(%dma_wait3A_153 : memref<128x128xf32, #tpu.memory_space<hbm>>)
    %dma_start3A_154 = arith.constant 8 : i32
    %dma_start3A_155 = arith.constant 0 : i32
    %dma_start3A_156 = tpu.memref_slice %arg5[%dma_start3A_154, %dma_start3A_155] : memref<12x128xi32, #tpu.memory_space<vmem>> -> memref<1x128xi32, #tpu.memory_space<vmem>>
    %dma_start3A_157 = tpu.memref_squeeze %dma_start3A_156 : memref<1x128xi32, #tpu.memory_space<vmem>> -> memref<128xi32, #tpu.memory_space<vmem>>
    %dma_start3A_158 = arith.constant 0 : i32
    %dma_start3A_159 = arith.constant 0 : i32
    %dma_start3A_160 = tpu.memref_slice %arg2[%dma_start3A_158, %dma_start3A_159] : memref<13440x128xf32, #tpu.memory_space<hbm>> -> memref<13440x128xf32, #tpu.memory_space<hbm>>
    tpu.enqueue_indirect_dma source(%dma_start3A_160 : memref<13440x128xf32, #tpu.memory_space<hbm>>) target(%arg8 : memref<128x128xf32, #tpu.memory_space<vmem>>) offsets(%dma_start3A_157 : memref<128xi32, #tpu.memory_space<vmem>>) semaphore(%arg14 : memref<!tpu.dma_semaphore, #tpu.memory_space<semaphore_mem>>)
    %dma_wait3A_161 = arith.constant 5 : i32
    %dma_wait3A_162 = arith.constant 0 : i32
    %dma_wait3A_163 = tpu.memref_slice %arg5[%dma_wait3A_161, %dma_wait3A_162] : memref<12x128xi32, #tpu.memory_space<vmem>> -> memref<1x128xi32, #tpu.memory_space<vmem>>
    %dma_wait3A_164 = tpu.memref_squeeze %dma_wait3A_163 : memref<1x128xi32, #tpu.memory_space<vmem>> -> memref<128xi32, #tpu.memory_space<vmem>>
    %dma_wait3A_165 = arith.constant 0 : i32
    %dma_wait3A_166 = arith.constant 0 : i32
    %dma_wait3A_167 = tpu.memref_slice %arg2[%dma_wait3A_165, %dma_wait3A_166] : memref<13440x128xf32, #tpu.memory_space<hbm>> -> memref<13440x128xf32, #tpu.memory_space<hbm>>
    tpu.wait_indirect_dma semaphore(%arg17 : memref<!tpu.dma_semaphore, #tpu.memory_space<semaphore_mem>>) src(%dma_wait3A_167 : memref<13440x128xf32, #tpu.memory_space<hbm>>) dst(%arg11 : memref<128x128xf32, #tpu.memory_space<vmem>>)
    %mul3A_168 = arith.constant 1536 : i32
    %mul3A_169 = arith.muli %add3A, %mul3A_168 : i32
    %add3A_170 = arith.constant 640 : i32
    %add3A_171 = arith.addi %mul3A_169, %add3A_170 : i32
    %dma_start3A_172 = arith.constant 0 : i32
    %dma_start3A_173 = tpu.memref_slice %arg4[%add3A_171, %dma_start3A_172] : memref<49152x128xf32, #tpu.memory_space<hbm>> -> memref<128x128xf32, #tpu.memory_space<hbm>>
    %dma_start3A_174 = arith.constant 0 : i32
    %dma_start3A_175 = tpu.memref_slice %arg4[%add3A_171, %dma_start3A_174] : memref<49152x128xf32, #tpu.memory_space<hbm>> -> memref<128x128xf32, #tpu.memory_space<hbm>>
    tpu.enqueue_dma source(%arg11 : memref<128x128xf32, #tpu.memory_space<vmem>>) target(%dma_start3A_175 : memref<128x128xf32, #tpu.memory_space<hbm>>) target_semaphore(%arg23 : memref<!tpu.dma_semaphore, #tpu.memory_space<semaphore_mem>>)
    %mul3A_176 = arith.constant 1536 : i32
    %mul3A_177 = arith.muli %add3A, %mul3A_176 : i32
    %add3A_178 = arith.constant 384 : i32
    %add3A_179 = arith.addi %mul3A_177, %add3A_178 : i32
    %dma_wait3A_180 = arith.constant 0 : i32
    %dma_wait3A_181 = tpu.memref_slice %arg4[%add3A_179, %dma_wait3A_180] : memref<49152x128xf32, #tpu.memory_space<hbm>> -> memref<128x128xf32, #tpu.memory_space<hbm>>
    %dma_wait3A_182 = arith.constant 0 : i32
    %dma_wait3A_183 = tpu.memref_slice %arg4[%add3A_179, %dma_wait3A_182] : memref<49152x128xf32, #tpu.memory_space<hbm>> -> memref<128x128xf32, #tpu.memory_space<hbm>>
    tpu.wait_dma2 semaphore(%arg21 : memref<!tpu.dma_semaphore, #tpu.memory_space<semaphore_mem>>) src(%arg9 : memref<128x128xf32, #tpu.memory_space<vmem>>) dst(%dma_wait3A_183 : memref<128x128xf32, #tpu.memory_space<hbm>>)
    %dma_start3A_184 = arith.constant 9 : i32
    %dma_start3A_185 = arith.constant 0 : i32
    %dma_start3A_186 = tpu.memref_slice %arg5[%dma_start3A_184, %dma_start3A_185] : memref<12x128xi32, #tpu.memory_space<vmem>> -> memref<1x128xi32, #tpu.memory_space<vmem>>
    %dma_start3A_187 = tpu.memref_squeeze %dma_start3A_186 : memref<1x128xi32, #tpu.memory_space<vmem>> -> memref<128xi32, #tpu.memory_space<vmem>>
    %dma_start3A_188 = arith.constant 0 : i32
    %dma_start3A_189 = arith.constant 0 : i32
    %dma_start3A_190 = tpu.memref_slice %arg2[%dma_start3A_188, %dma_start3A_189] : memref<13440x128xf32, #tpu.memory_space<hbm>> -> memref<13440x128xf32, #tpu.memory_space<hbm>>
    tpu.enqueue_indirect_dma source(%dma_start3A_190 : memref<13440x128xf32, #tpu.memory_space<hbm>>) target(%arg9 : memref<128x128xf32, #tpu.memory_space<vmem>>) offsets(%dma_start3A_187 : memref<128xi32, #tpu.memory_space<vmem>>) semaphore(%arg15 : memref<!tpu.dma_semaphore, #tpu.memory_space<semaphore_mem>>)
    %dma_wait3A_191 = arith.constant 6 : i32
    %dma_wait3A_192 = arith.constant 0 : i32
    %dma_wait3A_193 = tpu.memref_slice %arg5[%dma_wait3A_191, %dma_wait3A_192] : memref<12x128xi32, #tpu.memory_space<vmem>> -> memref<1x128xi32, #tpu.memory_space<vmem>>
    %dma_wait3A_194 = tpu.memref_squeeze %dma_wait3A_193 : memref<1x128xi32, #tpu.memory_space<vmem>> -> memref<128xi32, #tpu.memory_space<vmem>>
    %dma_wait3A_195 = arith.constant 0 : i32
    %dma_wait3A_196 = arith.constant 0 : i32
    %dma_wait3A_197 = tpu.memref_slice %arg2[%dma_wait3A_195, %dma_wait3A_196] : memref<13440x128xf32, #tpu.memory_space<hbm>> -> memref<13440x128xf32, #tpu.memory_space<hbm>>
    tpu.wait_indirect_dma semaphore(%arg12 : memref<!tpu.dma_semaphore, #tpu.memory_space<semaphore_mem>>) src(%dma_wait3A_197 : memref<13440x128xf32, #tpu.memory_space<hbm>>) dst(%arg6 : memref<128x128xf32, #tpu.memory_space<vmem>>)
    %mul3A_198 = arith.constant 1536 : i32
    %mul3A_199 = arith.muli %add3A, %mul3A_198 : i32
    %add3A_200 = arith.constant 768 : i32
    %add3A_201 = arith.addi %mul3A_199, %add3A_200 : i32
    %dma_start3A_202 = arith.constant 0 : i32
    %dma_start3A_203 = tpu.memref_slice %arg4[%add3A_201, %dma_start3A_202] : memref<49152x128xf32, #tpu.memory_space<hbm>> -> memref<128x128xf32, #tpu.memory_space<hbm>>
    %dma_start3A_204 = arith.constant 0 : i32
    %dma_start3A_205 = tpu.memref_slice %arg4[%add3A_201, %dma_start3A_204] : memref<49152x128xf32, #tpu.memory_space<hbm>> -> memref<128x128xf32, #tpu.memory_space<hbm>>
    tpu.enqueue_dma source(%arg6 : memref<128x128xf32, #tpu.memory_space<vmem>>) target(%dma_start3A_205 : memref<128x128xf32, #tpu.memory_space<hbm>>) target_semaphore(%arg18 : memref<!tpu.dma_semaphore, #tpu.memory_space<semaphore_mem>>)
    %mul3A_206 = arith.constant 1536 : i32
    %mul3A_207 = arith.muli %add3A, %mul3A_206 : i32
    %add3A_208 = arith.constant 512 : i32
    %add3A_209 = arith.addi %mul3A_207, %add3A_208 : i32
    %dma_wait3A_210 = arith.constant 0 : i32
    %dma_wait3A_211 = tpu.memref_slice %arg4[%add3A_209, %dma_wait3A_210] : memref<49152x128xf32, #tpu.memory_space<hbm>> -> memref<128x128xf32, #tpu.memory_space<hbm>>
    %dma_wait3A_212 = arith.constant 0 : i32
    %dma_wait3A_213 = tpu.memref_slice %arg4[%add3A_209, %dma_wait3A_212] : memref<49152x128xf32, #tpu.memory_space<hbm>> -> memref<128x128xf32, #tpu.memory_space<hbm>>
    tpu.wait_dma2 semaphore(%arg22 : memref<!tpu.dma_semaphore, #tpu.memory_space<semaphore_mem>>) src(%arg10 : memref<128x128xf32, #tpu.memory_space<vmem>>) dst(%dma_wait3A_213 : memref<128x128xf32, #tpu.memory_space<hbm>>)
    %dma_start3A_214 = arith.constant 10 : i32
    %dma_start3A_215 = arith.constant 0 : i32
    %dma_start3A_216 = tpu.memref_slice %arg5[%dma_start3A_214, %dma_start3A_215] : memref<12x128xi32, #tpu.memory_space<vmem>> -> memref<1x128xi32, #tpu.memory_space<vmem>>
    %dma_start3A_217 = tpu.memref_squeeze %dma_start3A_216 : memref<1x128xi32, #tpu.memory_space<vmem>> -> memref<128xi32, #tpu.memory_space<vmem>>
    %dma_start3A_218 = arith.constant 0 : i32
    %dma_start3A_219 = arith.constant 0 : i32
    %dma_start3A_220 = tpu.memref_slice %arg2[%dma_start3A_218, %dma_start3A_219] : memref<13440x128xf32, #tpu.memory_space<hbm>> -> memref<13440x128xf32, #tpu.memory_space<hbm>>
    tpu.enqueue_indirect_dma source(%dma_start3A_220 : memref<13440x128xf32, #tpu.memory_space<hbm>>) target(%arg10 : memref<128x128xf32, #tpu.memory_space<vmem>>) offsets(%dma_start3A_217 : memref<128xi32, #tpu.memory_space<vmem>>) semaphore(%arg16 : memref<!tpu.dma_semaphore, #tpu.memory_space<semaphore_mem>>)
    %dma_wait3A_221 = arith.constant 7 : i32
    %dma_wait3A_222 = arith.constant 0 : i32
    %dma_wait3A_223 = tpu.memref_slice %arg5[%dma_wait3A_221, %dma_wait3A_222] : memref<12x128xi32, #tpu.memory_space<vmem>> -> memref<1x128xi32, #tpu.memory_space<vmem>>
    %dma_wait3A_224 = tpu.memref_squeeze %dma_wait3A_223 : memref<1x128xi32, #tpu.memory_space<vmem>> -> memref<128xi32, #tpu.memory_space<vmem>>
    %dma_wait3A_225 = arith.constant 0 : i32
    %dma_wait3A_226 = arith.constant 0 : i32
    %dma_wait3A_227 = tpu.memref_slice %arg2[%dma_wait3A_225, %dma_wait3A_226] : memref<13440x128xf32, #tpu.memory_space<hbm>> -> memref<13440x128xf32, #tpu.memory_space<hbm>>
    tpu.wait_indirect_dma semaphore(%arg13 : memref<!tpu.dma_semaphore, #tpu.memory_space<semaphore_mem>>) src(%dma_wait3A_227 : memref<13440x128xf32, #tpu.memory_space<hbm>>) dst(%arg7 : memref<128x128xf32, #tpu.memory_space<vmem>>)
    %mul3A_228 = arith.constant 1536 : i32
    %mul3A_229 = arith.muli %add3A, %mul3A_228 : i32
    %add3A_230 = arith.constant 896 : i32
    %add3A_231 = arith.addi %mul3A_229, %add3A_230 : i32
    %dma_start3A_232 = arith.constant 0 : i32
    %dma_start3A_233 = tpu.memref_slice %arg4[%add3A_231, %dma_start3A_232] : memref<49152x128xf32, #tpu.memory_space<hbm>> -> memref<128x128xf32, #tpu.memory_space<hbm>>
    %dma_start3A_234 = arith.constant 0 : i32
    %dma_start3A_235 = tpu.memref_slice %arg4[%add3A_231, %dma_start3A_234] : memref<49152x128xf32, #tpu.memory_space<hbm>> -> memref<128x128xf32, #tpu.memory_space<hbm>>
    tpu.enqueue_dma source(%arg7 : memref<128x128xf32, #tpu.memory_space<vmem>>) target(%dma_start3A_235 : memref<128x128xf32, #tpu.memory_space<hbm>>) target_semaphore(%arg19 : memref<!tpu.dma_semaphore, #tpu.memory_space<semaphore_mem>>)
    %mul3A_236 = arith.constant 1536 : i32
    %mul3A_237 = arith.muli %add3A, %mul3A_236 : i32
    %add3A_238 = arith.constant 640 : i32
    %add3A_239 = arith.addi %mul3A_237, %add3A_238 : i32
    %dma_wait3A_240 = arith.constant 0 : i32
    %dma_wait3A_241 = tpu.memref_slice %arg4[%add3A_239, %dma_wait3A_240] : memref<49152x128xf32, #tpu.memory_space<hbm>> -> memref<128x128xf32, #tpu.memory_space<hbm>>
    %dma_wait3A_242 = arith.constant 0 : i32
    %dma_wait3A_243 = tpu.memref_slice %arg4[%add3A_239, %dma_wait3A_242] : memref<49152x128xf32, #tpu.memory_space<hbm>> -> memref<128x128xf32, #tpu.memory_space<hbm>>
    tpu.wait_dma2 semaphore(%arg23 : memref<!tpu.dma_semaphore, #tpu.memory_space<semaphore_mem>>) src(%arg11 : memref<128x128xf32, #tpu.memory_space<vmem>>) dst(%dma_wait3A_243 : memref<128x128xf32, #tpu.memory_space<hbm>>)
    %dma_start3A_244 = arith.constant 11 : i32
    %dma_start3A_245 = arith.constant 0 : i32
    %dma_start3A_246 = tpu.memref_slice %arg5[%dma_start3A_244, %dma_start3A_245] : memref<12x128xi32, #tpu.memory_space<vmem>> -> memref<1x128xi32, #tpu.memory_space<vmem>>
    %dma_start3A_247 = tpu.memref_squeeze %dma_start3A_246 : memref<1x128xi32, #tpu.memory_space<vmem>> -> memref<128xi32, #tpu.memory_space<vmem>>
    %dma_start3A_248 = arith.constant 0 : i32
    %dma_start3A_249 = arith.constant 0 : i32
    %dma_start3A_250 = tpu.memref_slice %arg2[%dma_start3A_248, %dma_start3A_249] : memref<13440x128xf32, #tpu.memory_space<hbm>> -> memref<13440x128xf32, #tpu.memory_space<hbm>>
    tpu.enqueue_indirect_dma source(%dma_start3A_250 : memref<13440x128xf32, #tpu.memory_space<hbm>>) target(%arg11 : memref<128x128xf32, #tpu.memory_space<vmem>>) offsets(%dma_start3A_247 : memref<128xi32, #tpu.memory_space<vmem>>) semaphore(%arg17 : memref<!tpu.dma_semaphore, #tpu.memory_space<semaphore_mem>>)
    %dma_wait3A_251 = arith.constant 8 : i32
    %dma_wait3A_252 = arith.constant 0 : i32
    %dma_wait3A_253 = tpu.memref_slice %arg5[%dma_wait3A_251, %dma_wait3A_252] : memref<12x128xi32, #tpu.memory_space<vmem>> -> memref<1x128xi32, #tpu.memory_space<vmem>>
    %dma_wait3A_254 = tpu.memref_squeeze %dma_wait3A_253 : memref<1x128xi32, #tpu.memory_space<vmem>> -> memref<128xi32, #tpu.memory_space<vmem>>
    %dma_wait3A_255 = arith.constant 0 : i32
    %dma_wait3A_256 = arith.constant 0 : i32
    %dma_wait3A_257 = tpu.memref_slice %arg2[%dma_wait3A_255, %dma_wait3A_256] : memref<13440x128xf32, #tpu.memory_space<hbm>> -> memref<13440x128xf32, #tpu.memory_space<hbm>>
    tpu.wait_indirect_dma semaphore(%arg14 : memref<!tpu.dma_semaphore, #tpu.memory_space<semaphore_mem>>) src(%dma_wait3A_257 : memref<13440x128xf32, #tpu.memory_space<hbm>>) dst(%arg8 : memref<128x128xf32, #tpu.memory_space<vmem>>)
    %mul3A_258 = arith.constant 1536 : i32
    %mul3A_259 = arith.muli %add3A, %mul3A_258 : i32
    %add3A_260 = arith.constant 1024 : i32
    %add3A_261 = arith.addi %mul3A_259, %add3A_260 : i32
    %dma_start3A_262 = arith.constant 0 : i32
    %dma_start3A_263 = tpu.memref_slice %arg4[%add3A_261, %dma_start3A_262] : memref<49152x128xf32, #tpu.memory_space<hbm>> -> memref<128x128xf32, #tpu.memory_space<hbm>>
    %dma_start3A_264 = arith.constant 0 : i32
    %dma_start3A_265 = tpu.memref_slice %arg4[%add3A_261, %dma_start3A_264] : memref<49152x128xf32, #tpu.memory_space<hbm>> -> memref<128x128xf32, #tpu.memory_space<hbm>>
    tpu.enqueue_dma source(%arg8 : memref<128x128xf32, #tpu.memory_space<vmem>>) target(%dma_start3A_265 : memref<128x128xf32, #tpu.memory_space<hbm>>) target_semaphore(%arg20 : memref<!tpu.dma_semaphore, #tpu.memory_space<semaphore_mem>>)
    %dma_wait3A_266 = arith.constant 9 : i32
    %dma_wait3A_267 = arith.constant 0 : i32
    %dma_wait3A_268 = tpu.memref_slice %arg5[%dma_wait3A_266, %dma_wait3A_267] : memref<12x128xi32, #tpu.memory_space<vmem>> -> memref<1x128xi32, #tpu.memory_space<vmem>>
    %dma_wait3A_269 = tpu.memref_squeeze %dma_wait3A_268 : memref<1x128xi32, #tpu.memory_space<vmem>> -> memref<128xi32, #tpu.memory_space<vmem>>
    %dma_wait3A_270 = arith.constant 0 : i32
    %dma_wait3A_271 = arith.constant 0 : i32
    %dma_wait3A_272 = tpu.memref_slice %arg2[%dma_wait3A_270, %dma_wait3A_271] : memref<13440x128xf32, #tpu.memory_space<hbm>> -> memref<13440x128xf32, #tpu.memory_space<hbm>>
    tpu.wait_indirect_dma semaphore(%arg15 : memref<!tpu.dma_semaphore, #tpu.memory_space<semaphore_mem>>) src(%dma_wait3A_272 : memref<13440x128xf32, #tpu.memory_space<hbm>>) dst(%arg9 : memref<128x128xf32, #tpu.memory_space<vmem>>)
    %mul3A_273 = arith.constant 1536 : i32
    %mul3A_274 = arith.muli %add3A, %mul3A_273 : i32
    %add3A_275 = arith.constant 1152 : i32
    %add3A_276 = arith.addi %mul3A_274, %add3A_275 : i32
    %dma_start3A_277 = arith.constant 0 : i32
    %dma_start3A_278 = tpu.memref_slice %arg4[%add3A_276, %dma_start3A_277] : memref<49152x128xf32, #tpu.memory_space<hbm>> -> memref<128x128xf32, #tpu.memory_space<hbm>>
    %dma_start3A_279 = arith.constant 0 : i32
    %dma_start3A_280 = tpu.memref_slice %arg4[%add3A_276, %dma_start3A_279] : memref<49152x128xf32, #tpu.memory_space<hbm>> -> memref<128x128xf32, #tpu.memory_space<hbm>>
    tpu.enqueue_dma source(%arg9 : memref<128x128xf32, #tpu.memory_space<vmem>>) target(%dma_start3A_280 : memref<128x128xf32, #tpu.memory_space<hbm>>) target_semaphore(%arg21 : memref<!tpu.dma_semaphore, #tpu.memory_space<semaphore_mem>>)
    %dma_wait3A_281 = arith.constant 10 : i32
    %dma_wait3A_282 = arith.constant 0 : i32
    %dma_wait3A_283 = tpu.memref_slice %arg5[%dma_wait3A_281, %dma_wait3A_282] : memref<12x128xi32, #tpu.memory_space<vmem>> -> memref<1x128xi32, #tpu.memory_space<vmem>>
    %dma_wait3A_284 = tpu.memref_squeeze %dma_wait3A_283 : memref<1x128xi32, #tpu.memory_space<vmem>> -> memref<128xi32, #tpu.memory_space<vmem>>
    %dma_wait3A_285 = arith.constant 0 : i32
    %dma_wait3A_286 = arith.constant 0 : i32
    %dma_wait3A_287 = tpu.memref_slice %arg2[%dma_wait3A_285, %dma_wait3A_286] : memref<13440x128xf32, #tpu.memory_space<hbm>> -> memref<13440x128xf32, #tpu.memory_space<hbm>>
    tpu.wait_indirect_dma semaphore(%arg16 : memref<!tpu.dma_semaphore, #tpu.memory_space<semaphore_mem>>) src(%dma_wait3A_287 : memref<13440x128xf32, #tpu.memory_space<hbm>>) dst(%arg10 : memref<128x128xf32, #tpu.memory_space<vmem>>)
    %mul3A_288 = arith.constant 1536 : i32
    %mul3A_289 = arith.muli %add3A, %mul3A_288 : i32
    %add3A_290 = arith.constant 1280 : i32
    %add3A_291 = arith.addi %mul3A_289, %add3A_290 : i32
    %dma_start3A_292 = arith.constant 0 : i32
    %dma_start3A_293 = tpu.memref_slice %arg4[%add3A_291, %dma_start3A_292] : memref<49152x128xf32, #tpu.memory_space<hbm>> -> memref<128x128xf32, #tpu.memory_space<hbm>>
    %dma_start3A_294 = arith.constant 0 : i32
    %dma_start3A_295 = tpu.memref_slice %arg4[%add3A_291, %dma_start3A_294] : memref<49152x128xf32, #tpu.memory_space<hbm>> -> memref<128x128xf32, #tpu.memory_space<hbm>>
    tpu.enqueue_dma source(%arg10 : memref<128x128xf32, #tpu.memory_space<vmem>>) target(%dma_start3A_295 : memref<128x128xf32, #tpu.memory_space<hbm>>) target_semaphore(%arg22 : memref<!tpu.dma_semaphore, #tpu.memory_space<semaphore_mem>>)
    %dma_wait3A_296 = arith.constant 11 : i32
    %dma_wait3A_297 = arith.constant 0 : i32
    %dma_wait3A_298 = tpu.memref_slice %arg5[%dma_wait3A_296, %dma_wait3A_297] : memref<12x128xi32, #tpu.memory_space<vmem>> -> memref<1x128xi32, #tpu.memory_space<vmem>>
    %dma_wait3A_299 = tpu.memref_squeeze %dma_wait3A_298 : memref<1x128xi32, #tpu.memory_space<vmem>> -> memref<128xi32, #tpu.memory_space<vmem>>
    %dma_wait3A_300 = arith.constant 0 : i32
    %dma_wait3A_301 = arith.constant 0 : i32
    %dma_wait3A_302 = tpu.memref_slice %arg2[%dma_wait3A_300, %dma_wait3A_301] : memref<13440x128xf32, #tpu.memory_space<hbm>> -> memref<13440x128xf32, #tpu.memory_space<hbm>>
    tpu.wait_indirect_dma semaphore(%arg17 : memref<!tpu.dma_semaphore, #tpu.memory_space<semaphore_mem>>) src(%dma_wait3A_302 : memref<13440x128xf32, #tpu.memory_space<hbm>>) dst(%arg11 : memref<128x128xf32, #tpu.memory_space<vmem>>)
    %mul3A_303 = arith.constant 1536 : i32
    %mul3A_304 = arith.muli %add3A, %mul3A_303 : i32
    %add3A_305 = arith.constant 1408 : i32
    %add3A_306 = arith.addi %mul3A_304, %add3A_305 : i32
    %dma_start3A_307 = arith.constant 0 : i32
    %dma_start3A_308 = tpu.memref_slice %arg4[%add3A_306, %dma_start3A_307] : memref<49152x128xf32, #tpu.memory_space<hbm>> -> memref<128x128xf32, #tpu.memory_space<hbm>>
    %dma_start3A_309 = arith.constant 0 : i32
    %dma_start3A_310 = tpu.memref_slice %arg4[%add3A_306, %dma_start3A_309] : memref<49152x128xf32, #tpu.memory_space<hbm>> -> memref<128x128xf32, #tpu.memory_space<hbm>>
    tpu.enqueue_dma source(%arg11 : memref<128x128xf32, #tpu.memory_space<vmem>>) target(%dma_start3A_310 : memref<128x128xf32, #tpu.memory_space<hbm>>) target_semaphore(%arg23 : memref<!tpu.dma_semaphore, #tpu.memory_space<semaphore_mem>>)
    %mul3A_311 = arith.constant 1536 : i32
    %mul3A_312 = arith.muli %add3A, %mul3A_311 : i32
    %add3A_313 = arith.constant 768 : i32
    %add3A_314 = arith.addi %mul3A_312, %add3A_313 : i32
    %dma_wait3A_315 = arith.constant 0 : i32
    %dma_wait3A_316 = tpu.memref_slice %arg4[%add3A_314, %dma_wait3A_315] : memref<49152x128xf32, #tpu.memory_space<hbm>> -> memref<128x128xf32, #tpu.memory_space<hbm>>
    %dma_wait3A_317 = arith.constant 0 : i32
    %dma_wait3A_318 = tpu.memref_slice %arg4[%add3A_314, %dma_wait3A_317] : memref<49152x128xf32, #tpu.memory_space<hbm>> -> memref<128x128xf32, #tpu.memory_space<hbm>>
    tpu.wait_dma2 semaphore(%arg18 : memref<!tpu.dma_semaphore, #tpu.memory_space<semaphore_mem>>) src(%arg6 : memref<128x128xf32, #tpu.memory_space<vmem>>) dst(%dma_wait3A_318 : memref<128x128xf32, #tpu.memory_space<hbm>>)
    %mul3A_319 = arith.constant 1536 : i32
    %mul3A_320 = arith.muli %add3A, %mul3A_319 : i32
    %add3A_321 = arith.constant 896 : i32
    %add3A_322 = arith.addi %mul3A_320, %add3A_321 : i32
    %dma_wait3A_323 = arith.constant 0 : i32
    %dma_wait3A_324 = tpu.memref_slice %arg4[%add3A_322, %dma_wait3A_323] : memref<49152x128xf32, #tpu.memory_space<hbm>> -> memref<128x128xf32, #tpu.memory_space<hbm>>
    %dma_wait3A_325 = arith.constant 0 : i32
    %dma_wait3A_326 = tpu.memref_slice %arg4[%add3A_322, %dma_wait3A_325] : memref<49152x128xf32, #tpu.memory_space<hbm>> -> memref<128x128xf32, #tpu.memory_space<hbm>>
    tpu.wait_dma2 semaphore(%arg19 : memref<!tpu.dma_semaphore, #tpu.memory_space<semaphore_mem>>) src(%arg7 : memref<128x128xf32, #tpu.memory_space<vmem>>) dst(%dma_wait3A_326 : memref<128x128xf32, #tpu.memory_space<hbm>>)
    %mul3A_327 = arith.constant 1536 : i32
    %mul3A_328 = arith.muli %add3A, %mul3A_327 : i32
    %add3A_329 = arith.constant 1024 : i32
    %add3A_330 = arith.addi %mul3A_328, %add3A_329 : i32
    %dma_wait3A_331 = arith.constant 0 : i32
    %dma_wait3A_332 = tpu.memref_slice %arg4[%add3A_330, %dma_wait3A_331] : memref<49152x128xf32, #tpu.memory_space<hbm>> -> memref<128x128xf32, #tpu.memory_space<hbm>>
    %dma_wait3A_333 = arith.constant 0 : i32
    %dma_wait3A_334 = tpu.memref_slice %arg4[%add3A_330, %dma_wait3A_333] : memref<49152x128xf32, #tpu.memory_space<hbm>> -> memref<128x128xf32, #tpu.memory_space<hbm>>
    tpu.wait_dma2 semaphore(%arg20 : memref<!tpu.dma_semaphore, #tpu.memory_space<semaphore_mem>>) src(%arg8 : memref<128x128xf32, #tpu.memory_space<vmem>>) dst(%dma_wait3A_334 : memref<128x128xf32, #tpu.memory_space<hbm>>)
    %mul3A_335 = arith.constant 1536 : i32
    %mul3A_336 = arith.muli %add3A, %mul3A_335 : i32
    %add3A_337 = arith.constant 1152 : i32
    %add3A_338 = arith.addi %mul3A_336, %add3A_337 : i32
    %dma_wait3A_339 = arith.constant 0 : i32
    %dma_wait3A_340 = tpu.memref_slice %arg4[%add3A_338, %dma_wait3A_339] : memref<49152x128xf32, #tpu.memory_space<hbm>> -> memref<128x128xf32, #tpu.memory_space<hbm>>
    %dma_wait3A_341 = arith.constant 0 : i32
    %dma_wait3A_342 = tpu.memref_slice %arg4[%add3A_338, %dma_wait3A_341] : memref<49152x128xf32, #tpu.memory_space<hbm>> -> memref<128x128xf32, #tpu.memory_space<hbm>>
    tpu.wait_dma2 semaphore(%arg21 : memref<!tpu.dma_semaphore, #tpu.memory_space<semaphore_mem>>) src(%arg9 : memref<128x128xf32, #tpu.memory_space<vmem>>) dst(%dma_wait3A_342 : memref<128x128xf32, #tpu.memory_space<hbm>>)
    %mul3A_343 = arith.constant 1536 : i32
    %mul3A_344 = arith.muli %add3A, %mul3A_343 : i32
    %add3A_345 = arith.constant 1280 : i32
    %add3A_346 = arith.addi %mul3A_344, %add3A_345 : i32
    %dma_wait3A_347 = arith.constant 0 : i32
    %dma_wait3A_348 = tpu.memref_slice %arg4[%add3A_346, %dma_wait3A_347] : memref<49152x128xf32, #tpu.memory_space<hbm>> -> memref<128x128xf32, #tpu.memory_space<hbm>>
    %dma_wait3A_349 = arith.constant 0 : i32
    %dma_wait3A_350 = tpu.memref_slice %arg4[%add3A_346, %dma_wait3A_349] : memref<49152x128xf32, #tpu.memory_space<hbm>> -> memref<128x128xf32, #tpu.memory_space<hbm>>
    tpu.wait_dma2 semaphore(%arg22 : memref<!tpu.dma_semaphore, #tpu.memory_space<semaphore_mem>>) src(%arg10 : memref<128x128xf32, #tpu.memory_space<vmem>>) dst(%dma_wait3A_350 : memref<128x128xf32, #tpu.memory_space<hbm>>)
    %mul3A_351 = arith.constant 1536 : i32
    %mul3A_352 = arith.muli %add3A, %mul3A_351 : i32
    %add3A_353 = arith.constant 1408 : i32
    %add3A_354 = arith.addi %mul3A_352, %add3A_353 : i32
    %dma_wait3A_355 = arith.constant 0 : i32
    %dma_wait3A_356 = tpu.memref_slice %arg4[%add3A_354, %dma_wait3A_355] : memref<49152x128xf32, #tpu.memory_space<hbm>> -> memref<128x128xf32, #tpu.memory_space<hbm>>
    %dma_wait3A_357 = arith.constant 0 : i32
    %dma_wait3A_358 = tpu.memref_slice %arg4[%add3A_354, %dma_wait3A_357] : memref<49152x128xf32, #tpu.memory_space<hbm>> -> memref<128x128xf32, #tpu.memory_space<hbm>>
    tpu.wait_dma2 semaphore(%arg23 : memref<!tpu.dma_semaphore, #tpu.memory_space<semaphore_mem>>) src(%arg11 : memref<128x128xf32, #tpu.memory_space<vmem>>) dst(%dma_wait3A_358 : memref<128x128xf32, #tpu.memory_space<hbm>>)
    return
  }
}

#map = affine_map<(d0, d1) -> (0, 0)>
#map1 = affine_map<(d0, d1) -> (0, 0, 0)>
module attributes {stable_mosaic.version = 14 : i64} {
  func.func @_gather_body(%arg0: i32, %arg1: i32, %arg2: memref<13440x128xf32, #tpu.memory_space<hbm>>, %arg3: memref<32x6x128xi32, #tpu.memory_space<hbm>>, %arg4: memref<24576x128xf32, #tpu.memory_space<hbm>>, %arg5: memref<6x128xi32, #tpu.memory_space<vmem>>, %arg6: memref<128x128xf32, #tpu.memory_space<vmem>>, %arg7: memref<128x128xf32, #tpu.memory_space<vmem>>, %arg8: memref<128x128xf32, #tpu.memory_space<vmem>>, %arg9: memref<128x128xf32, #tpu.memory_space<vmem>>, %arg10: memref<128x128xf32, #tpu.memory_space<vmem>>, %arg11: memref<128x128xf32, #tpu.memory_space<vmem>>, %arg12: memref<!tpu.dma_semaphore, #tpu.memory_space<semaphore_mem>>, %arg13: memref<!tpu.dma_semaphore, #tpu.memory_space<semaphore_mem>>, %arg14: memref<!tpu.dma_semaphore, #tpu.memory_space<semaphore_mem>>, %arg15: memref<!tpu.dma_semaphore, #tpu.memory_space<semaphore_mem>>, %arg16: memref<!tpu.dma_semaphore, #tpu.memory_space<semaphore_mem>>, %arg17: memref<!tpu.dma_semaphore, #tpu.memory_space<semaphore_mem>>, %arg18: memref<!tpu.dma_semaphore, #tpu.memory_space<semaphore_mem>>, %arg19: memref<!tpu.dma_semaphore, #tpu.memory_space<semaphore_mem>>, %arg20: memref<!tpu.dma_semaphore, #tpu.memory_space<semaphore_mem>>, %arg21: memref<!tpu.dma_semaphore, #tpu.memory_space<semaphore_mem>>, %arg22: memref<!tpu.dma_semaphore, #tpu.memory_space<semaphore_mem>>, %arg23: memref<!tpu.dma_semaphore, #tpu.memory_space<semaphore_mem>>) attributes {dimension_semantics = [#tpu.dimension_semantics<core_parallel>, #tpu.dimension_semantics<subcore_parallel>], iteration_bounds = array<i64: 2, 16>, scalar_prefetch = 0 : i64, scratch_operands = 19 : i64, tpu.core_type = #tpu.core_type<sc_vector_subcore>, window_params = [{transform_indices = #map}, {transform_indices = #map1}, {transform_indices = #map}]} {
    %mul3A = arith.constant 2 : i32
    %mul3A_0 = arith.muli %arg1, %mul3A : i32
    %add3A = arith.addi %mul3A_0, %arg0 : i32
    "tpu.region"() ({
      %run_scoped3A = tpu.sem_alloc : memref<!tpu.dma_semaphore, #tpu.memory_space<semaphore_mem>>
      %dma_start3A_179 = arith.constant 0 : i32
      %dma_start3A_180 = arith.constant 0 : i32
      %dma_start3A_181 = tpu.memref_slice %arg3[%add3A, %dma_start3A_179, %dma_start3A_180] : memref<32x6x128xi32, #tpu.memory_space<hbm>> -> memref<1x6x128xi32, #tpu.memory_space<hbm>>
      %dma_start3A_182 = tpu.memref_squeeze %dma_start3A_181 : memref<1x6x128xi32, #tpu.memory_space<hbm>> -> memref<6x128xi32, #tpu.memory_space<hbm>>
      %dma_start3A_183 = arith.constant 0 : i32
      %dma_start3A_184 = arith.constant 0 : i32
      %dma_start3A_185 = tpu.memref_slice %arg3[%add3A, %dma_start3A_183, %dma_start3A_184] : memref<32x6x128xi32, #tpu.memory_space<hbm>> -> memref<1x6x128xi32, #tpu.memory_space<hbm>>
      %dma_start3A_186 = tpu.memref_squeeze %dma_start3A_185 : memref<1x6x128xi32, #tpu.memory_space<hbm>> -> memref<6x128xi32, #tpu.memory_space<hbm>>
      tpu.enqueue_dma source(%dma_start3A_186 : memref<6x128xi32, #tpu.memory_space<hbm>>) target(%arg5 : memref<6x128xi32, #tpu.memory_space<vmem>>) target_semaphore(%run_scoped3A : memref<!tpu.dma_semaphore, #tpu.memory_space<semaphore_mem>>)
      %dma_wait3A_187 = arith.constant 0 : i32
      %dma_wait3A_188 = arith.constant 0 : i32
      %dma_wait3A_189 = tpu.memref_slice %arg3[%add3A, %dma_wait3A_187, %dma_wait3A_188] : memref<32x6x128xi32, #tpu.memory_space<hbm>> -> memref<1x6x128xi32, #tpu.memory_space<hbm>>
      %dma_wait3A_190 = tpu.memref_squeeze %dma_wait3A_189 : memref<1x6x128xi32, #tpu.memory_space<hbm>> -> memref<6x128xi32, #tpu.memory_space<hbm>>
      %dma_wait3A_191 = arith.constant 0 : i32
      %dma_wait3A_192 = arith.constant 0 : i32
      %dma_wait3A_193 = tpu.memref_slice %arg3[%add3A, %dma_wait3A_191, %dma_wait3A_192] : memref<32x6x128xi32, #tpu.memory_space<hbm>> -> memref<1x6x128xi32, #tpu.memory_space<hbm>>
      %dma_wait3A_194 = tpu.memref_squeeze %dma_wait3A_193 : memref<1x6x128xi32, #tpu.memory_space<hbm>> -> memref<6x128xi32, #tpu.memory_space<hbm>>
      tpu.wait_dma2 semaphore(%run_scoped3A : memref<!tpu.dma_semaphore, #tpu.memory_space<semaphore_mem>>) src(%dma_wait3A_194 : memref<6x128xi32, #tpu.memory_space<hbm>>) dst(%arg5 : memref<6x128xi32, #tpu.memory_space<vmem>>)
      tpu.yield
    }) : () -> ()
    %dma_start3A = arith.constant 0 : i32
    %dma_start3A_1 = arith.constant 0 : i32
    %dma_start3A_2 = tpu.memref_slice %arg5[%dma_start3A, %dma_start3A_1] : memref<6x128xi32, #tpu.memory_space<vmem>> -> memref<1x128xi32, #tpu.memory_space<vmem>>
    %dma_start3A_3 = tpu.memref_squeeze %dma_start3A_2 : memref<1x128xi32, #tpu.memory_space<vmem>> -> memref<128xi32, #tpu.memory_space<vmem>>
    %dma_start3A_4 = arith.constant 0 : i32
    %dma_start3A_5 = arith.constant 0 : i32
    %dma_start3A_6 = tpu.memref_slice %arg2[%dma_start3A_4, %dma_start3A_5] : memref<13440x128xf32, #tpu.memory_space<hbm>> -> memref<13440x128xf32, #tpu.memory_space<hbm>>
    tpu.enqueue_indirect_dma source(%dma_start3A_6 : memref<13440x128xf32, #tpu.memory_space<hbm>>) target(%arg6 : memref<128x128xf32, #tpu.memory_space<vmem>>) offsets(%dma_start3A_3 : memref<128xi32, #tpu.memory_space<vmem>>) semaphore(%arg12 : memref<!tpu.dma_semaphore, #tpu.memory_space<semaphore_mem>>)
    %dma_start3A_7 = arith.constant 1 : i32
    %dma_start3A_8 = arith.constant 0 : i32
    %dma_start3A_9 = tpu.memref_slice %arg5[%dma_start3A_7, %dma_start3A_8] : memref<6x128xi32, #tpu.memory_space<vmem>> -> memref<1x128xi32, #tpu.memory_space<vmem>>
    %dma_start3A_10 = tpu.memref_squeeze %dma_start3A_9 : memref<1x128xi32, #tpu.memory_space<vmem>> -> memref<128xi32, #tpu.memory_space<vmem>>
    %dma_start3A_11 = arith.constant 0 : i32
    %dma_start3A_12 = arith.constant 0 : i32
    %dma_start3A_13 = tpu.memref_slice %arg2[%dma_start3A_11, %dma_start3A_12] : memref<13440x128xf32, #tpu.memory_space<hbm>> -> memref<13440x128xf32, #tpu.memory_space<hbm>>
    tpu.enqueue_indirect_dma source(%dma_start3A_13 : memref<13440x128xf32, #tpu.memory_space<hbm>>) target(%arg7 : memref<128x128xf32, #tpu.memory_space<vmem>>) offsets(%dma_start3A_10 : memref<128xi32, #tpu.memory_space<vmem>>) semaphore(%arg13 : memref<!tpu.dma_semaphore, #tpu.memory_space<semaphore_mem>>)
    %dma_start3A_14 = arith.constant 2 : i32
    %dma_start3A_15 = arith.constant 0 : i32
    %dma_start3A_16 = tpu.memref_slice %arg5[%dma_start3A_14, %dma_start3A_15] : memref<6x128xi32, #tpu.memory_space<vmem>> -> memref<1x128xi32, #tpu.memory_space<vmem>>
    %dma_start3A_17 = tpu.memref_squeeze %dma_start3A_16 : memref<1x128xi32, #tpu.memory_space<vmem>> -> memref<128xi32, #tpu.memory_space<vmem>>
    %dma_start3A_18 = arith.constant 0 : i32
    %dma_start3A_19 = arith.constant 0 : i32
    %dma_start3A_20 = tpu.memref_slice %arg2[%dma_start3A_18, %dma_start3A_19] : memref<13440x128xf32, #tpu.memory_space<hbm>> -> memref<13440x128xf32, #tpu.memory_space<hbm>>
    tpu.enqueue_indirect_dma source(%dma_start3A_20 : memref<13440x128xf32, #tpu.memory_space<hbm>>) target(%arg8 : memref<128x128xf32, #tpu.memory_space<vmem>>) offsets(%dma_start3A_17 : memref<128xi32, #tpu.memory_space<vmem>>) semaphore(%arg14 : memref<!tpu.dma_semaphore, #tpu.memory_space<semaphore_mem>>)
    %dma_start3A_21 = arith.constant 3 : i32
    %dma_start3A_22 = arith.constant 0 : i32
    %dma_start3A_23 = tpu.memref_slice %arg5[%dma_start3A_21, %dma_start3A_22] : memref<6x128xi32, #tpu.memory_space<vmem>> -> memref<1x128xi32, #tpu.memory_space<vmem>>
    %dma_start3A_24 = tpu.memref_squeeze %dma_start3A_23 : memref<1x128xi32, #tpu.memory_space<vmem>> -> memref<128xi32, #tpu.memory_space<vmem>>
    %dma_start3A_25 = arith.constant 0 : i32
    %dma_start3A_26 = arith.constant 0 : i32
    %dma_start3A_27 = tpu.memref_slice %arg2[%dma_start3A_25, %dma_start3A_26] : memref<13440x128xf32, #tpu.memory_space<hbm>> -> memref<13440x128xf32, #tpu.memory_space<hbm>>
    tpu.enqueue_indirect_dma source(%dma_start3A_27 : memref<13440x128xf32, #tpu.memory_space<hbm>>) target(%arg9 : memref<128x128xf32, #tpu.memory_space<vmem>>) offsets(%dma_start3A_24 : memref<128xi32, #tpu.memory_space<vmem>>) semaphore(%arg15 : memref<!tpu.dma_semaphore, #tpu.memory_space<semaphore_mem>>)
    %dma_wait3A = arith.constant 0 : i32
    %dma_wait3A_28 = arith.constant 0 : i32
    %dma_wait3A_29 = tpu.memref_slice %arg5[%dma_wait3A, %dma_wait3A_28] : memref<6x128xi32, #tpu.memory_space<vmem>> -> memref<1x128xi32, #tpu.memory_space<vmem>>
    %dma_wait3A_30 = tpu.memref_squeeze %dma_wait3A_29 : memref<1x128xi32, #tpu.memory_space<vmem>> -> memref<128xi32, #tpu.memory_space<vmem>>
    %dma_wait3A_31 = arith.constant 0 : i32
    %dma_wait3A_32 = arith.constant 0 : i32
    %dma_wait3A_33 = tpu.memref_slice %arg2[%dma_wait3A_31, %dma_wait3A_32] : memref<13440x128xf32, #tpu.memory_space<hbm>> -> memref<13440x128xf32, #tpu.memory_space<hbm>>
    tpu.wait_indirect_dma semaphore(%arg12 : memref<!tpu.dma_semaphore, #tpu.memory_space<semaphore_mem>>) src(%dma_wait3A_33 : memref<13440x128xf32, #tpu.memory_space<hbm>>) dst(%arg6 : memref<128x128xf32, #tpu.memory_space<vmem>>)
    %mul3A_34 = arith.constant 768 : i32
    %mul3A_35 = arith.muli %add3A, %mul3A_34 : i32
    %add3A_36 = arith.constant 0 : i32
    %add3A_37 = arith.addi %mul3A_35, %add3A_36 : i32
    %dma_start3A_38 = arith.constant 0 : i32
    %dma_start3A_39 = tpu.memref_slice %arg4[%add3A_37, %dma_start3A_38] : memref<24576x128xf32, #tpu.memory_space<hbm>> -> memref<128x128xf32, #tpu.memory_space<hbm>>
    %dma_start3A_40 = arith.constant 0 : i32
    %dma_start3A_41 = tpu.memref_slice %arg4[%add3A_37, %dma_start3A_40] : memref<24576x128xf32, #tpu.memory_space<hbm>> -> memref<128x128xf32, #tpu.memory_space<hbm>>
    tpu.enqueue_dma source(%arg6 : memref<128x128xf32, #tpu.memory_space<vmem>>) target(%dma_start3A_41 : memref<128x128xf32, #tpu.memory_space<hbm>>) target_semaphore(%arg18 : memref<!tpu.dma_semaphore, #tpu.memory_space<semaphore_mem>>)
    %dma_start3A_42 = arith.constant 4 : i32
    %dma_start3A_43 = arith.constant 0 : i32
    %dma_start3A_44 = tpu.memref_slice %arg5[%dma_start3A_42, %dma_start3A_43] : memref<6x128xi32, #tpu.memory_space<vmem>> -> memref<1x128xi32, #tpu.memory_space<vmem>>
    %dma_start3A_45 = tpu.memref_squeeze %dma_start3A_44 : memref<1x128xi32, #tpu.memory_space<vmem>> -> memref<128xi32, #tpu.memory_space<vmem>>
    %dma_start3A_46 = arith.constant 0 : i32
    %dma_start3A_47 = arith.constant 0 : i32
    %dma_start3A_48 = tpu.memref_slice %arg2[%dma_start3A_46, %dma_start3A_47] : memref<13440x128xf32, #tpu.memory_space<hbm>> -> memref<13440x128xf32, #tpu.memory_space<hbm>>
    tpu.enqueue_indirect_dma source(%dma_start3A_48 : memref<13440x128xf32, #tpu.memory_space<hbm>>) target(%arg10 : memref<128x128xf32, #tpu.memory_space<vmem>>) offsets(%dma_start3A_45 : memref<128xi32, #tpu.memory_space<vmem>>) semaphore(%arg16 : memref<!tpu.dma_semaphore, #tpu.memory_space<semaphore_mem>>)
    %dma_wait3A_49 = arith.constant 1 : i32
    %dma_wait3A_50 = arith.constant 0 : i32
    %dma_wait3A_51 = tpu.memref_slice %arg5[%dma_wait3A_49, %dma_wait3A_50] : memref<6x128xi32, #tpu.memory_space<vmem>> -> memref<1x128xi32, #tpu.memory_space<vmem>>
    %dma_wait3A_52 = tpu.memref_squeeze %dma_wait3A_51 : memref<1x128xi32, #tpu.memory_space<vmem>> -> memref<128xi32, #tpu.memory_space<vmem>>
    %dma_wait3A_53 = arith.constant 0 : i32
    %dma_wait3A_54 = arith.constant 0 : i32
    %dma_wait3A_55 = tpu.memref_slice %arg2[%dma_wait3A_53, %dma_wait3A_54] : memref<13440x128xf32, #tpu.memory_space<hbm>> -> memref<13440x128xf32, #tpu.memory_space<hbm>>
    tpu.wait_indirect_dma semaphore(%arg13 : memref<!tpu.dma_semaphore, #tpu.memory_space<semaphore_mem>>) src(%dma_wait3A_55 : memref<13440x128xf32, #tpu.memory_space<hbm>>) dst(%arg7 : memref<128x128xf32, #tpu.memory_space<vmem>>)
    %mul3A_56 = arith.constant 768 : i32
    %mul3A_57 = arith.muli %add3A, %mul3A_56 : i32
    %add3A_58 = arith.constant 128 : i32
    %add3A_59 = arith.addi %mul3A_57, %add3A_58 : i32
    %dma_start3A_60 = arith.constant 0 : i32
    %dma_start3A_61 = tpu.memref_slice %arg4[%add3A_59, %dma_start3A_60] : memref<24576x128xf32, #tpu.memory_space<hbm>> -> memref<128x128xf32, #tpu.memory_space<hbm>>
    %dma_start3A_62 = arith.constant 0 : i32
    %dma_start3A_63 = tpu.memref_slice %arg4[%add3A_59, %dma_start3A_62] : memref<24576x128xf32, #tpu.memory_space<hbm>> -> memref<128x128xf32, #tpu.memory_space<hbm>>
    tpu.enqueue_dma source(%arg7 : memref<128x128xf32, #tpu.memory_space<vmem>>) target(%dma_start3A_63 : memref<128x128xf32, #tpu.memory_space<hbm>>) target_semaphore(%arg19 : memref<!tpu.dma_semaphore, #tpu.memory_space<semaphore_mem>>)
    %dma_start3A_64 = arith.constant 5 : i32
    %dma_start3A_65 = arith.constant 0 : i32
    %dma_start3A_66 = tpu.memref_slice %arg5[%dma_start3A_64, %dma_start3A_65] : memref<6x128xi32, #tpu.memory_space<vmem>> -> memref<1x128xi32, #tpu.memory_space<vmem>>
    %dma_start3A_67 = tpu.memref_squeeze %dma_start3A_66 : memref<1x128xi32, #tpu.memory_space<vmem>> -> memref<128xi32, #tpu.memory_space<vmem>>
    %dma_start3A_68 = arith.constant 0 : i32
    %dma_start3A_69 = arith.constant 0 : i32
    %dma_start3A_70 = tpu.memref_slice %arg2[%dma_start3A_68, %dma_start3A_69] : memref<13440x128xf32, #tpu.memory_space<hbm>> -> memref<13440x128xf32, #tpu.memory_space<hbm>>
    tpu.enqueue_indirect_dma source(%dma_start3A_70 : memref<13440x128xf32, #tpu.memory_space<hbm>>) target(%arg11 : memref<128x128xf32, #tpu.memory_space<vmem>>) offsets(%dma_start3A_67 : memref<128xi32, #tpu.memory_space<vmem>>) semaphore(%arg17 : memref<!tpu.dma_semaphore, #tpu.memory_space<semaphore_mem>>)
    %dma_wait3A_71 = arith.constant 2 : i32
    %dma_wait3A_72 = arith.constant 0 : i32
    %dma_wait3A_73 = tpu.memref_slice %arg5[%dma_wait3A_71, %dma_wait3A_72] : memref<6x128xi32, #tpu.memory_space<vmem>> -> memref<1x128xi32, #tpu.memory_space<vmem>>
    %dma_wait3A_74 = tpu.memref_squeeze %dma_wait3A_73 : memref<1x128xi32, #tpu.memory_space<vmem>> -> memref<128xi32, #tpu.memory_space<vmem>>
    %dma_wait3A_75 = arith.constant 0 : i32
    %dma_wait3A_76 = arith.constant 0 : i32
    %dma_wait3A_77 = tpu.memref_slice %arg2[%dma_wait3A_75, %dma_wait3A_76] : memref<13440x128xf32, #tpu.memory_space<hbm>> -> memref<13440x128xf32, #tpu.memory_space<hbm>>
    tpu.wait_indirect_dma semaphore(%arg14 : memref<!tpu.dma_semaphore, #tpu.memory_space<semaphore_mem>>) src(%dma_wait3A_77 : memref<13440x128xf32, #tpu.memory_space<hbm>>) dst(%arg8 : memref<128x128xf32, #tpu.memory_space<vmem>>)
    %mul3A_78 = arith.constant 768 : i32
    %mul3A_79 = arith.muli %add3A, %mul3A_78 : i32
    %add3A_80 = arith.constant 256 : i32
    %add3A_81 = arith.addi %mul3A_79, %add3A_80 : i32
    %dma_start3A_82 = arith.constant 0 : i32
    %dma_start3A_83 = tpu.memref_slice %arg4[%add3A_81, %dma_start3A_82] : memref<24576x128xf32, #tpu.memory_space<hbm>> -> memref<128x128xf32, #tpu.memory_space<hbm>>
    %dma_start3A_84 = arith.constant 0 : i32
    %dma_start3A_85 = tpu.memref_slice %arg4[%add3A_81, %dma_start3A_84] : memref<24576x128xf32, #tpu.memory_space<hbm>> -> memref<128x128xf32, #tpu.memory_space<hbm>>
    tpu.enqueue_dma source(%arg8 : memref<128x128xf32, #tpu.memory_space<vmem>>) target(%dma_start3A_85 : memref<128x128xf32, #tpu.memory_space<hbm>>) target_semaphore(%arg20 : memref<!tpu.dma_semaphore, #tpu.memory_space<semaphore_mem>>)
    %dma_wait3A_86 = arith.constant 3 : i32
    %dma_wait3A_87 = arith.constant 0 : i32
    %dma_wait3A_88 = tpu.memref_slice %arg5[%dma_wait3A_86, %dma_wait3A_87] : memref<6x128xi32, #tpu.memory_space<vmem>> -> memref<1x128xi32, #tpu.memory_space<vmem>>
    %dma_wait3A_89 = tpu.memref_squeeze %dma_wait3A_88 : memref<1x128xi32, #tpu.memory_space<vmem>> -> memref<128xi32, #tpu.memory_space<vmem>>
    %dma_wait3A_90 = arith.constant 0 : i32
    %dma_wait3A_91 = arith.constant 0 : i32
    %dma_wait3A_92 = tpu.memref_slice %arg2[%dma_wait3A_90, %dma_wait3A_91] : memref<13440x128xf32, #tpu.memory_space<hbm>> -> memref<13440x128xf32, #tpu.memory_space<hbm>>
    tpu.wait_indirect_dma semaphore(%arg15 : memref<!tpu.dma_semaphore, #tpu.memory_space<semaphore_mem>>) src(%dma_wait3A_92 : memref<13440x128xf32, #tpu.memory_space<hbm>>) dst(%arg9 : memref<128x128xf32, #tpu.memory_space<vmem>>)
    %mul3A_93 = arith.constant 768 : i32
    %mul3A_94 = arith.muli %add3A, %mul3A_93 : i32
    %add3A_95 = arith.constant 384 : i32
    %add3A_96 = arith.addi %mul3A_94, %add3A_95 : i32
    %dma_start3A_97 = arith.constant 0 : i32
    %dma_start3A_98 = tpu.memref_slice %arg4[%add3A_96, %dma_start3A_97] : memref<24576x128xf32, #tpu.memory_space<hbm>> -> memref<128x128xf32, #tpu.memory_space<hbm>>
    %dma_start3A_99 = arith.constant 0 : i32
    %dma_start3A_100 = tpu.memref_slice %arg4[%add3A_96, %dma_start3A_99] : memref<24576x128xf32, #tpu.memory_space<hbm>> -> memref<128x128xf32, #tpu.memory_space<hbm>>
    tpu.enqueue_dma source(%arg9 : memref<128x128xf32, #tpu.memory_space<vmem>>) target(%dma_start3A_100 : memref<128x128xf32, #tpu.memory_space<hbm>>) target_semaphore(%arg21 : memref<!tpu.dma_semaphore, #tpu.memory_space<semaphore_mem>>)
    %dma_wait3A_101 = arith.constant 4 : i32
    %dma_wait3A_102 = arith.constant 0 : i32
    %dma_wait3A_103 = tpu.memref_slice %arg5[%dma_wait3A_101, %dma_wait3A_102] : memref<6x128xi32, #tpu.memory_space<vmem>> -> memref<1x128xi32, #tpu.memory_space<vmem>>
    %dma_wait3A_104 = tpu.memref_squeeze %dma_wait3A_103 : memref<1x128xi32, #tpu.memory_space<vmem>> -> memref<128xi32, #tpu.memory_space<vmem>>
    %dma_wait3A_105 = arith.constant 0 : i32
    %dma_wait3A_106 = arith.constant 0 : i32
    %dma_wait3A_107 = tpu.memref_slice %arg2[%dma_wait3A_105, %dma_wait3A_106] : memref<13440x128xf32, #tpu.memory_space<hbm>> -> memref<13440x128xf32, #tpu.memory_space<hbm>>
    tpu.wait_indirect_dma semaphore(%arg16 : memref<!tpu.dma_semaphore, #tpu.memory_space<semaphore_mem>>) src(%dma_wait3A_107 : memref<13440x128xf32, #tpu.memory_space<hbm>>) dst(%arg10 : memref<128x128xf32, #tpu.memory_space<vmem>>)
    %mul3A_108 = arith.constant 768 : i32
    %mul3A_109 = arith.muli %add3A, %mul3A_108 : i32
    %add3A_110 = arith.constant 512 : i32
    %add3A_111 = arith.addi %mul3A_109, %add3A_110 : i32
    %dma_start3A_112 = arith.constant 0 : i32
    %dma_start3A_113 = tpu.memref_slice %arg4[%add3A_111, %dma_start3A_112] : memref<24576x128xf32, #tpu.memory_space<hbm>> -> memref<128x128xf32, #tpu.memory_space<hbm>>
    %dma_start3A_114 = arith.constant 0 : i32
    %dma_start3A_115 = tpu.memref_slice %arg4[%add3A_111, %dma_start3A_114] : memref<24576x128xf32, #tpu.memory_space<hbm>> -> memref<128x128xf32, #tpu.memory_space<hbm>>
    tpu.enqueue_dma source(%arg10 : memref<128x128xf32, #tpu.memory_space<vmem>>) target(%dma_start3A_115 : memref<128x128xf32, #tpu.memory_space<hbm>>) target_semaphore(%arg22 : memref<!tpu.dma_semaphore, #tpu.memory_space<semaphore_mem>>)
    %dma_wait3A_116 = arith.constant 5 : i32
    %dma_wait3A_117 = arith.constant 0 : i32
    %dma_wait3A_118 = tpu.memref_slice %arg5[%dma_wait3A_116, %dma_wait3A_117] : memref<6x128xi32, #tpu.memory_space<vmem>> -> memref<1x128xi32, #tpu.memory_space<vmem>>
    %dma_wait3A_119 = tpu.memref_squeeze %dma_wait3A_118 : memref<1x128xi32, #tpu.memory_space<vmem>> -> memref<128xi32, #tpu.memory_space<vmem>>
    %dma_wait3A_120 = arith.constant 0 : i32
    %dma_wait3A_121 = arith.constant 0 : i32
    %dma_wait3A_122 = tpu.memref_slice %arg2[%dma_wait3A_120, %dma_wait3A_121] : memref<13440x128xf32, #tpu.memory_space<hbm>> -> memref<13440x128xf32, #tpu.memory_space<hbm>>
    tpu.wait_indirect_dma semaphore(%arg17 : memref<!tpu.dma_semaphore, #tpu.memory_space<semaphore_mem>>) src(%dma_wait3A_122 : memref<13440x128xf32, #tpu.memory_space<hbm>>) dst(%arg11 : memref<128x128xf32, #tpu.memory_space<vmem>>)
    %mul3A_123 = arith.constant 768 : i32
    %mul3A_124 = arith.muli %add3A, %mul3A_123 : i32
    %add3A_125 = arith.constant 640 : i32
    %add3A_126 = arith.addi %mul3A_124, %add3A_125 : i32
    %dma_start3A_127 = arith.constant 0 : i32
    %dma_start3A_128 = tpu.memref_slice %arg4[%add3A_126, %dma_start3A_127] : memref<24576x128xf32, #tpu.memory_space<hbm>> -> memref<128x128xf32, #tpu.memory_space<hbm>>
    %dma_start3A_129 = arith.constant 0 : i32
    %dma_start3A_130 = tpu.memref_slice %arg4[%add3A_126, %dma_start3A_129] : memref<24576x128xf32, #tpu.memory_space<hbm>> -> memref<128x128xf32, #tpu.memory_space<hbm>>
    tpu.enqueue_dma source(%arg11 : memref<128x128xf32, #tpu.memory_space<vmem>>) target(%dma_start3A_130 : memref<128x128xf32, #tpu.memory_space<hbm>>) target_semaphore(%arg23 : memref<!tpu.dma_semaphore, #tpu.memory_space<semaphore_mem>>)
    %mul3A_131 = arith.constant 768 : i32
    %mul3A_132 = arith.muli %add3A, %mul3A_131 : i32
    %add3A_133 = arith.constant 0 : i32
    %add3A_134 = arith.addi %mul3A_132, %add3A_133 : i32
    %dma_wait3A_135 = arith.constant 0 : i32
    %dma_wait3A_136 = tpu.memref_slice %arg4[%add3A_134, %dma_wait3A_135] : memref<24576x128xf32, #tpu.memory_space<hbm>> -> memref<128x128xf32, #tpu.memory_space<hbm>>
    %dma_wait3A_137 = arith.constant 0 : i32
    %dma_wait3A_138 = tpu.memref_slice %arg4[%add3A_134, %dma_wait3A_137] : memref<24576x128xf32, #tpu.memory_space<hbm>> -> memref<128x128xf32, #tpu.memory_space<hbm>>
    tpu.wait_dma2 semaphore(%arg18 : memref<!tpu.dma_semaphore, #tpu.memory_space<semaphore_mem>>) src(%arg6 : memref<128x128xf32, #tpu.memory_space<vmem>>) dst(%dma_wait3A_138 : memref<128x128xf32, #tpu.memory_space<hbm>>)
    %mul3A_139 = arith.constant 768 : i32
    %mul3A_140 = arith.muli %add3A, %mul3A_139 : i32
    %add3A_141 = arith.constant 128 : i32
    %add3A_142 = arith.addi %mul3A_140, %add3A_141 : i32
    %dma_wait3A_143 = arith.constant 0 : i32
    %dma_wait3A_144 = tpu.memref_slice %arg4[%add3A_142, %dma_wait3A_143] : memref<24576x128xf32, #tpu.memory_space<hbm>> -> memref<128x128xf32, #tpu.memory_space<hbm>>
    %dma_wait3A_145 = arith.constant 0 : i32
    %dma_wait3A_146 = tpu.memref_slice %arg4[%add3A_142, %dma_wait3A_145] : memref<24576x128xf32, #tpu.memory_space<hbm>> -> memref<128x128xf32, #tpu.memory_space<hbm>>
    tpu.wait_dma2 semaphore(%arg19 : memref<!tpu.dma_semaphore, #tpu.memory_space<semaphore_mem>>) src(%arg7 : memref<128x128xf32, #tpu.memory_space<vmem>>) dst(%dma_wait3A_146 : memref<128x128xf32, #tpu.memory_space<hbm>>)
    %mul3A_147 = arith.constant 768 : i32
    %mul3A_148 = arith.muli %add3A, %mul3A_147 : i32
    %add3A_149 = arith.constant 256 : i32
    %add3A_150 = arith.addi %mul3A_148, %add3A_149 : i32
    %dma_wait3A_151 = arith.constant 0 : i32
    %dma_wait3A_152 = tpu.memref_slice %arg4[%add3A_150, %dma_wait3A_151] : memref<24576x128xf32, #tpu.memory_space<hbm>> -> memref<128x128xf32, #tpu.memory_space<hbm>>
    %dma_wait3A_153 = arith.constant 0 : i32
    %dma_wait3A_154 = tpu.memref_slice %arg4[%add3A_150, %dma_wait3A_153] : memref<24576x128xf32, #tpu.memory_space<hbm>> -> memref<128x128xf32, #tpu.memory_space<hbm>>
    tpu.wait_dma2 semaphore(%arg20 : memref<!tpu.dma_semaphore, #tpu.memory_space<semaphore_mem>>) src(%arg8 : memref<128x128xf32, #tpu.memory_space<vmem>>) dst(%dma_wait3A_154 : memref<128x128xf32, #tpu.memory_space<hbm>>)
    %mul3A_155 = arith.constant 768 : i32
    %mul3A_156 = arith.muli %add3A, %mul3A_155 : i32
    %add3A_157 = arith.constant 384 : i32
    %add3A_158 = arith.addi %mul3A_156, %add3A_157 : i32
    %dma_wait3A_159 = arith.constant 0 : i32
    %dma_wait3A_160 = tpu.memref_slice %arg4[%add3A_158, %dma_wait3A_159] : memref<24576x128xf32, #tpu.memory_space<hbm>> -> memref<128x128xf32, #tpu.memory_space<hbm>>
    %dma_wait3A_161 = arith.constant 0 : i32
    %dma_wait3A_162 = tpu.memref_slice %arg4[%add3A_158, %dma_wait3A_161] : memref<24576x128xf32, #tpu.memory_space<hbm>> -> memref<128x128xf32, #tpu.memory_space<hbm>>
    tpu.wait_dma2 semaphore(%arg21 : memref<!tpu.dma_semaphore, #tpu.memory_space<semaphore_mem>>) src(%arg9 : memref<128x128xf32, #tpu.memory_space<vmem>>) dst(%dma_wait3A_162 : memref<128x128xf32, #tpu.memory_space<hbm>>)
    %mul3A_163 = arith.constant 768 : i32
    %mul3A_164 = arith.muli %add3A, %mul3A_163 : i32
    %add3A_165 = arith.constant 512 : i32
    %add3A_166 = arith.addi %mul3A_164, %add3A_165 : i32
    %dma_wait3A_167 = arith.constant 0 : i32
    %dma_wait3A_168 = tpu.memref_slice %arg4[%add3A_166, %dma_wait3A_167] : memref<24576x128xf32, #tpu.memory_space<hbm>> -> memref<128x128xf32, #tpu.memory_space<hbm>>
    %dma_wait3A_169 = arith.constant 0 : i32
    %dma_wait3A_170 = tpu.memref_slice %arg4[%add3A_166, %dma_wait3A_169] : memref<24576x128xf32, #tpu.memory_space<hbm>> -> memref<128x128xf32, #tpu.memory_space<hbm>>
    tpu.wait_dma2 semaphore(%arg22 : memref<!tpu.dma_semaphore, #tpu.memory_space<semaphore_mem>>) src(%arg10 : memref<128x128xf32, #tpu.memory_space<vmem>>) dst(%dma_wait3A_170 : memref<128x128xf32, #tpu.memory_space<hbm>>)
    %mul3A_171 = arith.constant 768 : i32
    %mul3A_172 = arith.muli %add3A, %mul3A_171 : i32
    %add3A_173 = arith.constant 640 : i32
    %add3A_174 = arith.addi %mul3A_172, %add3A_173 : i32
    %dma_wait3A_175 = arith.constant 0 : i32
    %dma_wait3A_176 = tpu.memref_slice %arg4[%add3A_174, %dma_wait3A_175] : memref<24576x128xf32, #tpu.memory_space<hbm>> -> memref<128x128xf32, #tpu.memory_space<hbm>>
    %dma_wait3A_177 = arith.constant 0 : i32
    %dma_wait3A_178 = tpu.memref_slice %arg4[%add3A_174, %dma_wait3A_177] : memref<24576x128xf32, #tpu.memory_space<hbm>> -> memref<128x128xf32, #tpu.memory_space<hbm>>
    tpu.wait_dma2 semaphore(%arg23 : memref<!tpu.dma_semaphore, #tpu.memory_space<semaphore_mem>>) src(%arg11 : memref<128x128xf32, #tpu.memory_space<vmem>>) dst(%dma_wait3A_178 : memref<128x128xf32, #tpu.memory_space<hbm>>)
    return
  }
}

#map = affine_map<(d0, d1) -> (0, 0)>
#map1 = affine_map<(d0, d1) -> (0, 0, 0)>
module attributes {stable_mosaic.version = 14 : i64} {
  func.func @_gather_body(%arg0: i32, %arg1: i32, %arg2: memref<13440x128xf32, #tpu.memory_space<hbm>>, %arg3: memref<32x8x128xi32, #tpu.memory_space<hbm>>, %arg4: memref<32768x128xf32, #tpu.memory_space<hbm>>, %arg5: memref<8x128xi32, #tpu.memory_space<vmem>>, %arg6: memref<128x128xf32, #tpu.memory_space<vmem>>, %arg7: memref<128x128xf32, #tpu.memory_space<vmem>>, %arg8: memref<128x128xf32, #tpu.memory_space<vmem>>, %arg9: memref<128x128xf32, #tpu.memory_space<vmem>>, %arg10: memref<128x128xf32, #tpu.memory_space<vmem>>, %arg11: memref<128x128xf32, #tpu.memory_space<vmem>>, %arg12: memref<!tpu.dma_semaphore, #tpu.memory_space<semaphore_mem>>, %arg13: memref<!tpu.dma_semaphore, #tpu.memory_space<semaphore_mem>>, %arg14: memref<!tpu.dma_semaphore, #tpu.memory_space<semaphore_mem>>, %arg15: memref<!tpu.dma_semaphore, #tpu.memory_space<semaphore_mem>>, %arg16: memref<!tpu.dma_semaphore, #tpu.memory_space<semaphore_mem>>, %arg17: memref<!tpu.dma_semaphore, #tpu.memory_space<semaphore_mem>>, %arg18: memref<!tpu.dma_semaphore, #tpu.memory_space<semaphore_mem>>, %arg19: memref<!tpu.dma_semaphore, #tpu.memory_space<semaphore_mem>>, %arg20: memref<!tpu.dma_semaphore, #tpu.memory_space<semaphore_mem>>, %arg21: memref<!tpu.dma_semaphore, #tpu.memory_space<semaphore_mem>>, %arg22: memref<!tpu.dma_semaphore, #tpu.memory_space<semaphore_mem>>, %arg23: memref<!tpu.dma_semaphore, #tpu.memory_space<semaphore_mem>>) attributes {dimension_semantics = [#tpu.dimension_semantics<core_parallel>, #tpu.dimension_semantics<subcore_parallel>], iteration_bounds = array<i64: 2, 16>, scalar_prefetch = 0 : i64, scratch_operands = 19 : i64, tpu.core_type = #tpu.core_type<sc_vector_subcore>, window_params = [{transform_indices = #map}, {transform_indices = #map1}, {transform_indices = #map}]} {
    %mul3A = arith.constant 2 : i32
    %mul3A_0 = arith.muli %arg1, %mul3A : i32
    %add3A = arith.addi %mul3A_0, %arg0 : i32
    "tpu.region"() ({
      %run_scoped3A = tpu.sem_alloc : memref<!tpu.dma_semaphore, #tpu.memory_space<semaphore_mem>>
      %dma_start3A_239 = arith.constant 0 : i32
      %dma_start3A_240 = arith.constant 0 : i32
      %dma_start3A_241 = tpu.memref_slice %arg3[%add3A, %dma_start3A_239, %dma_start3A_240] : memref<32x8x128xi32, #tpu.memory_space<hbm>> -> memref<1x8x128xi32, #tpu.memory_space<hbm>>
      %dma_start3A_242 = tpu.memref_squeeze %dma_start3A_241 : memref<1x8x128xi32, #tpu.memory_space<hbm>> -> memref<8x128xi32, #tpu.memory_space<hbm>>
      %dma_start3A_243 = arith.constant 0 : i32
      %dma_start3A_244 = arith.constant 0 : i32
      %dma_start3A_245 = tpu.memref_slice %arg3[%add3A, %dma_start3A_243, %dma_start3A_244] : memref<32x8x128xi32, #tpu.memory_space<hbm>> -> memref<1x8x128xi32, #tpu.memory_space<hbm>>
      %dma_start3A_246 = tpu.memref_squeeze %dma_start3A_245 : memref<1x8x128xi32, #tpu.memory_space<hbm>> -> memref<8x128xi32, #tpu.memory_space<hbm>>
      tpu.enqueue_dma source(%dma_start3A_246 : memref<8x128xi32, #tpu.memory_space<hbm>>) target(%arg5 : memref<8x128xi32, #tpu.memory_space<vmem>>) target_semaphore(%run_scoped3A : memref<!tpu.dma_semaphore, #tpu.memory_space<semaphore_mem>>)
      %dma_wait3A_247 = arith.constant 0 : i32
      %dma_wait3A_248 = arith.constant 0 : i32
      %dma_wait3A_249 = tpu.memref_slice %arg3[%add3A, %dma_wait3A_247, %dma_wait3A_248] : memref<32x8x128xi32, #tpu.memory_space<hbm>> -> memref<1x8x128xi32, #tpu.memory_space<hbm>>
      %dma_wait3A_250 = tpu.memref_squeeze %dma_wait3A_249 : memref<1x8x128xi32, #tpu.memory_space<hbm>> -> memref<8x128xi32, #tpu.memory_space<hbm>>
      %dma_wait3A_251 = arith.constant 0 : i32
      %dma_wait3A_252 = arith.constant 0 : i32
      %dma_wait3A_253 = tpu.memref_slice %arg3[%add3A, %dma_wait3A_251, %dma_wait3A_252] : memref<32x8x128xi32, #tpu.memory_space<hbm>> -> memref<1x8x128xi32, #tpu.memory_space<hbm>>
      %dma_wait3A_254 = tpu.memref_squeeze %dma_wait3A_253 : memref<1x8x128xi32, #tpu.memory_space<hbm>> -> memref<8x128xi32, #tpu.memory_space<hbm>>
      tpu.wait_dma2 semaphore(%run_scoped3A : memref<!tpu.dma_semaphore, #tpu.memory_space<semaphore_mem>>) src(%dma_wait3A_254 : memref<8x128xi32, #tpu.memory_space<hbm>>) dst(%arg5 : memref<8x128xi32, #tpu.memory_space<vmem>>)
      tpu.yield
    }) : () -> ()
    %dma_start3A = arith.constant 0 : i32
    %dma_start3A_1 = arith.constant 0 : i32
    %dma_start3A_2 = tpu.memref_slice %arg5[%dma_start3A, %dma_start3A_1] : memref<8x128xi32, #tpu.memory_space<vmem>> -> memref<1x128xi32, #tpu.memory_space<vmem>>
    %dma_start3A_3 = tpu.memref_squeeze %dma_start3A_2 : memref<1x128xi32, #tpu.memory_space<vmem>> -> memref<128xi32, #tpu.memory_space<vmem>>
    %dma_start3A_4 = arith.constant 0 : i32
    %dma_start3A_5 = arith.constant 0 : i32
    %dma_start3A_6 = tpu.memref_slice %arg2[%dma_start3A_4, %dma_start3A_5] : memref<13440x128xf32, #tpu.memory_space<hbm>> -> memref<13440x128xf32, #tpu.memory_space<hbm>>
    tpu.enqueue_indirect_dma source(%dma_start3A_6 : memref<13440x128xf32, #tpu.memory_space<hbm>>) target(%arg6 : memref<128x128xf32, #tpu.memory_space<vmem>>) offsets(%dma_start3A_3 : memref<128xi32, #tpu.memory_space<vmem>>) semaphore(%arg12 : memref<!tpu.dma_semaphore, #tpu.memory_space<semaphore_mem>>)
    %dma_start3A_7 = arith.constant 1 : i32
    %dma_start3A_8 = arith.constant 0 : i32
    %dma_start3A_9 = tpu.memref_slice %arg5[%dma_start3A_7, %dma_start3A_8] : memref<8x128xi32, #tpu.memory_space<vmem>> -> memref<1x128xi32, #tpu.memory_space<vmem>>
    %dma_start3A_10 = tpu.memref_squeeze %dma_start3A_9 : memref<1x128xi32, #tpu.memory_space<vmem>> -> memref<128xi32, #tpu.memory_space<vmem>>
    %dma_start3A_11 = arith.constant 0 : i32
    %dma_start3A_12 = arith.constant 0 : i32
    %dma_start3A_13 = tpu.memref_slice %arg2[%dma_start3A_11, %dma_start3A_12] : memref<13440x128xf32, #tpu.memory_space<hbm>> -> memref<13440x128xf32, #tpu.memory_space<hbm>>
    tpu.enqueue_indirect_dma source(%dma_start3A_13 : memref<13440x128xf32, #tpu.memory_space<hbm>>) target(%arg7 : memref<128x128xf32, #tpu.memory_space<vmem>>) offsets(%dma_start3A_10 : memref<128xi32, #tpu.memory_space<vmem>>) semaphore(%arg13 : memref<!tpu.dma_semaphore, #tpu.memory_space<semaphore_mem>>)
    %dma_start3A_14 = arith.constant 2 : i32
    %dma_start3A_15 = arith.constant 0 : i32
    %dma_start3A_16 = tpu.memref_slice %arg5[%dma_start3A_14, %dma_start3A_15] : memref<8x128xi32, #tpu.memory_space<vmem>> -> memref<1x128xi32, #tpu.memory_space<vmem>>
    %dma_start3A_17 = tpu.memref_squeeze %dma_start3A_16 : memref<1x128xi32, #tpu.memory_space<vmem>> -> memref<128xi32, #tpu.memory_space<vmem>>
    %dma_start3A_18 = arith.constant 0 : i32
    %dma_start3A_19 = arith.constant 0 : i32
    %dma_start3A_20 = tpu.memref_slice %arg2[%dma_start3A_18, %dma_start3A_19] : memref<13440x128xf32, #tpu.memory_space<hbm>> -> memref<13440x128xf32, #tpu.memory_space<hbm>>
    tpu.enqueue_indirect_dma source(%dma_start3A_20 : memref<13440x128xf32, #tpu.memory_space<hbm>>) target(%arg8 : memref<128x128xf32, #tpu.memory_space<vmem>>) offsets(%dma_start3A_17 : memref<128xi32, #tpu.memory_space<vmem>>) semaphore(%arg14 : memref<!tpu.dma_semaphore, #tpu.memory_space<semaphore_mem>>)
    %dma_start3A_21 = arith.constant 3 : i32
    %dma_start3A_22 = arith.constant 0 : i32
    %dma_start3A_23 = tpu.memref_slice %arg5[%dma_start3A_21, %dma_start3A_22] : memref<8x128xi32, #tpu.memory_space<vmem>> -> memref<1x128xi32, #tpu.memory_space<vmem>>
    %dma_start3A_24 = tpu.memref_squeeze %dma_start3A_23 : memref<1x128xi32, #tpu.memory_space<vmem>> -> memref<128xi32, #tpu.memory_space<vmem>>
    %dma_start3A_25 = arith.constant 0 : i32
    %dma_start3A_26 = arith.constant 0 : i32
    %dma_start3A_27 = tpu.memref_slice %arg2[%dma_start3A_25, %dma_start3A_26] : memref<13440x128xf32, #tpu.memory_space<hbm>> -> memref<13440x128xf32, #tpu.memory_space<hbm>>
    tpu.enqueue_indirect_dma source(%dma_start3A_27 : memref<13440x128xf32, #tpu.memory_space<hbm>>) target(%arg9 : memref<128x128xf32, #tpu.memory_space<vmem>>) offsets(%dma_start3A_24 : memref<128xi32, #tpu.memory_space<vmem>>) semaphore(%arg15 : memref<!tpu.dma_semaphore, #tpu.memory_space<semaphore_mem>>)
    %dma_wait3A = arith.constant 0 : i32
    %dma_wait3A_28 = arith.constant 0 : i32
    %dma_wait3A_29 = tpu.memref_slice %arg5[%dma_wait3A, %dma_wait3A_28] : memref<8x128xi32, #tpu.memory_space<vmem>> -> memref<1x128xi32, #tpu.memory_space<vmem>>
    %dma_wait3A_30 = tpu.memref_squeeze %dma_wait3A_29 : memref<1x128xi32, #tpu.memory_space<vmem>> -> memref<128xi32, #tpu.memory_space<vmem>>
    %dma_wait3A_31 = arith.constant 0 : i32
    %dma_wait3A_32 = arith.constant 0 : i32
    %dma_wait3A_33 = tpu.memref_slice %arg2[%dma_wait3A_31, %dma_wait3A_32] : memref<13440x128xf32, #tpu.memory_space<hbm>> -> memref<13440x128xf32, #tpu.memory_space<hbm>>
    tpu.wait_indirect_dma semaphore(%arg12 : memref<!tpu.dma_semaphore, #tpu.memory_space<semaphore_mem>>) src(%dma_wait3A_33 : memref<13440x128xf32, #tpu.memory_space<hbm>>) dst(%arg6 : memref<128x128xf32, #tpu.memory_space<vmem>>)
    %mul3A_34 = arith.constant 1024 : i32
    %mul3A_35 = arith.muli %add3A, %mul3A_34 : i32
    %add3A_36 = arith.constant 0 : i32
    %add3A_37 = arith.addi %mul3A_35, %add3A_36 : i32
    %dma_start3A_38 = arith.constant 0 : i32
    %dma_start3A_39 = tpu.memref_slice %arg4[%add3A_37, %dma_start3A_38] : memref<32768x128xf32, #tpu.memory_space<hbm>> -> memref<128x128xf32, #tpu.memory_space<hbm>>
    %dma_start3A_40 = arith.constant 0 : i32
    %dma_start3A_41 = tpu.memref_slice %arg4[%add3A_37, %dma_start3A_40] : memref<32768x128xf32, #tpu.memory_space<hbm>> -> memref<128x128xf32, #tpu.memory_space<hbm>>
    tpu.enqueue_dma source(%arg6 : memref<128x128xf32, #tpu.memory_space<vmem>>) target(%dma_start3A_41 : memref<128x128xf32, #tpu.memory_space<hbm>>) target_semaphore(%arg18 : memref<!tpu.dma_semaphore, #tpu.memory_space<semaphore_mem>>)
    %dma_start3A_42 = arith.constant 4 : i32
    %dma_start3A_43 = arith.constant 0 : i32
    %dma_start3A_44 = tpu.memref_slice %arg5[%dma_start3A_42, %dma_start3A_43] : memref<8x128xi32, #tpu.memory_space<vmem>> -> memref<1x128xi32, #tpu.memory_space<vmem>>
    %dma_start3A_45 = tpu.memref_squeeze %dma_start3A_44 : memref<1x128xi32, #tpu.memory_space<vmem>> -> memref<128xi32, #tpu.memory_space<vmem>>
    %dma_start3A_46 = arith.constant 0 : i32
    %dma_start3A_47 = arith.constant 0 : i32
    %dma_start3A_48 = tpu.memref_slice %arg2[%dma_start3A_46, %dma_start3A_47] : memref<13440x128xf32, #tpu.memory_space<hbm>> -> memref<13440x128xf32, #tpu.memory_space<hbm>>
    tpu.enqueue_indirect_dma source(%dma_start3A_48 : memref<13440x128xf32, #tpu.memory_space<hbm>>) target(%arg10 : memref<128x128xf32, #tpu.memory_space<vmem>>) offsets(%dma_start3A_45 : memref<128xi32, #tpu.memory_space<vmem>>) semaphore(%arg16 : memref<!tpu.dma_semaphore, #tpu.memory_space<semaphore_mem>>)
    %dma_wait3A_49 = arith.constant 1 : i32
    %dma_wait3A_50 = arith.constant 0 : i32
    %dma_wait3A_51 = tpu.memref_slice %arg5[%dma_wait3A_49, %dma_wait3A_50] : memref<8x128xi32, #tpu.memory_space<vmem>> -> memref<1x128xi32, #tpu.memory_space<vmem>>
    %dma_wait3A_52 = tpu.memref_squeeze %dma_wait3A_51 : memref<1x128xi32, #tpu.memory_space<vmem>> -> memref<128xi32, #tpu.memory_space<vmem>>
    %dma_wait3A_53 = arith.constant 0 : i32
    %dma_wait3A_54 = arith.constant 0 : i32
    %dma_wait3A_55 = tpu.memref_slice %arg2[%dma_wait3A_53, %dma_wait3A_54] : memref<13440x128xf32, #tpu.memory_space<hbm>> -> memref<13440x128xf32, #tpu.memory_space<hbm>>
    tpu.wait_indirect_dma semaphore(%arg13 : memref<!tpu.dma_semaphore, #tpu.memory_space<semaphore_mem>>) src(%dma_wait3A_55 : memref<13440x128xf32, #tpu.memory_space<hbm>>) dst(%arg7 : memref<128x128xf32, #tpu.memory_space<vmem>>)
    %mul3A_56 = arith.constant 1024 : i32
    %mul3A_57 = arith.muli %add3A, %mul3A_56 : i32
    %add3A_58 = arith.constant 128 : i32
    %add3A_59 = arith.addi %mul3A_57, %add3A_58 : i32
    %dma_start3A_60 = arith.constant 0 : i32
    %dma_start3A_61 = tpu.memref_slice %arg4[%add3A_59, %dma_start3A_60] : memref<32768x128xf32, #tpu.memory_space<hbm>> -> memref<128x128xf32, #tpu.memory_space<hbm>>
    %dma_start3A_62 = arith.constant 0 : i32
    %dma_start3A_63 = tpu.memref_slice %arg4[%add3A_59, %dma_start3A_62] : memref<32768x128xf32, #tpu.memory_space<hbm>> -> memref<128x128xf32, #tpu.memory_space<hbm>>
    tpu.enqueue_dma source(%arg7 : memref<128x128xf32, #tpu.memory_space<vmem>>) target(%dma_start3A_63 : memref<128x128xf32, #tpu.memory_space<hbm>>) target_semaphore(%arg19 : memref<!tpu.dma_semaphore, #tpu.memory_space<semaphore_mem>>)
    %dma_start3A_64 = arith.constant 5 : i32
    %dma_start3A_65 = arith.constant 0 : i32
    %dma_start3A_66 = tpu.memref_slice %arg5[%dma_start3A_64, %dma_start3A_65] : memref<8x128xi32, #tpu.memory_space<vmem>> -> memref<1x128xi32, #tpu.memory_space<vmem>>
    %dma_start3A_67 = tpu.memref_squeeze %dma_start3A_66 : memref<1x128xi32, #tpu.memory_space<vmem>> -> memref<128xi32, #tpu.memory_space<vmem>>
    %dma_start3A_68 = arith.constant 0 : i32
    %dma_start3A_69 = arith.constant 0 : i32
    %dma_start3A_70 = tpu.memref_slice %arg2[%dma_start3A_68, %dma_start3A_69] : memref<13440x128xf32, #tpu.memory_space<hbm>> -> memref<13440x128xf32, #tpu.memory_space<hbm>>
    tpu.enqueue_indirect_dma source(%dma_start3A_70 : memref<13440x128xf32, #tpu.memory_space<hbm>>) target(%arg11 : memref<128x128xf32, #tpu.memory_space<vmem>>) offsets(%dma_start3A_67 : memref<128xi32, #tpu.memory_space<vmem>>) semaphore(%arg17 : memref<!tpu.dma_semaphore, #tpu.memory_space<semaphore_mem>>)
    %dma_wait3A_71 = arith.constant 2 : i32
    %dma_wait3A_72 = arith.constant 0 : i32
    %dma_wait3A_73 = tpu.memref_slice %arg5[%dma_wait3A_71, %dma_wait3A_72] : memref<8x128xi32, #tpu.memory_space<vmem>> -> memref<1x128xi32, #tpu.memory_space<vmem>>
    %dma_wait3A_74 = tpu.memref_squeeze %dma_wait3A_73 : memref<1x128xi32, #tpu.memory_space<vmem>> -> memref<128xi32, #tpu.memory_space<vmem>>
    %dma_wait3A_75 = arith.constant 0 : i32
    %dma_wait3A_76 = arith.constant 0 : i32
    %dma_wait3A_77 = tpu.memref_slice %arg2[%dma_wait3A_75, %dma_wait3A_76] : memref<13440x128xf32, #tpu.memory_space<hbm>> -> memref<13440x128xf32, #tpu.memory_space<hbm>>
    tpu.wait_indirect_dma semaphore(%arg14 : memref<!tpu.dma_semaphore, #tpu.memory_space<semaphore_mem>>) src(%dma_wait3A_77 : memref<13440x128xf32, #tpu.memory_space<hbm>>) dst(%arg8 : memref<128x128xf32, #tpu.memory_space<vmem>>)
    %mul3A_78 = arith.constant 1024 : i32
    %mul3A_79 = arith.muli %add3A, %mul3A_78 : i32
    %add3A_80 = arith.constant 256 : i32
    %add3A_81 = arith.addi %mul3A_79, %add3A_80 : i32
    %dma_start3A_82 = arith.constant 0 : i32
    %dma_start3A_83 = tpu.memref_slice %arg4[%add3A_81, %dma_start3A_82] : memref<32768x128xf32, #tpu.memory_space<hbm>> -> memref<128x128xf32, #tpu.memory_space<hbm>>
    %dma_start3A_84 = arith.constant 0 : i32
    %dma_start3A_85 = tpu.memref_slice %arg4[%add3A_81, %dma_start3A_84] : memref<32768x128xf32, #tpu.memory_space<hbm>> -> memref<128x128xf32, #tpu.memory_space<hbm>>
    tpu.enqueue_dma source(%arg8 : memref<128x128xf32, #tpu.memory_space<vmem>>) target(%dma_start3A_85 : memref<128x128xf32, #tpu.memory_space<hbm>>) target_semaphore(%arg20 : memref<!tpu.dma_semaphore, #tpu.memory_space<semaphore_mem>>)
    %mul3A_86 = arith.constant 1024 : i32
    %mul3A_87 = arith.muli %add3A, %mul3A_86 : i32
    %add3A_88 = arith.constant 0 : i32
    %add3A_89 = arith.addi %mul3A_87, %add3A_88 : i32
    %dma_wait3A_90 = arith.constant 0 : i32
    %dma_wait3A_91 = tpu.memref_slice %arg4[%add3A_89, %dma_wait3A_90] : memref<32768x128xf32, #tpu.memory_space<hbm>> -> memref<128x128xf32, #tpu.memory_space<hbm>>
    %dma_wait3A_92 = arith.constant 0 : i32
    %dma_wait3A_93 = tpu.memref_slice %arg4[%add3A_89, %dma_wait3A_92] : memref<32768x128xf32, #tpu.memory_space<hbm>> -> memref<128x128xf32, #tpu.memory_space<hbm>>
    tpu.wait_dma2 semaphore(%arg18 : memref<!tpu.dma_semaphore, #tpu.memory_space<semaphore_mem>>) src(%arg6 : memref<128x128xf32, #tpu.memory_space<vmem>>) dst(%dma_wait3A_93 : memref<128x128xf32, #tpu.memory_space<hbm>>)
    %dma_start3A_94 = arith.constant 6 : i32
    %dma_start3A_95 = arith.constant 0 : i32
    %dma_start3A_96 = tpu.memref_slice %arg5[%dma_start3A_94, %dma_start3A_95] : memref<8x128xi32, #tpu.memory_space<vmem>> -> memref<1x128xi32, #tpu.memory_space<vmem>>
    %dma_start3A_97 = tpu.memref_squeeze %dma_start3A_96 : memref<1x128xi32, #tpu.memory_space<vmem>> -> memref<128xi32, #tpu.memory_space<vmem>>
    %dma_start3A_98 = arith.constant 0 : i32
    %dma_start3A_99 = arith.constant 0 : i32
    %dma_start3A_100 = tpu.memref_slice %arg2[%dma_start3A_98, %dma_start3A_99] : memref<13440x128xf32, #tpu.memory_space<hbm>> -> memref<13440x128xf32, #tpu.memory_space<hbm>>
    tpu.enqueue_indirect_dma source(%dma_start3A_100 : memref<13440x128xf32, #tpu.memory_space<hbm>>) target(%arg6 : memref<128x128xf32, #tpu.memory_space<vmem>>) offsets(%dma_start3A_97 : memref<128xi32, #tpu.memory_space<vmem>>) semaphore(%arg12 : memref<!tpu.dma_semaphore, #tpu.memory_space<semaphore_mem>>)
    %dma_wait3A_101 = arith.constant 3 : i32
    %dma_wait3A_102 = arith.constant 0 : i32
    %dma_wait3A_103 = tpu.memref_slice %arg5[%dma_wait3A_101, %dma_wait3A_102] : memref<8x128xi32, #tpu.memory_space<vmem>> -> memref<1x128xi32, #tpu.memory_space<vmem>>
    %dma_wait3A_104 = tpu.memref_squeeze %dma_wait3A_103 : memref<1x128xi32, #tpu.memory_space<vmem>> -> memref<128xi32, #tpu.memory_space<vmem>>
    %dma_wait3A_105 = arith.constant 0 : i32
    %dma_wait3A_106 = arith.constant 0 : i32
    %dma_wait3A_107 = tpu.memref_slice %arg2[%dma_wait3A_105, %dma_wait3A_106] : memref<13440x128xf32, #tpu.memory_space<hbm>> -> memref<13440x128xf32, #tpu.memory_space<hbm>>
    tpu.wait_indirect_dma semaphore(%arg15 : memref<!tpu.dma_semaphore, #tpu.memory_space<semaphore_mem>>) src(%dma_wait3A_107 : memref<13440x128xf32, #tpu.memory_space<hbm>>) dst(%arg9 : memref<128x128xf32, #tpu.memory_space<vmem>>)
    %mul3A_108 = arith.constant 1024 : i32
    %mul3A_109 = arith.muli %add3A, %mul3A_108 : i32
    %add3A_110 = arith.constant 384 : i32
    %add3A_111 = arith.addi %mul3A_109, %add3A_110 : i32
    %dma_start3A_112 = arith.constant 0 : i32
    %dma_start3A_113 = tpu.memref_slice %arg4[%add3A_111, %dma_start3A_112] : memref<32768x128xf32, #tpu.memory_space<hbm>> -> memref<128x128xf32, #tpu.memory_space<hbm>>
    %dma_start3A_114 = arith.constant 0 : i32
    %dma_start3A_115 = tpu.memref_slice %arg4[%add3A_111, %dma_start3A_114] : memref<32768x128xf32, #tpu.memory_space<hbm>> -> memref<128x128xf32, #tpu.memory_space<hbm>>
    tpu.enqueue_dma source(%arg9 : memref<128x128xf32, #tpu.memory_space<vmem>>) target(%dma_start3A_115 : memref<128x128xf32, #tpu.memory_space<hbm>>) target_semaphore(%arg21 : memref<!tpu.dma_semaphore, #tpu.memory_space<semaphore_mem>>)
    %mul3A_116 = arith.constant 1024 : i32
    %mul3A_117 = arith.muli %add3A, %mul3A_116 : i32
    %add3A_118 = arith.constant 128 : i32
    %add3A_119 = arith.addi %mul3A_117, %add3A_118 : i32
    %dma_wait3A_120 = arith.constant 0 : i32
    %dma_wait3A_121 = tpu.memref_slice %arg4[%add3A_119, %dma_wait3A_120] : memref<32768x128xf32, #tpu.memory_space<hbm>> -> memref<128x128xf32, #tpu.memory_space<hbm>>
    %dma_wait3A_122 = arith.constant 0 : i32
    %dma_wait3A_123 = tpu.memref_slice %arg4[%add3A_119, %dma_wait3A_122] : memref<32768x128xf32, #tpu.memory_space<hbm>> -> memref<128x128xf32, #tpu.memory_space<hbm>>
    tpu.wait_dma2 semaphore(%arg19 : memref<!tpu.dma_semaphore, #tpu.memory_space<semaphore_mem>>) src(%arg7 : memref<128x128xf32, #tpu.memory_space<vmem>>) dst(%dma_wait3A_123 : memref<128x128xf32, #tpu.memory_space<hbm>>)
    %dma_start3A_124 = arith.constant 7 : i32
    %dma_start3A_125 = arith.constant 0 : i32
    %dma_start3A_126 = tpu.memref_slice %arg5[%dma_start3A_124, %dma_start3A_125] : memref<8x128xi32, #tpu.memory_space<vmem>> -> memref<1x128xi32, #tpu.memory_space<vmem>>
    %dma_start3A_127 = tpu.memref_squeeze %dma_start3A_126 : memref<1x128xi32, #tpu.memory_space<vmem>> -> memref<128xi32, #tpu.memory_space<vmem>>
    %dma_start3A_128 = arith.constant 0 : i32
    %dma_start3A_129 = arith.constant 0 : i32
    %dma_start3A_130 = tpu.memref_slice %arg2[%dma_start3A_128, %dma_start3A_129] : memref<13440x128xf32, #tpu.memory_space<hbm>> -> memref<13440x128xf32, #tpu.memory_space<hbm>>
    tpu.enqueue_indirect_dma source(%dma_start3A_130 : memref<13440x128xf32, #tpu.memory_space<hbm>>) target(%arg7 : memref<128x128xf32, #tpu.memory_space<vmem>>) offsets(%dma_start3A_127 : memref<128xi32, #tpu.memory_space<vmem>>) semaphore(%arg13 : memref<!tpu.dma_semaphore, #tpu.memory_space<semaphore_mem>>)
    %dma_wait3A_131 = arith.constant 4 : i32
    %dma_wait3A_132 = arith.constant 0 : i32
    %dma_wait3A_133 = tpu.memref_slice %arg5[%dma_wait3A_131, %dma_wait3A_132] : memref<8x128xi32, #tpu.memory_space<vmem>> -> memref<1x128xi32, #tpu.memory_space<vmem>>
    %dma_wait3A_134 = tpu.memref_squeeze %dma_wait3A_133 : memref<1x128xi32, #tpu.memory_space<vmem>> -> memref<128xi32, #tpu.memory_space<vmem>>
    %dma_wait3A_135 = arith.constant 0 : i32
    %dma_wait3A_136 = arith.constant 0 : i32
    %dma_wait3A_137 = tpu.memref_slice %arg2[%dma_wait3A_135, %dma_wait3A_136] : memref<13440x128xf32, #tpu.memory_space<hbm>> -> memref<13440x128xf32, #tpu.memory_space<hbm>>
    tpu.wait_indirect_dma semaphore(%arg16 : memref<!tpu.dma_semaphore, #tpu.memory_space<semaphore_mem>>) src(%dma_wait3A_137 : memref<13440x128xf32, #tpu.memory_space<hbm>>) dst(%arg10 : memref<128x128xf32, #tpu.memory_space<vmem>>)
    %mul3A_138 = arith.constant 1024 : i32
    %mul3A_139 = arith.muli %add3A, %mul3A_138 : i32
    %add3A_140 = arith.constant 512 : i32
    %add3A_141 = arith.addi %mul3A_139, %add3A_140 : i32
    %dma_start3A_142 = arith.constant 0 : i32
    %dma_start3A_143 = tpu.memref_slice %arg4[%add3A_141, %dma_start3A_142] : memref<32768x128xf32, #tpu.memory_space<hbm>> -> memref<128x128xf32, #tpu.memory_space<hbm>>
    %dma_start3A_144 = arith.constant 0 : i32
    %dma_start3A_145 = tpu.memref_slice %arg4[%add3A_141, %dma_start3A_144] : memref<32768x128xf32, #tpu.memory_space<hbm>> -> memref<128x128xf32, #tpu.memory_space<hbm>>
    tpu.enqueue_dma source(%arg10 : memref<128x128xf32, #tpu.memory_space<vmem>>) target(%dma_start3A_145 : memref<128x128xf32, #tpu.memory_space<hbm>>) target_semaphore(%arg22 : memref<!tpu.dma_semaphore, #tpu.memory_space<semaphore_mem>>)
    %dma_wait3A_146 = arith.constant 5 : i32
    %dma_wait3A_147 = arith.constant 0 : i32
    %dma_wait3A_148 = tpu.memref_slice %arg5[%dma_wait3A_146, %dma_wait3A_147] : memref<8x128xi32, #tpu.memory_space<vmem>> -> memref<1x128xi32, #tpu.memory_space<vmem>>
    %dma_wait3A_149 = tpu.memref_squeeze %dma_wait3A_148 : memref<1x128xi32, #tpu.memory_space<vmem>> -> memref<128xi32, #tpu.memory_space<vmem>>
    %dma_wait3A_150 = arith.constant 0 : i32
    %dma_wait3A_151 = arith.constant 0 : i32
    %dma_wait3A_152 = tpu.memref_slice %arg2[%dma_wait3A_150, %dma_wait3A_151] : memref<13440x128xf32, #tpu.memory_space<hbm>> -> memref<13440x128xf32, #tpu.memory_space<hbm>>
    tpu.wait_indirect_dma semaphore(%arg17 : memref<!tpu.dma_semaphore, #tpu.memory_space<semaphore_mem>>) src(%dma_wait3A_152 : memref<13440x128xf32, #tpu.memory_space<hbm>>) dst(%arg11 : memref<128x128xf32, #tpu.memory_space<vmem>>)
    %mul3A_153 = arith.constant 1024 : i32
    %mul3A_154 = arith.muli %add3A, %mul3A_153 : i32
    %add3A_155 = arith.constant 640 : i32
    %add3A_156 = arith.addi %mul3A_154, %add3A_155 : i32
    %dma_start3A_157 = arith.constant 0 : i32
    %dma_start3A_158 = tpu.memref_slice %arg4[%add3A_156, %dma_start3A_157] : memref<32768x128xf32, #tpu.memory_space<hbm>> -> memref<128x128xf32, #tpu.memory_space<hbm>>
    %dma_start3A_159 = arith.constant 0 : i32
    %dma_start3A_160 = tpu.memref_slice %arg4[%add3A_156, %dma_start3A_159] : memref<32768x128xf32, #tpu.memory_space<hbm>> -> memref<128x128xf32, #tpu.memory_space<hbm>>
    tpu.enqueue_dma source(%arg11 : memref<128x128xf32, #tpu.memory_space<vmem>>) target(%dma_start3A_160 : memref<128x128xf32, #tpu.memory_space<hbm>>) target_semaphore(%arg23 : memref<!tpu.dma_semaphore, #tpu.memory_space<semaphore_mem>>)
    %dma_wait3A_161 = arith.constant 6 : i32
    %dma_wait3A_162 = arith.constant 0 : i32
    %dma_wait3A_163 = tpu.memref_slice %arg5[%dma_wait3A_161, %dma_wait3A_162] : memref<8x128xi32, #tpu.memory_space<vmem>> -> memref<1x128xi32, #tpu.memory_space<vmem>>
    %dma_wait3A_164 = tpu.memref_squeeze %dma_wait3A_163 : memref<1x128xi32, #tpu.memory_space<vmem>> -> memref<128xi32, #tpu.memory_space<vmem>>
    %dma_wait3A_165 = arith.constant 0 : i32
    %dma_wait3A_166 = arith.constant 0 : i32
    %dma_wait3A_167 = tpu.memref_slice %arg2[%dma_wait3A_165, %dma_wait3A_166] : memref<13440x128xf32, #tpu.memory_space<hbm>> -> memref<13440x128xf32, #tpu.memory_space<hbm>>
    tpu.wait_indirect_dma semaphore(%arg12 : memref<!tpu.dma_semaphore, #tpu.memory_space<semaphore_mem>>) src(%dma_wait3A_167 : memref<13440x128xf32, #tpu.memory_space<hbm>>) dst(%arg6 : memref<128x128xf32, #tpu.memory_space<vmem>>)
    %mul3A_168 = arith.constant 1024 : i32
    %mul3A_169 = arith.muli %add3A, %mul3A_168 : i32
    %add3A_170 = arith.constant 768 : i32
    %add3A_171 = arith.addi %mul3A_169, %add3A_170 : i32
    %dma_start3A_172 = arith.constant 0 : i32
    %dma_start3A_173 = tpu.memref_slice %arg4[%add3A_171, %dma_start3A_172] : memref<32768x128xf32, #tpu.memory_space<hbm>> -> memref<128x128xf32, #tpu.memory_space<hbm>>
    %dma_start3A_174 = arith.constant 0 : i32
    %dma_start3A_175 = tpu.memref_slice %arg4[%add3A_171, %dma_start3A_174] : memref<32768x128xf32, #tpu.memory_space<hbm>> -> memref<128x128xf32, #tpu.memory_space<hbm>>
    tpu.enqueue_dma source(%arg6 : memref<128x128xf32, #tpu.memory_space<vmem>>) target(%dma_start3A_175 : memref<128x128xf32, #tpu.memory_space<hbm>>) target_semaphore(%arg18 : memref<!tpu.dma_semaphore, #tpu.memory_space<semaphore_mem>>)
    %dma_wait3A_176 = arith.constant 7 : i32
    %dma_wait3A_177 = arith.constant 0 : i32
    %dma_wait3A_178 = tpu.memref_slice %arg5[%dma_wait3A_176, %dma_wait3A_177] : memref<8x128xi32, #tpu.memory_space<vmem>> -> memref<1x128xi32, #tpu.memory_space<vmem>>
    %dma_wait3A_179 = tpu.memref_squeeze %dma_wait3A_178 : memref<1x128xi32, #tpu.memory_space<vmem>> -> memref<128xi32, #tpu.memory_space<vmem>>
    %dma_wait3A_180 = arith.constant 0 : i32
    %dma_wait3A_181 = arith.constant 0 : i32
    %dma_wait3A_182 = tpu.memref_slice %arg2[%dma_wait3A_180, %dma_wait3A_181] : memref<13440x128xf32, #tpu.memory_space<hbm>> -> memref<13440x128xf32, #tpu.memory_space<hbm>>
    tpu.wait_indirect_dma semaphore(%arg13 : memref<!tpu.dma_semaphore, #tpu.memory_space<semaphore_mem>>) src(%dma_wait3A_182 : memref<13440x128xf32, #tpu.memory_space<hbm>>) dst(%arg7 : memref<128x128xf32, #tpu.memory_space<vmem>>)
    %mul3A_183 = arith.constant 1024 : i32
    %mul3A_184 = arith.muli %add3A, %mul3A_183 : i32
    %add3A_185 = arith.constant 896 : i32
    %add3A_186 = arith.addi %mul3A_184, %add3A_185 : i32
    %dma_start3A_187 = arith.constant 0 : i32
    %dma_start3A_188 = tpu.memref_slice %arg4[%add3A_186, %dma_start3A_187] : memref<32768x128xf32, #tpu.memory_space<hbm>> -> memref<128x128xf32, #tpu.memory_space<hbm>>
    %dma_start3A_189 = arith.constant 0 : i32
    %dma_start3A_190 = tpu.memref_slice %arg4[%add3A_186, %dma_start3A_189] : memref<32768x128xf32, #tpu.memory_space<hbm>> -> memref<128x128xf32, #tpu.memory_space<hbm>>
    tpu.enqueue_dma source(%arg7 : memref<128x128xf32, #tpu.memory_space<vmem>>) target(%dma_start3A_190 : memref<128x128xf32, #tpu.memory_space<hbm>>) target_semaphore(%arg19 : memref<!tpu.dma_semaphore, #tpu.memory_space<semaphore_mem>>)
    %mul3A_191 = arith.constant 1024 : i32
    %mul3A_192 = arith.muli %add3A, %mul3A_191 : i32
    %add3A_193 = arith.constant 256 : i32
    %add3A_194 = arith.addi %mul3A_192, %add3A_193 : i32
    %dma_wait3A_195 = arith.constant 0 : i32
    %dma_wait3A_196 = tpu.memref_slice %arg4[%add3A_194, %dma_wait3A_195] : memref<32768x128xf32, #tpu.memory_space<hbm>> -> memref<128x128xf32, #tpu.memory_space<hbm>>
    %dma_wait3A_197 = arith.constant 0 : i32
    %dma_wait3A_198 = tpu.memref_slice %arg4[%add3A_194, %dma_wait3A_197] : memref<32768x128xf32, #tpu.memory_space<hbm>> -> memref<128x128xf32, #tpu.memory_space<hbm>>
    tpu.wait_dma2 semaphore(%arg20 : memref<!tpu.dma_semaphore, #tpu.memory_space<semaphore_mem>>) src(%arg8 : memref<128x128xf32, #tpu.memory_space<vmem>>) dst(%dma_wait3A_198 : memref<128x128xf32, #tpu.memory_space<hbm>>)
    %mul3A_199 = arith.constant 1024 : i32
    %mul3A_200 = arith.muli %add3A, %mul3A_199 : i32
    %add3A_201 = arith.constant 384 : i32
    %add3A_202 = arith.addi %mul3A_200, %add3A_201 : i32
    %dma_wait3A_203 = arith.constant 0 : i32
    %dma_wait3A_204 = tpu.memref_slice %arg4[%add3A_202, %dma_wait3A_203] : memref<32768x128xf32, #tpu.memory_space<hbm>> -> memref<128x128xf32, #tpu.memory_space<hbm>>
    %dma_wait3A_205 = arith.constant 0 : i32
    %dma_wait3A_206 = tpu.memref_slice %arg4[%add3A_202, %dma_wait3A_205] : memref<32768x128xf32, #tpu.memory_space<hbm>> -> memref<128x128xf32, #tpu.memory_space<hbm>>
    tpu.wait_dma2 semaphore(%arg21 : memref<!tpu.dma_semaphore, #tpu.memory_space<semaphore_mem>>) src(%arg9 : memref<128x128xf32, #tpu.memory_space<vmem>>) dst(%dma_wait3A_206 : memref<128x128xf32, #tpu.memory_space<hbm>>)
    %mul3A_207 = arith.constant 1024 : i32
    %mul3A_208 = arith.muli %add3A, %mul3A_207 : i32
    %add3A_209 = arith.constant 512 : i32
    %add3A_210 = arith.addi %mul3A_208, %add3A_209 : i32
    %dma_wait3A_211 = arith.constant 0 : i32
    %dma_wait3A_212 = tpu.memref_slice %arg4[%add3A_210, %dma_wait3A_211] : memref<32768x128xf32, #tpu.memory_space<hbm>> -> memref<128x128xf32, #tpu.memory_space<hbm>>
    %dma_wait3A_213 = arith.constant 0 : i32
    %dma_wait3A_214 = tpu.memref_slice %arg4[%add3A_210, %dma_wait3A_213] : memref<32768x128xf32, #tpu.memory_space<hbm>> -> memref<128x128xf32, #tpu.memory_space<hbm>>
    tpu.wait_dma2 semaphore(%arg22 : memref<!tpu.dma_semaphore, #tpu.memory_space<semaphore_mem>>) src(%arg10 : memref<128x128xf32, #tpu.memory_space<vmem>>) dst(%dma_wait3A_214 : memref<128x128xf32, #tpu.memory_space<hbm>>)
    %mul3A_215 = arith.constant 1024 : i32
    %mul3A_216 = arith.muli %add3A, %mul3A_215 : i32
    %add3A_217 = arith.constant 640 : i32
    %add3A_218 = arith.addi %mul3A_216, %add3A_217 : i32
    %dma_wait3A_219 = arith.constant 0 : i32
    %dma_wait3A_220 = tpu.memref_slice %arg4[%add3A_218, %dma_wait3A_219] : memref<32768x128xf32, #tpu.memory_space<hbm>> -> memref<128x128xf32, #tpu.memory_space<hbm>>
    %dma_wait3A_221 = arith.constant 0 : i32
    %dma_wait3A_222 = tpu.memref_slice %arg4[%add3A_218, %dma_wait3A_221] : memref<32768x128xf32, #tpu.memory_space<hbm>> -> memref<128x128xf32, #tpu.memory_space<hbm>>
    tpu.wait_dma2 semaphore(%arg23 : memref<!tpu.dma_semaphore, #tpu.memory_space<semaphore_mem>>) src(%arg11 : memref<128x128xf32, #tpu.memory_space<vmem>>) dst(%dma_wait3A_222 : memref<128x128xf32, #tpu.memory_space<hbm>>)
    %mul3A_223 = arith.constant 1024 : i32
    %mul3A_224 = arith.muli %add3A, %mul3A_223 : i32
    %add3A_225 = arith.constant 768 : i32
    %add3A_226 = arith.addi %mul3A_224, %add3A_225 : i32
    %dma_wait3A_227 = arith.constant 0 : i32
    %dma_wait3A_228 = tpu.memref_slice %arg4[%add3A_226, %dma_wait3A_227] : memref<32768x128xf32, #tpu.memory_space<hbm>> -> memref<128x128xf32, #tpu.memory_space<hbm>>
    %dma_wait3A_229 = arith.constant 0 : i32
    %dma_wait3A_230 = tpu.memref_slice %arg4[%add3A_226, %dma_wait3A_229] : memref<32768x128xf32, #tpu.memory_space<hbm>> -> memref<128x128xf32, #tpu.memory_space<hbm>>
    tpu.wait_dma2 semaphore(%arg18 : memref<!tpu.dma_semaphore, #tpu.memory_space<semaphore_mem>>) src(%arg6 : memref<128x128xf32, #tpu.memory_space<vmem>>) dst(%dma_wait3A_230 : memref<128x128xf32, #tpu.memory_space<hbm>>)
    %mul3A_231 = arith.constant 1024 : i32
    %mul3A_232 = arith.muli %add3A, %mul3A_231 : i32
    %add3A_233 = arith.constant 896 : i32
    %add3A_234 = arith.addi %mul3A_232, %add3A_233 : i32
    %dma_wait3A_235 = arith.constant 0 : i32
    %dma_wait3A_236 = tpu.memref_slice %arg4[%add3A_234, %dma_wait3A_235] : memref<32768x128xf32, #tpu.memory_space<hbm>> -> memref<128x128xf32, #tpu.memory_space<hbm>>
    %dma_wait3A_237 = arith.constant 0 : i32
    %dma_wait3A_238 = tpu.memref_slice %arg4[%add3A_234, %dma_wait3A_237] : memref<32768x128xf32, #tpu.memory_space<hbm>> -> memref<128x128xf32, #tpu.memory_space<hbm>>
    tpu.wait_dma2 semaphore(%arg19 : memref<!tpu.dma_semaphore, #tpu.memory_space<semaphore_mem>>) src(%arg7 : memref<128x128xf32, #tpu.memory_space<vmem>>) dst(%dma_wait3A_238 : memref<128x128xf32, #tpu.memory_space<hbm>>)
    return
  }
}

module attributes {stable_mosaic.version = 14 : i64} {
  func.func @_h0_body(%arg0: memref<13440x8xf32, #tpu.memory_space<vmem>>, %arg1: memref<8x128xf32, #tpu.memory_space<vmem>>, %arg2: memref<1x128xf32, #tpu.memory_space<vmem>>, %arg3: memref<13440x128xf32, #tpu.memory_space<vmem>>) attributes {dimension_semantics = [], scalar_prefetch = 0 : i64, scratch_operands = 0 : i64, tpu.core_type = #tpu.core_type<tc>} {
    %get3A = arith.constant 0 : index
    %get3A_0 = arith.constant 0 : index
    %get3A_1 = vector.load %arg0[%get3A, %get3A_0] : memref<13440x8xf32, #tpu.memory_space<vmem>>, vector<13440x8xf32>
    %get3A_2 = arith.constant 0 : index
    %get3A_3 = arith.constant 0 : index
    %get3A_4 = vector.load %arg1[%get3A_2, %get3A_3] : memref<8x128xf32, #tpu.memory_space<vmem>>, vector<8x128xf32>
    %dot_general3A = arith.constant dense<0.000000e+00> : vector<13440x128xf32>
    %dot_general3A_5 = tpu.matmul %get3A_1, %get3A_4, %dot_general3A {dimension_numbers = #tpu.dot_dimension_numbers<[1], [0], [0], [1], [0, 0, 1, 1], [], []>, transpose_lhs_hint = false} : vector<13440x8xf32>, vector<8x128xf32>, vector<13440x128xf32> -> vector<13440x128xf32>
    %get3A_6 = arith.constant 0 : index
    %get3A_7 = arith.constant 0 : index
    %get3A_8 = vector.load %arg2[%get3A_6, %get3A_7] : memref<1x128xf32, #tpu.memory_space<vmem>>, vector<1x128xf32>
    %add3A = vector.broadcast %get3A_8 : vector<1x128xf32> to vector<13440x128xf32>
    %add3A_9 = arith.addf %dot_general3A_5, %add3A : vector<13440x128xf32>
    %swap3A = arith.constant 0 : index
    %swap3A_10 = arith.constant 0 : index
    %swap3A_11 = vector.load %arg3[%swap3A, %swap3A_10] : memref<13440x128xf32, #tpu.memory_space<vmem>>, vector<13440x128xf32>
    tpu.vector_store %arg3[%swap3A, %swap3A_10], %add3A_9 {strides = array<i32>} : memref<13440x128xf32, #tpu.memory_space<vmem>>, vector<13440x128xf32>,
    return
  }
}

module attributes {stable_mosaic.version = 14 : i64} {
  func.func @_wprep_body(%arg0: i32, %arg1: memref<1x128x1024xf32, #tpu.memory_space<vmem>>, %arg2: memref<1x1x1024xf32, #tpu.memory_space<vmem>>, %arg3: memref<1024x128xf32, #tpu.memory_space<vmem>>, %arg4: memref<1x128x128xf32, #tpu.memory_space<vmem>>, %arg5: memref<1x1x128xf32, #tpu.memory_space<vmem>>) attributes {dimension_semantics = [#tpu.dimension_semantics<arbitrary>], iteration_bounds = array<i64: 8>, scalar_prefetch = 0 : i64, scratch_operands = 0 : i64, tpu.core_type = #tpu.core_type<tc>, window_params = [{transform_indices = @transform_0, window_bounds = array<i64: 1, 128, 1024>}, {transform_indices = @transform_1, window_bounds = array<i64: 1, 1, 1024>}, {pipeline_mode = #tpu.pipeline_mode<synchronous>, transform_indices = @transform_2, window_bounds = array<i64: 1024, 128>}, {transform_indices = @transform_3, window_bounds = array<i64: 1, 128, 128>}, {transform_indices = @transform_4, window_bounds = array<i64: 1, 1, 128>}]} {
    %get3A = arith.constant 0 : index
    %get3A_0 = arith.constant 0 : index
    %get3A_1 = arith.constant 0 : index
    %get3A_2 = vector.load %arg1[%get3A, %get3A_0, %get3A_1] : memref<1x128x1024xf32, #tpu.memory_space<vmem>>, vector<1x128x1024xf32>
    %get3A_3 = vector.shape_cast %get3A_2 : vector<1x128x1024xf32> to vector<128x1024xf32>
    %get3A_4 = arith.constant 0 : index
    %get3A_5 = arith.constant 0 : index
    %get3A_6 = vector.load %arg3[%get3A_4, %get3A_5] : memref<1024x128xf32, #tpu.memory_space<vmem>>, vector<1024x128xf32>
    %dot_general3A = arith.constant dense<0.000000e+00> : vector<128x128xf32>
    %dot_general3A_7 = tpu.matmul %get3A_3, %get3A_6, %dot_general3A {dimension_numbers = #tpu.dot_dimension_numbers<[1], [0], [0], [1], [0, 0, 1, 1], [], []>, transpose_lhs_hint = false} : vector<128x1024xf32>, vector<1024x128xf32>, vector<128x128xf32> -> vector<128x128xf32>
    %swap3A = arith.constant 0 : index
    %swap3A_8 = arith.constant 0 : index
    %swap3A_9 = arith.constant 0 : index
    %swap3A_10 = vector.load %arg4[%swap3A, %swap3A_8, %swap3A_9] : memref<1x128x128xf32, #tpu.memory_space<vmem>>, vector<1x128x128xf32>
    %swap3A_11 = vector.shape_cast %swap3A_10 : vector<1x128x128xf32> to vector<128x128xf32>
    %swap3A_12 = vector.shape_cast %dot_general3A_7 : vector<128x128xf32> to vector<1x128x128xf32>
    tpu.vector_store %arg4[%swap3A, %swap3A_8, %swap3A_9], %swap3A_12 {strides = array<i32>} : memref<1x128x128xf32, #tpu.memory_space<vmem>>, vector<1x128x128xf32>,
    %get3A_13 = arith.constant 0 : index
    %get3A_14 = arith.constant 0 : index
    %get3A_15 = arith.constant 0 : index
    %get3A_16 = vector.load %arg2[%get3A_13, %get3A_14, %get3A_15] : memref<1x1x1024xf32, #tpu.memory_space<vmem>>, vector<1x1x1024xf32>
    %get3A_17 = vector.shape_cast %get3A_16 : vector<1x1x1024xf32> to vector<1x1024xf32>
    %get3A_18 = arith.constant 0 : index
    %get3A_19 = arith.constant 0 : index
    %get3A_20 = vector.load %arg3[%get3A_18, %get3A_19] : memref<1024x128xf32, #tpu.memory_space<vmem>>, vector<1024x128xf32>
    %dot_general3A_21 = arith.constant dense<0.000000e+00> : vector<1x128xf32>
    %dot_general3A_22 = tpu.matmul %get3A_17, %get3A_20, %dot_general3A_21 {dimension_numbers = #tpu.dot_dimension_numbers<[1], [0], [0], [1], [0, 0, 1, 1], [], []>, transpose_lhs_hint = false} : vector<1x1024xf32>, vector<1024x128xf32>, vector<1x128xf32> -> vector<1x128xf32>
    %swap3A_23 = arith.constant 0 : index
    %swap3A_24 = arith.constant 0 : index
    %swap3A_25 = arith.constant 0 : index
    %swap3A_26 = vector.load %arg5[%swap3A_23, %swap3A_24, %swap3A_25] : memref<1x1x128xf32, #tpu.memory_space<vmem>>, vector<1x1x128xf32>
    %swap3A_27 = vector.shape_cast %swap3A_26 : vector<1x1x128xf32> to vector<1x128xf32>
    %swap3A_28 = vector.shape_cast %dot_general3A_22 : vector<1x128xf32> to vector<1x1x128xf32>
    tpu.vector_store %arg5[%swap3A_23, %swap3A_24, %swap3A_25], %swap3A_28 {strides = array<i32>} : memref<1x1x128xf32, #tpu.memory_space<vmem>>, vector<1x1x128xf32>,
    return
  }
  func.func @transform_0(%arg0: i32) -> (i32, i32, i32) {
    %c0_i32 = arith.constant 0 : i32
    %c0_i32_0 = arith.constant 0 : i32
    %c0_i32_1 = arith.constant 0 : i32
    return %arg0, %c0_i32, %c0_i32_0 : i32, i32, i32
  }
  func.func @transform_1(%arg0: i32) -> (i32, i32, i32) {
    %c0_i32 = arith.constant 0 : i32
    %c0_i32_0 = arith.constant 0 : i32
    %c0_i32_1 = arith.constant 0 : i32
    return %arg0, %c0_i32, %c0_i32_0 : i32, i32, i32
  }
  func.func @transform_2(%arg0: i32) -> (i32, i32) {
    %c0_i32 = arith.constant 0 : i32
    %c0_i32_0 = arith.constant 0 : i32
    %c0_i32_1 = arith.constant 0 : i32
    return %c0_i32, %c0_i32_0 : i32, i32
  }
  func.func @transform_3(%arg0: i32) -> (i32, i32, i32) {
    %c0_i32 = arith.constant 0 : i32
    %c0_i32_0 = arith.constant 0 : i32
    %c0_i32_1 = arith.constant 0 : i32
    return %arg0, %c0_i32, %c0_i32_0 : i32, i32, i32
  }
  func.func @transform_4(%arg0: i32) -> (i32, i32, i32) {
    %c0_i32 = arith.constant 0 : i32
    %c0_i32_0 = arith.constant 0 : i32
    %c0_i32_1 = arith.constant 0 : i32
    return %arg0, %c0_i32, %c0_i32_0 : i32, i32, i32
  }
}

module attributes {stable_mosaic.version = 14 : i64} {
  func.func @_chain_body(%arg0: i32, %arg1: memref<1x8xf32, #tpu.memory_space<smem>>, %arg2: memref<2048x8xf32, #tpu.memory_space<vmem>>, %arg3: memref<2048x128xf32, #tpu.memory_space<vmem>>, %arg4: memref<1x8x8xf32, #tpu.memory_space<vmem>>, %arg5: memref<1x1x8xf32, #tpu.memory_space<vmem>>, %arg6: memref<1x8x128xf32, #tpu.memory_space<vmem>>, %arg7: memref<1x1x128xf32, #tpu.memory_space<vmem>>, %arg8: memref<1x128x128xf32, #tpu.memory_space<vmem>>, %arg9: memref<1x1x128xf32, #tpu.memory_space<vmem>>, %arg10: memref<1x128x128xf32, #tpu.memory_space<vmem>>, %arg11: memref<1x1x128xf32, #tpu.memory_space<vmem>>, %arg12: memref<1x8xf32, #tpu.memory_space<smem>>, %arg13: memref<1x128xf32, #tpu.memory_space<vmem>>, %arg14: memref<8xf32, #tpu.memory_space<smem>>) attributes {dimension_semantics = [#tpu.dimension_semantics<arbitrary>], iteration_bounds = array<i64: 12>, scalar_prefetch = 0 : i64, scratch_operands = 2 : i64, tpu.core_type = #tpu.core_type<tc>, window_params = [{transform_indices = @transform_0, window_bounds = array<i64: 1, 8>}, {transform_indices = @transform_1, window_bounds = array<i64: 2048, 8>}, {transform_indices = @transform_2, window_bounds = array<i64: 2048, 128>}, {transform_indices = @transform_3, window_bounds = array<i64: 1, 8, 8>}, {transform_indices = @transform_4, window_bounds = array<i64: 1, 1, 8>}, {transform_indices = @transform_5, window_bounds = array<i64: 1, 8, 128>}, {transform_indices = @transform_6, window_bounds = array<i64: 1, 1, 128>}, {transform_indices = @transform_7, window_bounds = array<i64: 1, 128, 128>}, {transform_indices = @transform_8, window_bounds = array<i64: 1, 1, 128>}, {transform_indices = @transform_9, window_bounds = array<i64: 1, 128, 128>}, {transform_indices = @transform_10, window_bounds = array<i64: 1, 1, 128>}, {transform_indices = @transform_11, window_bounds = array<i64: 1, 8>}]} {
    %add3A = arith.constant 0 : i32
    %add3A_0 = arith.addi %arg0, %add3A : i32
    %ge3A = arith.constant 12 : i32
    %ge3A_1 = arith.cmpi sge, %add3A_0, %ge3A : i32
    %convert_element_type3A = arith.extui %ge3A_1 : i1 to i32
    %add3A_2 = arith.constant 0 : i32
    %add3A_3 = arith.addi %add3A_2, %convert_element_type3A : i32
    %ge3A_4 = arith.constant 15 : i32
    %ge3A_5 = arith.cmpi sge, %add3A_0, %ge3A_4 : i32
    %convert_element_type3A_6 = arith.extui %ge3A_5 : i1 to i32
    %add3A_7 = arith.addi %add3A_3, %convert_element_type3A_6 : i32
    %ge3A_8 = arith.constant 16 : i32
    %ge3A_9 = arith.cmpi sge, %add3A_0, %ge3A_8 : i32
    %convert_element_type3A_10 = arith.extui %ge3A_9 : i1 to i32
    %add3A_11 = arith.addi %add3A_7, %convert_element_type3A_10 : i32
    %ge3A_12 = arith.constant 18 : i32
    %ge3A_13 = arith.cmpi sge, %add3A_0, %ge3A_12 : i32
    %convert_element_type3A_14 = arith.extui %ge3A_13 : i1 to i32
    %add3A_15 = arith.addi %add3A_11, %convert_element_type3A_14 : i32
    %ge3A_16 = arith.constant 19 : i32
    %ge3A_17 = arith.cmpi sge, %add3A_0, %ge3A_16 : i32
    %convert_element_type3A_18 = arith.extui %ge3A_17 : i1 to i32
    %add3A_19 = arith.addi %add3A_15, %convert_element_type3A_18 : i32
    %ge3A_20 = arith.constant 25 : i32
    %ge3A_21 = arith.cmpi sge, %add3A_0, %ge3A_20 : i32
    %convert_element_type3A_22 = arith.extui %ge3A_21 : i1 to i32
    %add3A_23 = arith.addi %add3A_19, %convert_element_type3A_22 : i32
    %ge3A_24 = arith.constant 28 : i32
    %ge3A_25 = arith.cmpi sge, %add3A_0, %ge3A_24 : i32
    %convert_element_type3A_26 = arith.extui %ge3A_25 : i1 to i32
    %add3A_27 = arith.addi %add3A_23, %convert_element_type3A_26 : i32
    %eq3A = arith.constant 0 : i32
    %eq3A_28 = arith.cmpi eq, %arg0, %eq3A : i32
    %convert_element_type3A_29 = arith.extui %eq3A_28 : i1 to i32
    %cond3A = arith.constant 0 : i32
    %cond3A_30 = arith.cmpi ne, %convert_element_type3A_29, %cond3A : i32
    scf.if %cond3A_30 {
      %broadcast_in_dim3A_274 = arith.constant 0.000000e+00 : f32
      %broadcast_in_dim3A_275 = vector.broadcast %broadcast_in_dim3A_274 : f32 to vector<1x128xf32>
      %swap3A = arith.constant 0 : index
      %swap3A_276 = arith.constant 0 : index
      %swap3A_277 = vector.load %arg13[%swap3A, %swap3A_276] : memref<1x128xf32, #tpu.memory_space<vmem>>, vector<1x128xf32>
      tpu.vector_store %arg13[%swap3A, %swap3A_276], %broadcast_in_dim3A_275 {strides = array<i32>} : memref<1x128xf32, #tpu.memory_space<vmem>>, vector<1x128xf32>,
      %get3A_278 = arith.constant 0 : index
      %get3A_279 = arith.constant 0 : index
      %get3A_280 = memref.load %arg1[%get3A_278, %get3A_279] : memref<1x8xf32, #tpu.memory_space<smem>>
      %swap3A_281 = arith.constant 0 : index
      %swap3A_282 = memref.load %arg14[%swap3A_281] : memref<8xf32, #tpu.memory_space<smem>>
      memref.store %get3A_280, %arg14[%swap3A_281] : memref<8xf32, #tpu.memory_space<smem>>
      %get3A_283 = arith.constant 0 : index
      %get3A_284 = arith.constant 0 : index
      %get3A_285 = memref.load %arg1[%get3A_283, %get3A_284] : memref<1x8xf32, #tpu.memory_space<smem>>
      %swap3A_286 = arith.constant 0 : index
      %swap3A_287 = arith.constant 0 : index
      %swap3A_288 = memref.load %arg12[%swap3A_286, %swap3A_287] : memref<1x8xf32, #tpu.memory_space<smem>>
      memref.store %get3A_285, %arg12[%swap3A_286, %swap3A_287] : memref<1x8xf32, #tpu.memory_space<smem>>
      %get3A_289 = arith.constant 0 : index
      %get3A_290 = arith.constant 1 : index
      %get3A_291 = memref.load %arg1[%get3A_289, %get3A_290] : memref<1x8xf32, #tpu.memory_space<smem>>
      %swap3A_292 = arith.constant 1 : index
      %swap3A_293 = memref.load %arg14[%swap3A_292] : memref<8xf32, #tpu.memory_space<smem>>
      memref.store %get3A_291, %arg14[%swap3A_292] : memref<8xf32, #tpu.memory_space<smem>>
      %get3A_294 = arith.constant 0 : index
      %get3A_295 = arith.constant 1 : index
      %get3A_296 = memref.load %arg1[%get3A_294, %get3A_295] : memref<1x8xf32, #tpu.memory_space<smem>>
      %swap3A_297 = arith.constant 0 : index
      %swap3A_298 = arith.constant 1 : index
      %swap3A_299 = memref.load %arg12[%swap3A_297, %swap3A_298] : memref<1x8xf32, #tpu.memory_space<smem>>
      memref.store %get3A_296, %arg12[%swap3A_297, %swap3A_298] : memref<1x8xf32, #tpu.memory_space<smem>>
      %get3A_300 = arith.constant 0 : index
      %get3A_301 = arith.constant 2 : index
      %get3A_302 = memref.load %arg1[%get3A_300, %get3A_301] : memref<1x8xf32, #tpu.memory_space<smem>>
      %swap3A_303 = arith.constant 2 : index
      %swap3A_304 = memref.load %arg14[%swap3A_303] : memref<8xf32, #tpu.memory_space<smem>>
      memref.store %get3A_302, %arg14[%swap3A_303] : memref<8xf32, #tpu.memory_space<smem>>
      %get3A_305 = arith.constant 0 : index
      %get3A_306 = arith.constant 2 : index
      %get3A_307 = memref.load %arg1[%get3A_305, %get3A_306] : memref<1x8xf32, #tpu.memory_space<smem>>
      %swap3A_308 = arith.constant 0 : index
      %swap3A_309 = arith.constant 2 : index
      %swap3A_310 = memref.load %arg12[%swap3A_308, %swap3A_309] : memref<1x8xf32, #tpu.memory_space<smem>>
      memref.store %get3A_307, %arg12[%swap3A_308, %swap3A_309] : memref<1x8xf32, #tpu.memory_space<smem>>
      %get3A_311 = arith.constant 0 : index
      %get3A_312 = arith.constant 3 : index
      %get3A_313 = memref.load %arg1[%get3A_311, %get3A_312] : memref<1x8xf32, #tpu.memory_space<smem>>
      %swap3A_314 = arith.constant 3 : index
      %swap3A_315 = memref.load %arg14[%swap3A_314] : memref<8xf32, #tpu.memory_space<smem>>
      memref.store %get3A_313, %arg14[%swap3A_314] : memref<8xf32, #tpu.memory_space<smem>>
      %get3A_316 = arith.constant 0 : index
      %get3A_317 = arith.constant 3 : index
      %get3A_318 = memref.load %arg1[%get3A_316, %get3A_317] : memref<1x8xf32, #tpu.memory_space<smem>>
      %swap3A_319 = arith.constant 0 : index
      %swap3A_320 = arith.constant 3 : index
      %swap3A_321 = memref.load %arg12[%swap3A_319, %swap3A_320] : memref<1x8xf32, #tpu.memory_space<smem>>
      memref.store %get3A_318, %arg12[%swap3A_319, %swap3A_320] : memref<1x8xf32, #tpu.memory_space<smem>>
      %get3A_322 = arith.constant 0 : index
      %get3A_323 = arith.constant 4 : index
      %get3A_324 = memref.load %arg1[%get3A_322, %get3A_323] : memref<1x8xf32, #tpu.memory_space<smem>>
      %swap3A_325 = arith.constant 4 : index
      %swap3A_326 = memref.load %arg14[%swap3A_325] : memref<8xf32, #tpu.memory_space<smem>>
      memref.store %get3A_324, %arg14[%swap3A_325] : memref<8xf32, #tpu.memory_space<smem>>
      %get3A_327 = arith.constant 0 : index
      %get3A_328 = arith.constant 4 : index
      %get3A_329 = memref.load %arg1[%get3A_327, %get3A_328] : memref<1x8xf32, #tpu.memory_space<smem>>
      %swap3A_330 = arith.constant 0 : index
      %swap3A_331 = arith.constant 4 : index
      %swap3A_332 = memref.load %arg12[%swap3A_330, %swap3A_331] : memref<1x8xf32, #tpu.memory_space<smem>>
      memref.store %get3A_329, %arg12[%swap3A_330, %swap3A_331] : memref<1x8xf32, #tpu.memory_space<smem>>
      %get3A_333 = arith.constant 0 : index
      %get3A_334 = arith.constant 5 : index
      %get3A_335 = memref.load %arg1[%get3A_333, %get3A_334] : memref<1x8xf32, #tpu.memory_space<smem>>
      %swap3A_336 = arith.constant 5 : index
      %swap3A_337 = memref.load %arg14[%swap3A_336] : memref<8xf32, #tpu.memory_space<smem>>
      memref.store %get3A_335, %arg14[%swap3A_336] : memref<8xf32, #tpu.memory_space<smem>>
      %get3A_338 = arith.constant 0 : index
      %get3A_339 = arith.constant 5 : index
      %get3A_340 = memref.load %arg1[%get3A_338, %get3A_339] : memref<1x8xf32, #tpu.memory_space<smem>>
      %swap3A_341 = arith.constant 0 : index
      %swap3A_342 = arith.constant 5 : index
      %swap3A_343 = memref.load %arg12[%swap3A_341, %swap3A_342] : memref<1x8xf32, #tpu.memory_space<smem>>
      memref.store %get3A_340, %arg12[%swap3A_341, %swap3A_342] : memref<1x8xf32, #tpu.memory_space<smem>>
      %get3A_344 = arith.constant 0 : index
      %get3A_345 = arith.constant 6 : index
      %get3A_346 = memref.load %arg1[%get3A_344, %get3A_345] : memref<1x8xf32, #tpu.memory_space<smem>>
      %swap3A_347 = arith.constant 6 : index
      %swap3A_348 = memref.load %arg14[%swap3A_347] : memref<8xf32, #tpu.memory_space<smem>>
      memref.store %get3A_346, %arg14[%swap3A_347] : memref<8xf32, #tpu.memory_space<smem>>
      %get3A_349 = arith.constant 0 : index
      %get3A_350 = arith.constant 6 : index
      %get3A_351 = memref.load %arg1[%get3A_349, %get3A_350] : memref<1x8xf32, #tpu.memory_space<smem>>
      %swap3A_352 = arith.constant 0 : index
      %swap3A_353 = arith.constant 6 : index
      %swap3A_354 = memref.load %arg12[%swap3A_352, %swap3A_353] : memref<1x8xf32, #tpu.memory_space<smem>>
      memref.store %get3A_351, %arg12[%swap3A_352, %swap3A_353] : memref<1x8xf32, #tpu.memory_space<smem>>
      %get3A_355 = arith.constant 0 : index
      %get3A_356 = arith.constant 7 : index
      %get3A_357 = memref.load %arg1[%get3A_355, %get3A_356] : memref<1x8xf32, #tpu.memory_space<smem>>
      %swap3A_358 = arith.constant 7 : index
      %swap3A_359 = memref.load %arg14[%swap3A_358] : memref<8xf32, #tpu.memory_space<smem>>
      memref.store %get3A_357, %arg14[%swap3A_358] : memref<8xf32, #tpu.memory_space<smem>>
      %get3A_360 = arith.constant 0 : index
      %get3A_361 = arith.constant 7 : index
      %get3A_362 = memref.load %arg1[%get3A_360, %get3A_361] : memref<1x8xf32, #tpu.memory_space<smem>>
      %swap3A_363 = arith.constant 0 : index
      %swap3A_364 = arith.constant 7 : index
      %swap3A_365 = memref.load %arg12[%swap3A_363, %swap3A_364] : memref<1x8xf32, #tpu.memory_space<smem>>
      memref.store %get3A_362, %arg12[%swap3A_363, %swap3A_364] : memref<1x8xf32, #tpu.memory_space<smem>>
    } else {
    }
    %get3A = arith.constant 0 : index
    %get3A_31 = arith.constant 0 : index
    %get3A_32 = vector.load %arg2[%get3A, %get3A_31] : memref<2048x8xf32, #tpu.memory_space<vmem>>, vector<2048x8xf32>
    %get3A_33 = arith.constant 0 : index
    %get3A_34 = arith.constant 0 : index
    %get3A_35 = arith.constant 0 : index
    %get3A_36 = vector.load %arg4[%get3A_33, %get3A_34, %get3A_35] : memref<1x8x8xf32, #tpu.memory_space<vmem>>, vector<1x8x8xf32>
    %get3A_37 = vector.shape_cast %get3A_36 : vector<1x8x8xf32> to vector<8x8xf32>
    %dot_general3A = arith.constant dense<0.000000e+00> : vector<2048x8xf32>
    %dot_general3A_38 = tpu.matmul %get3A_32, %get3A_37, %dot_general3A {dimension_numbers = #tpu.dot_dimension_numbers<[1], [0], [0], [1], [0, 0, 1, 1], [], []>, transpose_lhs_hint = false} : vector<2048x8xf32>, vector<8x8xf32>, vector<2048x8xf32> -> vector<2048x8xf32>
    %get3A_39 = arith.constant 0 : index
    %get3A_40 = arith.constant 0 : index
    %get3A_41 = arith.constant 0 : index
    %get3A_42 = vector.load %arg5[%get3A_39, %get3A_40, %get3A_41] : memref<1x1x8xf32, #tpu.memory_space<vmem>>, vector<1x1x8xf32>
    %get3A_43 = vector.shape_cast %get3A_42 : vector<1x1x8xf32> to vector<1x8xf32>
    %add3A_44 = vector.broadcast %get3A_43 : vector<1x8xf32> to vector<2048x8xf32>
    %add3A_45 = arith.addf %dot_general3A_38, %add3A_44 : vector<2048x8xf32>
    %max3A = arith.constant 0.000000e+00 : f32
    %max3A_46 = vector.broadcast %max3A : f32 to vector<2048x8xf32>
    %max3A_47 = arith.maximumf %add3A_45, %max3A_46 : vector<2048x8xf32>
    %get3A_48 = arith.constant 0 : index
    %get3A_49 = arith.constant 0 : index
    %get3A_50 = arith.constant 0 : index
    %get3A_51 = vector.load %arg6[%get3A_48, %get3A_49, %get3A_50] : memref<1x8x128xf32, #tpu.memory_space<vmem>>, vector<1x8x128xf32>
    %get3A_52 = vector.shape_cast %get3A_51 : vector<1x8x128xf32> to vector<8x128xf32>
    %dot_general3A_53 = arith.constant dense<0.000000e+00> : vector<2048x128xf32>
    %dot_general3A_54 = tpu.matmul %max3A_47, %get3A_52, %dot_general3A_53 {dimension_numbers = #tpu.dot_dimension_numbers<[1], [0], [0], [1], [0, 0, 1, 1], [], []>, transpose_lhs_hint = false} : vector<2048x8xf32>, vector<8x128xf32>, vector<2048x128xf32> -> vector<2048x128xf32>
    %get3A_55 = arith.constant 0 : index
    %get3A_56 = arith.constant 0 : index
    %get3A_57 = arith.constant 0 : index
    %get3A_58 = vector.load %arg7[%get3A_55, %get3A_56, %get3A_57] : memref<1x1x128xf32, #tpu.memory_space<vmem>>, vector<1x1x128xf32>
    %get3A_59 = vector.shape_cast %get3A_58 : vector<1x1x128xf32> to vector<1x128xf32>
    %add3A_60 = vector.broadcast %get3A_59 : vector<1x128xf32> to vector<2048x128xf32>
    %add3A_61 = arith.addf %dot_general3A_54, %add3A_60 : vector<2048x128xf32>
    %max3A_62 = arith.constant 0.000000e+00 : f32
    %max3A_63 = vector.broadcast %max3A_62 : f32 to vector<2048x128xf32>
    %max3A_64 = arith.maximumf %add3A_61, %max3A_63 : vector<2048x128xf32>
    %get3A_65 = arith.constant 0 : index
    %get3A_66 = arith.constant 0 : index
    %get3A_67 = arith.constant 0 : index
    %get3A_68 = vector.load %arg8[%get3A_65, %get3A_66, %get3A_67] : memref<1x128x128xf32, #tpu.memory_space<vmem>>, vector<1x128x128xf32>
    %get3A_69 = vector.shape_cast %get3A_68 : vector<1x128x128xf32> to vector<128x128xf32>
    %dot_general3A_70 = arith.constant dense<0.000000e+00> : vector<2048x128xf32>
    %dot_general3A_71 = tpu.matmul %max3A_64, %get3A_69, %dot_general3A_70 {dimension_numbers = #tpu.dot_dimension_numbers<[1], [0], [0], [1], [0, 0, 1, 1], [], []>, transpose_lhs_hint = false} : vector<2048x128xf32>, vector<128x128xf32>, vector<2048x128xf32> -> vector<2048x128xf32>
    %get3A_72 = arith.constant 0 : index
    %get3A_73 = arith.constant 0 : index
    %get3A_74 = arith.constant 0 : index
    %get3A_75 = vector.load %arg9[%get3A_72, %get3A_73, %get3A_74] : memref<1x1x128xf32, #tpu.memory_space<vmem>>, vector<1x1x128xf32>
    %get3A_76 = vector.shape_cast %get3A_75 : vector<1x1x128xf32> to vector<1x128xf32>
    %add3A_77 = vector.broadcast %get3A_76 : vector<1x128xf32> to vector<2048x128xf32>
    %add3A_78 = arith.addf %dot_general3A_71, %add3A_77 : vector<2048x128xf32>
    %max3A_79 = arith.constant 0.000000e+00 : f32
    %max3A_80 = vector.broadcast %max3A_79 : f32 to vector<2048x128xf32>
    %max3A_81 = arith.maximumf %add3A_78, %max3A_80 : vector<2048x128xf32>
    %get3A_82 = arith.constant 0 : index
    %get3A_83 = arith.constant 0 : index
    %get3A_84 = arith.constant 0 : index
    %get3A_85 = vector.load %arg10[%get3A_82, %get3A_83, %get3A_84] : memref<1x128x128xf32, #tpu.memory_space<vmem>>, vector<1x128x128xf32>
    %get3A_86 = vector.shape_cast %get3A_85 : vector<1x128x128xf32> to vector<128x128xf32>
    %dot_general3A_87 = arith.constant dense<0.000000e+00> : vector<2048x128xf32>
    %dot_general3A_88 = tpu.matmul %max3A_81, %get3A_86, %dot_general3A_87 {dimension_numbers = #tpu.dot_dimension_numbers<[1], [0], [0], [1], [0, 0, 1, 1], [], []>, transpose_lhs_hint = false} : vector<2048x128xf32>, vector<128x128xf32>, vector<2048x128xf32> -> vector<2048x128xf32>
    %get3A_89 = arith.constant 0 : index
    %get3A_90 = arith.constant 0 : index
    %get3A_91 = arith.constant 0 : index
    %get3A_92 = vector.load %arg11[%get3A_89, %get3A_90, %get3A_91] : memref<1x1x128xf32, #tpu.memory_space<vmem>>, vector<1x1x128xf32>
    %get3A_93 = vector.shape_cast %get3A_92 : vector<1x1x128xf32> to vector<1x128xf32>
    %add3A_94 = vector.broadcast %get3A_93 : vector<1x128xf32> to vector<2048x128xf32>
    %add3A_95 = arith.addf %dot_general3A_88, %add3A_94 : vector<2048x128xf32>
    %get3A_96 = arith.constant 0 : index
    %get3A_97 = arith.constant 0 : index
    %get3A_98 = vector.load %arg3[%get3A_96, %get3A_97] : memref<2048x128xf32, #tpu.memory_space<vmem>>, vector<2048x128xf32>
    %gt3A = arith.constant 0 : i32
    %gt3A_99 = arith.cmpi sgt, %add3A_27, %gt3A : i32
    %get3A_100 = arith.constant 0 : index
    %get3A_101 = memref.load %arg14[%get3A_100] : memref<8xf32, #tpu.memory_space<smem>>
    %add3A_102 = vector.broadcast %get3A_101 : f32 to vector<2048x128xf32>
    %add3A_103 = arith.addf %get3A_98, %add3A_102 : vector<2048x128xf32>
    %max3A_104 = arith.constant 0.000000e+00 : f32
    %max3A_105 = vector.broadcast %max3A_104 : f32 to vector<2048x128xf32>
    %max3A_106 = arith.maximumf %add3A_103, %max3A_105 : vector<2048x128xf32>
    %select_n3A = arith.select %gt3A_99, %max3A_106, %get3A_98 : vector<2048x128xf32>
    %gt3A_107 = arith.constant 1 : i32
    %gt3A_108 = arith.cmpi sgt, %add3A_27, %gt3A_107 : i32
    %get3A_109 = arith.constant 1 : index
    %get3A_110 = memref.load %arg14[%get3A_109] : memref<8xf32, #tpu.memory_space<smem>>
    %add3A_111 = vector.broadcast %get3A_110 : f32 to vector<2048x128xf32>
    %add3A_112 = arith.addf %select_n3A, %add3A_111 : vector<2048x128xf32>
    %max3A_113 = arith.constant 0.000000e+00 : f32
    %max3A_114 = vector.broadcast %max3A_113 : f32 to vector<2048x128xf32>
    %max3A_115 = arith.maximumf %add3A_112, %max3A_114 : vector<2048x128xf32>
    %select_n3A_116 = arith.select %gt3A_108, %max3A_115, %select_n3A : vector<2048x128xf32>
    %gt3A_117 = arith.constant 2 : i32
    %gt3A_118 = arith.cmpi sgt, %add3A_27, %gt3A_117 : i32
    %get3A_119 = arith.constant 2 : index
    %get3A_120 = memref.load %arg14[%get3A_119] : memref<8xf32, #tpu.memory_space<smem>>
    %add3A_121 = vector.broadcast %get3A_120 : f32 to vector<2048x128xf32>
    %add3A_122 = arith.addf %select_n3A_116, %add3A_121 : vector<2048x128xf32>
    %max3A_123 = arith.constant 0.000000e+00 : f32
    %max3A_124 = vector.broadcast %max3A_123 : f32 to vector<2048x128xf32>
    %max3A_125 = arith.maximumf %add3A_122, %max3A_124 : vector<2048x128xf32>
    %select_n3A_126 = arith.select %gt3A_118, %max3A_125, %select_n3A_116 : vector<2048x128xf32>
    %gt3A_127 = arith.constant 3 : i32
    %gt3A_128 = arith.cmpi sgt, %add3A_27, %gt3A_127 : i32
    %get3A_129 = arith.constant 3 : index
    %get3A_130 = memref.load %arg14[%get3A_129] : memref<8xf32, #tpu.memory_space<smem>>
    %add3A_131 = vector.broadcast %get3A_130 : f32 to vector<2048x128xf32>
    %add3A_132 = arith.addf %select_n3A_126, %add3A_131 : vector<2048x128xf32>
    %max3A_133 = arith.constant 0.000000e+00 : f32
    %max3A_134 = vector.broadcast %max3A_133 : f32 to vector<2048x128xf32>
    %max3A_135 = arith.maximumf %add3A_132, %max3A_134 : vector<2048x128xf32>
    %select_n3A_136 = arith.select %gt3A_128, %max3A_135, %select_n3A_126 : vector<2048x128xf32>
    %gt3A_137 = arith.constant 4 : i32
    %gt3A_138 = arith.cmpi sgt, %add3A_27, %gt3A_137 : i32
    %get3A_139 = arith.constant 4 : index
    %get3A_140 = memref.load %arg14[%get3A_139] : memref<8xf32, #tpu.memory_space<smem>>
    %add3A_141 = vector.broadcast %get3A_140 : f32 to vector<2048x128xf32>
    %add3A_142 = arith.addf %select_n3A_136, %add3A_141 : vector<2048x128xf32>
    %max3A_143 = arith.constant 0.000000e+00 : f32
    %max3A_144 = vector.broadcast %max3A_143 : f32 to vector<2048x128xf32>
    %max3A_145 = arith.maximumf %add3A_142, %max3A_144 : vector<2048x128xf32>
    %select_n3A_146 = arith.select %gt3A_138, %max3A_145, %select_n3A_136 : vector<2048x128xf32>
    %gt3A_147 = arith.constant 5 : i32
    %gt3A_148 = arith.cmpi sgt, %add3A_27, %gt3A_147 : i32
    %get3A_149 = arith.constant 5 : index
    %get3A_150 = memref.load %arg14[%get3A_149] : memref<8xf32, #tpu.memory_space<smem>>
    %add3A_151 = vector.broadcast %get3A_150 : f32 to vector<2048x128xf32>
    %add3A_152 = arith.addf %select_n3A_146, %add3A_151 : vector<2048x128xf32>
    %max3A_153 = arith.constant 0.000000e+00 : f32
    %max3A_154 = vector.broadcast %max3A_153 : f32 to vector<2048x128xf32>
    %max3A_155 = arith.maximumf %add3A_152, %max3A_154 : vector<2048x128xf32>
    %select_n3A_156 = arith.select %gt3A_148, %max3A_155, %select_n3A_146 : vector<2048x128xf32>
    %gt3A_157 = arith.constant 6 : i32
    %gt3A_158 = arith.cmpi sgt, %add3A_27, %gt3A_157 : i32
    %get3A_159 = arith.constant 6 : index
    %get3A_160 = memref.load %arg14[%get3A_159] : memref<8xf32, #tpu.memory_space<smem>>
    %add3A_161 = vector.broadcast %get3A_160 : f32 to vector<2048x128xf32>
    %add3A_162 = arith.addf %select_n3A_156, %add3A_161 : vector<2048x128xf32>
    %max3A_163 = arith.constant 0.000000e+00 : f32
    %max3A_164 = vector.broadcast %max3A_163 : f32 to vector<2048x128xf32>
    %max3A_165 = arith.maximumf %add3A_162, %max3A_164 : vector<2048x128xf32>
    %select_n3A_166 = arith.select %gt3A_158, %max3A_165, %select_n3A_156 : vector<2048x128xf32>
    %eq3A_167 = arith.constant 1 : i32
    %eq3A_168 = arith.cmpi eq, %add3A_27, %eq3A_167 : i32
    %jit3A = arith.constant 30576 : i32
    %jit3A_169 = arith.constant 24000 : i32
    %select_n3A_170 = arith.select %eq3A_168, %jit3A, %jit3A_169 : i32
    %eq3A_171 = arith.constant 2 : i32
    %eq3A_172 = arith.cmpi eq, %add3A_27, %eq3A_171 : i32
    %jit3A_173 = arith.constant 32220 : i32
    %select_n3A_174 = arith.select %eq3A_172, %jit3A_173, %select_n3A_170 : i32
    %eq3A_175 = arith.constant 3 : i32
    %eq3A_176 = arith.cmpi eq, %add3A_27, %eq3A_175 : i32
    %jit3A_177 = arith.constant 35768 : i32
    %select_n3A_178 = arith.select %eq3A_176, %jit3A_177, %select_n3A_174 : i32
    %eq3A_179 = arith.constant 4 : i32
    %eq3A_180 = arith.cmpi eq, %add3A_27, %eq3A_179 : i32
    %jit3A_181 = arith.constant 38364 : i32
    %select_n3A_182 = arith.select %eq3A_180, %jit3A_181, %select_n3A_178 : i32
    %eq3A_183 = arith.constant 5 : i32
    %eq3A_184 = arith.cmpi eq, %add3A_27, %eq3A_183 : i32
    %jit3A_185 = arith.constant 50912 : i32
    %select_n3A_186 = arith.select %eq3A_184, %jit3A_185, %select_n3A_182 : i32
    %eq3A_187 = arith.constant 6 : i32
    %eq3A_188 = arith.cmpi eq, %add3A_27, %eq3A_187 : i32
    %jit3A_189 = arith.constant 57200 : i32
    %select_n3A_190 = arith.select %eq3A_188, %jit3A_189, %select_n3A_186 : i32
    %eq3A_191 = arith.constant 7 : i32
    %eq3A_192 = arith.cmpi eq, %add3A_27, %eq3A_191 : i32
    %jit3A_193 = arith.constant 105344 : i32
    %select_n3A_194 = arith.select %eq3A_192, %jit3A_193, %select_n3A_190 : i32
    %mul3A = arith.constant 2048 : i32
    %mul3A_195 = arith.muli %add3A_0, %mul3A : i32
    %iota3A = tpu.iota {dimensions = array<i32: 0>} : vector<2048x128xi32>
    %add3A_196 = vector.broadcast %mul3A_195 : i32 to vector<2048x128xi32>
    %add3A_197 = arith.addi %add3A_196, %iota3A : vector<2048x128xi32>
    %lt3A = vector.broadcast %select_n3A_194 : i32 to vector<2048x128xi32>
    %lt3A_198 = arith.cmpi slt, %add3A_197, %lt3A : vector<2048x128xi32>
    %mul3A_199 = arith.mulf %select_n3A_166, %add3A_95 : vector<2048x128xf32>
    %jit3A_200 = arith.constant 0.000000e+00 : f32
    %broadcast_in_dim3A = vector.broadcast %jit3A_200 : f32 to vector<2048x128xf32>
    %select_n3A_201 = arith.select %lt3A_198, %mul3A_199, %broadcast_in_dim3A : vector<2048x128xi1>, vector<2048x128xf32>
    %reduce_sum3A = arith.constant dense<0.000000e+00> : vector<128xf32>
    %reduce_sum3A_202 = vector.multi_reduction <add>, %select_n3A_201, %reduce_sum3A [0] : vector<2048x128xf32> to vector<128xf32>
    %broadcast_in_dim3A_203 = vector.shape_cast %reduce_sum3A_202 : vector<128xf32> to vector<1x128xf32>
    %get3A_204 = arith.constant 0 : index
    %get3A_205 = arith.constant 0 : index
    %get3A_206 = vector.load %arg13[%get3A_204, %get3A_205] : memref<1x128xf32, #tpu.memory_space<vmem>>, vector<1x128xf32>
    %add3A_207 = arith.addf %get3A_206, %broadcast_in_dim3A_203 : vector<1x128xf32>
    %eq3A_208 = arith.constant 11 : i32
    %eq3A_209 = arith.cmpi eq, %add3A_0, %eq3A_208 : i32
    %convert_element_type3A_210 = arith.extui %eq3A_209 : i1 to i32
    %cond3A_211 = arith.constant 0 : i32
    %cond3A_212 = arith.cmpi ne, %convert_element_type3A_210, %cond3A_211 : i32
    scf.if %cond3A_212 {
      %reduce_sum3A_274 = vector.shape_cast %add3A_207 : vector<1x128xf32> to vector<1x1x128xf32>
      %reduce_sum3A_275 = arith.constant dense<0.000000e+00> : vector<1xf32>
      %reduce_sum3A_276 = vector.multi_reduction <add>, %reduce_sum3A_274, %reduce_sum3A_275 [1, 2] : vector<1x1x128xf32> to vector<1xf32>
      %reduce_sum3A_277 = vector.shape_cast %reduce_sum3A_276 : vector<1xf32> to vector<1x1x1xf32>
      %reduce_sum3A_278 = vector.extract %reduce_sum3A_277[0, 0, 0] : f32 from vector<1x1x1xf32>
      %mul3A_279 = arith.constant 1.30208332E-6 : f32
      %mul3A_280 = arith.mulf %reduce_sum3A_278, %mul3A_279 : f32
      %swap3A = arith.constant 0 : index
      %swap3A_281 = memref.load %arg14[%swap3A] : memref<8xf32, #tpu.memory_space<smem>>
      memref.store %mul3A_280, %arg14[%swap3A] : memref<8xf32, #tpu.memory_space<smem>>
      %swap3A_282 = arith.constant 0 : index
      %swap3A_283 = arith.constant 0 : index
      %swap3A_284 = memref.load %arg12[%swap3A_282, %swap3A_283] : memref<1x8xf32, #tpu.memory_space<smem>>
      memref.store %mul3A_280, %arg12[%swap3A_282, %swap3A_283] : memref<1x8xf32, #tpu.memory_space<smem>>
      %broadcast_in_dim3A_285 = arith.constant 0.000000e+00 : f32
      %broadcast_in_dim3A_286 = vector.broadcast %broadcast_in_dim3A_285 : f32 to vector<1x128xf32>
      %swap3A_287 = arith.constant 0 : index
      %swap3A_288 = arith.constant 0 : index
      %swap3A_289 = vector.load %arg13[%swap3A_287, %swap3A_288] : memref<1x128xf32, #tpu.memory_space<vmem>>, vector<1x128xf32>
      tpu.vector_store %arg13[%swap3A_287, %swap3A_288], %broadcast_in_dim3A_286 {strides = array<i32>} : memref<1x128xf32, #tpu.memory_space<vmem>>, vector<1x128xf32>,
    } else {
    }
    %eq3A_213 = arith.constant 14 : i32
    %eq3A_214 = arith.cmpi eq, %add3A_0, %eq3A_213 : i32
    %convert_element_type3A_215 = arith.extui %eq3A_214 : i1 to i32
    %cond3A_216 = arith.constant 0 : i32
    %cond3A_217 = arith.cmpi ne, %convert_element_type3A_215, %cond3A_216 : i32
    scf.if %cond3A_217 {
      %reduce_sum3A_274 = vector.shape_cast %add3A_207 : vector<1x128xf32> to vector<1x1x128xf32>
      %reduce_sum3A_275 = arith.constant dense<0.000000e+00> : vector<1xf32>
      %reduce_sum3A_276 = vector.multi_reduction <add>, %reduce_sum3A_274, %reduce_sum3A_275 [1, 2] : vector<1x1x128xf32> to vector<1xf32>
      %reduce_sum3A_277 = vector.shape_cast %reduce_sum3A_276 : vector<1xf32> to vector<1x1x1xf32>
      %reduce_sum3A_278 = vector.extract %reduce_sum3A_277[0, 0, 0] : f32 from vector<1x1x1xf32>
      %mul3A_279 = arith.constant 5.20833328E-6 : f32
      %mul3A_280 = arith.mulf %reduce_sum3A_278, %mul3A_279 : f32
      %swap3A = arith.constant 1 : index
      %swap3A_281 = memref.load %arg14[%swap3A] : memref<8xf32, #tpu.memory_space<smem>>
      memref.store %mul3A_280, %arg14[%swap3A] : memref<8xf32, #tpu.memory_space<smem>>
      %swap3A_282 = arith.constant 0 : index
      %swap3A_283 = arith.constant 1 : index
      %swap3A_284 = memref.load %arg12[%swap3A_282, %swap3A_283] : memref<1x8xf32, #tpu.memory_space<smem>>
      memref.store %mul3A_280, %arg12[%swap3A_282, %swap3A_283] : memref<1x8xf32, #tpu.memory_space<smem>>
      %broadcast_in_dim3A_285 = arith.constant 0.000000e+00 : f32
      %broadcast_in_dim3A_286 = vector.broadcast %broadcast_in_dim3A_285 : f32 to vector<1x128xf32>
      %swap3A_287 = arith.constant 0 : index
      %swap3A_288 = arith.constant 0 : index
      %swap3A_289 = vector.load %arg13[%swap3A_287, %swap3A_288] : memref<1x128xf32, #tpu.memory_space<vmem>>, vector<1x128xf32>
      tpu.vector_store %arg13[%swap3A_287, %swap3A_288], %broadcast_in_dim3A_286 {strides = array<i32>} : memref<1x128xf32, #tpu.memory_space<vmem>>, vector<1x128xf32>,
    } else {
    }
    %eq3A_218 = arith.constant 15 : i32
    %eq3A_219 = arith.cmpi eq, %add3A_0, %eq3A_218 : i32
    %convert_element_type3A_220 = arith.extui %eq3A_219 : i1 to i32
    %cond3A_221 = arith.constant 0 : i32
    %cond3A_222 = arith.cmpi ne, %convert_element_type3A_220, %cond3A_221 : i32
    scf.if %cond3A_222 {
      %reduce_sum3A_274 = vector.shape_cast %add3A_207 : vector<1x128xf32> to vector<1x1x128xf32>
      %reduce_sum3A_275 = arith.constant dense<0.000000e+00> : vector<1xf32>
      %reduce_sum3A_276 = vector.multi_reduction <add>, %reduce_sum3A_274, %reduce_sum3A_275 [1, 2] : vector<1x1x128xf32> to vector<1xf32>
      %reduce_sum3A_277 = vector.shape_cast %reduce_sum3A_276 : vector<1xf32> to vector<1x1x1xf32>
      %reduce_sum3A_278 = vector.extract %reduce_sum3A_277[0, 0, 0] : f32 from vector<1x1x1xf32>
      %mul3A_279 = arith.constant 2.08333331E-5 : f32
      %mul3A_280 = arith.mulf %reduce_sum3A_278, %mul3A_279 : f32
      %swap3A = arith.constant 2 : index
      %swap3A_281 = memref.load %arg14[%swap3A] : memref<8xf32, #tpu.memory_space<smem>>
      memref.store %mul3A_280, %arg14[%swap3A] : memref<8xf32, #tpu.memory_space<smem>>
      %swap3A_282 = arith.constant 0 : index
      %swap3A_283 = arith.constant 2 : index
      %swap3A_284 = memref.load %arg12[%swap3A_282, %swap3A_283] : memref<1x8xf32, #tpu.memory_space<smem>>
      memref.store %mul3A_280, %arg12[%swap3A_282, %swap3A_283] : memref<1x8xf32, #tpu.memory_space<smem>>
      %broadcast_in_dim3A_285 = arith.constant 0.000000e+00 : f32
      %broadcast_in_dim3A_286 = vector.broadcast %broadcast_in_dim3A_285 : f32 to vector<1x128xf32>
      %swap3A_287 = arith.constant 0 : index
      %swap3A_288 = arith.constant 0 : index
      %swap3A_289 = vector.load %arg13[%swap3A_287, %swap3A_288] : memref<1x128xf32, #tpu.memory_space<vmem>>, vector<1x128xf32>
      tpu.vector_store %arg13[%swap3A_287, %swap3A_288], %broadcast_in_dim3A_286 {strides = array<i32>} : memref<1x128xf32, #tpu.memory_space<vmem>>, vector<1x128xf32>,
    } else {
    }
    %eq3A_223 = arith.constant 17 : i32
    %eq3A_224 = arith.cmpi eq, %add3A_0, %eq3A_223 : i32
    %convert_element_type3A_225 = arith.extui %eq3A_224 : i1 to i32
    %cond3A_226 = arith.constant 0 : i32
    %cond3A_227 = arith.cmpi ne, %convert_element_type3A_225, %cond3A_226 : i32
    scf.if %cond3A_227 {
      %reduce_sum3A_274 = vector.shape_cast %add3A_207 : vector<1x128xf32> to vector<1x1x128xf32>
      %reduce_sum3A_275 = arith.constant dense<0.000000e+00> : vector<1xf32>
      %reduce_sum3A_276 = vector.multi_reduction <add>, %reduce_sum3A_274, %reduce_sum3A_275 [1, 2] : vector<1x1x128xf32> to vector<1xf32>
      %reduce_sum3A_277 = vector.shape_cast %reduce_sum3A_276 : vector<1xf32> to vector<1x1x1xf32>
      %reduce_sum3A_278 = vector.extract %reduce_sum3A_277[0, 0, 0] : f32 from vector<1x1x1xf32>
      %mul3A_279 = arith.constant 1.04166666E-5 : f32
      %mul3A_280 = arith.mulf %reduce_sum3A_278, %mul3A_279 : f32
      %swap3A = arith.constant 3 : index
      %swap3A_281 = memref.load %arg14[%swap3A] : memref<8xf32, #tpu.memory_space<smem>>
      memref.store %mul3A_280, %arg14[%swap3A] : memref<8xf32, #tpu.memory_space<smem>>
      %swap3A_282 = arith.constant 0 : index
      %swap3A_283 = arith.constant 3 : index
      %swap3A_284 = memref.load %arg12[%swap3A_282, %swap3A_283] : memref<1x8xf32, #tpu.memory_space<smem>>
      memref.store %mul3A_280, %arg12[%swap3A_282, %swap3A_283] : memref<1x8xf32, #tpu.memory_space<smem>>
      %broadcast_in_dim3A_285 = arith.constant 0.000000e+00 : f32
      %broadcast_in_dim3A_286 = vector.broadcast %broadcast_in_dim3A_285 : f32 to vector<1x128xf32>
      %swap3A_287 = arith.constant 0 : index
      %swap3A_288 = arith.constant 0 : index
      %swap3A_289 = vector.load %arg13[%swap3A_287, %swap3A_288] : memref<1x128xf32, #tpu.memory_space<vmem>>, vector<1x128xf32>
      tpu.vector_store %arg13[%swap3A_287, %swap3A_288], %broadcast_in_dim3A_286 {strides = array<i32>} : memref<1x128xf32, #tpu.memory_space<vmem>>, vector<1x128xf32>,
    } else {
    }
    %eq3A_228 = arith.constant 18 : i32
    %eq3A_229 = arith.cmpi eq, %add3A_0, %eq3A_228 : i32
    %convert_element_type3A_230 = arith.extui %eq3A_229 : i1 to i32
    %cond3A_231 = arith.constant 0 : i32
    %cond3A_232 = arith.cmpi ne, %convert_element_type3A_230, %cond3A_231 : i32
    scf.if %cond3A_232 {
      %reduce_sum3A_274 = vector.shape_cast %add3A_207 : vector<1x128xf32> to vector<1x1x128xf32>
      %reduce_sum3A_275 = arith.constant dense<0.000000e+00> : vector<1xf32>
      %reduce_sum3A_276 = vector.multi_reduction <add>, %reduce_sum3A_274, %reduce_sum3A_275 [1, 2] : vector<1x1x128xf32> to vector<1xf32>
      %reduce_sum3A_277 = vector.shape_cast %reduce_sum3A_276 : vector<1xf32> to vector<1x1x1xf32>
      %reduce_sum3A_278 = vector.extract %reduce_sum3A_277[0, 0, 0] : f32 from vector<1x1x1xf32>
      %mul3A_279 = arith.constant 2.08333331E-5 : f32
      %mul3A_280 = arith.mulf %reduce_sum3A_278, %mul3A_279 : f32
      %swap3A = arith.constant 4 : index
      %swap3A_281 = memref.load %arg14[%swap3A] : memref<8xf32, #tpu.memory_space<smem>>
      memref.store %mul3A_280, %arg14[%swap3A] : memref<8xf32, #tpu.memory_space<smem>>
      %swap3A_282 = arith.constant 0 : index
      %swap3A_283 = arith.constant 4 : index
      %swap3A_284 = memref.load %arg12[%swap3A_282, %swap3A_283] : memref<1x8xf32, #tpu.memory_space<smem>>
      memref.store %mul3A_280, %arg12[%swap3A_282, %swap3A_283] : memref<1x8xf32, #tpu.memory_space<smem>>
      %broadcast_in_dim3A_285 = arith.constant 0.000000e+00 : f32
      %broadcast_in_dim3A_286 = vector.broadcast %broadcast_in_dim3A_285 : f32 to vector<1x128xf32>
      %swap3A_287 = arith.constant 0 : index
      %swap3A_288 = arith.constant 0 : index
      %swap3A_289 = vector.load %arg13[%swap3A_287, %swap3A_288] : memref<1x128xf32, #tpu.memory_space<vmem>>, vector<1x128xf32>
      tpu.vector_store %arg13[%swap3A_287, %swap3A_288], %broadcast_in_dim3A_286 {strides = array<i32>} : memref<1x128xf32, #tpu.memory_space<vmem>>, vector<1x128xf32>,
    } else {
    }
    %eq3A_233 = arith.constant 24 : i32
    %eq3A_234 = arith.cmpi eq, %add3A_0, %eq3A_233 : i32
    %convert_element_type3A_235 = arith.extui %eq3A_234 : i1 to i32
    %cond3A_236 = arith.constant 0 : i32
    %cond3A_237 = arith.cmpi ne, %convert_element_type3A_235, %cond3A_236 : i32
    scf.if %cond3A_237 {
      %reduce_sum3A_274 = vector.shape_cast %add3A_207 : vector<1x128xf32> to vector<1x1x128xf32>
      %reduce_sum3A_275 = arith.constant dense<0.000000e+00> : vector<1xf32>
      %reduce_sum3A_276 = vector.multi_reduction <add>, %reduce_sum3A_274, %reduce_sum3A_275 [1, 2] : vector<1x1x128xf32> to vector<1xf32>
      %reduce_sum3A_277 = vector.shape_cast %reduce_sum3A_276 : vector<1xf32> to vector<1x1x1xf32>
      %reduce_sum3A_278 = vector.extract %reduce_sum3A_277[0, 0, 0] : f32 from vector<1x1x1xf32>
      %mul3A_279 = arith.constant 2.60416664E-6 : f32
      %mul3A_280 = arith.mulf %reduce_sum3A_278, %mul3A_279 : f32
      %swap3A = arith.constant 5 : index
      %swap3A_281 = memref.load %arg14[%swap3A] : memref<8xf32, #tpu.memory_space<smem>>
      memref.store %mul3A_280, %arg14[%swap3A] : memref<8xf32, #tpu.memory_space<smem>>
      %swap3A_282 = arith.constant 0 : index
      %swap3A_283 = arith.constant 5 : index
      %swap3A_284 = memref.load %arg12[%swap3A_282, %swap3A_283] : memref<1x8xf32, #tpu.memory_space<smem>>
      memref.store %mul3A_280, %arg12[%swap3A_282, %swap3A_283] : memref<1x8xf32, #tpu.memory_space<smem>>
      %broadcast_in_dim3A_285 = arith.constant 0.000000e+00 : f32
      %broadcast_in_dim3A_286 = vector.broadcast %broadcast_in_dim3A_285 : f32 to vector<1x128xf32>
      %swap3A_287 = arith.constant 0 : index
      %swap3A_288 = arith.constant 0 : index
      %swap3A_289 = vector.load %arg13[%swap3A_287, %swap3A_288] : memref<1x128xf32, #tpu.memory_space<vmem>>, vector<1x128xf32>
      tpu.vector_store %arg13[%swap3A_287, %swap3A_288], %broadcast_in_dim3A_286 {strides = array<i32>} : memref<1x128xf32, #tpu.memory_space<vmem>>, vector<1x128xf32>,
    } else {
    }
    %eq3A_238 = arith.constant 27 : i32
    %eq3A_239 = arith.cmpi eq, %add3A_0, %eq3A_238 : i32
    %convert_element_type3A_240 = arith.extui %eq3A_239 : i1 to i32
    %cond3A_241 = arith.constant 0 : i32
    %cond3A_242 = arith.cmpi ne, %convert_element_type3A_240, %cond3A_241 : i32
    scf.if %cond3A_242 {
      %reduce_sum3A_274 = vector.shape_cast %add3A_207 : vector<1x128xf32> to vector<1x1x128xf32>
      %reduce_sum3A_275 = arith.constant dense<0.000000e+00> : vector<1xf32>
      %reduce_sum3A_276 = vector.multi_reduction <add>, %reduce_sum3A_274, %reduce_sum3A_275 [1, 2] : vector<1x1x128xf32> to vector<1xf32>
      %reduce_sum3A_277 = vector.shape_cast %reduce_sum3A_276 : vector<1xf32> to vector<1x1x1xf32>
      %reduce_sum3A_278 = vector.extract %reduce_sum3A_277[0, 0, 0] : f32 from vector<1x1x1xf32>
      %mul3A_279 = arith.constant 5.20833328E-6 : f32
      %mul3A_280 = arith.mulf %reduce_sum3A_278, %mul3A_279 : f32
      %swap3A = arith.constant 6 : index
      %swap3A_281 = memref.load %arg14[%swap3A] : memref<8xf32, #tpu.memory_space<smem>>
      memref.store %mul3A_280, %arg14[%swap3A] : memref<8xf32, #tpu.memory_space<smem>>
      %swap3A_282 = arith.constant 0 : index
      %swap3A_283 = arith.constant 6 : index
      %swap3A_284 = memref.load %arg12[%swap3A_282, %swap3A_283] : memref<1x8xf32, #tpu.memory_space<smem>>
      memref.store %mul3A_280, %arg12[%swap3A_282, %swap3A_283] : memref<1x8xf32, #tpu.memory_space<smem>>
      %broadcast_in_dim3A_285 = arith.constant 0.000000e+00 : f32
      %broadcast_in_dim3A_286 = vector.broadcast %broadcast_in_dim3A_285 : f32 to vector<1x128xf32>
      %swap3A_287 = arith.constant 0 : index
      %swap3A_288 = arith.constant 0 : index
      %swap3A_289 = vector.load %arg13[%swap3A_287, %swap3A_288] : memref<1x128xf32, #tpu.memory_space<vmem>>, vector<1x128xf32>
      tpu.vector_store %arg13[%swap3A_287, %swap3A_288], %broadcast_in_dim3A_286 {strides = array<i32>} : memref<1x128xf32, #tpu.memory_space<vmem>>, vector<1x128xf32>,
    } else {
    }
    %eq3A_243 = arith.constant 51 : i32
    %eq3A_244 = arith.cmpi eq, %add3A_0, %eq3A_243 : i32
    %convert_element_type3A_245 = arith.extui %eq3A_244 : i1 to i32
    %cond3A_246 = arith.constant 0 : i32
    %cond3A_247 = arith.cmpi ne, %convert_element_type3A_245, %cond3A_246 : i32
    scf.if %cond3A_247 {
      %reduce_sum3A_274 = vector.shape_cast %add3A_207 : vector<1x128xf32> to vector<1x1x128xf32>
      %reduce_sum3A_275 = arith.constant dense<0.000000e+00> : vector<1xf32>
      %reduce_sum3A_276 = vector.multi_reduction <add>, %reduce_sum3A_274, %reduce_sum3A_275 [1, 2] : vector<1x1x128xf32> to vector<1xf32>
      %reduce_sum3A_277 = vector.shape_cast %reduce_sum3A_276 : vector<1xf32> to vector<1x1x1xf32>
      %reduce_sum3A_278 = vector.extract %reduce_sum3A_277[0, 0, 0] : f32 from vector<1x1x1xf32>
      %mul3A_279 = arith.constant 6.5104166E-7 : f32
      %mul3A_280 = arith.mulf %reduce_sum3A_278, %mul3A_279 : f32
      %swap3A = arith.constant 7 : index
      %swap3A_281 = memref.load %arg14[%swap3A] : memref<8xf32, #tpu.memory_space<smem>>
      memref.store %mul3A_280, %arg14[%swap3A] : memref<8xf32, #tpu.memory_space<smem>>
      %swap3A_282 = arith.constant 0 : index
      %swap3A_283 = arith.constant 7 : index
      %swap3A_284 = memref.load %arg12[%swap3A_282, %swap3A_283] : memref<1x8xf32, #tpu.memory_space<smem>>
      memref.store %mul3A_280, %arg12[%swap3A_282, %swap3A_283] : memref<1x8xf32, #tpu.memory_space<smem>>
      %broadcast_in_dim3A_285 = arith.constant 0.000000e+00 : f32
      %broadcast_in_dim3A_286 = vector.broadcast %broadcast_in_dim3A_285 : f32 to vector<1x128xf32>
      %swap3A_287 = arith.constant 0 : index
      %swap3A_288 = arith.constant 0 : index
      %swap3A_289 = vector.load %arg13[%swap3A_287, %swap3A_288] : memref<1x128xf32, #tpu.memory_space<vmem>>, vector<1x128xf32>
      tpu.vector_store %arg13[%swap3A_287, %swap3A_288], %broadcast_in_dim3A_286 {strides = array<i32>} : memref<1x128xf32, #tpu.memory_space<vmem>>, vector<1x128xf32>,
    } else {
    }
    %eq3A_248 = arith.constant 11 : i32
    %eq3A_249 = arith.cmpi eq, %add3A_0, %eq3A_248 : i32
    %eq3A_250 = arith.constant 14 : i32
    %eq3A_251 = arith.cmpi eq, %add3A_0, %eq3A_250 : i32
    %or3A = arith.ori %eq3A_249, %eq3A_251 : i1
    %eq3A_252 = arith.constant 15 : i32
    %eq3A_253 = arith.cmpi eq, %add3A_0, %eq3A_252 : i32
    %or3A_254 = arith.ori %or3A, %eq3A_253 : i1
    %eq3A_255 = arith.constant 17 : i32
    %eq3A_256 = arith.cmpi eq, %add3A_0, %eq3A_255 : i32
    %or3A_257 = arith.ori %or3A_254, %eq3A_256 : i1
    %eq3A_258 = arith.constant 18 : i32
    %eq3A_259 = arith.cmpi eq, %add3A_0, %eq3A_258 : i32
    %or3A_260 = arith.ori %or3A_257, %eq3A_259 : i1
    %eq3A_261 = arith.constant 24 : i32
    %eq3A_262 = arith.cmpi eq, %add3A_0, %eq3A_261 : i32
    %or3A_263 = arith.ori %or3A_260, %eq3A_262 : i1
    %eq3A_264 = arith.constant 27 : i32
    %eq3A_265 = arith.cmpi eq, %add3A_0, %eq3A_264 : i32
    %or3A_266 = arith.ori %or3A_263, %eq3A_265 : i1
    %eq3A_267 = arith.constant 51 : i32
    %eq3A_268 = arith.cmpi eq, %add3A_0, %eq3A_267 : i32
    %or3A_269 = arith.ori %or3A_266, %eq3A_268 : i1
    %not3A = arith.constant true
    %not3A_270 = arith.xori %or3A_269, %not3A : i1
    %convert_element_type3A_271 = arith.extui %not3A_270 : i1 to i32
    %cond3A_272 = arith.constant 0 : i32
    %cond3A_273 = arith.cmpi ne, %convert_element_type3A_271, %cond3A_272 : i32
    scf.if %cond3A_273 {
      %swap3A = arith.constant 0 : index
      %swap3A_274 = arith.constant 0 : index
      %swap3A_275 = vector.load %arg13[%swap3A, %swap3A_274] : memref<1x128xf32, #tpu.memory_space<vmem>>, vector<1x128xf32>
      tpu.vector_store %arg13[%swap3A, %swap3A_274], %add3A_207 {strides = array<i32>} : memref<1x128xf32, #tpu.memory_space<vmem>>, vector<1x128xf32>,
    } else {
    }
    return
  }
  func.func @transform_0(%arg0: i32) -> (i32, i32) {
    %c0_i32 = arith.constant 0 : i32
    %c0_i32_0 = arith.constant 0 : i32
    %c0_i32_1 = arith.constant 0 : i32
    return %c0_i32, %c0_i32_0 : i32, i32
  }
  func.func @transform_1(%arg0: i32) -> (i32, i32) {
    %c0_i32 = arith.constant 0 : i32
    %c0_i32_0 = arith.constant 0 : i32
    return %arg0, %c0_i32 : i32, i32
  }
  func.func @transform_2(%arg0: i32) -> (i32, i32) {
    %c0_i32 = arith.constant 0 : i32
    %c0_i32_0 = arith.constant 0 : i32
    return %arg0, %c0_i32 : i32, i32
  }
  func.func @transform_3(%arg0: i32) -> (i32, i32, i32) {
    %add3A = arith.constant 0 : i32
    %add3A_0 = arith.addi %arg0, %add3A : i32
    %ge3A = arith.constant 12 : i32
    %ge3A_1 = arith.cmpi sge, %add3A_0, %ge3A : i32
    %convert_element_type3A = arith.extui %ge3A_1 : i1 to i32
    %add3A_2 = arith.constant 0 : i32
    %add3A_3 = arith.addi %add3A_2, %convert_element_type3A : i32
    %add3A_4 = arith.constant 0 : i32
    %add3A_5 = arith.addi %arg0, %add3A_4 : i32
    %ge3A_6 = arith.constant 15 : i32
    %ge3A_7 = arith.cmpi sge, %add3A_5, %ge3A_6 : i32
    %convert_element_type3A_8 = arith.extui %ge3A_7 : i1 to i32
    %add3A_9 = arith.addi %add3A_3, %convert_element_type3A_8 : i32
    %add3A_10 = arith.constant 0 : i32
    %add3A_11 = arith.addi %arg0, %add3A_10 : i32
    %ge3A_12 = arith.constant 16 : i32
    %ge3A_13 = arith.cmpi sge, %add3A_11, %ge3A_12 : i32
    %convert_element_type3A_14 = arith.extui %ge3A_13 : i1 to i32
    %add3A_15 = arith.addi %add3A_9, %convert_element_type3A_14 : i32
    %add3A_16 = arith.constant 0 : i32
    %add3A_17 = arith.addi %arg0, %add3A_16 : i32
    %ge3A_18 = arith.constant 18 : i32
    %ge3A_19 = arith.cmpi sge, %add3A_17, %ge3A_18 : i32
    %convert_element_type3A_20 = arith.extui %ge3A_19 : i1 to i32
    %add3A_21 = arith.addi %add3A_15, %convert_element_type3A_20 : i32
    %add3A_22 = arith.constant 0 : i32
    %add3A_23 = arith.addi %arg0, %add3A_22 : i32
    %ge3A_24 = arith.constant 19 : i32
    %ge3A_25 = arith.cmpi sge, %add3A_23, %ge3A_24 : i32
    %convert_element_type3A_26 = arith.extui %ge3A_25 : i1 to i32
    %add3A_27 = arith.addi %add3A_21, %convert_element_type3A_26 : i32
    %add3A_28 = arith.constant 0 : i32
    %add3A_29 = arith.addi %arg0, %add3A_28 : i32
    %ge3A_30 = arith.constant 25 : i32
    %ge3A_31 = arith.cmpi sge, %add3A_29, %ge3A_30 : i32
    %convert_element_type3A_32 = arith.extui %ge3A_31 : i1 to i32
    %add3A_33 = arith.addi %add3A_27, %convert_element_type3A_32 : i32
    %add3A_34 = arith.constant 0 : i32
    %add3A_35 = arith.addi %arg0, %add3A_34 : i32
    %ge3A_36 = arith.constant 28 : i32
    %ge3A_37 = arith.cmpi sge, %add3A_35, %ge3A_36 : i32
    %convert_element_type3A_38 = arith.extui %ge3A_37 : i1 to i32
    %add3A_39 = arith.addi %add3A_33, %convert_element_type3A_38 : i32
    %c0_i32 = arith.constant 0 : i32
    %c0_i32_40 = arith.constant 0 : i32
    %c0_i32_41 = arith.constant 0 : i32
    return %add3A_39, %c0_i32, %c0_i32_40 : i32, i32, i32
  }
  func.func @transform_4(%arg0: i32) -> (i32, i32, i32) {
    %add3A = arith.constant 0 : i32
    %add3A_0 = arith.addi %arg0, %add3A : i32
    %ge3A = arith.constant 12 : i32
    %ge3A_1 = arith.cmpi sge, %add3A_0, %ge3A : i32
    %convert_element_type3A = arith.extui %ge3A_1 : i1 to i32
    %add3A_2 = arith.constant 0 : i32
    %add3A_3 = arith.addi %add3A_2, %convert_element_type3A : i32
    %add3A_4 = arith.constant 0 : i32
    %add3A_5 = arith.addi %arg0, %add3A_4 : i32
    %ge3A_6 = arith.constant 15 : i32
    %ge3A_7 = arith.cmpi sge, %add3A_5, %ge3A_6 : i32
    %convert_element_type3A_8 = arith.extui %ge3A_7 : i1 to i32
    %add3A_9 = arith.addi %add3A_3, %convert_element_type3A_8 : i32
    %add3A_10 = arith.constant 0 : i32
    %add3A_11 = arith.addi %arg0, %add3A_10 : i32
    %ge3A_12 = arith.constant 16 : i32
    %ge3A_13 = arith.cmpi sge, %add3A_11, %ge3A_12 : i32
    %convert_element_type3A_14 = arith.extui %ge3A_13 : i1 to i32
    %add3A_15 = arith.addi %add3A_9, %convert_element_type3A_14 : i32
    %add3A_16 = arith.constant 0 : i32
    %add3A_17 = arith.addi %arg0, %add3A_16 : i32
    %ge3A_18 = arith.constant 18 : i32
    %ge3A_19 = arith.cmpi sge, %add3A_17, %ge3A_18 : i32
    %convert_element_type3A_20 = arith.extui %ge3A_19 : i1 to i32
    %add3A_21 = arith.addi %add3A_15, %convert_element_type3A_20 : i32
    %add3A_22 = arith.constant 0 : i32
    %add3A_23 = arith.addi %arg0, %add3A_22 : i32
    %ge3A_24 = arith.constant 19 : i32
    %ge3A_25 = arith.cmpi sge, %add3A_23, %ge3A_24 : i32
    %convert_element_type3A_26 = arith.extui %ge3A_25 : i1 to i32
    %add3A_27 = arith.addi %add3A_21, %convert_element_type3A_26 : i32
    %add3A_28 = arith.constant 0 : i32
    %add3A_29 = arith.addi %arg0, %add3A_28 : i32
    %ge3A_30 = arith.constant 25 : i32
    %ge3A_31 = arith.cmpi sge, %add3A_29, %ge3A_30 : i32
    %convert_element_type3A_32 = arith.extui %ge3A_31 : i1 to i32
    %add3A_33 = arith.addi %add3A_27, %convert_element_type3A_32 : i32
    %add3A_34 = arith.constant 0 : i32
    %add3A_35 = arith.addi %arg0, %add3A_34 : i32
    %ge3A_36 = arith.constant 28 : i32
    %ge3A_37 = arith.cmpi sge, %add3A_35, %ge3A_36 : i32
    %convert_element_type3A_38 = arith.extui %ge3A_37 : i1 to i32
    %add3A_39 = arith.addi %add3A_33, %convert_element_type3A_38 : i32
    %c0_i32 = arith.constant 0 : i32
    %c0_i32_40 = arith.constant 0 : i32
    %c0_i32_41 = arith.constant 0 : i32
    return %add3A_39, %c0_i32, %c0_i32_40 : i32, i32, i32
  }
  func.func @transform_5(%arg0: i32) -> (i32, i32, i32) {
    %add3A = arith.constant 0 : i32
    %add3A_0 = arith.addi %arg0, %add3A : i32
    %ge3A = arith.constant 12 : i32
    %ge3A_1 = arith.cmpi sge, %add3A_0, %ge3A : i32
    %convert_element_type3A = arith.extui %ge3A_1 : i1 to i32
    %add3A_2 = arith.constant 0 : i32
    %add3A_3 = arith.addi %add3A_2, %convert_element_type3A : i32
    %add3A_4 = arith.constant 0 : i32
    %add3A_5 = arith.addi %arg0, %add3A_4 : i32
    %ge3A_6 = arith.constant 15 : i32
    %ge3A_7 = arith.cmpi sge, %add3A_5, %ge3A_6 : i32
    %convert_element_type3A_8 = arith.extui %ge3A_7 : i1 to i32
    %add3A_9 = arith.addi %add3A_3, %convert_element_type3A_8 : i32
    %add3A_10 = arith.constant 0 : i32
    %add3A_11 = arith.addi %arg0, %add3A_10 : i32
    %ge3A_12 = arith.constant 16 : i32
    %ge3A_13 = arith.cmpi sge, %add3A_11, %ge3A_12 : i32
    %convert_element_type3A_14 = arith.extui %ge3A_13 : i1 to i32
    %add3A_15 = arith.addi %add3A_9, %convert_element_type3A_14 : i32
    %add3A_16 = arith.constant 0 : i32
    %add3A_17 = arith.addi %arg0, %add3A_16 : i32
    %ge3A_18 = arith.constant 18 : i32
    %ge3A_19 = arith.cmpi sge, %add3A_17, %ge3A_18 : i32
    %convert_element_type3A_20 = arith.extui %ge3A_19 : i1 to i32
    %add3A_21 = arith.addi %add3A_15, %convert_element_type3A_20 : i32
    %add3A_22 = arith.constant 0 : i32
    %add3A_23 = arith.addi %arg0, %add3A_22 : i32
    %ge3A_24 = arith.constant 19 : i32
    %ge3A_25 = arith.cmpi sge, %add3A_23, %ge3A_24 : i32
    %convert_element_type3A_26 = arith.extui %ge3A_25 : i1 to i32
    %add3A_27 = arith.addi %add3A_21, %convert_element_type3A_26 : i32
    %add3A_28 = arith.constant 0 : i32
    %add3A_29 = arith.addi %arg0, %add3A_28 : i32
    %ge3A_30 = arith.constant 25 : i32
    %ge3A_31 = arith.cmpi sge, %add3A_29, %ge3A_30 : i32
    %convert_element_type3A_32 = arith.extui %ge3A_31 : i1 to i32
    %add3A_33 = arith.addi %add3A_27, %convert_element_type3A_32 : i32
    %add3A_34 = arith.constant 0 : i32
    %add3A_35 = arith.addi %arg0, %add3A_34 : i32
    %ge3A_36 = arith.constant 28 : i32
    %ge3A_37 = arith.cmpi sge, %add3A_35, %ge3A_36 : i32
    %convert_element_type3A_38 = arith.extui %ge3A_37 : i1 to i32
    %add3A_39 = arith.addi %add3A_33, %convert_element_type3A_38 : i32
    %c0_i32 = arith.constant 0 : i32
    %c0_i32_40 = arith.constant 0 : i32
    %c0_i32_41 = arith.constant 0 : i32
    return %add3A_39, %c0_i32, %c0_i32_40 : i32, i32, i32
  }
  func.func @transform_6(%arg0: i32) -> (i32, i32, i32) {
    %add3A = arith.constant 0 : i32
    %add3A_0 = arith.addi %arg0, %add3A : i32
    %ge3A = arith.constant 12 : i32
    %ge3A_1 = arith.cmpi sge, %add3A_0, %ge3A : i32
    %convert_element_type3A = arith.extui %ge3A_1 : i1 to i32
    %add3A_2 = arith.constant 0 : i32
    %add3A_3 = arith.addi %add3A_2, %convert_element_type3A : i32
    %add3A_4 = arith.constant 0 : i32
    %add3A_5 = arith.addi %arg0, %add3A_4 : i32
    %ge3A_6 = arith.constant 15 : i32
    %ge3A_7 = arith.cmpi sge, %add3A_5, %ge3A_6 : i32
    %convert_element_type3A_8 = arith.extui %ge3A_7 : i1 to i32
    %add3A_9 = arith.addi %add3A_3, %convert_element_type3A_8 : i32
    %add3A_10 = arith.constant 0 : i32
    %add3A_11 = arith.addi %arg0, %add3A_10 : i32
    %ge3A_12 = arith.constant 16 : i32
    %ge3A_13 = arith.cmpi sge, %add3A_11, %ge3A_12 : i32
    %convert_element_type3A_14 = arith.extui %ge3A_13 : i1 to i32
    %add3A_15 = arith.addi %add3A_9, %convert_element_type3A_14 : i32
    %add3A_16 = arith.constant 0 : i32
    %add3A_17 = arith.addi %arg0, %add3A_16 : i32
    %ge3A_18 = arith.constant 18 : i32
    %ge3A_19 = arith.cmpi sge, %add3A_17, %ge3A_18 : i32
    %convert_element_type3A_20 = arith.extui %ge3A_19 : i1 to i32
    %add3A_21 = arith.addi %add3A_15, %convert_element_type3A_20 : i32
    %add3A_22 = arith.constant 0 : i32
    %add3A_23 = arith.addi %arg0, %add3A_22 : i32
    %ge3A_24 = arith.constant 19 : i32
    %ge3A_25 = arith.cmpi sge, %add3A_23, %ge3A_24 : i32
    %convert_element_type3A_26 = arith.extui %ge3A_25 : i1 to i32
    %add3A_27 = arith.addi %add3A_21, %convert_element_type3A_26 : i32
    %add3A_28 = arith.constant 0 : i32
    %add3A_29 = arith.addi %arg0, %add3A_28 : i32
    %ge3A_30 = arith.constant 25 : i32
    %ge3A_31 = arith.cmpi sge, %add3A_29, %ge3A_30 : i32
    %convert_element_type3A_32 = arith.extui %ge3A_31 : i1 to i32
    %add3A_33 = arith.addi %add3A_27, %convert_element_type3A_32 : i32
    %add3A_34 = arith.constant 0 : i32
    %add3A_35 = arith.addi %arg0, %add3A_34 : i32
    %ge3A_36 = arith.constant 28 : i32
    %ge3A_37 = arith.cmpi sge, %add3A_35, %ge3A_36 : i32
    %convert_element_type3A_38 = arith.extui %ge3A_37 : i1 to i32
    %add3A_39 = arith.addi %add3A_33, %convert_element_type3A_38 : i32
    %c0_i32 = arith.constant 0 : i32
    %c0_i32_40 = arith.constant 0 : i32
    %c0_i32_41 = arith.constant 0 : i32
    return %add3A_39, %c0_i32, %c0_i32_40 : i32, i32, i32
  }
  func.func @transform_7(%arg0: i32) -> (i32, i32, i32) {
    %add3A = arith.constant 0 : i32
    %add3A_0 = arith.addi %arg0, %add3A : i32
    %ge3A = arith.constant 12 : i32
    %ge3A_1 = arith.cmpi sge, %add3A_0, %ge3A : i32
    %convert_element_type3A = arith.extui %ge3A_1 : i1 to i32
    %add3A_2 = arith.constant 0 : i32
    %add3A_3 = arith.addi %add3A_2, %convert_element_type3A : i32
    %add3A_4 = arith.constant 0 : i32
    %add3A_5 = arith.addi %arg0, %add3A_4 : i32
    %ge3A_6 = arith.constant 15 : i32
    %ge3A_7 = arith.cmpi sge, %add3A_5, %ge3A_6 : i32
    %convert_element_type3A_8 = arith.extui %ge3A_7 : i1 to i32
    %add3A_9 = arith.addi %add3A_3, %convert_element_type3A_8 : i32
    %add3A_10 = arith.constant 0 : i32
    %add3A_11 = arith.addi %arg0, %add3A_10 : i32
    %ge3A_12 = arith.constant 16 : i32
    %ge3A_13 = arith.cmpi sge, %add3A_11, %ge3A_12 : i32
    %convert_element_type3A_14 = arith.extui %ge3A_13 : i1 to i32
    %add3A_15 = arith.addi %add3A_9, %convert_element_type3A_14 : i32
    %add3A_16 = arith.constant 0 : i32
    %add3A_17 = arith.addi %arg0, %add3A_16 : i32
    %ge3A_18 = arith.constant 18 : i32
    %ge3A_19 = arith.cmpi sge, %add3A_17, %ge3A_18 : i32
    %convert_element_type3A_20 = arith.extui %ge3A_19 : i1 to i32
    %add3A_21 = arith.addi %add3A_15, %convert_element_type3A_20 : i32
    %add3A_22 = arith.constant 0 : i32
    %add3A_23 = arith.addi %arg0, %add3A_22 : i32
    %ge3A_24 = arith.constant 19 : i32
    %ge3A_25 = arith.cmpi sge, %add3A_23, %ge3A_24 : i32
    %convert_element_type3A_26 = arith.extui %ge3A_25 : i1 to i32
    %add3A_27 = arith.addi %add3A_21, %convert_element_type3A_26 : i32
    %add3A_28 = arith.constant 0 : i32
    %add3A_29 = arith.addi %arg0, %add3A_28 : i32
    %ge3A_30 = arith.constant 25 : i32
    %ge3A_31 = arith.cmpi sge, %add3A_29, %ge3A_30 : i32
    %convert_element_type3A_32 = arith.extui %ge3A_31 : i1 to i32
    %add3A_33 = arith.addi %add3A_27, %convert_element_type3A_32 : i32
    %add3A_34 = arith.constant 0 : i32
    %add3A_35 = arith.addi %arg0, %add3A_34 : i32
    %ge3A_36 = arith.constant 28 : i32
    %ge3A_37 = arith.cmpi sge, %add3A_35, %ge3A_36 : i32
    %convert_element_type3A_38 = arith.extui %ge3A_37 : i1 to i32
    %add3A_39 = arith.addi %add3A_33, %convert_element_type3A_38 : i32
    %c0_i32 = arith.constant 0 : i32
    %c0_i32_40 = arith.constant 0 : i32
    %c0_i32_41 = arith.constant 0 : i32
    return %add3A_39, %c0_i32, %c0_i32_40 : i32, i32, i32
  }
  func.func @transform_8(%arg0: i32) -> (i32, i32, i32) {
    %add3A = arith.constant 0 : i32
    %add3A_0 = arith.addi %arg0, %add3A : i32
    %ge3A = arith.constant 12 : i32
    %ge3A_1 = arith.cmpi sge, %add3A_0, %ge3A : i32
    %convert_element_type3A = arith.extui %ge3A_1 : i1 to i32
    %add3A_2 = arith.constant 0 : i32
    %add3A_3 = arith.addi %add3A_2, %convert_element_type3A : i32
    %add3A_4 = arith.constant 0 : i32
    %add3A_5 = arith.addi %arg0, %add3A_4 : i32
    %ge3A_6 = arith.constant 15 : i32
    %ge3A_7 = arith.cmpi sge, %add3A_5, %ge3A_6 : i32
    %convert_element_type3A_8 = arith.extui %ge3A_7 : i1 to i32
    %add3A_9 = arith.addi %add3A_3, %convert_element_type3A_8 : i32
    %add3A_10 = arith.constant 0 : i32
    %add3A_11 = arith.addi %arg0, %add3A_10 : i32
    %ge3A_12 = arith.constant 16 : i32
    %ge3A_13 = arith.cmpi sge, %add3A_11, %ge3A_12 : i32
    %convert_element_type3A_14 = arith.extui %ge3A_13 : i1 to i32
    %add3A_15 = arith.addi %add3A_9, %convert_element_type3A_14 : i32
    %add3A_16 = arith.constant 0 : i32
    %add3A_17 = arith.addi %arg0, %add3A_16 : i32
    %ge3A_18 = arith.constant 18 : i32
    %ge3A_19 = arith.cmpi sge, %add3A_17, %ge3A_18 : i32
    %convert_element_type3A_20 = arith.extui %ge3A_19 : i1 to i32
    %add3A_21 = arith.addi %add3A_15, %convert_element_type3A_20 : i32
    %add3A_22 = arith.constant 0 : i32
    %add3A_23 = arith.addi %arg0, %add3A_22 : i32
    %ge3A_24 = arith.constant 19 : i32
    %ge3A_25 = arith.cmpi sge, %add3A_23, %ge3A_24 : i32
    %convert_element_type3A_26 = arith.extui %ge3A_25 : i1 to i32
    %add3A_27 = arith.addi %add3A_21, %convert_element_type3A_26 : i32
    %add3A_28 = arith.constant 0 : i32
    %add3A_29 = arith.addi %arg0, %add3A_28 : i32
    %ge3A_30 = arith.constant 25 : i32
    %ge3A_31 = arith.cmpi sge, %add3A_29, %ge3A_30 : i32
    %convert_element_type3A_32 = arith.extui %ge3A_31 : i1 to i32
    %add3A_33 = arith.addi %add3A_27, %convert_element_type3A_32 : i32
    %add3A_34 = arith.constant 0 : i32
    %add3A_35 = arith.addi %arg0, %add3A_34 : i32
    %ge3A_36 = arith.constant 28 : i32
    %ge3A_37 = arith.cmpi sge, %add3A_35, %ge3A_36 : i32
    %convert_element_type3A_38 = arith.extui %ge3A_37 : i1 to i32
    %add3A_39 = arith.addi %add3A_33, %convert_element_type3A_38 : i32
    %c0_i32 = arith.constant 0 : i32
    %c0_i32_40 = arith.constant 0 : i32
    %c0_i32_41 = arith.constant 0 : i32
    return %add3A_39, %c0_i32, %c0_i32_40 : i32, i32, i32
  }
  func.func @transform_9(%arg0: i32) -> (i32, i32, i32) {
    %add3A = arith.constant 0 : i32
    %add3A_0 = arith.addi %arg0, %add3A : i32
    %ge3A = arith.constant 12 : i32
    %ge3A_1 = arith.cmpi sge, %add3A_0, %ge3A : i32
    %convert_element_type3A = arith.extui %ge3A_1 : i1 to i32
    %add3A_2 = arith.constant 0 : i32
    %add3A_3 = arith.addi %add3A_2, %convert_element_type3A : i32
    %add3A_4 = arith.constant 0 : i32
    %add3A_5 = arith.addi %arg0, %add3A_4 : i32
    %ge3A_6 = arith.constant 15 : i32
    %ge3A_7 = arith.cmpi sge, %add3A_5, %ge3A_6 : i32
    %convert_element_type3A_8 = arith.extui %ge3A_7 : i1 to i32
    %add3A_9 = arith.addi %add3A_3, %convert_element_type3A_8 : i32
    %add3A_10 = arith.constant 0 : i32
    %add3A_11 = arith.addi %arg0, %add3A_10 : i32
    %ge3A_12 = arith.constant 16 : i32
    %ge3A_13 = arith.cmpi sge, %add3A_11, %ge3A_12 : i32
    %convert_element_type3A_14 = arith.extui %ge3A_13 : i1 to i32
    %add3A_15 = arith.addi %add3A_9, %convert_element_type3A_14 : i32
    %add3A_16 = arith.constant 0 : i32
    %add3A_17 = arith.addi %arg0, %add3A_16 : i32
    %ge3A_18 = arith.constant 18 : i32
    %ge3A_19 = arith.cmpi sge, %add3A_17, %ge3A_18 : i32
    %convert_element_type3A_20 = arith.extui %ge3A_19 : i1 to i32
    %add3A_21 = arith.addi %add3A_15, %convert_element_type3A_20 : i32
    %add3A_22 = arith.constant 0 : i32
    %add3A_23 = arith.addi %arg0, %add3A_22 : i32
    %ge3A_24 = arith.constant 19 : i32
    %ge3A_25 = arith.cmpi sge, %add3A_23, %ge3A_24 : i32
    %convert_element_type3A_26 = arith.extui %ge3A_25 : i1 to i32
    %add3A_27 = arith.addi %add3A_21, %convert_element_type3A_26 : i32
    %add3A_28 = arith.constant 0 : i32
    %add3A_29 = arith.addi %arg0, %add3A_28 : i32
    %ge3A_30 = arith.constant 25 : i32
    %ge3A_31 = arith.cmpi sge, %add3A_29, %ge3A_30 : i32
    %convert_element_type3A_32 = arith.extui %ge3A_31 : i1 to i32
    %add3A_33 = arith.addi %add3A_27, %convert_element_type3A_32 : i32
    %add3A_34 = arith.constant 0 : i32
    %add3A_35 = arith.addi %arg0, %add3A_34 : i32
    %ge3A_36 = arith.constant 28 : i32
    %ge3A_37 = arith.cmpi sge, %add3A_35, %ge3A_36 : i32
    %convert_element_type3A_38 = arith.extui %ge3A_37 : i1 to i32
    %add3A_39 = arith.addi %add3A_33, %convert_element_type3A_38 : i32
    %c0_i32 = arith.constant 0 : i32
    %c0_i32_40 = arith.constant 0 : i32
    %c0_i32_41 = arith.constant 0 : i32
    return %add3A_39, %c0_i32, %c0_i32_40 : i32, i32, i32
  }
  func.func @transform_10(%arg0: i32) -> (i32, i32, i32) {
    %add3A = arith.constant 0 : i32
    %add3A_0 = arith.addi %arg0, %add3A : i32
    %ge3A = arith.constant 12 : i32
    %ge3A_1 = arith.cmpi sge, %add3A_0, %ge3A : i32
    %convert_element_type3A = arith.extui %ge3A_1 : i1 to i32
    %add3A_2 = arith.constant 0 : i32
    %add3A_3 = arith.addi %add3A_2, %convert_element_type3A : i32
    %add3A_4 = arith.constant 0 : i32
    %add3A_5 = arith.addi %arg0, %add3A_4 : i32
    %ge3A_6 = arith.constant 15 : i32
    %ge3A_7 = arith.cmpi sge, %add3A_5, %ge3A_6 : i32
    %convert_element_type3A_8 = arith.extui %ge3A_7 : i1 to i32
    %add3A_9 = arith.addi %add3A_3, %convert_element_type3A_8 : i32
    %add3A_10 = arith.constant 0 : i32
    %add3A_11 = arith.addi %arg0, %add3A_10 : i32
    %ge3A_12 = arith.constant 16 : i32
    %ge3A_13 = arith.cmpi sge, %add3A_11, %ge3A_12 : i32
    %convert_element_type3A_14 = arith.extui %ge3A_13 : i1 to i32
    %add3A_15 = arith.addi %add3A_9, %convert_element_type3A_14 : i32
    %add3A_16 = arith.constant 0 : i32
    %add3A_17 = arith.addi %arg0, %add3A_16 : i32
    %ge3A_18 = arith.constant 18 : i32
    %ge3A_19 = arith.cmpi sge, %add3A_17, %ge3A_18 : i32
    %convert_element_type3A_20 = arith.extui %ge3A_19 : i1 to i32
    %add3A_21 = arith.addi %add3A_15, %convert_element_type3A_20 : i32
    %add3A_22 = arith.constant 0 : i32
    %add3A_23 = arith.addi %arg0, %add3A_22 : i32
    %ge3A_24 = arith.constant 19 : i32
    %ge3A_25 = arith.cmpi sge, %add3A_23, %ge3A_24 : i32
    %convert_element_type3A_26 = arith.extui %ge3A_25 : i1 to i32
    %add3A_27 = arith.addi %add3A_21, %convert_element_type3A_26 : i32
    %add3A_28 = arith.constant 0 : i32
    %add3A_29 = arith.addi %arg0, %add3A_28 : i32
    %ge3A_30 = arith.constant 25 : i32
    %ge3A_31 = arith.cmpi sge, %add3A_29, %ge3A_30 : i32
    %convert_element_type3A_32 = arith.extui %ge3A_31 : i1 to i32
    %add3A_33 = arith.addi %add3A_27, %convert_element_type3A_32 : i32
    %add3A_34 = arith.constant 0 : i32
    %add3A_35 = arith.addi %arg0, %add3A_34 : i32
    %ge3A_36 = arith.constant 28 : i32
    %ge3A_37 = arith.cmpi sge, %add3A_35, %ge3A_36 : i32
    %convert_element_type3A_38 = arith.extui %ge3A_37 : i1 to i32
    %add3A_39 = arith.addi %add3A_33, %convert_element_type3A_38 : i32
    %c0_i32 = arith.constant 0 : i32
    %c0_i32_40 = arith.constant 0 : i32
    %c0_i32_41 = arith.constant 0 : i32
    return %add3A_39, %c0_i32, %c0_i32_40 : i32, i32, i32
  }
  func.func @transform_11(%arg0: i32) -> (i32, i32) {
    %c0_i32 = arith.constant 0 : i32
    %c0_i32_0 = arith.constant 0 : i32
    %c0_i32_1 = arith.constant 0 : i32
    return %c0_i32, %c0_i32_0 : i32, i32
  }
}

module attributes {stable_mosaic.version = 14 : i64} {
  func.func @_chain_body(%arg0: i32, %arg1: memref<1x8xf32, #tpu.memory_space<smem>>, %arg2: memref<2048x8xf32, #tpu.memory_space<vmem>>, %arg3: memref<2048x128xf32, #tpu.memory_space<vmem>>, %arg4: memref<1x8x8xf32, #tpu.memory_space<vmem>>, %arg5: memref<1x1x8xf32, #tpu.memory_space<vmem>>, %arg6: memref<1x8x128xf32, #tpu.memory_space<vmem>>, %arg7: memref<1x1x128xf32, #tpu.memory_space<vmem>>, %arg8: memref<1x128x128xf32, #tpu.memory_space<vmem>>, %arg9: memref<1x1x128xf32, #tpu.memory_space<vmem>>, %arg10: memref<1x128x128xf32, #tpu.memory_space<vmem>>, %arg11: memref<1x1x128xf32, #tpu.memory_space<vmem>>, %arg12: memref<1x8xf32, #tpu.memory_space<smem>>, %arg13: memref<1x128xf32, #tpu.memory_space<vmem>>, %arg14: memref<8xf32, #tpu.memory_space<smem>>) attributes {dimension_semantics = [#tpu.dimension_semantics<arbitrary>], iteration_bounds = array<i64: 16>, scalar_prefetch = 0 : i64, scratch_operands = 2 : i64, tpu.core_type = #tpu.core_type<tc>, window_params = [{transform_indices = @transform_0, window_bounds = array<i64: 1, 8>}, {transform_indices = @transform_1, window_bounds = array<i64: 2048, 8>}, {transform_indices = @transform_2, window_bounds = array<i64: 2048, 128>}, {transform_indices = @transform_3, window_bounds = array<i64: 1, 8, 8>}, {transform_indices = @transform_4, window_bounds = array<i64: 1, 1, 8>}, {transform_indices = @transform_5, window_bounds = array<i64: 1, 8, 128>}, {transform_indices = @transform_6, window_bounds = array<i64: 1, 1, 128>}, {transform_indices = @transform_7, window_bounds = array<i64: 1, 128, 128>}, {transform_indices = @transform_8, window_bounds = array<i64: 1, 1, 128>}, {transform_indices = @transform_9, window_bounds = array<i64: 1, 128, 128>}, {transform_indices = @transform_10, window_bounds = array<i64: 1, 1, 128>}, {transform_indices = @transform_11, window_bounds = array<i64: 1, 8>}]} {
    %add3A = arith.constant 12 : i32
    %add3A_0 = arith.addi %arg0, %add3A : i32
    %ge3A = arith.constant 12 : i32
    %ge3A_1 = arith.cmpi sge, %add3A_0, %ge3A : i32
    %convert_element_type3A = arith.extui %ge3A_1 : i1 to i32
    %add3A_2 = arith.constant 0 : i32
    %add3A_3 = arith.addi %add3A_2, %convert_element_type3A : i32
    %ge3A_4 = arith.constant 15 : i32
    %ge3A_5 = arith.cmpi sge, %add3A_0, %ge3A_4 : i32
    %convert_element_type3A_6 = arith.extui %ge3A_5 : i1 to i32
    %add3A_7 = arith.addi %add3A_3, %convert_element_type3A_6 : i32
    %ge3A_8 = arith.constant 16 : i32
    %ge3A_9 = arith.cmpi sge, %add3A_0, %ge3A_8 : i32
    %convert_element_type3A_10 = arith.extui %ge3A_9 : i1 to i32
    %add3A_11 = arith.addi %add3A_7, %convert_element_type3A_10 : i32
    %ge3A_12 = arith.constant 18 : i32
    %ge3A_13 = arith.cmpi sge, %add3A_0, %ge3A_12 : i32
    %convert_element_type3A_14 = arith.extui %ge3A_13 : i1 to i32
    %add3A_15 = arith.addi %add3A_11, %convert_element_type3A_14 : i32
    %ge3A_16 = arith.constant 19 : i32
    %ge3A_17 = arith.cmpi sge, %add3A_0, %ge3A_16 : i32
    %convert_element_type3A_18 = arith.extui %ge3A_17 : i1 to i32
    %add3A_19 = arith.addi %add3A_15, %convert_element_type3A_18 : i32
    %ge3A_20 = arith.constant 25 : i32
    %ge3A_21 = arith.cmpi sge, %add3A_0, %ge3A_20 : i32
    %convert_element_type3A_22 = arith.extui %ge3A_21 : i1 to i32
    %add3A_23 = arith.addi %add3A_19, %convert_element_type3A_22 : i32
    %ge3A_24 = arith.constant 28 : i32
    %ge3A_25 = arith.cmpi sge, %add3A_0, %ge3A_24 : i32
    %convert_element_type3A_26 = arith.extui %ge3A_25 : i1 to i32
    %add3A_27 = arith.addi %add3A_23, %convert_element_type3A_26 : i32
    %eq3A = arith.constant 0 : i32
    %eq3A_28 = arith.cmpi eq, %arg0, %eq3A : i32
    %convert_element_type3A_29 = arith.extui %eq3A_28 : i1 to i32
    %cond3A = arith.constant 0 : i32
    %cond3A_30 = arith.cmpi ne, %convert_element_type3A_29, %cond3A : i32
    scf.if %cond3A_30 {
      %broadcast_in_dim3A_274 = arith.constant 0.000000e+00 : f32
      %broadcast_in_dim3A_275 = vector.broadcast %broadcast_in_dim3A_274 : f32 to vector<1x128xf32>
      %swap3A = arith.constant 0 : index
      %swap3A_276 = arith.constant 0 : index
      %swap3A_277 = vector.load %arg13[%swap3A, %swap3A_276] : memref<1x128xf32, #tpu.memory_space<vmem>>, vector<1x128xf32>
      tpu.vector_store %arg13[%swap3A, %swap3A_276], %broadcast_in_dim3A_275 {strides = array<i32>} : memref<1x128xf32, #tpu.memory_space<vmem>>, vector<1x128xf32>,
      %get3A_278 = arith.constant 0 : index
      %get3A_279 = arith.constant 0 : index
      %get3A_280 = memref.load %arg1[%get3A_278, %get3A_279] : memref<1x8xf32, #tpu.memory_space<smem>>
      %swap3A_281 = arith.constant 0 : index
      %swap3A_282 = memref.load %arg14[%swap3A_281] : memref<8xf32, #tpu.memory_space<smem>>
      memref.store %get3A_280, %arg14[%swap3A_281] : memref<8xf32, #tpu.memory_space<smem>>
      %get3A_283 = arith.constant 0 : index
      %get3A_284 = arith.constant 0 : index
      %get3A_285 = memref.load %arg1[%get3A_283, %get3A_284] : memref<1x8xf32, #tpu.memory_space<smem>>
      %swap3A_286 = arith.constant 0 : index
      %swap3A_287 = arith.constant 0 : index
      %swap3A_288 = memref.load %arg12[%swap3A_286, %swap3A_287] : memref<1x8xf32, #tpu.memory_space<smem>>
      memref.store %get3A_285, %arg12[%swap3A_286, %swap3A_287] : memref<1x8xf32, #tpu.memory_space<smem>>
      %get3A_289 = arith.constant 0 : index
      %get3A_290 = arith.constant 1 : index
      %get3A_291 = memref.load %arg1[%get3A_289, %get3A_290] : memref<1x8xf32, #tpu.memory_space<smem>>
      %swap3A_292 = arith.constant 1 : index
      %swap3A_293 = memref.load %arg14[%swap3A_292] : memref<8xf32, #tpu.memory_space<smem>>
      memref.store %get3A_291, %arg14[%swap3A_292] : memref<8xf32, #tpu.memory_space<smem>>
      %get3A_294 = arith.constant 0 : index
      %get3A_295 = arith.constant 1 : index
      %get3A_296 = memref.load %arg1[%get3A_294, %get3A_295] : memref<1x8xf32, #tpu.memory_space<smem>>
      %swap3A_297 = arith.constant 0 : index
      %swap3A_298 = arith.constant 1 : index
      %swap3A_299 = memref.load %arg12[%swap3A_297, %swap3A_298] : memref<1x8xf32, #tpu.memory_space<smem>>
      memref.store %get3A_296, %arg12[%swap3A_297, %swap3A_298] : memref<1x8xf32, #tpu.memory_space<smem>>
      %get3A_300 = arith.constant 0 : index
      %get3A_301 = arith.constant 2 : index
      %get3A_302 = memref.load %arg1[%get3A_300, %get3A_301] : memref<1x8xf32, #tpu.memory_space<smem>>
      %swap3A_303 = arith.constant 2 : index
      %swap3A_304 = memref.load %arg14[%swap3A_303] : memref<8xf32, #tpu.memory_space<smem>>
      memref.store %get3A_302, %arg14[%swap3A_303] : memref<8xf32, #tpu.memory_space<smem>>
      %get3A_305 = arith.constant 0 : index
      %get3A_306 = arith.constant 2 : index
      %get3A_307 = memref.load %arg1[%get3A_305, %get3A_306] : memref<1x8xf32, #tpu.memory_space<smem>>
      %swap3A_308 = arith.constant 0 : index
      %swap3A_309 = arith.constant 2 : index
      %swap3A_310 = memref.load %arg12[%swap3A_308, %swap3A_309] : memref<1x8xf32, #tpu.memory_space<smem>>
      memref.store %get3A_307, %arg12[%swap3A_308, %swap3A_309] : memref<1x8xf32, #tpu.memory_space<smem>>
      %get3A_311 = arith.constant 0 : index
      %get3A_312 = arith.constant 3 : index
      %get3A_313 = memref.load %arg1[%get3A_311, %get3A_312] : memref<1x8xf32, #tpu.memory_space<smem>>
      %swap3A_314 = arith.constant 3 : index
      %swap3A_315 = memref.load %arg14[%swap3A_314] : memref<8xf32, #tpu.memory_space<smem>>
      memref.store %get3A_313, %arg14[%swap3A_314] : memref<8xf32, #tpu.memory_space<smem>>
      %get3A_316 = arith.constant 0 : index
      %get3A_317 = arith.constant 3 : index
      %get3A_318 = memref.load %arg1[%get3A_316, %get3A_317] : memref<1x8xf32, #tpu.memory_space<smem>>
      %swap3A_319 = arith.constant 0 : index
      %swap3A_320 = arith.constant 3 : index
      %swap3A_321 = memref.load %arg12[%swap3A_319, %swap3A_320] : memref<1x8xf32, #tpu.memory_space<smem>>
      memref.store %get3A_318, %arg12[%swap3A_319, %swap3A_320] : memref<1x8xf32, #tpu.memory_space<smem>>
      %get3A_322 = arith.constant 0 : index
      %get3A_323 = arith.constant 4 : index
      %get3A_324 = memref.load %arg1[%get3A_322, %get3A_323] : memref<1x8xf32, #tpu.memory_space<smem>>
      %swap3A_325 = arith.constant 4 : index
      %swap3A_326 = memref.load %arg14[%swap3A_325] : memref<8xf32, #tpu.memory_space<smem>>
      memref.store %get3A_324, %arg14[%swap3A_325] : memref<8xf32, #tpu.memory_space<smem>>
      %get3A_327 = arith.constant 0 : index
      %get3A_328 = arith.constant 4 : index
      %get3A_329 = memref.load %arg1[%get3A_327, %get3A_328] : memref<1x8xf32, #tpu.memory_space<smem>>
      %swap3A_330 = arith.constant 0 : index
      %swap3A_331 = arith.constant 4 : index
      %swap3A_332 = memref.load %arg12[%swap3A_330, %swap3A_331] : memref<1x8xf32, #tpu.memory_space<smem>>
      memref.store %get3A_329, %arg12[%swap3A_330, %swap3A_331] : memref<1x8xf32, #tpu.memory_space<smem>>
      %get3A_333 = arith.constant 0 : index
      %get3A_334 = arith.constant 5 : index
      %get3A_335 = memref.load %arg1[%get3A_333, %get3A_334] : memref<1x8xf32, #tpu.memory_space<smem>>
      %swap3A_336 = arith.constant 5 : index
      %swap3A_337 = memref.load %arg14[%swap3A_336] : memref<8xf32, #tpu.memory_space<smem>>
      memref.store %get3A_335, %arg14[%swap3A_336] : memref<8xf32, #tpu.memory_space<smem>>
      %get3A_338 = arith.constant 0 : index
      %get3A_339 = arith.constant 5 : index
      %get3A_340 = memref.load %arg1[%get3A_338, %get3A_339] : memref<1x8xf32, #tpu.memory_space<smem>>
      %swap3A_341 = arith.constant 0 : index
      %swap3A_342 = arith.constant 5 : index
      %swap3A_343 = memref.load %arg12[%swap3A_341, %swap3A_342] : memref<1x8xf32, #tpu.memory_space<smem>>
      memref.store %get3A_340, %arg12[%swap3A_341, %swap3A_342] : memref<1x8xf32, #tpu.memory_space<smem>>
      %get3A_344 = arith.constant 0 : index
      %get3A_345 = arith.constant 6 : index
      %get3A_346 = memref.load %arg1[%get3A_344, %get3A_345] : memref<1x8xf32, #tpu.memory_space<smem>>
      %swap3A_347 = arith.constant 6 : index
      %swap3A_348 = memref.load %arg14[%swap3A_347] : memref<8xf32, #tpu.memory_space<smem>>
      memref.store %get3A_346, %arg14[%swap3A_347] : memref<8xf32, #tpu.memory_space<smem>>
      %get3A_349 = arith.constant 0 : index
      %get3A_350 = arith.constant 6 : index
      %get3A_351 = memref.load %arg1[%get3A_349, %get3A_350] : memref<1x8xf32, #tpu.memory_space<smem>>
      %swap3A_352 = arith.constant 0 : index
      %swap3A_353 = arith.constant 6 : index
      %swap3A_354 = memref.load %arg12[%swap3A_352, %swap3A_353] : memref<1x8xf32, #tpu.memory_space<smem>>
      memref.store %get3A_351, %arg12[%swap3A_352, %swap3A_353] : memref<1x8xf32, #tpu.memory_space<smem>>
      %get3A_355 = arith.constant 0 : index
      %get3A_356 = arith.constant 7 : index
      %get3A_357 = memref.load %arg1[%get3A_355, %get3A_356] : memref<1x8xf32, #tpu.memory_space<smem>>
      %swap3A_358 = arith.constant 7 : index
      %swap3A_359 = memref.load %arg14[%swap3A_358] : memref<8xf32, #tpu.memory_space<smem>>
      memref.store %get3A_357, %arg14[%swap3A_358] : memref<8xf32, #tpu.memory_space<smem>>
      %get3A_360 = arith.constant 0 : index
      %get3A_361 = arith.constant 7 : index
      %get3A_362 = memref.load %arg1[%get3A_360, %get3A_361] : memref<1x8xf32, #tpu.memory_space<smem>>
      %swap3A_363 = arith.constant 0 : index
      %swap3A_364 = arith.constant 7 : index
      %swap3A_365 = memref.load %arg12[%swap3A_363, %swap3A_364] : memref<1x8xf32, #tpu.memory_space<smem>>
      memref.store %get3A_362, %arg12[%swap3A_363, %swap3A_364] : memref<1x8xf32, #tpu.memory_space<smem>>
    } else {
    }
    %get3A = arith.constant 0 : index
    %get3A_31 = arith.constant 0 : index
    %get3A_32 = vector.load %arg2[%get3A, %get3A_31] : memref<2048x8xf32, #tpu.memory_space<vmem>>, vector<2048x8xf32>
    %get3A_33 = arith.constant 0 : index
    %get3A_34 = arith.constant 0 : index
    %get3A_35 = arith.constant 0 : index
    %get3A_36 = vector.load %arg4[%get3A_33, %get3A_34, %get3A_35] : memref<1x8x8xf32, #tpu.memory_space<vmem>>, vector<1x8x8xf32>
    %get3A_37 = vector.shape_cast %get3A_36 : vector<1x8x8xf32> to vector<8x8xf32>
    %dot_general3A = arith.constant dense<0.000000e+00> : vector<2048x8xf32>
    %dot_general3A_38 = tpu.matmul %get3A_32, %get3A_37, %dot_general3A {dimension_numbers = #tpu.dot_dimension_numbers<[1], [0], [0], [1], [0, 0, 1, 1], [], []>, transpose_lhs_hint = false} : vector<2048x8xf32>, vector<8x8xf32>, vector<2048x8xf32> -> vector<2048x8xf32>
    %get3A_39 = arith.constant 0 : index
    %get3A_40 = arith.constant 0 : index
    %get3A_41 = arith.constant 0 : index
    %get3A_42 = vector.load %arg5[%get3A_39, %get3A_40, %get3A_41] : memref<1x1x8xf32, #tpu.memory_space<vmem>>, vector<1x1x8xf32>
    %get3A_43 = vector.shape_cast %get3A_42 : vector<1x1x8xf32> to vector<1x8xf32>
    %add3A_44 = vector.broadcast %get3A_43 : vector<1x8xf32> to vector<2048x8xf32>
    %add3A_45 = arith.addf %dot_general3A_38, %add3A_44 : vector<2048x8xf32>
    %max3A = arith.constant 0.000000e+00 : f32
    %max3A_46 = vector.broadcast %max3A : f32 to vector<2048x8xf32>
    %max3A_47 = arith.maximumf %add3A_45, %max3A_46 : vector<2048x8xf32>
    %get3A_48 = arith.constant 0 : index
    %get3A_49 = arith.constant 0 : index
    %get3A_50 = arith.constant 0 : index
    %get3A_51 = vector.load %arg6[%get3A_48, %get3A_49, %get3A_50] : memref<1x8x128xf32, #tpu.memory_space<vmem>>, vector<1x8x128xf32>
    %get3A_52 = vector.shape_cast %get3A_51 : vector<1x8x128xf32> to vector<8x128xf32>
    %dot_general3A_53 = arith.constant dense<0.000000e+00> : vector<2048x128xf32>
    %dot_general3A_54 = tpu.matmul %max3A_47, %get3A_52, %dot_general3A_53 {dimension_numbers = #tpu.dot_dimension_numbers<[1], [0], [0], [1], [0, 0, 1, 1], [], []>, transpose_lhs_hint = false} : vector<2048x8xf32>, vector<8x128xf32>, vector<2048x128xf32> -> vector<2048x128xf32>
    %get3A_55 = arith.constant 0 : index
    %get3A_56 = arith.constant 0 : index
    %get3A_57 = arith.constant 0 : index
    %get3A_58 = vector.load %arg7[%get3A_55, %get3A_56, %get3A_57] : memref<1x1x128xf32, #tpu.memory_space<vmem>>, vector<1x1x128xf32>
    %get3A_59 = vector.shape_cast %get3A_58 : vector<1x1x128xf32> to vector<1x128xf32>
    %add3A_60 = vector.broadcast %get3A_59 : vector<1x128xf32> to vector<2048x128xf32>
    %add3A_61 = arith.addf %dot_general3A_54, %add3A_60 : vector<2048x128xf32>
    %max3A_62 = arith.constant 0.000000e+00 : f32
    %max3A_63 = vector.broadcast %max3A_62 : f32 to vector<2048x128xf32>
    %max3A_64 = arith.maximumf %add3A_61, %max3A_63 : vector<2048x128xf32>
    %get3A_65 = arith.constant 0 : index
    %get3A_66 = arith.constant 0 : index
    %get3A_67 = arith.constant 0 : index
    %get3A_68 = vector.load %arg8[%get3A_65, %get3A_66, %get3A_67] : memref<1x128x128xf32, #tpu.memory_space<vmem>>, vector<1x128x128xf32>
    %get3A_69 = vector.shape_cast %get3A_68 : vector<1x128x128xf32> to vector<128x128xf32>
    %dot_general3A_70 = arith.constant dense<0.000000e+00> : vector<2048x128xf32>
    %dot_general3A_71 = tpu.matmul %max3A_64, %get3A_69, %dot_general3A_70 {dimension_numbers = #tpu.dot_dimension_numbers<[1], [0], [0], [1], [0, 0, 1, 1], [], []>, transpose_lhs_hint = false} : vector<2048x128xf32>, vector<128x128xf32>, vector<2048x128xf32> -> vector<2048x128xf32>
    %get3A_72 = arith.constant 0 : index
    %get3A_73 = arith.constant 0 : index
    %get3A_74 = arith.constant 0 : index
    %get3A_75 = vector.load %arg9[%get3A_72, %get3A_73, %get3A_74] : memref<1x1x128xf32, #tpu.memory_space<vmem>>, vector<1x1x128xf32>
    %get3A_76 = vector.shape_cast %get3A_75 : vector<1x1x128xf32> to vector<1x128xf32>
    %add3A_77 = vector.broadcast %get3A_76 : vector<1x128xf32> to vector<2048x128xf32>
    %add3A_78 = arith.addf %dot_general3A_71, %add3A_77 : vector<2048x128xf32>
    %max3A_79 = arith.constant 0.000000e+00 : f32
    %max3A_80 = vector.broadcast %max3A_79 : f32 to vector<2048x128xf32>
    %max3A_81 = arith.maximumf %add3A_78, %max3A_80 : vector<2048x128xf32>
    %get3A_82 = arith.constant 0 : index
    %get3A_83 = arith.constant 0 : index
    %get3A_84 = arith.constant 0 : index
    %get3A_85 = vector.load %arg10[%get3A_82, %get3A_83, %get3A_84] : memref<1x128x128xf32, #tpu.memory_space<vmem>>, vector<1x128x128xf32>
    %get3A_86 = vector.shape_cast %get3A_85 : vector<1x128x128xf32> to vector<128x128xf32>
    %dot_general3A_87 = arith.constant dense<0.000000e+00> : vector<2048x128xf32>
    %dot_general3A_88 = tpu.matmul %max3A_81, %get3A_86, %dot_general3A_87 {dimension_numbers = #tpu.dot_dimension_numbers<[1], [0], [0], [1], [0, 0, 1, 1], [], []>, transpose_lhs_hint = false} : vector<2048x128xf32>, vector<128x128xf32>, vector<2048x128xf32> -> vector<2048x128xf32>
    %get3A_89 = arith.constant 0 : index
    %get3A_90 = arith.constant 0 : index
    %get3A_91 = arith.constant 0 : index
    %get3A_92 = vector.load %arg11[%get3A_89, %get3A_90, %get3A_91] : memref<1x1x128xf32, #tpu.memory_space<vmem>>, vector<1x1x128xf32>
    %get3A_93 = vector.shape_cast %get3A_92 : vector<1x1x128xf32> to vector<1x128xf32>
    %add3A_94 = vector.broadcast %get3A_93 : vector<1x128xf32> to vector<2048x128xf32>
    %add3A_95 = arith.addf %dot_general3A_88, %add3A_94 : vector<2048x128xf32>
    %get3A_96 = arith.constant 0 : index
    %get3A_97 = arith.constant 0 : index
    %get3A_98 = vector.load %arg3[%get3A_96, %get3A_97] : memref<2048x128xf32, #tpu.memory_space<vmem>>, vector<2048x128xf32>
    %gt3A = arith.constant 0 : i32
    %gt3A_99 = arith.cmpi sgt, %add3A_27, %gt3A : i32
    %get3A_100 = arith.constant 0 : index
    %get3A_101 = memref.load %arg14[%get3A_100] : memref<8xf32, #tpu.memory_space<smem>>
    %add3A_102 = vector.broadcast %get3A_101 : f32 to vector<2048x128xf32>
    %add3A_103 = arith.addf %get3A_98, %add3A_102 : vector<2048x128xf32>
    %max3A_104 = arith.constant 0.000000e+00 : f32
    %max3A_105 = vector.broadcast %max3A_104 : f32 to vector<2048x128xf32>
    %max3A_106 = arith.maximumf %add3A_103, %max3A_105 : vector<2048x128xf32>
    %select_n3A = arith.select %gt3A_99, %max3A_106, %get3A_98 : vector<2048x128xf32>
    %gt3A_107 = arith.constant 1 : i32
    %gt3A_108 = arith.cmpi sgt, %add3A_27, %gt3A_107 : i32
    %get3A_109 = arith.constant 1 : index
    %get3A_110 = memref.load %arg14[%get3A_109] : memref<8xf32, #tpu.memory_space<smem>>
    %add3A_111 = vector.broadcast %get3A_110 : f32 to vector<2048x128xf32>
    %add3A_112 = arith.addf %select_n3A, %add3A_111 : vector<2048x128xf32>
    %max3A_113 = arith.constant 0.000000e+00 : f32
    %max3A_114 = vector.broadcast %max3A_113 : f32 to vector<2048x128xf32>
    %max3A_115 = arith.maximumf %add3A_112, %max3A_114 : vector<2048x128xf32>
    %select_n3A_116 = arith.select %gt3A_108, %max3A_115, %select_n3A : vector<2048x128xf32>
    %gt3A_117 = arith.constant 2 : i32
    %gt3A_118 = arith.cmpi sgt, %add3A_27, %gt3A_117 : i32
    %get3A_119 = arith.constant 2 : index
    %get3A_120 = memref.load %arg14[%get3A_119] : memref<8xf32, #tpu.memory_space<smem>>
    %add3A_121 = vector.broadcast %get3A_120 : f32 to vector<2048x128xf32>
    %add3A_122 = arith.addf %select_n3A_116, %add3A_121 : vector<2048x128xf32>
    %max3A_123 = arith.constant 0.000000e+00 : f32
    %max3A_124 = vector.broadcast %max3A_123 : f32 to vector<2048x128xf32>
    %max3A_125 = arith.maximumf %add3A_122, %max3A_124 : vector<2048x128xf32>
    %select_n3A_126 = arith.select %gt3A_118, %max3A_125, %select_n3A_116 : vector<2048x128xf32>
    %gt3A_127 = arith.constant 3 : i32
    %gt3A_128 = arith.cmpi sgt, %add3A_27, %gt3A_127 : i32
    %get3A_129 = arith.constant 3 : index
    %get3A_130 = memref.load %arg14[%get3A_129] : memref<8xf32, #tpu.memory_space<smem>>
    %add3A_131 = vector.broadcast %get3A_130 : f32 to vector<2048x128xf32>
    %add3A_132 = arith.addf %select_n3A_126, %add3A_131 : vector<2048x128xf32>
    %max3A_133 = arith.constant 0.000000e+00 : f32
    %max3A_134 = vector.broadcast %max3A_133 : f32 to vector<2048x128xf32>
    %max3A_135 = arith.maximumf %add3A_132, %max3A_134 : vector<2048x128xf32>
    %select_n3A_136 = arith.select %gt3A_128, %max3A_135, %select_n3A_126 : vector<2048x128xf32>
    %gt3A_137 = arith.constant 4 : i32
    %gt3A_138 = arith.cmpi sgt, %add3A_27, %gt3A_137 : i32
    %get3A_139 = arith.constant 4 : index
    %get3A_140 = memref.load %arg14[%get3A_139] : memref<8xf32, #tpu.memory_space<smem>>
    %add3A_141 = vector.broadcast %get3A_140 : f32 to vector<2048x128xf32>
    %add3A_142 = arith.addf %select_n3A_136, %add3A_141 : vector<2048x128xf32>
    %max3A_143 = arith.constant 0.000000e+00 : f32
    %max3A_144 = vector.broadcast %max3A_143 : f32 to vector<2048x128xf32>
    %max3A_145 = arith.maximumf %add3A_142, %max3A_144 : vector<2048x128xf32>
    %select_n3A_146 = arith.select %gt3A_138, %max3A_145, %select_n3A_136 : vector<2048x128xf32>
    %gt3A_147 = arith.constant 5 : i32
    %gt3A_148 = arith.cmpi sgt, %add3A_27, %gt3A_147 : i32
    %get3A_149 = arith.constant 5 : index
    %get3A_150 = memref.load %arg14[%get3A_149] : memref<8xf32, #tpu.memory_space<smem>>
    %add3A_151 = vector.broadcast %get3A_150 : f32 to vector<2048x128xf32>
    %add3A_152 = arith.addf %select_n3A_146, %add3A_151 : vector<2048x128xf32>
    %max3A_153 = arith.constant 0.000000e+00 : f32
    %max3A_154 = vector.broadcast %max3A_153 : f32 to vector<2048x128xf32>
    %max3A_155 = arith.maximumf %add3A_152, %max3A_154 : vector<2048x128xf32>
    %select_n3A_156 = arith.select %gt3A_148, %max3A_155, %select_n3A_146 : vector<2048x128xf32>
    %gt3A_157 = arith.constant 6 : i32
    %gt3A_158 = arith.cmpi sgt, %add3A_27, %gt3A_157 : i32
    %get3A_159 = arith.constant 6 : index
    %get3A_160 = memref.load %arg14[%get3A_159] : memref<8xf32, #tpu.memory_space<smem>>
    %add3A_161 = vector.broadcast %get3A_160 : f32 to vector<2048x128xf32>
    %add3A_162 = arith.addf %select_n3A_156, %add3A_161 : vector<2048x128xf32>
    %max3A_163 = arith.constant 0.000000e+00 : f32
    %max3A_164 = vector.broadcast %max3A_163 : f32 to vector<2048x128xf32>
    %max3A_165 = arith.maximumf %add3A_162, %max3A_164 : vector<2048x128xf32>
    %select_n3A_166 = arith.select %gt3A_158, %max3A_165, %select_n3A_156 : vector<2048x128xf32>
    %eq3A_167 = arith.constant 1 : i32
    %eq3A_168 = arith.cmpi eq, %add3A_27, %eq3A_167 : i32
    %jit3A = arith.constant 30576 : i32
    %jit3A_169 = arith.constant 24000 : i32
    %select_n3A_170 = arith.select %eq3A_168, %jit3A, %jit3A_169 : i32
    %eq3A_171 = arith.constant 2 : i32
    %eq3A_172 = arith.cmpi eq, %add3A_27, %eq3A_171 : i32
    %jit3A_173 = arith.constant 32220 : i32
    %select_n3A_174 = arith.select %eq3A_172, %jit3A_173, %select_n3A_170 : i32
    %eq3A_175 = arith.constant 3 : i32
    %eq3A_176 = arith.cmpi eq, %add3A_27, %eq3A_175 : i32
    %jit3A_177 = arith.constant 35768 : i32
    %select_n3A_178 = arith.select %eq3A_176, %jit3A_177, %select_n3A_174 : i32
    %eq3A_179 = arith.constant 4 : i32
    %eq3A_180 = arith.cmpi eq, %add3A_27, %eq3A_179 : i32
    %jit3A_181 = arith.constant 38364 : i32
    %select_n3A_182 = arith.select %eq3A_180, %jit3A_181, %select_n3A_178 : i32
    %eq3A_183 = arith.constant 5 : i32
    %eq3A_184 = arith.cmpi eq, %add3A_27, %eq3A_183 : i32
    %jit3A_185 = arith.constant 50912 : i32
    %select_n3A_186 = arith.select %eq3A_184, %jit3A_185, %select_n3A_182 : i32
    %eq3A_187 = arith.constant 6 : i32
    %eq3A_188 = arith.cmpi eq, %add3A_27, %eq3A_187 : i32
    %jit3A_189 = arith.constant 57200 : i32
    %select_n3A_190 = arith.select %eq3A_188, %jit3A_189, %select_n3A_186 : i32
    %eq3A_191 = arith.constant 7 : i32
    %eq3A_192 = arith.cmpi eq, %add3A_27, %eq3A_191 : i32
    %jit3A_193 = arith.constant 105344 : i32
    %select_n3A_194 = arith.select %eq3A_192, %jit3A_193, %select_n3A_190 : i32
    %mul3A = arith.constant 2048 : i32
    %mul3A_195 = arith.muli %add3A_0, %mul3A : i32
    %iota3A = tpu.iota {dimensions = array<i32: 0>} : vector<2048x128xi32>
    %add3A_196 = vector.broadcast %mul3A_195 : i32 to vector<2048x128xi32>
    %add3A_197 = arith.addi %add3A_196, %iota3A : vector<2048x128xi32>
    %lt3A = vector.broadcast %select_n3A_194 : i32 to vector<2048x128xi32>
    %lt3A_198 = arith.cmpi slt, %add3A_197, %lt3A : vector<2048x128xi32>
    %mul3A_199 = arith.mulf %select_n3A_166, %add3A_95 : vector<2048x128xf32>
    %jit3A_200 = arith.constant 0.000000e+00 : f32
    %broadcast_in_dim3A = vector.broadcast %jit3A_200 : f32 to vector<2048x128xf32>
    %select_n3A_201 = arith.select %lt3A_198, %mul3A_199, %broadcast_in_dim3A : vector<2048x128xi1>, vector<2048x128xf32>
    %reduce_sum3A = arith.constant dense<0.000000e+00> : vector<128xf32>
    %reduce_sum3A_202 = vector.multi_reduction <add>, %select_n3A_201, %reduce_sum3A [0] : vector<2048x128xf32> to vector<128xf32>
    %broadcast_in_dim3A_203 = vector.shape_cast %reduce_sum3A_202 : vector<128xf32> to vector<1x128xf32>
    %get3A_204 = arith.constant 0 : index
    %get3A_205 = arith.constant 0 : index
    %get3A_206 = vector.load %arg13[%get3A_204, %get3A_205] : memref<1x128xf32, #tpu.memory_space<vmem>>, vector<1x128xf32>
    %add3A_207 = arith.addf %get3A_206, %broadcast_in_dim3A_203 : vector<1x128xf32>
    %eq3A_208 = arith.constant 11 : i32
    %eq3A_209 = arith.cmpi eq, %add3A_0, %eq3A_208 : i32
    %convert_element_type3A_210 = arith.extui %eq3A_209 : i1 to i32
    %cond3A_211 = arith.constant 0 : i32
    %cond3A_212 = arith.cmpi ne, %convert_element_type3A_210, %cond3A_211 : i32
    scf.if %cond3A_212 {
      %reduce_sum3A_274 = vector.shape_cast %add3A_207 : vector<1x128xf32> to vector<1x1x128xf32>
      %reduce_sum3A_275 = arith.constant dense<0.000000e+00> : vector<1xf32>
      %reduce_sum3A_276 = vector.multi_reduction <add>, %reduce_sum3A_274, %reduce_sum3A_275 [1, 2] : vector<1x1x128xf32> to vector<1xf32>
      %reduce_sum3A_277 = vector.shape_cast %reduce_sum3A_276 : vector<1xf32> to vector<1x1x1xf32>
      %reduce_sum3A_278 = vector.extract %reduce_sum3A_277[0, 0, 0] : f32 from vector<1x1x1xf32>
      %mul3A_279 = arith.constant 1.30208332E-6 : f32
      %mul3A_280 = arith.mulf %reduce_sum3A_278, %mul3A_279 : f32
      %swap3A = arith.constant 0 : index
      %swap3A_281 = memref.load %arg14[%swap3A] : memref<8xf32, #tpu.memory_space<smem>>
      memref.store %mul3A_280, %arg14[%swap3A] : memref<8xf32, #tpu.memory_space<smem>>
      %swap3A_282 = arith.constant 0 : index
      %swap3A_283 = arith.constant 0 : index
      %swap3A_284 = memref.load %arg12[%swap3A_282, %swap3A_283] : memref<1x8xf32, #tpu.memory_space<smem>>
      memref.store %mul3A_280, %arg12[%swap3A_282, %swap3A_283] : memref<1x8xf32, #tpu.memory_space<smem>>
      %broadcast_in_dim3A_285 = arith.constant 0.000000e+00 : f32
      %broadcast_in_dim3A_286 = vector.broadcast %broadcast_in_dim3A_285 : f32 to vector<1x128xf32>
      %swap3A_287 = arith.constant 0 : index
      %swap3A_288 = arith.constant 0 : index
      %swap3A_289 = vector.load %arg13[%swap3A_287, %swap3A_288] : memref<1x128xf32, #tpu.memory_space<vmem>>, vector<1x128xf32>
      tpu.vector_store %arg13[%swap3A_287, %swap3A_288], %broadcast_in_dim3A_286 {strides = array<i32>} : memref<1x128xf32, #tpu.memory_space<vmem>>, vector<1x128xf32>,
    } else {
    }
    %eq3A_213 = arith.constant 14 : i32
    %eq3A_214 = arith.cmpi eq, %add3A_0, %eq3A_213 : i32
    %convert_element_type3A_215 = arith.extui %eq3A_214 : i1 to i32
    %cond3A_216 = arith.constant 0 : i32
    %cond3A_217 = arith.cmpi ne, %convert_element_type3A_215, %cond3A_216 : i32
    scf.if %cond3A_217 {
      %reduce_sum3A_274 = vector.shape_cast %add3A_207 : vector<1x128xf32> to vector<1x1x128xf32>
      %reduce_sum3A_275 = arith.constant dense<0.000000e+00> : vector<1xf32>
      %reduce_sum3A_276 = vector.multi_reduction <add>, %reduce_sum3A_274, %reduce_sum3A_275 [1, 2] : vector<1x1x128xf32> to vector<1xf32>
      %reduce_sum3A_277 = vector.shape_cast %reduce_sum3A_276 : vector<1xf32> to vector<1x1x1xf32>
      %reduce_sum3A_278 = vector.extract %reduce_sum3A_277[0, 0, 0] : f32 from vector<1x1x1xf32>
      %mul3A_279 = arith.constant 5.20833328E-6 : f32
      %mul3A_280 = arith.mulf %reduce_sum3A_278, %mul3A_279 : f32
      %swap3A = arith.constant 1 : index
      %swap3A_281 = memref.load %arg14[%swap3A] : memref<8xf32, #tpu.memory_space<smem>>
      memref.store %mul3A_280, %arg14[%swap3A] : memref<8xf32, #tpu.memory_space<smem>>
      %swap3A_282 = arith.constant 0 : index
      %swap3A_283 = arith.constant 1 : index
      %swap3A_284 = memref.load %arg12[%swap3A_282, %swap3A_283] : memref<1x8xf32, #tpu.memory_space<smem>>
      memref.store %mul3A_280, %arg12[%swap3A_282, %swap3A_283] : memref<1x8xf32, #tpu.memory_space<smem>>
      %broadcast_in_dim3A_285 = arith.constant 0.000000e+00 : f32
      %broadcast_in_dim3A_286 = vector.broadcast %broadcast_in_dim3A_285 : f32 to vector<1x128xf32>
      %swap3A_287 = arith.constant 0 : index
      %swap3A_288 = arith.constant 0 : index
      %swap3A_289 = vector.load %arg13[%swap3A_287, %swap3A_288] : memref<1x128xf32, #tpu.memory_space<vmem>>, vector<1x128xf32>
      tpu.vector_store %arg13[%swap3A_287, %swap3A_288], %broadcast_in_dim3A_286 {strides = array<i32>} : memref<1x128xf32, #tpu.memory_space<vmem>>, vector<1x128xf32>,
    } else {
    }
    %eq3A_218 = arith.constant 15 : i32
    %eq3A_219 = arith.cmpi eq, %add3A_0, %eq3A_218 : i32
    %convert_element_type3A_220 = arith.extui %eq3A_219 : i1 to i32
    %cond3A_221 = arith.constant 0 : i32
    %cond3A_222 = arith.cmpi ne, %convert_element_type3A_220, %cond3A_221 : i32
    scf.if %cond3A_222 {
      %reduce_sum3A_274 = vector.shape_cast %add3A_207 : vector<1x128xf32> to vector<1x1x128xf32>
      %reduce_sum3A_275 = arith.constant dense<0.000000e+00> : vector<1xf32>
      %reduce_sum3A_276 = vector.multi_reduction <add>, %reduce_sum3A_274, %reduce_sum3A_275 [1, 2] : vector<1x1x128xf32> to vector<1xf32>
      %reduce_sum3A_277 = vector.shape_cast %reduce_sum3A_276 : vector<1xf32> to vector<1x1x1xf32>
      %reduce_sum3A_278 = vector.extract %reduce_sum3A_277[0, 0, 0] : f32 from vector<1x1x1xf32>
      %mul3A_279 = arith.constant 2.08333331E-5 : f32
      %mul3A_280 = arith.mulf %reduce_sum3A_278, %mul3A_279 : f32
      %swap3A = arith.constant 2 : index
      %swap3A_281 = memref.load %arg14[%swap3A] : memref<8xf32, #tpu.memory_space<smem>>
      memref.store %mul3A_280, %arg14[%swap3A] : memref<8xf32, #tpu.memory_space<smem>>
      %swap3A_282 = arith.constant 0 : index
      %swap3A_283 = arith.constant 2 : index
      %swap3A_284 = memref.load %arg12[%swap3A_282, %swap3A_283] : memref<1x8xf32, #tpu.memory_space<smem>>
      memref.store %mul3A_280, %arg12[%swap3A_282, %swap3A_283] : memref<1x8xf32, #tpu.memory_space<smem>>
      %broadcast_in_dim3A_285 = arith.constant 0.000000e+00 : f32
      %broadcast_in_dim3A_286 = vector.broadcast %broadcast_in_dim3A_285 : f32 to vector<1x128xf32>
      %swap3A_287 = arith.constant 0 : index
      %swap3A_288 = arith.constant 0 : index
      %swap3A_289 = vector.load %arg13[%swap3A_287, %swap3A_288] : memref<1x128xf32, #tpu.memory_space<vmem>>, vector<1x128xf32>
      tpu.vector_store %arg13[%swap3A_287, %swap3A_288], %broadcast_in_dim3A_286 {strides = array<i32>} : memref<1x128xf32, #tpu.memory_space<vmem>>, vector<1x128xf32>,
    } else {
    }
    %eq3A_223 = arith.constant 17 : i32
    %eq3A_224 = arith.cmpi eq, %add3A_0, %eq3A_223 : i32
    %convert_element_type3A_225 = arith.extui %eq3A_224 : i1 to i32
    %cond3A_226 = arith.constant 0 : i32
    %cond3A_227 = arith.cmpi ne, %convert_element_type3A_225, %cond3A_226 : i32
    scf.if %cond3A_227 {
      %reduce_sum3A_274 = vector.shape_cast %add3A_207 : vector<1x128xf32> to vector<1x1x128xf32>
      %reduce_sum3A_275 = arith.constant dense<0.000000e+00> : vector<1xf32>
      %reduce_sum3A_276 = vector.multi_reduction <add>, %reduce_sum3A_274, %reduce_sum3A_275 [1, 2] : vector<1x1x128xf32> to vector<1xf32>
      %reduce_sum3A_277 = vector.shape_cast %reduce_sum3A_276 : vector<1xf32> to vector<1x1x1xf32>
      %reduce_sum3A_278 = vector.extract %reduce_sum3A_277[0, 0, 0] : f32 from vector<1x1x1xf32>
      %mul3A_279 = arith.constant 1.04166666E-5 : f32
      %mul3A_280 = arith.mulf %reduce_sum3A_278, %mul3A_279 : f32
      %swap3A = arith.constant 3 : index
      %swap3A_281 = memref.load %arg14[%swap3A] : memref<8xf32, #tpu.memory_space<smem>>
      memref.store %mul3A_280, %arg14[%swap3A] : memref<8xf32, #tpu.memory_space<smem>>
      %swap3A_282 = arith.constant 0 : index
      %swap3A_283 = arith.constant 3 : index
      %swap3A_284 = memref.load %arg12[%swap3A_282, %swap3A_283] : memref<1x8xf32, #tpu.memory_space<smem>>
      memref.store %mul3A_280, %arg12[%swap3A_282, %swap3A_283] : memref<1x8xf32, #tpu.memory_space<smem>>
      %broadcast_in_dim3A_285 = arith.constant 0.000000e+00 : f32
      %broadcast_in_dim3A_286 = vector.broadcast %broadcast_in_dim3A_285 : f32 to vector<1x128xf32>
      %swap3A_287 = arith.constant 0 : index
      %swap3A_288 = arith.constant 0 : index
      %swap3A_289 = vector.load %arg13[%swap3A_287, %swap3A_288] : memref<1x128xf32, #tpu.memory_space<vmem>>, vector<1x128xf32>
      tpu.vector_store %arg13[%swap3A_287, %swap3A_288], %broadcast_in_dim3A_286 {strides = array<i32>} : memref<1x128xf32, #tpu.memory_space<vmem>>, vector<1x128xf32>,
    } else {
    }
    %eq3A_228 = arith.constant 18 : i32
    %eq3A_229 = arith.cmpi eq, %add3A_0, %eq3A_228 : i32
    %convert_element_type3A_230 = arith.extui %eq3A_229 : i1 to i32
    %cond3A_231 = arith.constant 0 : i32
    %cond3A_232 = arith.cmpi ne, %convert_element_type3A_230, %cond3A_231 : i32
    scf.if %cond3A_232 {
      %reduce_sum3A_274 = vector.shape_cast %add3A_207 : vector<1x128xf32> to vector<1x1x128xf32>
      %reduce_sum3A_275 = arith.constant dense<0.000000e+00> : vector<1xf32>
      %reduce_sum3A_276 = vector.multi_reduction <add>, %reduce_sum3A_274, %reduce_sum3A_275 [1, 2] : vector<1x1x128xf32> to vector<1xf32>
      %reduce_sum3A_277 = vector.shape_cast %reduce_sum3A_276 : vector<1xf32> to vector<1x1x1xf32>
      %reduce_sum3A_278 = vector.extract %reduce_sum3A_277[0, 0, 0] : f32 from vector<1x1x1xf32>
      %mul3A_279 = arith.constant 2.08333331E-5 : f32
      %mul3A_280 = arith.mulf %reduce_sum3A_278, %mul3A_279 : f32
      %swap3A = arith.constant 4 : index
      %swap3A_281 = memref.load %arg14[%swap3A] : memref<8xf32, #tpu.memory_space<smem>>
      memref.store %mul3A_280, %arg14[%swap3A] : memref<8xf32, #tpu.memory_space<smem>>
      %swap3A_282 = arith.constant 0 : index
      %swap3A_283 = arith.constant 4 : index
      %swap3A_284 = memref.load %arg12[%swap3A_282, %swap3A_283] : memref<1x8xf32, #tpu.memory_space<smem>>
      memref.store %mul3A_280, %arg12[%swap3A_282, %swap3A_283] : memref<1x8xf32, #tpu.memory_space<smem>>
      %broadcast_in_dim3A_285 = arith.constant 0.000000e+00 : f32
      %broadcast_in_dim3A_286 = vector.broadcast %broadcast_in_dim3A_285 : f32 to vector<1x128xf32>
      %swap3A_287 = arith.constant 0 : index
      %swap3A_288 = arith.constant 0 : index
      %swap3A_289 = vector.load %arg13[%swap3A_287, %swap3A_288] : memref<1x128xf32, #tpu.memory_space<vmem>>, vector<1x128xf32>
      tpu.vector_store %arg13[%swap3A_287, %swap3A_288], %broadcast_in_dim3A_286 {strides = array<i32>} : memref<1x128xf32, #tpu.memory_space<vmem>>, vector<1x128xf32>,
    } else {
    }
    %eq3A_233 = arith.constant 24 : i32
    %eq3A_234 = arith.cmpi eq, %add3A_0, %eq3A_233 : i32
    %convert_element_type3A_235 = arith.extui %eq3A_234 : i1 to i32
    %cond3A_236 = arith.constant 0 : i32
    %cond3A_237 = arith.cmpi ne, %convert_element_type3A_235, %cond3A_236 : i32
    scf.if %cond3A_237 {
      %reduce_sum3A_274 = vector.shape_cast %add3A_207 : vector<1x128xf32> to vector<1x1x128xf32>
      %reduce_sum3A_275 = arith.constant dense<0.000000e+00> : vector<1xf32>
      %reduce_sum3A_276 = vector.multi_reduction <add>, %reduce_sum3A_274, %reduce_sum3A_275 [1, 2] : vector<1x1x128xf32> to vector<1xf32>
      %reduce_sum3A_277 = vector.shape_cast %reduce_sum3A_276 : vector<1xf32> to vector<1x1x1xf32>
      %reduce_sum3A_278 = vector.extract %reduce_sum3A_277[0, 0, 0] : f32 from vector<1x1x1xf32>
      %mul3A_279 = arith.constant 2.60416664E-6 : f32
      %mul3A_280 = arith.mulf %reduce_sum3A_278, %mul3A_279 : f32
      %swap3A = arith.constant 5 : index
      %swap3A_281 = memref.load %arg14[%swap3A] : memref<8xf32, #tpu.memory_space<smem>>
      memref.store %mul3A_280, %arg14[%swap3A] : memref<8xf32, #tpu.memory_space<smem>>
      %swap3A_282 = arith.constant 0 : index
      %swap3A_283 = arith.constant 5 : index
      %swap3A_284 = memref.load %arg12[%swap3A_282, %swap3A_283] : memref<1x8xf32, #tpu.memory_space<smem>>
      memref.store %mul3A_280, %arg12[%swap3A_282, %swap3A_283] : memref<1x8xf32, #tpu.memory_space<smem>>
      %broadcast_in_dim3A_285 = arith.constant 0.000000e+00 : f32
      %broadcast_in_dim3A_286 = vector.broadcast %broadcast_in_dim3A_285 : f32 to vector<1x128xf32>
      %swap3A_287 = arith.constant 0 : index
      %swap3A_288 = arith.constant 0 : index
      %swap3A_289 = vector.load %arg13[%swap3A_287, %swap3A_288] : memref<1x128xf32, #tpu.memory_space<vmem>>, vector<1x128xf32>
      tpu.vector_store %arg13[%swap3A_287, %swap3A_288], %broadcast_in_dim3A_286 {strides = array<i32>} : memref<1x128xf32, #tpu.memory_space<vmem>>, vector<1x128xf32>,
    } else {
    }
    %eq3A_238 = arith.constant 27 : i32
    %eq3A_239 = arith.cmpi eq, %add3A_0, %eq3A_238 : i32
    %convert_element_type3A_240 = arith.extui %eq3A_239 : i1 to i32
    %cond3A_241 = arith.constant 0 : i32
    %cond3A_242 = arith.cmpi ne, %convert_element_type3A_240, %cond3A_241 : i32
    scf.if %cond3A_242 {
      %reduce_sum3A_274 = vector.shape_cast %add3A_207 : vector<1x128xf32> to vector<1x1x128xf32>
      %reduce_sum3A_275 = arith.constant dense<0.000000e+00> : vector<1xf32>
      %reduce_sum3A_276 = vector.multi_reduction <add>, %reduce_sum3A_274, %reduce_sum3A_275 [1, 2] : vector<1x1x128xf32> to vector<1xf32>
      %reduce_sum3A_277 = vector.shape_cast %reduce_sum3A_276 : vector<1xf32> to vector<1x1x1xf32>
      %reduce_sum3A_278 = vector.extract %reduce_sum3A_277[0, 0, 0] : f32 from vector<1x1x1xf32>
      %mul3A_279 = arith.constant 5.20833328E-6 : f32
      %mul3A_280 = arith.mulf %reduce_sum3A_278, %mul3A_279 : f32
      %swap3A = arith.constant 6 : index
      %swap3A_281 = memref.load %arg14[%swap3A] : memref<8xf32, #tpu.memory_space<smem>>
      memref.store %mul3A_280, %arg14[%swap3A] : memref<8xf32, #tpu.memory_space<smem>>
      %swap3A_282 = arith.constant 0 : index
      %swap3A_283 = arith.constant 6 : index
      %swap3A_284 = memref.load %arg12[%swap3A_282, %swap3A_283] : memref<1x8xf32, #tpu.memory_space<smem>>
      memref.store %mul3A_280, %arg12[%swap3A_282, %swap3A_283] : memref<1x8xf32, #tpu.memory_space<smem>>
      %broadcast_in_dim3A_285 = arith.constant 0.000000e+00 : f32
      %broadcast_in_dim3A_286 = vector.broadcast %broadcast_in_dim3A_285 : f32 to vector<1x128xf32>
      %swap3A_287 = arith.constant 0 : index
      %swap3A_288 = arith.constant 0 : index
      %swap3A_289 = vector.load %arg13[%swap3A_287, %swap3A_288] : memref<1x128xf32, #tpu.memory_space<vmem>>, vector<1x128xf32>
      tpu.vector_store %arg13[%swap3A_287, %swap3A_288], %broadcast_in_dim3A_286 {strides = array<i32>} : memref<1x128xf32, #tpu.memory_space<vmem>>, vector<1x128xf32>,
    } else {
    }
    %eq3A_243 = arith.constant 51 : i32
    %eq3A_244 = arith.cmpi eq, %add3A_0, %eq3A_243 : i32
    %convert_element_type3A_245 = arith.extui %eq3A_244 : i1 to i32
    %cond3A_246 = arith.constant 0 : i32
    %cond3A_247 = arith.cmpi ne, %convert_element_type3A_245, %cond3A_246 : i32
    scf.if %cond3A_247 {
      %reduce_sum3A_274 = vector.shape_cast %add3A_207 : vector<1x128xf32> to vector<1x1x128xf32>
      %reduce_sum3A_275 = arith.constant dense<0.000000e+00> : vector<1xf32>
      %reduce_sum3A_276 = vector.multi_reduction <add>, %reduce_sum3A_274, %reduce_sum3A_275 [1, 2] : vector<1x1x128xf32> to vector<1xf32>
      %reduce_sum3A_277 = vector.shape_cast %reduce_sum3A_276 : vector<1xf32> to vector<1x1x1xf32>
      %reduce_sum3A_278 = vector.extract %reduce_sum3A_277[0, 0, 0] : f32 from vector<1x1x1xf32>
      %mul3A_279 = arith.constant 6.5104166E-7 : f32
      %mul3A_280 = arith.mulf %reduce_sum3A_278, %mul3A_279 : f32
      %swap3A = arith.constant 7 : index
      %swap3A_281 = memref.load %arg14[%swap3A] : memref<8xf32, #tpu.memory_space<smem>>
      memref.store %mul3A_280, %arg14[%swap3A] : memref<8xf32, #tpu.memory_space<smem>>
      %swap3A_282 = arith.constant 0 : index
      %swap3A_283 = arith.constant 7 : index
      %swap3A_284 = memref.load %arg12[%swap3A_282, %swap3A_283] : memref<1x8xf32, #tpu.memory_space<smem>>
      memref.store %mul3A_280, %arg12[%swap3A_282, %swap3A_283] : memref<1x8xf32, #tpu.memory_space<smem>>
      %broadcast_in_dim3A_285 = arith.constant 0.000000e+00 : f32
      %broadcast_in_dim3A_286 = vector.broadcast %broadcast_in_dim3A_285 : f32 to vector<1x128xf32>
      %swap3A_287 = arith.constant 0 : index
      %swap3A_288 = arith.constant 0 : index
      %swap3A_289 = vector.load %arg13[%swap3A_287, %swap3A_288] : memref<1x128xf32, #tpu.memory_space<vmem>>, vector<1x128xf32>
      tpu.vector_store %arg13[%swap3A_287, %swap3A_288], %broadcast_in_dim3A_286 {strides = array<i32>} : memref<1x128xf32, #tpu.memory_space<vmem>>, vector<1x128xf32>,
    } else {
    }
    %eq3A_248 = arith.constant 11 : i32
    %eq3A_249 = arith.cmpi eq, %add3A_0, %eq3A_248 : i32
    %eq3A_250 = arith.constant 14 : i32
    %eq3A_251 = arith.cmpi eq, %add3A_0, %eq3A_250 : i32
    %or3A = arith.ori %eq3A_249, %eq3A_251 : i1
    %eq3A_252 = arith.constant 15 : i32
    %eq3A_253 = arith.cmpi eq, %add3A_0, %eq3A_252 : i32
    %or3A_254 = arith.ori %or3A, %eq3A_253 : i1
    %eq3A_255 = arith.constant 17 : i32
    %eq3A_256 = arith.cmpi eq, %add3A_0, %eq3A_255 : i32
    %or3A_257 = arith.ori %or3A_254, %eq3A_256 : i1
    %eq3A_258 = arith.constant 18 : i32
    %eq3A_259 = arith.cmpi eq, %add3A_0, %eq3A_258 : i32
    %or3A_260 = arith.ori %or3A_257, %eq3A_259 : i1
    %eq3A_261 = arith.constant 24 : i32
    %eq3A_262 = arith.cmpi eq, %add3A_0, %eq3A_261 : i32
    %or3A_263 = arith.ori %or3A_260, %eq3A_262 : i1
    %eq3A_264 = arith.constant 27 : i32
    %eq3A_265 = arith.cmpi eq, %add3A_0, %eq3A_264 : i32
    %or3A_266 = arith.ori %or3A_263, %eq3A_265 : i1
    %eq3A_267 = arith.constant 51 : i32
    %eq3A_268 = arith.cmpi eq, %add3A_0, %eq3A_267 : i32
    %or3A_269 = arith.ori %or3A_266, %eq3A_268 : i1
    %not3A = arith.constant true
    %not3A_270 = arith.xori %or3A_269, %not3A : i1
    %convert_element_type3A_271 = arith.extui %not3A_270 : i1 to i32
    %cond3A_272 = arith.constant 0 : i32
    %cond3A_273 = arith.cmpi ne, %convert_element_type3A_271, %cond3A_272 : i32
    scf.if %cond3A_273 {
      %swap3A = arith.constant 0 : index
      %swap3A_274 = arith.constant 0 : index
      %swap3A_275 = vector.load %arg13[%swap3A, %swap3A_274] : memref<1x128xf32, #tpu.memory_space<vmem>>, vector<1x128xf32>
      tpu.vector_store %arg13[%swap3A, %swap3A_274], %add3A_207 {strides = array<i32>} : memref<1x128xf32, #tpu.memory_space<vmem>>, vector<1x128xf32>,
    } else {
    }
    return
  }
  func.func @transform_0(%arg0: i32) -> (i32, i32) {
    %c0_i32 = arith.constant 0 : i32
    %c0_i32_0 = arith.constant 0 : i32
    %c0_i32_1 = arith.constant 0 : i32
    return %c0_i32, %c0_i32_0 : i32, i32
  }
  func.func @transform_1(%arg0: i32) -> (i32, i32) {
    %c0_i32 = arith.constant 0 : i32
    %c0_i32_0 = arith.constant 0 : i32
    return %arg0, %c0_i32 : i32, i32
  }
  func.func @transform_2(%arg0: i32) -> (i32, i32) {
    %c0_i32 = arith.constant 0 : i32
    %c0_i32_0 = arith.constant 0 : i32
    return %arg0, %c0_i32 : i32, i32
  }
  func.func @transform_3(%arg0: i32) -> (i32, i32, i32) {
    %add3A = arith.constant 12 : i32
    %add3A_0 = arith.addi %arg0, %add3A : i32
    %ge3A = arith.constant 12 : i32
    %ge3A_1 = arith.cmpi sge, %add3A_0, %ge3A : i32
    %convert_element_type3A = arith.extui %ge3A_1 : i1 to i32
    %add3A_2 = arith.constant 0 : i32
    %add3A_3 = arith.addi %add3A_2, %convert_element_type3A : i32
    %add3A_4 = arith.constant 12 : i32
    %add3A_5 = arith.addi %arg0, %add3A_4 : i32
    %ge3A_6 = arith.constant 15 : i32
    %ge3A_7 = arith.cmpi sge, %add3A_5, %ge3A_6 : i32
    %convert_element_type3A_8 = arith.extui %ge3A_7 : i1 to i32
    %add3A_9 = arith.addi %add3A_3, %convert_element_type3A_8 : i32
    %add3A_10 = arith.constant 12 : i32
    %add3A_11 = arith.addi %arg0, %add3A_10 : i32
    %ge3A_12 = arith.constant 16 : i32
    %ge3A_13 = arith.cmpi sge, %add3A_11, %ge3A_12 : i32
    %convert_element_type3A_14 = arith.extui %ge3A_13 : i1 to i32
    %add3A_15 = arith.addi %add3A_9, %convert_element_type3A_14 : i32
    %add3A_16 = arith.constant 12 : i32
    %add3A_17 = arith.addi %arg0, %add3A_16 : i32
    %ge3A_18 = arith.constant 18 : i32
    %ge3A_19 = arith.cmpi sge, %add3A_17, %ge3A_18 : i32
    %convert_element_type3A_20 = arith.extui %ge3A_19 : i1 to i32
    %add3A_21 = arith.addi %add3A_15, %convert_element_type3A_20 : i32
    %add3A_22 = arith.constant 12 : i32
    %add3A_23 = arith.addi %arg0, %add3A_22 : i32
    %ge3A_24 = arith.constant 19 : i32
    %ge3A_25 = arith.cmpi sge, %add3A_23, %ge3A_24 : i32
    %convert_element_type3A_26 = arith.extui %ge3A_25 : i1 to i32
    %add3A_27 = arith.addi %add3A_21, %convert_element_type3A_26 : i32
    %add3A_28 = arith.constant 12 : i32
    %add3A_29 = arith.addi %arg0, %add3A_28 : i32
    %ge3A_30 = arith.constant 25 : i32
    %ge3A_31 = arith.cmpi sge, %add3A_29, %ge3A_30 : i32
    %convert_element_type3A_32 = arith.extui %ge3A_31 : i1 to i32
    %add3A_33 = arith.addi %add3A_27, %convert_element_type3A_32 : i32
    %add3A_34 = arith.constant 12 : i32
    %add3A_35 = arith.addi %arg0, %add3A_34 : i32
    %ge3A_36 = arith.constant 28 : i32
    %ge3A_37 = arith.cmpi sge, %add3A_35, %ge3A_36 : i32
    %convert_element_type3A_38 = arith.extui %ge3A_37 : i1 to i32
    %add3A_39 = arith.addi %add3A_33, %convert_element_type3A_38 : i32
    %c0_i32 = arith.constant 0 : i32
    %c0_i32_40 = arith.constant 0 : i32
    %c0_i32_41 = arith.constant 0 : i32
    return %add3A_39, %c0_i32, %c0_i32_40 : i32, i32, i32
  }
  func.func @transform_4(%arg0: i32) -> (i32, i32, i32) {
    %add3A = arith.constant 12 : i32
    %add3A_0 = arith.addi %arg0, %add3A : i32
    %ge3A = arith.constant 12 : i32
    %ge3A_1 = arith.cmpi sge, %add3A_0, %ge3A : i32
    %convert_element_type3A = arith.extui %ge3A_1 : i1 to i32
    %add3A_2 = arith.constant 0 : i32
    %add3A_3 = arith.addi %add3A_2, %convert_element_type3A : i32
    %add3A_4 = arith.constant 12 : i32
    %add3A_5 = arith.addi %arg0, %add3A_4 : i32
    %ge3A_6 = arith.constant 15 : i32
    %ge3A_7 = arith.cmpi sge, %add3A_5, %ge3A_6 : i32
    %convert_element_type3A_8 = arith.extui %ge3A_7 : i1 to i32
    %add3A_9 = arith.addi %add3A_3, %convert_element_type3A_8 : i32
    %add3A_10 = arith.constant 12 : i32
    %add3A_11 = arith.addi %arg0, %add3A_10 : i32
    %ge3A_12 = arith.constant 16 : i32
    %ge3A_13 = arith.cmpi sge, %add3A_11, %ge3A_12 : i32
    %convert_element_type3A_14 = arith.extui %ge3A_13 : i1 to i32
    %add3A_15 = arith.addi %add3A_9, %convert_element_type3A_14 : i32
    %add3A_16 = arith.constant 12 : i32
    %add3A_17 = arith.addi %arg0, %add3A_16 : i32
    %ge3A_18 = arith.constant 18 : i32
    %ge3A_19 = arith.cmpi sge, %add3A_17, %ge3A_18 : i32
    %convert_element_type3A_20 = arith.extui %ge3A_19 : i1 to i32
    %add3A_21 = arith.addi %add3A_15, %convert_element_type3A_20 : i32
    %add3A_22 = arith.constant 12 : i32
    %add3A_23 = arith.addi %arg0, %add3A_22 : i32
    %ge3A_24 = arith.constant 19 : i32
    %ge3A_25 = arith.cmpi sge, %add3A_23, %ge3A_24 : i32
    %convert_element_type3A_26 = arith.extui %ge3A_25 : i1 to i32
    %add3A_27 = arith.addi %add3A_21, %convert_element_type3A_26 : i32
    %add3A_28 = arith.constant 12 : i32
    %add3A_29 = arith.addi %arg0, %add3A_28 : i32
    %ge3A_30 = arith.constant 25 : i32
    %ge3A_31 = arith.cmpi sge, %add3A_29, %ge3A_30 : i32
    %convert_element_type3A_32 = arith.extui %ge3A_31 : i1 to i32
    %add3A_33 = arith.addi %add3A_27, %convert_element_type3A_32 : i32
    %add3A_34 = arith.constant 12 : i32
    %add3A_35 = arith.addi %arg0, %add3A_34 : i32
    %ge3A_36 = arith.constant 28 : i32
    %ge3A_37 = arith.cmpi sge, %add3A_35, %ge3A_36 : i32
    %convert_element_type3A_38 = arith.extui %ge3A_37 : i1 to i32
    %add3A_39 = arith.addi %add3A_33, %convert_element_type3A_38 : i32
    %c0_i32 = arith.constant 0 : i32
    %c0_i32_40 = arith.constant 0 : i32
    %c0_i32_41 = arith.constant 0 : i32
    return %add3A_39, %c0_i32, %c0_i32_40 : i32, i32, i32
  }
  func.func @transform_5(%arg0: i32) -> (i32, i32, i32) {
    %add3A = arith.constant 12 : i32
    %add3A_0 = arith.addi %arg0, %add3A : i32
    %ge3A = arith.constant 12 : i32
    %ge3A_1 = arith.cmpi sge, %add3A_0, %ge3A : i32
    %convert_element_type3A = arith.extui %ge3A_1 : i1 to i32
    %add3A_2 = arith.constant 0 : i32
    %add3A_3 = arith.addi %add3A_2, %convert_element_type3A : i32
    %add3A_4 = arith.constant 12 : i32
    %add3A_5 = arith.addi %arg0, %add3A_4 : i32
    %ge3A_6 = arith.constant 15 : i32
    %ge3A_7 = arith.cmpi sge, %add3A_5, %ge3A_6 : i32
    %convert_element_type3A_8 = arith.extui %ge3A_7 : i1 to i32
    %add3A_9 = arith.addi %add3A_3, %convert_element_type3A_8 : i32
    %add3A_10 = arith.constant 12 : i32
    %add3A_11 = arith.addi %arg0, %add3A_10 : i32
    %ge3A_12 = arith.constant 16 : i32
    %ge3A_13 = arith.cmpi sge, %add3A_11, %ge3A_12 : i32
    %convert_element_type3A_14 = arith.extui %ge3A_13 : i1 to i32
    %add3A_15 = arith.addi %add3A_9, %convert_element_type3A_14 : i32
    %add3A_16 = arith.constant 12 : i32
    %add3A_17 = arith.addi %arg0, %add3A_16 : i32
    %ge3A_18 = arith.constant 18 : i32
    %ge3A_19 = arith.cmpi sge, %add3A_17, %ge3A_18 : i32
    %convert_element_type3A_20 = arith.extui %ge3A_19 : i1 to i32
    %add3A_21 = arith.addi %add3A_15, %convert_element_type3A_20 : i32
    %add3A_22 = arith.constant 12 : i32
    %add3A_23 = arith.addi %arg0, %add3A_22 : i32
    %ge3A_24 = arith.constant 19 : i32
    %ge3A_25 = arith.cmpi sge, %add3A_23, %ge3A_24 : i32
    %convert_element_type3A_26 = arith.extui %ge3A_25 : i1 to i32
    %add3A_27 = arith.addi %add3A_21, %convert_element_type3A_26 : i32
    %add3A_28 = arith.constant 12 : i32
    %add3A_29 = arith.addi %arg0, %add3A_28 : i32
    %ge3A_30 = arith.constant 25 : i32
    %ge3A_31 = arith.cmpi sge, %add3A_29, %ge3A_30 : i32
    %convert_element_type3A_32 = arith.extui %ge3A_31 : i1 to i32
    %add3A_33 = arith.addi %add3A_27, %convert_element_type3A_32 : i32
    %add3A_34 = arith.constant 12 : i32
    %add3A_35 = arith.addi %arg0, %add3A_34 : i32
    %ge3A_36 = arith.constant 28 : i32
    %ge3A_37 = arith.cmpi sge, %add3A_35, %ge3A_36 : i32
    %convert_element_type3A_38 = arith.extui %ge3A_37 : i1 to i32
    %add3A_39 = arith.addi %add3A_33, %convert_element_type3A_38 : i32
    %c0_i32 = arith.constant 0 : i32
    %c0_i32_40 = arith.constant 0 : i32
    %c0_i32_41 = arith.constant 0 : i32
    return %add3A_39, %c0_i32, %c0_i32_40 : i32, i32, i32
  }
  func.func @transform_6(%arg0: i32) -> (i32, i32, i32) {
    %add3A = arith.constant 12 : i32
    %add3A_0 = arith.addi %arg0, %add3A : i32
    %ge3A = arith.constant 12 : i32
    %ge3A_1 = arith.cmpi sge, %add3A_0, %ge3A : i32
    %convert_element_type3A = arith.extui %ge3A_1 : i1 to i32
    %add3A_2 = arith.constant 0 : i32
    %add3A_3 = arith.addi %add3A_2, %convert_element_type3A : i32
    %add3A_4 = arith.constant 12 : i32
    %add3A_5 = arith.addi %arg0, %add3A_4 : i32
    %ge3A_6 = arith.constant 15 : i32
    %ge3A_7 = arith.cmpi sge, %add3A_5, %ge3A_6 : i32
    %convert_element_type3A_8 = arith.extui %ge3A_7 : i1 to i32
    %add3A_9 = arith.addi %add3A_3, %convert_element_type3A_8 : i32
    %add3A_10 = arith.constant 12 : i32
    %add3A_11 = arith.addi %arg0, %add3A_10 : i32
    %ge3A_12 = arith.constant 16 : i32
    %ge3A_13 = arith.cmpi sge, %add3A_11, %ge3A_12 : i32
    %convert_element_type3A_14 = arith.extui %ge3A_13 : i1 to i32
    %add3A_15 = arith.addi %add3A_9, %convert_element_type3A_14 : i32
    %add3A_16 = arith.constant 12 : i32
    %add3A_17 = arith.addi %arg0, %add3A_16 : i32
    %ge3A_18 = arith.constant 18 : i32
    %ge3A_19 = arith.cmpi sge, %add3A_17, %ge3A_18 : i32
    %convert_element_type3A_20 = arith.extui %ge3A_19 : i1 to i32
    %add3A_21 = arith.addi %add3A_15, %convert_element_type3A_20 : i32
    %add3A_22 = arith.constant 12 : i32
    %add3A_23 = arith.addi %arg0, %add3A_22 : i32
    %ge3A_24 = arith.constant 19 : i32
    %ge3A_25 = arith.cmpi sge, %add3A_23, %ge3A_24 : i32
    %convert_element_type3A_26 = arith.extui %ge3A_25 : i1 to i32
    %add3A_27 = arith.addi %add3A_21, %convert_element_type3A_26 : i32
    %add3A_28 = arith.constant 12 : i32
    %add3A_29 = arith.addi %arg0, %add3A_28 : i32
    %ge3A_30 = arith.constant 25 : i32
    %ge3A_31 = arith.cmpi sge, %add3A_29, %ge3A_30 : i32
    %convert_element_type3A_32 = arith.extui %ge3A_31 : i1 to i32
    %add3A_33 = arith.addi %add3A_27, %convert_element_type3A_32 : i32
    %add3A_34 = arith.constant 12 : i32
    %add3A_35 = arith.addi %arg0, %add3A_34 : i32
    %ge3A_36 = arith.constant 28 : i32
    %ge3A_37 = arith.cmpi sge, %add3A_35, %ge3A_36 : i32
    %convert_element_type3A_38 = arith.extui %ge3A_37 : i1 to i32
    %add3A_39 = arith.addi %add3A_33, %convert_element_type3A_38 : i32
    %c0_i32 = arith.constant 0 : i32
    %c0_i32_40 = arith.constant 0 : i32
    %c0_i32_41 = arith.constant 0 : i32
    return %add3A_39, %c0_i32, %c0_i32_40 : i32, i32, i32
  }
  func.func @transform_7(%arg0: i32) -> (i32, i32, i32) {
    %add3A = arith.constant 12 : i32
    %add3A_0 = arith.addi %arg0, %add3A : i32
    %ge3A = arith.constant 12 : i32
    %ge3A_1 = arith.cmpi sge, %add3A_0, %ge3A : i32
    %convert_element_type3A = arith.extui %ge3A_1 : i1 to i32
    %add3A_2 = arith.constant 0 : i32
    %add3A_3 = arith.addi %add3A_2, %convert_element_type3A : i32
    %add3A_4 = arith.constant 12 : i32
    %add3A_5 = arith.addi %arg0, %add3A_4 : i32
    %ge3A_6 = arith.constant 15 : i32
    %ge3A_7 = arith.cmpi sge, %add3A_5, %ge3A_6 : i32
    %convert_element_type3A_8 = arith.extui %ge3A_7 : i1 to i32
    %add3A_9 = arith.addi %add3A_3, %convert_element_type3A_8 : i32
    %add3A_10 = arith.constant 12 : i32
    %add3A_11 = arith.addi %arg0, %add3A_10 : i32
    %ge3A_12 = arith.constant 16 : i32
    %ge3A_13 = arith.cmpi sge, %add3A_11, %ge3A_12 : i32
    %convert_element_type3A_14 = arith.extui %ge3A_13 : i1 to i32
    %add3A_15 = arith.addi %add3A_9, %convert_element_type3A_14 : i32
    %add3A_16 = arith.constant 12 : i32
    %add3A_17 = arith.addi %arg0, %add3A_16 : i32
    %ge3A_18 = arith.constant 18 : i32
    %ge3A_19 = arith.cmpi sge, %add3A_17, %ge3A_18 : i32
    %convert_element_type3A_20 = arith.extui %ge3A_19 : i1 to i32
    %add3A_21 = arith.addi %add3A_15, %convert_element_type3A_20 : i32
    %add3A_22 = arith.constant 12 : i32
    %add3A_23 = arith.addi %arg0, %add3A_22 : i32
    %ge3A_24 = arith.constant 19 : i32
    %ge3A_25 = arith.cmpi sge, %add3A_23, %ge3A_24 : i32
    %convert_element_type3A_26 = arith.extui %ge3A_25 : i1 to i32
    %add3A_27 = arith.addi %add3A_21, %convert_element_type3A_26 : i32
    %add3A_28 = arith.constant 12 : i32
    %add3A_29 = arith.addi %arg0, %add3A_28 : i32
    %ge3A_30 = arith.constant 25 : i32
    %ge3A_31 = arith.cmpi sge, %add3A_29, %ge3A_30 : i32
    %convert_element_type3A_32 = arith.extui %ge3A_31 : i1 to i32
    %add3A_33 = arith.addi %add3A_27, %convert_element_type3A_32 : i32
    %add3A_34 = arith.constant 12 : i32
    %add3A_35 = arith.addi %arg0, %add3A_34 : i32
    %ge3A_36 = arith.constant 28 : i32
    %ge3A_37 = arith.cmpi sge, %add3A_35, %ge3A_36 : i32
    %convert_element_type3A_38 = arith.extui %ge3A_37 : i1 to i32
    %add3A_39 = arith.addi %add3A_33, %convert_element_type3A_38 : i32
    %c0_i32 = arith.constant 0 : i32
    %c0_i32_40 = arith.constant 0 : i32
    %c0_i32_41 = arith.constant 0 : i32
    return %add3A_39, %c0_i32, %c0_i32_40 : i32, i32, i32
  }
  func.func @transform_8(%arg0: i32) -> (i32, i32, i32) {
    %add3A = arith.constant 12 : i32
    %add3A_0 = arith.addi %arg0, %add3A : i32
    %ge3A = arith.constant 12 : i32
    %ge3A_1 = arith.cmpi sge, %add3A_0, %ge3A : i32
    %convert_element_type3A = arith.extui %ge3A_1 : i1 to i32
    %add3A_2 = arith.constant 0 : i32
    %add3A_3 = arith.addi %add3A_2, %convert_element_type3A : i32
    %add3A_4 = arith.constant 12 : i32
    %add3A_5 = arith.addi %arg0, %add3A_4 : i32
    %ge3A_6 = arith.constant 15 : i32
    %ge3A_7 = arith.cmpi sge, %add3A_5, %ge3A_6 : i32
    %convert_element_type3A_8 = arith.extui %ge3A_7 : i1 to i32
    %add3A_9 = arith.addi %add3A_3, %convert_element_type3A_8 : i32
    %add3A_10 = arith.constant 12 : i32
    %add3A_11 = arith.addi %arg0, %add3A_10 : i32
    %ge3A_12 = arith.constant 16 : i32
    %ge3A_13 = arith.cmpi sge, %add3A_11, %ge3A_12 : i32
    %convert_element_type3A_14 = arith.extui %ge3A_13 : i1 to i32
    %add3A_15 = arith.addi %add3A_9, %convert_element_type3A_14 : i32
    %add3A_16 = arith.constant 12 : i32
    %add3A_17 = arith.addi %arg0, %add3A_16 : i32
    %ge3A_18 = arith.constant 18 : i32
    %ge3A_19 = arith.cmpi sge, %add3A_17, %ge3A_18 : i32
    %convert_element_type3A_20 = arith.extui %ge3A_19 : i1 to i32
    %add3A_21 = arith.addi %add3A_15, %convert_element_type3A_20 : i32
    %add3A_22 = arith.constant 12 : i32
    %add3A_23 = arith.addi %arg0, %add3A_22 : i32
    %ge3A_24 = arith.constant 19 : i32
    %ge3A_25 = arith.cmpi sge, %add3A_23, %ge3A_24 : i32
    %convert_element_type3A_26 = arith.extui %ge3A_25 : i1 to i32
    %add3A_27 = arith.addi %add3A_21, %convert_element_type3A_26 : i32
    %add3A_28 = arith.constant 12 : i32
    %add3A_29 = arith.addi %arg0, %add3A_28 : i32
    %ge3A_30 = arith.constant 25 : i32
    %ge3A_31 = arith.cmpi sge, %add3A_29, %ge3A_30 : i32
    %convert_element_type3A_32 = arith.extui %ge3A_31 : i1 to i32
    %add3A_33 = arith.addi %add3A_27, %convert_element_type3A_32 : i32
    %add3A_34 = arith.constant 12 : i32
    %add3A_35 = arith.addi %arg0, %add3A_34 : i32
    %ge3A_36 = arith.constant 28 : i32
    %ge3A_37 = arith.cmpi sge, %add3A_35, %ge3A_36 : i32
    %convert_element_type3A_38 = arith.extui %ge3A_37 : i1 to i32
    %add3A_39 = arith.addi %add3A_33, %convert_element_type3A_38 : i32
    %c0_i32 = arith.constant 0 : i32
    %c0_i32_40 = arith.constant 0 : i32
    %c0_i32_41 = arith.constant 0 : i32
    return %add3A_39, %c0_i32, %c0_i32_40 : i32, i32, i32
  }
  func.func @transform_9(%arg0: i32) -> (i32, i32, i32) {
    %add3A = arith.constant 12 : i32
    %add3A_0 = arith.addi %arg0, %add3A : i32
    %ge3A = arith.constant 12 : i32
    %ge3A_1 = arith.cmpi sge, %add3A_0, %ge3A : i32
    %convert_element_type3A = arith.extui %ge3A_1 : i1 to i32
    %add3A_2 = arith.constant 0 : i32
    %add3A_3 = arith.addi %add3A_2, %convert_element_type3A : i32
    %add3A_4 = arith.constant 12 : i32
    %add3A_5 = arith.addi %arg0, %add3A_4 : i32
    %ge3A_6 = arith.constant 15 : i32
    %ge3A_7 = arith.cmpi sge, %add3A_5, %ge3A_6 : i32
    %convert_element_type3A_8 = arith.extui %ge3A_7 : i1 to i32
    %add3A_9 = arith.addi %add3A_3, %convert_element_type3A_8 : i32
    %add3A_10 = arith.constant 12 : i32
    %add3A_11 = arith.addi %arg0, %add3A_10 : i32
    %ge3A_12 = arith.constant 16 : i32
    %ge3A_13 = arith.cmpi sge, %add3A_11, %ge3A_12 : i32
    %convert_element_type3A_14 = arith.extui %ge3A_13 : i1 to i32
    %add3A_15 = arith.addi %add3A_9, %convert_element_type3A_14 : i32
    %add3A_16 = arith.constant 12 : i32
    %add3A_17 = arith.addi %arg0, %add3A_16 : i32
    %ge3A_18 = arith.constant 18 : i32
    %ge3A_19 = arith.cmpi sge, %add3A_17, %ge3A_18 : i32
    %convert_element_type3A_20 = arith.extui %ge3A_19 : i1 to i32
    %add3A_21 = arith.addi %add3A_15, %convert_element_type3A_20 : i32
    %add3A_22 = arith.constant 12 : i32
    %add3A_23 = arith.addi %arg0, %add3A_22 : i32
    %ge3A_24 = arith.constant 19 : i32
    %ge3A_25 = arith.cmpi sge, %add3A_23, %ge3A_24 : i32
    %convert_element_type3A_26 = arith.extui %ge3A_25 : i1 to i32
    %add3A_27 = arith.addi %add3A_21, %convert_element_type3A_26 : i32
    %add3A_28 = arith.constant 12 : i32
    %add3A_29 = arith.addi %arg0, %add3A_28 : i32
    %ge3A_30 = arith.constant 25 : i32
    %ge3A_31 = arith.cmpi sge, %add3A_29, %ge3A_30 : i32
    %convert_element_type3A_32 = arith.extui %ge3A_31 : i1 to i32
    %add3A_33 = arith.addi %add3A_27, %convert_element_type3A_32 : i32
    %add3A_34 = arith.constant 12 : i32
    %add3A_35 = arith.addi %arg0, %add3A_34 : i32
    %ge3A_36 = arith.constant 28 : i32
    %ge3A_37 = arith.cmpi sge, %add3A_35, %ge3A_36 : i32
    %convert_element_type3A_38 = arith.extui %ge3A_37 : i1 to i32
    %add3A_39 = arith.addi %add3A_33, %convert_element_type3A_38 : i32
    %c0_i32 = arith.constant 0 : i32
    %c0_i32_40 = arith.constant 0 : i32
    %c0_i32_41 = arith.constant 0 : i32
    return %add3A_39, %c0_i32, %c0_i32_40 : i32, i32, i32
  }
  func.func @transform_10(%arg0: i32) -> (i32, i32, i32) {
    %add3A = arith.constant 12 : i32
    %add3A_0 = arith.addi %arg0, %add3A : i32
    %ge3A = arith.constant 12 : i32
    %ge3A_1 = arith.cmpi sge, %add3A_0, %ge3A : i32
    %convert_element_type3A = arith.extui %ge3A_1 : i1 to i32
    %add3A_2 = arith.constant 0 : i32
    %add3A_3 = arith.addi %add3A_2, %convert_element_type3A : i32
    %add3A_4 = arith.constant 12 : i32
    %add3A_5 = arith.addi %arg0, %add3A_4 : i32
    %ge3A_6 = arith.constant 15 : i32
    %ge3A_7 = arith.cmpi sge, %add3A_5, %ge3A_6 : i32
    %convert_element_type3A_8 = arith.extui %ge3A_7 : i1 to i32
    %add3A_9 = arith.addi %add3A_3, %convert_element_type3A_8 : i32
    %add3A_10 = arith.constant 12 : i32
    %add3A_11 = arith.addi %arg0, %add3A_10 : i32
    %ge3A_12 = arith.constant 16 : i32
    %ge3A_13 = arith.cmpi sge, %add3A_11, %ge3A_12 : i32
    %convert_element_type3A_14 = arith.extui %ge3A_13 : i1 to i32
    %add3A_15 = arith.addi %add3A_9, %convert_element_type3A_14 : i32
    %add3A_16 = arith.constant 12 : i32
    %add3A_17 = arith.addi %arg0, %add3A_16 : i32
    %ge3A_18 = arith.constant 18 : i32
    %ge3A_19 = arith.cmpi sge, %add3A_17, %ge3A_18 : i32
    %convert_element_type3A_20 = arith.extui %ge3A_19 : i1 to i32
    %add3A_21 = arith.addi %add3A_15, %convert_element_type3A_20 : i32
    %add3A_22 = arith.constant 12 : i32
    %add3A_23 = arith.addi %arg0, %add3A_22 : i32
    %ge3A_24 = arith.constant 19 : i32
    %ge3A_25 = arith.cmpi sge, %add3A_23, %ge3A_24 : i32
    %convert_element_type3A_26 = arith.extui %ge3A_25 : i1 to i32
    %add3A_27 = arith.addi %add3A_21, %convert_element_type3A_26 : i32
    %add3A_28 = arith.constant 12 : i32
    %add3A_29 = arith.addi %arg0, %add3A_28 : i32
    %ge3A_30 = arith.constant 25 : i32
    %ge3A_31 = arith.cmpi sge, %add3A_29, %ge3A_30 : i32
    %convert_element_type3A_32 = arith.extui %ge3A_31 : i1 to i32
    %add3A_33 = arith.addi %add3A_27, %convert_element_type3A_32 : i32
    %add3A_34 = arith.constant 12 : i32
    %add3A_35 = arith.addi %arg0, %add3A_34 : i32
    %ge3A_36 = arith.constant 28 : i32
    %ge3A_37 = arith.cmpi sge, %add3A_35, %ge3A_36 : i32
    %convert_element_type3A_38 = arith.extui %ge3A_37 : i1 to i32
    %add3A_39 = arith.addi %add3A_33, %convert_element_type3A_38 : i32
    %c0_i32 = arith.constant 0 : i32
    %c0_i32_40 = arith.constant 0 : i32
    %c0_i32_41 = arith.constant 0 : i32
    return %add3A_39, %c0_i32, %c0_i32_40 : i32, i32, i32
  }
  func.func @transform_11(%arg0: i32) -> (i32, i32) {
    %c0_i32 = arith.constant 0 : i32
    %c0_i32_0 = arith.constant 0 : i32
    %c0_i32_1 = arith.constant 0 : i32
    return %c0_i32, %c0_i32_0 : i32, i32
  }
}

module attributes {stable_mosaic.version = 14 : i64} {
  func.func @_chain_body(%arg0: i32, %arg1: memref<1x8xf32, #tpu.memory_space<smem>>, %arg2: memref<2048x8xf32, #tpu.memory_space<vmem>>, %arg3: memref<2048x128xf32, #tpu.memory_space<vmem>>, %arg4: memref<1x8x8xf32, #tpu.memory_space<vmem>>, %arg5: memref<1x1x8xf32, #tpu.memory_space<vmem>>, %arg6: memref<1x8x128xf32, #tpu.memory_space<vmem>>, %arg7: memref<1x1x128xf32, #tpu.memory_space<vmem>>, %arg8: memref<1x128x128xf32, #tpu.memory_space<vmem>>, %arg9: memref<1x1x128xf32, #tpu.memory_space<vmem>>, %arg10: memref<1x128x128xf32, #tpu.memory_space<vmem>>, %arg11: memref<1x1x128xf32, #tpu.memory_space<vmem>>, %arg12: memref<1x8xf32, #tpu.memory_space<smem>>, %arg13: memref<1x128xf32, #tpu.memory_space<vmem>>, %arg14: memref<8xf32, #tpu.memory_space<smem>>) attributes {dimension_semantics = [#tpu.dimension_semantics<arbitrary>], iteration_bounds = array<i64: 24>, scalar_prefetch = 0 : i64, scratch_operands = 2 : i64, tpu.core_type = #tpu.core_type<tc>, window_params = [{transform_indices = @transform_0, window_bounds = array<i64: 1, 8>}, {transform_indices = @transform_1, window_bounds = array<i64: 2048, 8>}, {transform_indices = @transform_2, window_bounds = array<i64: 2048, 128>}, {transform_indices = @transform_3, window_bounds = array<i64: 1, 8, 8>}, {transform_indices = @transform_4, window_bounds = array<i64: 1, 1, 8>}, {transform_indices = @transform_5, window_bounds = array<i64: 1, 8, 128>}, {transform_indices = @transform_6, window_bounds = array<i64: 1, 1, 128>}, {transform_indices = @transform_7, window_bounds = array<i64: 1, 128, 128>}, {transform_indices = @transform_8, window_bounds = array<i64: 1, 1, 128>}, {transform_indices = @transform_9, window_bounds = array<i64: 1, 128, 128>}, {transform_indices = @transform_10, window_bounds = array<i64: 1, 1, 128>}, {transform_indices = @transform_11, window_bounds = array<i64: 1, 8>}]} {
    %add3A = arith.constant 28 : i32
    %add3A_0 = arith.addi %arg0, %add3A : i32
    %ge3A = arith.constant 12 : i32
    %ge3A_1 = arith.cmpi sge, %add3A_0, %ge3A : i32
    %convert_element_type3A = arith.extui %ge3A_1 : i1 to i32
    %add3A_2 = arith.constant 0 : i32
    %add3A_3 = arith.addi %add3A_2, %convert_element_type3A : i32
    %ge3A_4 = arith.constant 15 : i32
    %ge3A_5 = arith.cmpi sge, %add3A_0, %ge3A_4 : i32
    %convert_element_type3A_6 = arith.extui %ge3A_5 : i1 to i32
    %add3A_7 = arith.addi %add3A_3, %convert_element_type3A_6 : i32
    %ge3A_8 = arith.constant 16 : i32
    %ge3A_9 = arith.cmpi sge, %add3A_0, %ge3A_8 : i32
    %convert_element_type3A_10 = arith.extui %ge3A_9 : i1 to i32
    %add3A_11 = arith.addi %add3A_7, %convert_element_type3A_10 : i32
    %ge3A_12 = arith.constant 18 : i32
    %ge3A_13 = arith.cmpi sge, %add3A_0, %ge3A_12 : i32
    %convert_element_type3A_14 = arith.extui %ge3A_13 : i1 to i32
    %add3A_15 = arith.addi %add3A_11, %convert_element_type3A_14 : i32
    %ge3A_16 = arith.constant 19 : i32
    %ge3A_17 = arith.cmpi sge, %add3A_0, %ge3A_16 : i32
    %convert_element_type3A_18 = arith.extui %ge3A_17 : i1 to i32
    %add3A_19 = arith.addi %add3A_15, %convert_element_type3A_18 : i32
    %ge3A_20 = arith.constant 25 : i32
    %ge3A_21 = arith.cmpi sge, %add3A_0, %ge3A_20 : i32
    %convert_element_type3A_22 = arith.extui %ge3A_21 : i1 to i32
    %add3A_23 = arith.addi %add3A_19, %convert_element_type3A_22 : i32
    %ge3A_24 = arith.constant 28 : i32
    %ge3A_25 = arith.cmpi sge, %add3A_0, %ge3A_24 : i32
    %convert_element_type3A_26 = arith.extui %ge3A_25 : i1 to i32
    %add3A_27 = arith.addi %add3A_23, %convert_element_type3A_26 : i32
    %eq3A = arith.constant 0 : i32
    %eq3A_28 = arith.cmpi eq, %arg0, %eq3A : i32
    %convert_element_type3A_29 = arith.extui %eq3A_28 : i1 to i32
    %cond3A = arith.constant 0 : i32
    %cond3A_30 = arith.cmpi ne, %convert_element_type3A_29, %cond3A : i32
    scf.if %cond3A_30 {
      %broadcast_in_dim3A_274 = arith.constant 0.000000e+00 : f32
      %broadcast_in_dim3A_275 = vector.broadcast %broadcast_in_dim3A_274 : f32 to vector<1x128xf32>
      %swap3A = arith.constant 0 : index
      %swap3A_276 = arith.constant 0 : index
      %swap3A_277 = vector.load %arg13[%swap3A, %swap3A_276] : memref<1x128xf32, #tpu.memory_space<vmem>>, vector<1x128xf32>
      tpu.vector_store %arg13[%swap3A, %swap3A_276], %broadcast_in_dim3A_275 {strides = array<i32>} : memref<1x128xf32, #tpu.memory_space<vmem>>, vector<1x128xf32>,
      %get3A_278 = arith.constant 0 : index
      %get3A_279 = arith.constant 0 : index
      %get3A_280 = memref.load %arg1[%get3A_278, %get3A_279] : memref<1x8xf32, #tpu.memory_space<smem>>
      %swap3A_281 = arith.constant 0 : index
      %swap3A_282 = memref.load %arg14[%swap3A_281] : memref<8xf32, #tpu.memory_space<smem>>
      memref.store %get3A_280, %arg14[%swap3A_281] : memref<8xf32, #tpu.memory_space<smem>>
      %get3A_283 = arith.constant 0 : index
      %get3A_284 = arith.constant 0 : index
      %get3A_285 = memref.load %arg1[%get3A_283, %get3A_284] : memref<1x8xf32, #tpu.memory_space<smem>>
      %swap3A_286 = arith.constant 0 : index
      %swap3A_287 = arith.constant 0 : index
      %swap3A_288 = memref.load %arg12[%swap3A_286, %swap3A_287] : memref<1x8xf32, #tpu.memory_space<smem>>
      memref.store %get3A_285, %arg12[%swap3A_286, %swap3A_287] : memref<1x8xf32, #tpu.memory_space<smem>>
      %get3A_289 = arith.constant 0 : index
      %get3A_290 = arith.constant 1 : index
      %get3A_291 = memref.load %arg1[%get3A_289, %get3A_290] : memref<1x8xf32, #tpu.memory_space<smem>>
      %swap3A_292 = arith.constant 1 : index
      %swap3A_293 = memref.load %arg14[%swap3A_292] : memref<8xf32, #tpu.memory_space<smem>>
      memref.store %get3A_291, %arg14[%swap3A_292] : memref<8xf32, #tpu.memory_space<smem>>
      %get3A_294 = arith.constant 0 : index
      %get3A_295 = arith.constant 1 : index
      %get3A_296 = memref.load %arg1[%get3A_294, %get3A_295] : memref<1x8xf32, #tpu.memory_space<smem>>
      %swap3A_297 = arith.constant 0 : index
      %swap3A_298 = arith.constant 1 : index
      %swap3A_299 = memref.load %arg12[%swap3A_297, %swap3A_298] : memref<1x8xf32, #tpu.memory_space<smem>>
      memref.store %get3A_296, %arg12[%swap3A_297, %swap3A_298] : memref<1x8xf32, #tpu.memory_space<smem>>
      %get3A_300 = arith.constant 0 : index
      %get3A_301 = arith.constant 2 : index
      %get3A_302 = memref.load %arg1[%get3A_300, %get3A_301] : memref<1x8xf32, #tpu.memory_space<smem>>
      %swap3A_303 = arith.constant 2 : index
      %swap3A_304 = memref.load %arg14[%swap3A_303] : memref<8xf32, #tpu.memory_space<smem>>
      memref.store %get3A_302, %arg14[%swap3A_303] : memref<8xf32, #tpu.memory_space<smem>>
      %get3A_305 = arith.constant 0 : index
      %get3A_306 = arith.constant 2 : index
      %get3A_307 = memref.load %arg1[%get3A_305, %get3A_306] : memref<1x8xf32, #tpu.memory_space<smem>>
      %swap3A_308 = arith.constant 0 : index
      %swap3A_309 = arith.constant 2 : index
      %swap3A_310 = memref.load %arg12[%swap3A_308, %swap3A_309] : memref<1x8xf32, #tpu.memory_space<smem>>
      memref.store %get3A_307, %arg12[%swap3A_308, %swap3A_309] : memref<1x8xf32, #tpu.memory_space<smem>>
      %get3A_311 = arith.constant 0 : index
      %get3A_312 = arith.constant 3 : index
      %get3A_313 = memref.load %arg1[%get3A_311, %get3A_312] : memref<1x8xf32, #tpu.memory_space<smem>>
      %swap3A_314 = arith.constant 3 : index
      %swap3A_315 = memref.load %arg14[%swap3A_314] : memref<8xf32, #tpu.memory_space<smem>>
      memref.store %get3A_313, %arg14[%swap3A_314] : memref<8xf32, #tpu.memory_space<smem>>
      %get3A_316 = arith.constant 0 : index
      %get3A_317 = arith.constant 3 : index
      %get3A_318 = memref.load %arg1[%get3A_316, %get3A_317] : memref<1x8xf32, #tpu.memory_space<smem>>
      %swap3A_319 = arith.constant 0 : index
      %swap3A_320 = arith.constant 3 : index
      %swap3A_321 = memref.load %arg12[%swap3A_319, %swap3A_320] : memref<1x8xf32, #tpu.memory_space<smem>>
      memref.store %get3A_318, %arg12[%swap3A_319, %swap3A_320] : memref<1x8xf32, #tpu.memory_space<smem>>
      %get3A_322 = arith.constant 0 : index
      %get3A_323 = arith.constant 4 : index
      %get3A_324 = memref.load %arg1[%get3A_322, %get3A_323] : memref<1x8xf32, #tpu.memory_space<smem>>
      %swap3A_325 = arith.constant 4 : index
      %swap3A_326 = memref.load %arg14[%swap3A_325] : memref<8xf32, #tpu.memory_space<smem>>
      memref.store %get3A_324, %arg14[%swap3A_325] : memref<8xf32, #tpu.memory_space<smem>>
      %get3A_327 = arith.constant 0 : index
      %get3A_328 = arith.constant 4 : index
      %get3A_329 = memref.load %arg1[%get3A_327, %get3A_328] : memref<1x8xf32, #tpu.memory_space<smem>>
      %swap3A_330 = arith.constant 0 : index
      %swap3A_331 = arith.constant 4 : index
      %swap3A_332 = memref.load %arg12[%swap3A_330, %swap3A_331] : memref<1x8xf32, #tpu.memory_space<smem>>
      memref.store %get3A_329, %arg12[%swap3A_330, %swap3A_331] : memref<1x8xf32, #tpu.memory_space<smem>>
      %get3A_333 = arith.constant 0 : index
      %get3A_334 = arith.constant 5 : index
      %get3A_335 = memref.load %arg1[%get3A_333, %get3A_334] : memref<1x8xf32, #tpu.memory_space<smem>>
      %swap3A_336 = arith.constant 5 : index
      %swap3A_337 = memref.load %arg14[%swap3A_336] : memref<8xf32, #tpu.memory_space<smem>>
      memref.store %get3A_335, %arg14[%swap3A_336] : memref<8xf32, #tpu.memory_space<smem>>
      %get3A_338 = arith.constant 0 : index
      %get3A_339 = arith.constant 5 : index
      %get3A_340 = memref.load %arg1[%get3A_338, %get3A_339] : memref<1x8xf32, #tpu.memory_space<smem>>
      %swap3A_341 = arith.constant 0 : index
      %swap3A_342 = arith.constant 5 : index
      %swap3A_343 = memref.load %arg12[%swap3A_341, %swap3A_342] : memref<1x8xf32, #tpu.memory_space<smem>>
      memref.store %get3A_340, %arg12[%swap3A_341, %swap3A_342] : memref<1x8xf32, #tpu.memory_space<smem>>
      %get3A_344 = arith.constant 0 : index
      %get3A_345 = arith.constant 6 : index
      %get3A_346 = memref.load %arg1[%get3A_344, %get3A_345] : memref<1x8xf32, #tpu.memory_space<smem>>
      %swap3A_347 = arith.constant 6 : index
      %swap3A_348 = memref.load %arg14[%swap3A_347] : memref<8xf32, #tpu.memory_space<smem>>
      memref.store %get3A_346, %arg14[%swap3A_347] : memref<8xf32, #tpu.memory_space<smem>>
      %get3A_349 = arith.constant 0 : index
      %get3A_350 = arith.constant 6 : index
      %get3A_351 = memref.load %arg1[%get3A_349, %get3A_350] : memref<1x8xf32, #tpu.memory_space<smem>>
      %swap3A_352 = arith.constant 0 : index
      %swap3A_353 = arith.constant 6 : index
      %swap3A_354 = memref.load %arg12[%swap3A_352, %swap3A_353] : memref<1x8xf32, #tpu.memory_space<smem>>
      memref.store %get3A_351, %arg12[%swap3A_352, %swap3A_353] : memref<1x8xf32, #tpu.memory_space<smem>>
      %get3A_355 = arith.constant 0 : index
      %get3A_356 = arith.constant 7 : index
      %get3A_357 = memref.load %arg1[%get3A_355, %get3A_356] : memref<1x8xf32, #tpu.memory_space<smem>>
      %swap3A_358 = arith.constant 7 : index
      %swap3A_359 = memref.load %arg14[%swap3A_358] : memref<8xf32, #tpu.memory_space<smem>>
      memref.store %get3A_357, %arg14[%swap3A_358] : memref<8xf32, #tpu.memory_space<smem>>
      %get3A_360 = arith.constant 0 : index
      %get3A_361 = arith.constant 7 : index
      %get3A_362 = memref.load %arg1[%get3A_360, %get3A_361] : memref<1x8xf32, #tpu.memory_space<smem>>
      %swap3A_363 = arith.constant 0 : index
      %swap3A_364 = arith.constant 7 : index
      %swap3A_365 = memref.load %arg12[%swap3A_363, %swap3A_364] : memref<1x8xf32, #tpu.memory_space<smem>>
      memref.store %get3A_362, %arg12[%swap3A_363, %swap3A_364] : memref<1x8xf32, #tpu.memory_space<smem>>
    } else {
    }
    %get3A = arith.constant 0 : index
    %get3A_31 = arith.constant 0 : index
    %get3A_32 = vector.load %arg2[%get3A, %get3A_31] : memref<2048x8xf32, #tpu.memory_space<vmem>>, vector<2048x8xf32>
    %get3A_33 = arith.constant 0 : index
    %get3A_34 = arith.constant 0 : index
    %get3A_35 = arith.constant 0 : index
    %get3A_36 = vector.load %arg4[%get3A_33, %get3A_34, %get3A_35] : memref<1x8x8xf32, #tpu.memory_space<vmem>>, vector<1x8x8xf32>
    %get3A_37 = vector.shape_cast %get3A_36 : vector<1x8x8xf32> to vector<8x8xf32>
    %dot_general3A = arith.constant dense<0.000000e+00> : vector<2048x8xf32>
    %dot_general3A_38 = tpu.matmul %get3A_32, %get3A_37, %dot_general3A {dimension_numbers = #tpu.dot_dimension_numbers<[1], [0], [0], [1], [0, 0, 1, 1], [], []>, transpose_lhs_hint = false} : vector<2048x8xf32>, vector<8x8xf32>, vector<2048x8xf32> -> vector<2048x8xf32>
    %get3A_39 = arith.constant 0 : index
    %get3A_40 = arith.constant 0 : index
    %get3A_41 = arith.constant 0 : index
    %get3A_42 = vector.load %arg5[%get3A_39, %get3A_40, %get3A_41] : memref<1x1x8xf32, #tpu.memory_space<vmem>>, vector<1x1x8xf32>
    %get3A_43 = vector.shape_cast %get3A_42 : vector<1x1x8xf32> to vector<1x8xf32>
    %add3A_44 = vector.broadcast %get3A_43 : vector<1x8xf32> to vector<2048x8xf32>
    %add3A_45 = arith.addf %dot_general3A_38, %add3A_44 : vector<2048x8xf32>
    %max3A = arith.constant 0.000000e+00 : f32
    %max3A_46 = vector.broadcast %max3A : f32 to vector<2048x8xf32>
    %max3A_47 = arith.maximumf %add3A_45, %max3A_46 : vector<2048x8xf32>
    %get3A_48 = arith.constant 0 : index
    %get3A_49 = arith.constant 0 : index
    %get3A_50 = arith.constant 0 : index
    %get3A_51 = vector.load %arg6[%get3A_48, %get3A_49, %get3A_50] : memref<1x8x128xf32, #tpu.memory_space<vmem>>, vector<1x8x128xf32>
    %get3A_52 = vector.shape_cast %get3A_51 : vector<1x8x128xf32> to vector<8x128xf32>
    %dot_general3A_53 = arith.constant dense<0.000000e+00> : vector<2048x128xf32>
    %dot_general3A_54 = tpu.matmul %max3A_47, %get3A_52, %dot_general3A_53 {dimension_numbers = #tpu.dot_dimension_numbers<[1], [0], [0], [1], [0, 0, 1, 1], [], []>, transpose_lhs_hint = false} : vector<2048x8xf32>, vector<8x128xf32>, vector<2048x128xf32> -> vector<2048x128xf32>
    %get3A_55 = arith.constant 0 : index
    %get3A_56 = arith.constant 0 : index
    %get3A_57 = arith.constant 0 : index
    %get3A_58 = vector.load %arg7[%get3A_55, %get3A_56, %get3A_57] : memref<1x1x128xf32, #tpu.memory_space<vmem>>, vector<1x1x128xf32>
    %get3A_59 = vector.shape_cast %get3A_58 : vector<1x1x128xf32> to vector<1x128xf32>
    %add3A_60 = vector.broadcast %get3A_59 : vector<1x128xf32> to vector<2048x128xf32>
    %add3A_61 = arith.addf %dot_general3A_54, %add3A_60 : vector<2048x128xf32>
    %max3A_62 = arith.constant 0.000000e+00 : f32
    %max3A_63 = vector.broadcast %max3A_62 : f32 to vector<2048x128xf32>
    %max3A_64 = arith.maximumf %add3A_61, %max3A_63 : vector<2048x128xf32>
    %get3A_65 = arith.constant 0 : index
    %get3A_66 = arith.constant 0 : index
    %get3A_67 = arith.constant 0 : index
    %get3A_68 = vector.load %arg8[%get3A_65, %get3A_66, %get3A_67] : memref<1x128x128xf32, #tpu.memory_space<vmem>>, vector<1x128x128xf32>
    %get3A_69 = vector.shape_cast %get3A_68 : vector<1x128x128xf32> to vector<128x128xf32>
    %dot_general3A_70 = arith.constant dense<0.000000e+00> : vector<2048x128xf32>
    %dot_general3A_71 = tpu.matmul %max3A_64, %get3A_69, %dot_general3A_70 {dimension_numbers = #tpu.dot_dimension_numbers<[1], [0], [0], [1], [0, 0, 1, 1], [], []>, transpose_lhs_hint = false} : vector<2048x128xf32>, vector<128x128xf32>, vector<2048x128xf32> -> vector<2048x128xf32>
    %get3A_72 = arith.constant 0 : index
    %get3A_73 = arith.constant 0 : index
    %get3A_74 = arith.constant 0 : index
    %get3A_75 = vector.load %arg9[%get3A_72, %get3A_73, %get3A_74] : memref<1x1x128xf32, #tpu.memory_space<vmem>>, vector<1x1x128xf32>
    %get3A_76 = vector.shape_cast %get3A_75 : vector<1x1x128xf32> to vector<1x128xf32>
    %add3A_77 = vector.broadcast %get3A_76 : vector<1x128xf32> to vector<2048x128xf32>
    %add3A_78 = arith.addf %dot_general3A_71, %add3A_77 : vector<2048x128xf32>
    %max3A_79 = arith.constant 0.000000e+00 : f32
    %max3A_80 = vector.broadcast %max3A_79 : f32 to vector<2048x128xf32>
    %max3A_81 = arith.maximumf %add3A_78, %max3A_80 : vector<2048x128xf32>
    %get3A_82 = arith.constant 0 : index
    %get3A_83 = arith.constant 0 : index
    %get3A_84 = arith.constant 0 : index
    %get3A_85 = vector.load %arg10[%get3A_82, %get3A_83, %get3A_84] : memref<1x128x128xf32, #tpu.memory_space<vmem>>, vector<1x128x128xf32>
    %get3A_86 = vector.shape_cast %get3A_85 : vector<1x128x128xf32> to vector<128x128xf32>
    %dot_general3A_87 = arith.constant dense<0.000000e+00> : vector<2048x128xf32>
    %dot_general3A_88 = tpu.matmul %max3A_81, %get3A_86, %dot_general3A_87 {dimension_numbers = #tpu.dot_dimension_numbers<[1], [0], [0], [1], [0, 0, 1, 1], [], []>, transpose_lhs_hint = false} : vector<2048x128xf32>, vector<128x128xf32>, vector<2048x128xf32> -> vector<2048x128xf32>
    %get3A_89 = arith.constant 0 : index
    %get3A_90 = arith.constant 0 : index
    %get3A_91 = arith.constant 0 : index
    %get3A_92 = vector.load %arg11[%get3A_89, %get3A_90, %get3A_91] : memref<1x1x128xf32, #tpu.memory_space<vmem>>, vector<1x1x128xf32>
    %get3A_93 = vector.shape_cast %get3A_92 : vector<1x1x128xf32> to vector<1x128xf32>
    %add3A_94 = vector.broadcast %get3A_93 : vector<1x128xf32> to vector<2048x128xf32>
    %add3A_95 = arith.addf %dot_general3A_88, %add3A_94 : vector<2048x128xf32>
    %get3A_96 = arith.constant 0 : index
    %get3A_97 = arith.constant 0 : index
    %get3A_98 = vector.load %arg3[%get3A_96, %get3A_97] : memref<2048x128xf32, #tpu.memory_space<vmem>>, vector<2048x128xf32>
    %gt3A = arith.constant 0 : i32
    %gt3A_99 = arith.cmpi sgt, %add3A_27, %gt3A : i32
    %get3A_100 = arith.constant 0 : index
    %get3A_101 = memref.load %arg14[%get3A_100] : memref<8xf32, #tpu.memory_space<smem>>
    %add3A_102 = vector.broadcast %get3A_101 : f32 to vector<2048x128xf32>
    %add3A_103 = arith.addf %get3A_98, %add3A_102 : vector<2048x128xf32>
    %max3A_104 = arith.constant 0.000000e+00 : f32
    %max3A_105 = vector.broadcast %max3A_104 : f32 to vector<2048x128xf32>
    %max3A_106 = arith.maximumf %add3A_103, %max3A_105 : vector<2048x128xf32>
    %select_n3A = arith.select %gt3A_99, %max3A_106, %get3A_98 : vector<2048x128xf32>
    %gt3A_107 = arith.constant 1 : i32
    %gt3A_108 = arith.cmpi sgt, %add3A_27, %gt3A_107 : i32
    %get3A_109 = arith.constant 1 : index
    %get3A_110 = memref.load %arg14[%get3A_109] : memref<8xf32, #tpu.memory_space<smem>>
    %add3A_111 = vector.broadcast %get3A_110 : f32 to vector<2048x128xf32>
    %add3A_112 = arith.addf %select_n3A, %add3A_111 : vector<2048x128xf32>
    %max3A_113 = arith.constant 0.000000e+00 : f32
    %max3A_114 = vector.broadcast %max3A_113 : f32 to vector<2048x128xf32>
    %max3A_115 = arith.maximumf %add3A_112, %max3A_114 : vector<2048x128xf32>
    %select_n3A_116 = arith.select %gt3A_108, %max3A_115, %select_n3A : vector<2048x128xf32>
    %gt3A_117 = arith.constant 2 : i32
    %gt3A_118 = arith.cmpi sgt, %add3A_27, %gt3A_117 : i32
    %get3A_119 = arith.constant 2 : index
    %get3A_120 = memref.load %arg14[%get3A_119] : memref<8xf32, #tpu.memory_space<smem>>
    %add3A_121 = vector.broadcast %get3A_120 : f32 to vector<2048x128xf32>
    %add3A_122 = arith.addf %select_n3A_116, %add3A_121 : vector<2048x128xf32>
    %max3A_123 = arith.constant 0.000000e+00 : f32
    %max3A_124 = vector.broadcast %max3A_123 : f32 to vector<2048x128xf32>
    %max3A_125 = arith.maximumf %add3A_122, %max3A_124 : vector<2048x128xf32>
    %select_n3A_126 = arith.select %gt3A_118, %max3A_125, %select_n3A_116 : vector<2048x128xf32>
    %gt3A_127 = arith.constant 3 : i32
    %gt3A_128 = arith.cmpi sgt, %add3A_27, %gt3A_127 : i32
    %get3A_129 = arith.constant 3 : index
    %get3A_130 = memref.load %arg14[%get3A_129] : memref<8xf32, #tpu.memory_space<smem>>
    %add3A_131 = vector.broadcast %get3A_130 : f32 to vector<2048x128xf32>
    %add3A_132 = arith.addf %select_n3A_126, %add3A_131 : vector<2048x128xf32>
    %max3A_133 = arith.constant 0.000000e+00 : f32
    %max3A_134 = vector.broadcast %max3A_133 : f32 to vector<2048x128xf32>
    %max3A_135 = arith.maximumf %add3A_132, %max3A_134 : vector<2048x128xf32>
    %select_n3A_136 = arith.select %gt3A_128, %max3A_135, %select_n3A_126 : vector<2048x128xf32>
    %gt3A_137 = arith.constant 4 : i32
    %gt3A_138 = arith.cmpi sgt, %add3A_27, %gt3A_137 : i32
    %get3A_139 = arith.constant 4 : index
    %get3A_140 = memref.load %arg14[%get3A_139] : memref<8xf32, #tpu.memory_space<smem>>
    %add3A_141 = vector.broadcast %get3A_140 : f32 to vector<2048x128xf32>
    %add3A_142 = arith.addf %select_n3A_136, %add3A_141 : vector<2048x128xf32>
    %max3A_143 = arith.constant 0.000000e+00 : f32
    %max3A_144 = vector.broadcast %max3A_143 : f32 to vector<2048x128xf32>
    %max3A_145 = arith.maximumf %add3A_142, %max3A_144 : vector<2048x128xf32>
    %select_n3A_146 = arith.select %gt3A_138, %max3A_145, %select_n3A_136 : vector<2048x128xf32>
    %gt3A_147 = arith.constant 5 : i32
    %gt3A_148 = arith.cmpi sgt, %add3A_27, %gt3A_147 : i32
    %get3A_149 = arith.constant 5 : index
    %get3A_150 = memref.load %arg14[%get3A_149] : memref<8xf32, #tpu.memory_space<smem>>
    %add3A_151 = vector.broadcast %get3A_150 : f32 to vector<2048x128xf32>
    %add3A_152 = arith.addf %select_n3A_146, %add3A_151 : vector<2048x128xf32>
    %max3A_153 = arith.constant 0.000000e+00 : f32
    %max3A_154 = vector.broadcast %max3A_153 : f32 to vector<2048x128xf32>
    %max3A_155 = arith.maximumf %add3A_152, %max3A_154 : vector<2048x128xf32>
    %select_n3A_156 = arith.select %gt3A_148, %max3A_155, %select_n3A_146 : vector<2048x128xf32>
    %gt3A_157 = arith.constant 6 : i32
    %gt3A_158 = arith.cmpi sgt, %add3A_27, %gt3A_157 : i32
    %get3A_159 = arith.constant 6 : index
    %get3A_160 = memref.load %arg14[%get3A_159] : memref<8xf32, #tpu.memory_space<smem>>
    %add3A_161 = vector.broadcast %get3A_160 : f32 to vector<2048x128xf32>
    %add3A_162 = arith.addf %select_n3A_156, %add3A_161 : vector<2048x128xf32>
    %max3A_163 = arith.constant 0.000000e+00 : f32
    %max3A_164 = vector.broadcast %max3A_163 : f32 to vector<2048x128xf32>
    %max3A_165 = arith.maximumf %add3A_162, %max3A_164 : vector<2048x128xf32>
    %select_n3A_166 = arith.select %gt3A_158, %max3A_165, %select_n3A_156 : vector<2048x128xf32>
    %eq3A_167 = arith.constant 1 : i32
    %eq3A_168 = arith.cmpi eq, %add3A_27, %eq3A_167 : i32
    %jit3A = arith.constant 30576 : i32
    %jit3A_169 = arith.constant 24000 : i32
    %select_n3A_170 = arith.select %eq3A_168, %jit3A, %jit3A_169 : i32
    %eq3A_171 = arith.constant 2 : i32
    %eq3A_172 = arith.cmpi eq, %add3A_27, %eq3A_171 : i32
    %jit3A_173 = arith.constant 32220 : i32
    %select_n3A_174 = arith.select %eq3A_172, %jit3A_173, %select_n3A_170 : i32
    %eq3A_175 = arith.constant 3 : i32
    %eq3A_176 = arith.cmpi eq, %add3A_27, %eq3A_175 : i32
    %jit3A_177 = arith.constant 35768 : i32
    %select_n3A_178 = arith.select %eq3A_176, %jit3A_177, %select_n3A_174 : i32
    %eq3A_179 = arith.constant 4 : i32
    %eq3A_180 = arith.cmpi eq, %add3A_27, %eq3A_179 : i32
    %jit3A_181 = arith.constant 38364 : i32
    %select_n3A_182 = arith.select %eq3A_180, %jit3A_181, %select_n3A_178 : i32
    %eq3A_183 = arith.constant 5 : i32
    %eq3A_184 = arith.cmpi eq, %add3A_27, %eq3A_183 : i32
    %jit3A_185 = arith.constant 50912 : i32
    %select_n3A_186 = arith.select %eq3A_184, %jit3A_185, %select_n3A_182 : i32
    %eq3A_187 = arith.constant 6 : i32
    %eq3A_188 = arith.cmpi eq, %add3A_27, %eq3A_187 : i32
    %jit3A_189 = arith.constant 57200 : i32
    %select_n3A_190 = arith.select %eq3A_188, %jit3A_189, %select_n3A_186 : i32
    %eq3A_191 = arith.constant 7 : i32
    %eq3A_192 = arith.cmpi eq, %add3A_27, %eq3A_191 : i32
    %jit3A_193 = arith.constant 105344 : i32
    %select_n3A_194 = arith.select %eq3A_192, %jit3A_193, %select_n3A_190 : i32
    %mul3A = arith.constant 2048 : i32
    %mul3A_195 = arith.muli %add3A_0, %mul3A : i32
    %iota3A = tpu.iota {dimensions = array<i32: 0>} : vector<2048x128xi32>
    %add3A_196 = vector.broadcast %mul3A_195 : i32 to vector<2048x128xi32>
    %add3A_197 = arith.addi %add3A_196, %iota3A : vector<2048x128xi32>
    %lt3A = vector.broadcast %select_n3A_194 : i32 to vector<2048x128xi32>
    %lt3A_198 = arith.cmpi slt, %add3A_197, %lt3A : vector<2048x128xi32>
    %mul3A_199 = arith.mulf %select_n3A_166, %add3A_95 : vector<2048x128xf32>
    %jit3A_200 = arith.constant 0.000000e+00 : f32
    %broadcast_in_dim3A = vector.broadcast %jit3A_200 : f32 to vector<2048x128xf32>
    %select_n3A_201 = arith.select %lt3A_198, %mul3A_199, %broadcast_in_dim3A : vector<2048x128xi1>, vector<2048x128xf32>
    %reduce_sum3A = arith.constant dense<0.000000e+00> : vector<128xf32>
    %reduce_sum3A_202 = vector.multi_reduction <add>, %select_n3A_201, %reduce_sum3A [0] : vector<2048x128xf32> to vector<128xf32>
    %broadcast_in_dim3A_203 = vector.shape_cast %reduce_sum3A_202 : vector<128xf32> to vector<1x128xf32>
    %get3A_204 = arith.constant 0 : index
    %get3A_205 = arith.constant 0 : index
    %get3A_206 = vector.load %arg13[%get3A_204, %get3A_205] : memref<1x128xf32, #tpu.memory_space<vmem>>, vector<1x128xf32>
    %add3A_207 = arith.addf %get3A_206, %broadcast_in_dim3A_203 : vector<1x128xf32>
    %eq3A_208 = arith.constant 11 : i32
    %eq3A_209 = arith.cmpi eq, %add3A_0, %eq3A_208 : i32
    %convert_element_type3A_210 = arith.extui %eq3A_209 : i1 to i32
    %cond3A_211 = arith.constant 0 : i32
    %cond3A_212 = arith.cmpi ne, %convert_element_type3A_210, %cond3A_211 : i32
    scf.if %cond3A_212 {
      %reduce_sum3A_274 = vector.shape_cast %add3A_207 : vector<1x128xf32> to vector<1x1x128xf32>
      %reduce_sum3A_275 = arith.constant dense<0.000000e+00> : vector<1xf32>
      %reduce_sum3A_276 = vector.multi_reduction <add>, %reduce_sum3A_274, %reduce_sum3A_275 [1, 2] : vector<1x1x128xf32> to vector<1xf32>
      %reduce_sum3A_277 = vector.shape_cast %reduce_sum3A_276 : vector<1xf32> to vector<1x1x1xf32>
      %reduce_sum3A_278 = vector.extract %reduce_sum3A_277[0, 0, 0] : f32 from vector<1x1x1xf32>
      %mul3A_279 = arith.constant 1.30208332E-6 : f32
      %mul3A_280 = arith.mulf %reduce_sum3A_278, %mul3A_279 : f32
      %swap3A = arith.constant 0 : index
      %swap3A_281 = memref.load %arg14[%swap3A] : memref<8xf32, #tpu.memory_space<smem>>
      memref.store %mul3A_280, %arg14[%swap3A] : memref<8xf32, #tpu.memory_space<smem>>
      %swap3A_282 = arith.constant 0 : index
      %swap3A_283 = arith.constant 0 : index
      %swap3A_284 = memref.load %arg12[%swap3A_282, %swap3A_283] : memref<1x8xf32, #tpu.memory_space<smem>>
      memref.store %mul3A_280, %arg12[%swap3A_282, %swap3A_283] : memref<1x8xf32, #tpu.memory_space<smem>>
      %broadcast_in_dim3A_285 = arith.constant 0.000000e+00 : f32
      %broadcast_in_dim3A_286 = vector.broadcast %broadcast_in_dim3A_285 : f32 to vector<1x128xf32>
      %swap3A_287 = arith.constant 0 : index
      %swap3A_288 = arith.constant 0 : index
      %swap3A_289 = vector.load %arg13[%swap3A_287, %swap3A_288] : memref<1x128xf32, #tpu.memory_space<vmem>>, vector<1x128xf32>
      tpu.vector_store %arg13[%swap3A_287, %swap3A_288], %broadcast_in_dim3A_286 {strides = array<i32>} : memref<1x128xf32, #tpu.memory_space<vmem>>, vector<1x128xf32>,
    } else {
    }
    %eq3A_213 = arith.constant 14 : i32
    %eq3A_214 = arith.cmpi eq, %add3A_0, %eq3A_213 : i32
    %convert_element_type3A_215 = arith.extui %eq3A_214 : i1 to i32
    %cond3A_216 = arith.constant 0 : i32
    %cond3A_217 = arith.cmpi ne, %convert_element_type3A_215, %cond3A_216 : i32
    scf.if %cond3A_217 {
      %reduce_sum3A_274 = vector.shape_cast %add3A_207 : vector<1x128xf32> to vector<1x1x128xf32>
      %reduce_sum3A_275 = arith.constant dense<0.000000e+00> : vector<1xf32>
      %reduce_sum3A_276 = vector.multi_reduction <add>, %reduce_sum3A_274, %reduce_sum3A_275 [1, 2] : vector<1x1x128xf32> to vector<1xf32>
      %reduce_sum3A_277 = vector.shape_cast %reduce_sum3A_276 : vector<1xf32> to vector<1x1x1xf32>
      %reduce_sum3A_278 = vector.extract %reduce_sum3A_277[0, 0, 0] : f32 from vector<1x1x1xf32>
      %mul3A_279 = arith.constant 5.20833328E-6 : f32
      %mul3A_280 = arith.mulf %reduce_sum3A_278, %mul3A_279 : f32
      %swap3A = arith.constant 1 : index
      %swap3A_281 = memref.load %arg14[%swap3A] : memref<8xf32, #tpu.memory_space<smem>>
      memref.store %mul3A_280, %arg14[%swap3A] : memref<8xf32, #tpu.memory_space<smem>>
      %swap3A_282 = arith.constant 0 : index
      %swap3A_283 = arith.constant 1 : index
      %swap3A_284 = memref.load %arg12[%swap3A_282, %swap3A_283] : memref<1x8xf32, #tpu.memory_space<smem>>
      memref.store %mul3A_280, %arg12[%swap3A_282, %swap3A_283] : memref<1x8xf32, #tpu.memory_space<smem>>
      %broadcast_in_dim3A_285 = arith.constant 0.000000e+00 : f32
      %broadcast_in_dim3A_286 = vector.broadcast %broadcast_in_dim3A_285 : f32 to vector<1x128xf32>
      %swap3A_287 = arith.constant 0 : index
      %swap3A_288 = arith.constant 0 : index
      %swap3A_289 = vector.load %arg13[%swap3A_287, %swap3A_288] : memref<1x128xf32, #tpu.memory_space<vmem>>, vector<1x128xf32>
      tpu.vector_store %arg13[%swap3A_287, %swap3A_288], %broadcast_in_dim3A_286 {strides = array<i32>} : memref<1x128xf32, #tpu.memory_space<vmem>>, vector<1x128xf32>,
    } else {
    }
    %eq3A_218 = arith.constant 15 : i32
    %eq3A_219 = arith.cmpi eq, %add3A_0, %eq3A_218 : i32
    %convert_element_type3A_220 = arith.extui %eq3A_219 : i1 to i32
    %cond3A_221 = arith.constant 0 : i32
    %cond3A_222 = arith.cmpi ne, %convert_element_type3A_220, %cond3A_221 : i32
    scf.if %cond3A_222 {
      %reduce_sum3A_274 = vector.shape_cast %add3A_207 : vector<1x128xf32> to vector<1x1x128xf32>
      %reduce_sum3A_275 = arith.constant dense<0.000000e+00> : vector<1xf32>
      %reduce_sum3A_276 = vector.multi_reduction <add>, %reduce_sum3A_274, %reduce_sum3A_275 [1, 2] : vector<1x1x128xf32> to vector<1xf32>
      %reduce_sum3A_277 = vector.shape_cast %reduce_sum3A_276 : vector<1xf32> to vector<1x1x1xf32>
      %reduce_sum3A_278 = vector.extract %reduce_sum3A_277[0, 0, 0] : f32 from vector<1x1x1xf32>
      %mul3A_279 = arith.constant 2.08333331E-5 : f32
      %mul3A_280 = arith.mulf %reduce_sum3A_278, %mul3A_279 : f32
      %swap3A = arith.constant 2 : index
      %swap3A_281 = memref.load %arg14[%swap3A] : memref<8xf32, #tpu.memory_space<smem>>
      memref.store %mul3A_280, %arg14[%swap3A] : memref<8xf32, #tpu.memory_space<smem>>
      %swap3A_282 = arith.constant 0 : index
      %swap3A_283 = arith.constant 2 : index
      %swap3A_284 = memref.load %arg12[%swap3A_282, %swap3A_283] : memref<1x8xf32, #tpu.memory_space<smem>>
      memref.store %mul3A_280, %arg12[%swap3A_282, %swap3A_283] : memref<1x8xf32, #tpu.memory_space<smem>>
      %broadcast_in_dim3A_285 = arith.constant 0.000000e+00 : f32
      %broadcast_in_dim3A_286 = vector.broadcast %broadcast_in_dim3A_285 : f32 to vector<1x128xf32>
      %swap3A_287 = arith.constant 0 : index
      %swap3A_288 = arith.constant 0 : index
      %swap3A_289 = vector.load %arg13[%swap3A_287, %swap3A_288] : memref<1x128xf32, #tpu.memory_space<vmem>>, vector<1x128xf32>
      tpu.vector_store %arg13[%swap3A_287, %swap3A_288], %broadcast_in_dim3A_286 {strides = array<i32>} : memref<1x128xf32, #tpu.memory_space<vmem>>, vector<1x128xf32>,
    } else {
    }
    %eq3A_223 = arith.constant 17 : i32
    %eq3A_224 = arith.cmpi eq, %add3A_0, %eq3A_223 : i32
    %convert_element_type3A_225 = arith.extui %eq3A_224 : i1 to i32
    %cond3A_226 = arith.constant 0 : i32
    %cond3A_227 = arith.cmpi ne, %convert_element_type3A_225, %cond3A_226 : i32
    scf.if %cond3A_227 {
      %reduce_sum3A_274 = vector.shape_cast %add3A_207 : vector<1x128xf32> to vector<1x1x128xf32>
      %reduce_sum3A_275 = arith.constant dense<0.000000e+00> : vector<1xf32>
      %reduce_sum3A_276 = vector.multi_reduction <add>, %reduce_sum3A_274, %reduce_sum3A_275 [1, 2] : vector<1x1x128xf32> to vector<1xf32>
      %reduce_sum3A_277 = vector.shape_cast %reduce_sum3A_276 : vector<1xf32> to vector<1x1x1xf32>
      %reduce_sum3A_278 = vector.extract %reduce_sum3A_277[0, 0, 0] : f32 from vector<1x1x1xf32>
      %mul3A_279 = arith.constant 1.04166666E-5 : f32
      %mul3A_280 = arith.mulf %reduce_sum3A_278, %mul3A_279 : f32
      %swap3A = arith.constant 3 : index
      %swap3A_281 = memref.load %arg14[%swap3A] : memref<8xf32, #tpu.memory_space<smem>>
      memref.store %mul3A_280, %arg14[%swap3A] : memref<8xf32, #tpu.memory_space<smem>>
      %swap3A_282 = arith.constant 0 : index
      %swap3A_283 = arith.constant 3 : index
      %swap3A_284 = memref.load %arg12[%swap3A_282, %swap3A_283] : memref<1x8xf32, #tpu.memory_space<smem>>
      memref.store %mul3A_280, %arg12[%swap3A_282, %swap3A_283] : memref<1x8xf32, #tpu.memory_space<smem>>
      %broadcast_in_dim3A_285 = arith.constant 0.000000e+00 : f32
      %broadcast_in_dim3A_286 = vector.broadcast %broadcast_in_dim3A_285 : f32 to vector<1x128xf32>
      %swap3A_287 = arith.constant 0 : index
      %swap3A_288 = arith.constant 0 : index
      %swap3A_289 = vector.load %arg13[%swap3A_287, %swap3A_288] : memref<1x128xf32, #tpu.memory_space<vmem>>, vector<1x128xf32>
      tpu.vector_store %arg13[%swap3A_287, %swap3A_288], %broadcast_in_dim3A_286 {strides = array<i32>} : memref<1x128xf32, #tpu.memory_space<vmem>>, vector<1x128xf32>,
    } else {
    }
    %eq3A_228 = arith.constant 18 : i32
    %eq3A_229 = arith.cmpi eq, %add3A_0, %eq3A_228 : i32
    %convert_element_type3A_230 = arith.extui %eq3A_229 : i1 to i32
    %cond3A_231 = arith.constant 0 : i32
    %cond3A_232 = arith.cmpi ne, %convert_element_type3A_230, %cond3A_231 : i32
    scf.if %cond3A_232 {
      %reduce_sum3A_274 = vector.shape_cast %add3A_207 : vector<1x128xf32> to vector<1x1x128xf32>
      %reduce_sum3A_275 = arith.constant dense<0.000000e+00> : vector<1xf32>
      %reduce_sum3A_276 = vector.multi_reduction <add>, %reduce_sum3A_274, %reduce_sum3A_275 [1, 2] : vector<1x1x128xf32> to vector<1xf32>
      %reduce_sum3A_277 = vector.shape_cast %reduce_sum3A_276 : vector<1xf32> to vector<1x1x1xf32>
      %reduce_sum3A_278 = vector.extract %reduce_sum3A_277[0, 0, 0] : f32 from vector<1x1x1xf32>
      %mul3A_279 = arith.constant 2.08333331E-5 : f32
      %mul3A_280 = arith.mulf %reduce_sum3A_278, %mul3A_279 : f32
      %swap3A = arith.constant 4 : index
      %swap3A_281 = memref.load %arg14[%swap3A] : memref<8xf32, #tpu.memory_space<smem>>
      memref.store %mul3A_280, %arg14[%swap3A] : memref<8xf32, #tpu.memory_space<smem>>
      %swap3A_282 = arith.constant 0 : index
      %swap3A_283 = arith.constant 4 : index
      %swap3A_284 = memref.load %arg12[%swap3A_282, %swap3A_283] : memref<1x8xf32, #tpu.memory_space<smem>>
      memref.store %mul3A_280, %arg12[%swap3A_282, %swap3A_283] : memref<1x8xf32, #tpu.memory_space<smem>>
      %broadcast_in_dim3A_285 = arith.constant 0.000000e+00 : f32
      %broadcast_in_dim3A_286 = vector.broadcast %broadcast_in_dim3A_285 : f32 to vector<1x128xf32>
      %swap3A_287 = arith.constant 0 : index
      %swap3A_288 = arith.constant 0 : index
      %swap3A_289 = vector.load %arg13[%swap3A_287, %swap3A_288] : memref<1x128xf32, #tpu.memory_space<vmem>>, vector<1x128xf32>
      tpu.vector_store %arg13[%swap3A_287, %swap3A_288], %broadcast_in_dim3A_286 {strides = array<i32>} : memref<1x128xf32, #tpu.memory_space<vmem>>, vector<1x128xf32>,
    } else {
    }
    %eq3A_233 = arith.constant 24 : i32
    %eq3A_234 = arith.cmpi eq, %add3A_0, %eq3A_233 : i32
    %convert_element_type3A_235 = arith.extui %eq3A_234 : i1 to i32
    %cond3A_236 = arith.constant 0 : i32
    %cond3A_237 = arith.cmpi ne, %convert_element_type3A_235, %cond3A_236 : i32
    scf.if %cond3A_237 {
      %reduce_sum3A_274 = vector.shape_cast %add3A_207 : vector<1x128xf32> to vector<1x1x128xf32>
      %reduce_sum3A_275 = arith.constant dense<0.000000e+00> : vector<1xf32>
      %reduce_sum3A_276 = vector.multi_reduction <add>, %reduce_sum3A_274, %reduce_sum3A_275 [1, 2] : vector<1x1x128xf32> to vector<1xf32>
      %reduce_sum3A_277 = vector.shape_cast %reduce_sum3A_276 : vector<1xf32> to vector<1x1x1xf32>
      %reduce_sum3A_278 = vector.extract %reduce_sum3A_277[0, 0, 0] : f32 from vector<1x1x1xf32>
      %mul3A_279 = arith.constant 2.60416664E-6 : f32
      %mul3A_280 = arith.mulf %reduce_sum3A_278, %mul3A_279 : f32
      %swap3A = arith.constant 5 : index
      %swap3A_281 = memref.load %arg14[%swap3A] : memref<8xf32, #tpu.memory_space<smem>>
      memref.store %mul3A_280, %arg14[%swap3A] : memref<8xf32, #tpu.memory_space<smem>>
      %swap3A_282 = arith.constant 0 : index
      %swap3A_283 = arith.constant 5 : index
      %swap3A_284 = memref.load %arg12[%swap3A_282, %swap3A_283] : memref<1x8xf32, #tpu.memory_space<smem>>
      memref.store %mul3A_280, %arg12[%swap3A_282, %swap3A_283] : memref<1x8xf32, #tpu.memory_space<smem>>
      %broadcast_in_dim3A_285 = arith.constant 0.000000e+00 : f32
      %broadcast_in_dim3A_286 = vector.broadcast %broadcast_in_dim3A_285 : f32 to vector<1x128xf32>
      %swap3A_287 = arith.constant 0 : index
      %swap3A_288 = arith.constant 0 : index
      %swap3A_289 = vector.load %arg13[%swap3A_287, %swap3A_288] : memref<1x128xf32, #tpu.memory_space<vmem>>, vector<1x128xf32>
      tpu.vector_store %arg13[%swap3A_287, %swap3A_288], %broadcast_in_dim3A_286 {strides = array<i32>} : memref<1x128xf32, #tpu.memory_space<vmem>>, vector<1x128xf32>,
    } else {
    }
    %eq3A_238 = arith.constant 27 : i32
    %eq3A_239 = arith.cmpi eq, %add3A_0, %eq3A_238 : i32
    %convert_element_type3A_240 = arith.extui %eq3A_239 : i1 to i32
    %cond3A_241 = arith.constant 0 : i32
    %cond3A_242 = arith.cmpi ne, %convert_element_type3A_240, %cond3A_241 : i32
    scf.if %cond3A_242 {
      %reduce_sum3A_274 = vector.shape_cast %add3A_207 : vector<1x128xf32> to vector<1x1x128xf32>
      %reduce_sum3A_275 = arith.constant dense<0.000000e+00> : vector<1xf32>
      %reduce_sum3A_276 = vector.multi_reduction <add>, %reduce_sum3A_274, %reduce_sum3A_275 [1, 2] : vector<1x1x128xf32> to vector<1xf32>
      %reduce_sum3A_277 = vector.shape_cast %reduce_sum3A_276 : vector<1xf32> to vector<1x1x1xf32>
      %reduce_sum3A_278 = vector.extract %reduce_sum3A_277[0, 0, 0] : f32 from vector<1x1x1xf32>
      %mul3A_279 = arith.constant 5.20833328E-6 : f32
      %mul3A_280 = arith.mulf %reduce_sum3A_278, %mul3A_279 : f32
      %swap3A = arith.constant 6 : index
      %swap3A_281 = memref.load %arg14[%swap3A] : memref<8xf32, #tpu.memory_space<smem>>
      memref.store %mul3A_280, %arg14[%swap3A] : memref<8xf32, #tpu.memory_space<smem>>
      %swap3A_282 = arith.constant 0 : index
      %swap3A_283 = arith.constant 6 : index
      %swap3A_284 = memref.load %arg12[%swap3A_282, %swap3A_283] : memref<1x8xf32, #tpu.memory_space<smem>>
      memref.store %mul3A_280, %arg12[%swap3A_282, %swap3A_283] : memref<1x8xf32, #tpu.memory_space<smem>>
      %broadcast_in_dim3A_285 = arith.constant 0.000000e+00 : f32
      %broadcast_in_dim3A_286 = vector.broadcast %broadcast_in_dim3A_285 : f32 to vector<1x128xf32>
      %swap3A_287 = arith.constant 0 : index
      %swap3A_288 = arith.constant 0 : index
      %swap3A_289 = vector.load %arg13[%swap3A_287, %swap3A_288] : memref<1x128xf32, #tpu.memory_space<vmem>>, vector<1x128xf32>
      tpu.vector_store %arg13[%swap3A_287, %swap3A_288], %broadcast_in_dim3A_286 {strides = array<i32>} : memref<1x128xf32, #tpu.memory_space<vmem>>, vector<1x128xf32>,
    } else {
    }
    %eq3A_243 = arith.constant 51 : i32
    %eq3A_244 = arith.cmpi eq, %add3A_0, %eq3A_243 : i32
    %convert_element_type3A_245 = arith.extui %eq3A_244 : i1 to i32
    %cond3A_246 = arith.constant 0 : i32
    %cond3A_247 = arith.cmpi ne, %convert_element_type3A_245, %cond3A_246 : i32
    scf.if %cond3A_247 {
      %reduce_sum3A_274 = vector.shape_cast %add3A_207 : vector<1x128xf32> to vector<1x1x128xf32>
      %reduce_sum3A_275 = arith.constant dense<0.000000e+00> : vector<1xf32>
      %reduce_sum3A_276 = vector.multi_reduction <add>, %reduce_sum3A_274, %reduce_sum3A_275 [1, 2] : vector<1x1x128xf32> to vector<1xf32>
      %reduce_sum3A_277 = vector.shape_cast %reduce_sum3A_276 : vector<1xf32> to vector<1x1x1xf32>
      %reduce_sum3A_278 = vector.extract %reduce_sum3A_277[0, 0, 0] : f32 from vector<1x1x1xf32>
      %mul3A_279 = arith.constant 6.5104166E-7 : f32
      %mul3A_280 = arith.mulf %reduce_sum3A_278, %mul3A_279 : f32
      %swap3A = arith.constant 7 : index
      %swap3A_281 = memref.load %arg14[%swap3A] : memref<8xf32, #tpu.memory_space<smem>>
      memref.store %mul3A_280, %arg14[%swap3A] : memref<8xf32, #tpu.memory_space<smem>>
      %swap3A_282 = arith.constant 0 : index
      %swap3A_283 = arith.constant 7 : index
      %swap3A_284 = memref.load %arg12[%swap3A_282, %swap3A_283] : memref<1x8xf32, #tpu.memory_space<smem>>
      memref.store %mul3A_280, %arg12[%swap3A_282, %swap3A_283] : memref<1x8xf32, #tpu.memory_space<smem>>
      %broadcast_in_dim3A_285 = arith.constant 0.000000e+00 : f32
      %broadcast_in_dim3A_286 = vector.broadcast %broadcast_in_dim3A_285 : f32 to vector<1x128xf32>
      %swap3A_287 = arith.constant 0 : index
      %swap3A_288 = arith.constant 0 : index
      %swap3A_289 = vector.load %arg13[%swap3A_287, %swap3A_288] : memref<1x128xf32, #tpu.memory_space<vmem>>, vector<1x128xf32>
      tpu.vector_store %arg13[%swap3A_287, %swap3A_288], %broadcast_in_dim3A_286 {strides = array<i32>} : memref<1x128xf32, #tpu.memory_space<vmem>>, vector<1x128xf32>,
    } else {
    }
    %eq3A_248 = arith.constant 11 : i32
    %eq3A_249 = arith.cmpi eq, %add3A_0, %eq3A_248 : i32
    %eq3A_250 = arith.constant 14 : i32
    %eq3A_251 = arith.cmpi eq, %add3A_0, %eq3A_250 : i32
    %or3A = arith.ori %eq3A_249, %eq3A_251 : i1
    %eq3A_252 = arith.constant 15 : i32
    %eq3A_253 = arith.cmpi eq, %add3A_0, %eq3A_252 : i32
    %or3A_254 = arith.ori %or3A, %eq3A_253 : i1
    %eq3A_255 = arith.constant 17 : i32
    %eq3A_256 = arith.cmpi eq, %add3A_0, %eq3A_255 : i32
    %or3A_257 = arith.ori %or3A_254, %eq3A_256 : i1
    %eq3A_258 = arith.constant 18 : i32
    %eq3A_259 = arith.cmpi eq, %add3A_0, %eq3A_258 : i32
    %or3A_260 = arith.ori %or3A_257, %eq3A_259 : i1
    %eq3A_261 = arith.constant 24 : i32
    %eq3A_262 = arith.cmpi eq, %add3A_0, %eq3A_261 : i32
    %or3A_263 = arith.ori %or3A_260, %eq3A_262 : i1
    %eq3A_264 = arith.constant 27 : i32
    %eq3A_265 = arith.cmpi eq, %add3A_0, %eq3A_264 : i32
    %or3A_266 = arith.ori %or3A_263, %eq3A_265 : i1
    %eq3A_267 = arith.constant 51 : i32
    %eq3A_268 = arith.cmpi eq, %add3A_0, %eq3A_267 : i32
    %or3A_269 = arith.ori %or3A_266, %eq3A_268 : i1
    %not3A = arith.constant true
    %not3A_270 = arith.xori %or3A_269, %not3A : i1
    %convert_element_type3A_271 = arith.extui %not3A_270 : i1 to i32
    %cond3A_272 = arith.constant 0 : i32
    %cond3A_273 = arith.cmpi ne, %convert_element_type3A_271, %cond3A_272 : i32
    scf.if %cond3A_273 {
      %swap3A = arith.constant 0 : index
      %swap3A_274 = arith.constant 0 : index
      %swap3A_275 = vector.load %arg13[%swap3A, %swap3A_274] : memref<1x128xf32, #tpu.memory_space<vmem>>, vector<1x128xf32>
      tpu.vector_store %arg13[%swap3A, %swap3A_274], %add3A_207 {strides = array<i32>} : memref<1x128xf32, #tpu.memory_space<vmem>>, vector<1x128xf32>,
    } else {
    }
    return
  }
  func.func @transform_0(%arg0: i32) -> (i32, i32) {
    %c0_i32 = arith.constant 0 : i32
    %c0_i32_0 = arith.constant 0 : i32
    %c0_i32_1 = arith.constant 0 : i32
    return %c0_i32, %c0_i32_0 : i32, i32
  }
  func.func @transform_1(%arg0: i32) -> (i32, i32) {
    %c0_i32 = arith.constant 0 : i32
    %c0_i32_0 = arith.constant 0 : i32
    return %arg0, %c0_i32 : i32, i32
  }
  func.func @transform_2(%arg0: i32) -> (i32, i32) {
    %c0_i32 = arith.constant 0 : i32
    %c0_i32_0 = arith.constant 0 : i32
    return %arg0, %c0_i32 : i32, i32
  }
  func.func @transform_3(%arg0: i32) -> (i32, i32, i32) {
    %add3A = arith.constant 28 : i32
    %add3A_0 = arith.addi %arg0, %add3A : i32
    %ge3A = arith.constant 12 : i32
    %ge3A_1 = arith.cmpi sge, %add3A_0, %ge3A : i32
    %convert_element_type3A = arith.extui %ge3A_1 : i1 to i32
    %add3A_2 = arith.constant 0 : i32
    %add3A_3 = arith.addi %add3A_2, %convert_element_type3A : i32
    %add3A_4 = arith.constant 28 : i32
    %add3A_5 = arith.addi %arg0, %add3A_4 : i32
    %ge3A_6 = arith.constant 15 : i32
    %ge3A_7 = arith.cmpi sge, %add3A_5, %ge3A_6 : i32
    %convert_element_type3A_8 = arith.extui %ge3A_7 : i1 to i32
    %add3A_9 = arith.addi %add3A_3, %convert_element_type3A_8 : i32
    %add3A_10 = arith.constant 28 : i32
    %add3A_11 = arith.addi %arg0, %add3A_10 : i32
    %ge3A_12 = arith.constant 16 : i32
    %ge3A_13 = arith.cmpi sge, %add3A_11, %ge3A_12 : i32
    %convert_element_type3A_14 = arith.extui %ge3A_13 : i1 to i32
    %add3A_15 = arith.addi %add3A_9, %convert_element_type3A_14 : i32
    %add3A_16 = arith.constant 28 : i32
    %add3A_17 = arith.addi %arg0, %add3A_16 : i32
    %ge3A_18 = arith.constant 18 : i32
    %ge3A_19 = arith.cmpi sge, %add3A_17, %ge3A_18 : i32
    %convert_element_type3A_20 = arith.extui %ge3A_19 : i1 to i32
    %add3A_21 = arith.addi %add3A_15, %convert_element_type3A_20 : i32
    %add3A_22 = arith.constant 28 : i32
    %add3A_23 = arith.addi %arg0, %add3A_22 : i32
    %ge3A_24 = arith.constant 19 : i32
    %ge3A_25 = arith.cmpi sge, %add3A_23, %ge3A_24 : i32
    %convert_element_type3A_26 = arith.extui %ge3A_25 : i1 to i32
    %add3A_27 = arith.addi %add3A_21, %convert_element_type3A_26 : i32
    %add3A_28 = arith.constant 28 : i32
    %add3A_29 = arith.addi %arg0, %add3A_28 : i32
    %ge3A_30 = arith.constant 25 : i32
    %ge3A_31 = arith.cmpi sge, %add3A_29, %ge3A_30 : i32
    %convert_element_type3A_32 = arith.extui %ge3A_31 : i1 to i32
    %add3A_33 = arith.addi %add3A_27, %convert_element_type3A_32 : i32
    %add3A_34 = arith.constant 28 : i32
    %add3A_35 = arith.addi %arg0, %add3A_34 : i32
    %ge3A_36 = arith.constant 28 : i32
    %ge3A_37 = arith.cmpi sge, %add3A_35, %ge3A_36 : i32
    %convert_element_type3A_38 = arith.extui %ge3A_37 : i1 to i32
    %add3A_39 = arith.addi %add3A_33, %convert_element_type3A_38 : i32
    %c0_i32 = arith.constant 0 : i32
    %c0_i32_40 = arith.constant 0 : i32
    %c0_i32_41 = arith.constant 0 : i32
    return %add3A_39, %c0_i32, %c0_i32_40 : i32, i32, i32
  }
  func.func @transform_4(%arg0: i32) -> (i32, i32, i32) {
    %add3A = arith.constant 28 : i32
    %add3A_0 = arith.addi %arg0, %add3A : i32
    %ge3A = arith.constant 12 : i32
    %ge3A_1 = arith.cmpi sge, %add3A_0, %ge3A : i32
    %convert_element_type3A = arith.extui %ge3A_1 : i1 to i32
    %add3A_2 = arith.constant 0 : i32
    %add3A_3 = arith.addi %add3A_2, %convert_element_type3A : i32
    %add3A_4 = arith.constant 28 : i32
    %add3A_5 = arith.addi %arg0, %add3A_4 : i32
    %ge3A_6 = arith.constant 15 : i32
    %ge3A_7 = arith.cmpi sge, %add3A_5, %ge3A_6 : i32
    %convert_element_type3A_8 = arith.extui %ge3A_7 : i1 to i32
    %add3A_9 = arith.addi %add3A_3, %convert_element_type3A_8 : i32
    %add3A_10 = arith.constant 28 : i32
    %add3A_11 = arith.addi %arg0, %add3A_10 : i32
    %ge3A_12 = arith.constant 16 : i32
    %ge3A_13 = arith.cmpi sge, %add3A_11, %ge3A_12 : i32
    %convert_element_type3A_14 = arith.extui %ge3A_13 : i1 to i32
    %add3A_15 = arith.addi %add3A_9, %convert_element_type3A_14 : i32
    %add3A_16 = arith.constant 28 : i32
    %add3A_17 = arith.addi %arg0, %add3A_16 : i32
    %ge3A_18 = arith.constant 18 : i32
    %ge3A_19 = arith.cmpi sge, %add3A_17, %ge3A_18 : i32
    %convert_element_type3A_20 = arith.extui %ge3A_19 : i1 to i32
    %add3A_21 = arith.addi %add3A_15, %convert_element_type3A_20 : i32
    %add3A_22 = arith.constant 28 : i32
    %add3A_23 = arith.addi %arg0, %add3A_22 : i32
    %ge3A_24 = arith.constant 19 : i32
    %ge3A_25 = arith.cmpi sge, %add3A_23, %ge3A_24 : i32
    %convert_element_type3A_26 = arith.extui %ge3A_25 : i1 to i32
    %add3A_27 = arith.addi %add3A_21, %convert_element_type3A_26 : i32
    %add3A_28 = arith.constant 28 : i32
    %add3A_29 = arith.addi %arg0, %add3A_28 : i32
    %ge3A_30 = arith.constant 25 : i32
    %ge3A_31 = arith.cmpi sge, %add3A_29, %ge3A_30 : i32
    %convert_element_type3A_32 = arith.extui %ge3A_31 : i1 to i32
    %add3A_33 = arith.addi %add3A_27, %convert_element_type3A_32 : i32
    %add3A_34 = arith.constant 28 : i32
    %add3A_35 = arith.addi %arg0, %add3A_34 : i32
    %ge3A_36 = arith.constant 28 : i32
    %ge3A_37 = arith.cmpi sge, %add3A_35, %ge3A_36 : i32
    %convert_element_type3A_38 = arith.extui %ge3A_37 : i1 to i32
    %add3A_39 = arith.addi %add3A_33, %convert_element_type3A_38 : i32
    %c0_i32 = arith.constant 0 : i32
    %c0_i32_40 = arith.constant 0 : i32
    %c0_i32_41 = arith.constant 0 : i32
    return %add3A_39, %c0_i32, %c0_i32_40 : i32, i32, i32
  }
  func.func @transform_5(%arg0: i32) -> (i32, i32, i32) {
    %add3A = arith.constant 28 : i32
    %add3A_0 = arith.addi %arg0, %add3A : i32
    %ge3A = arith.constant 12 : i32
    %ge3A_1 = arith.cmpi sge, %add3A_0, %ge3A : i32
    %convert_element_type3A = arith.extui %ge3A_1 : i1 to i32
    %add3A_2 = arith.constant 0 : i32
    %add3A_3 = arith.addi %add3A_2, %convert_element_type3A : i32
    %add3A_4 = arith.constant 28 : i32
    %add3A_5 = arith.addi %arg0, %add3A_4 : i32
    %ge3A_6 = arith.constant 15 : i32
    %ge3A_7 = arith.cmpi sge, %add3A_5, %ge3A_6 : i32
    %convert_element_type3A_8 = arith.extui %ge3A_7 : i1 to i32
    %add3A_9 = arith.addi %add3A_3, %convert_element_type3A_8 : i32
    %add3A_10 = arith.constant 28 : i32
    %add3A_11 = arith.addi %arg0, %add3A_10 : i32
    %ge3A_12 = arith.constant 16 : i32
    %ge3A_13 = arith.cmpi sge, %add3A_11, %ge3A_12 : i32
    %convert_element_type3A_14 = arith.extui %ge3A_13 : i1 to i32
    %add3A_15 = arith.addi %add3A_9, %convert_element_type3A_14 : i32
    %add3A_16 = arith.constant 28 : i32
    %add3A_17 = arith.addi %arg0, %add3A_16 : i32
    %ge3A_18 = arith.constant 18 : i32
    %ge3A_19 = arith.cmpi sge, %add3A_17, %ge3A_18 : i32
    %convert_element_type3A_20 = arith.extui %ge3A_19 : i1 to i32
    %add3A_21 = arith.addi %add3A_15, %convert_element_type3A_20 : i32
    %add3A_22 = arith.constant 28 : i32
    %add3A_23 = arith.addi %arg0, %add3A_22 : i32
    %ge3A_24 = arith.constant 19 : i32
    %ge3A_25 = arith.cmpi sge, %add3A_23, %ge3A_24 : i32
    %convert_element_type3A_26 = arith.extui %ge3A_25 : i1 to i32
    %add3A_27 = arith.addi %add3A_21, %convert_element_type3A_26 : i32
    %add3A_28 = arith.constant 28 : i32
    %add3A_29 = arith.addi %arg0, %add3A_28 : i32
    %ge3A_30 = arith.constant 25 : i32
    %ge3A_31 = arith.cmpi sge, %add3A_29, %ge3A_30 : i32
    %convert_element_type3A_32 = arith.extui %ge3A_31 : i1 to i32
    %add3A_33 = arith.addi %add3A_27, %convert_element_type3A_32 : i32
    %add3A_34 = arith.constant 28 : i32
    %add3A_35 = arith.addi %arg0, %add3A_34 : i32
    %ge3A_36 = arith.constant 28 : i32
    %ge3A_37 = arith.cmpi sge, %add3A_35, %ge3A_36 : i32
    %convert_element_type3A_38 = arith.extui %ge3A_37 : i1 to i32
    %add3A_39 = arith.addi %add3A_33, %convert_element_type3A_38 : i32
    %c0_i32 = arith.constant 0 : i32
    %c0_i32_40 = arith.constant 0 : i32
    %c0_i32_41 = arith.constant 0 : i32
    return %add3A_39, %c0_i32, %c0_i32_40 : i32, i32, i32
  }
  func.func @transform_6(%arg0: i32) -> (i32, i32, i32) {
    %add3A = arith.constant 28 : i32
    %add3A_0 = arith.addi %arg0, %add3A : i32
    %ge3A = arith.constant 12 : i32
    %ge3A_1 = arith.cmpi sge, %add3A_0, %ge3A : i32
    %convert_element_type3A = arith.extui %ge3A_1 : i1 to i32
    %add3A_2 = arith.constant 0 : i32
    %add3A_3 = arith.addi %add3A_2, %convert_element_type3A : i32
    %add3A_4 = arith.constant 28 : i32
    %add3A_5 = arith.addi %arg0, %add3A_4 : i32
    %ge3A_6 = arith.constant 15 : i32
    %ge3A_7 = arith.cmpi sge, %add3A_5, %ge3A_6 : i32
    %convert_element_type3A_8 = arith.extui %ge3A_7 : i1 to i32
    %add3A_9 = arith.addi %add3A_3, %convert_element_type3A_8 : i32
    %add3A_10 = arith.constant 28 : i32
    %add3A_11 = arith.addi %arg0, %add3A_10 : i32
    %ge3A_12 = arith.constant 16 : i32
    %ge3A_13 = arith.cmpi sge, %add3A_11, %ge3A_12 : i32
    %convert_element_type3A_14 = arith.extui %ge3A_13 : i1 to i32
    %add3A_15 = arith.addi %add3A_9, %convert_element_type3A_14 : i32
    %add3A_16 = arith.constant 28 : i32
    %add3A_17 = arith.addi %arg0, %add3A_16 : i32
    %ge3A_18 = arith.constant 18 : i32
    %ge3A_19 = arith.cmpi sge, %add3A_17, %ge3A_18 : i32
    %convert_element_type3A_20 = arith.extui %ge3A_19 : i1 to i32
    %add3A_21 = arith.addi %add3A_15, %convert_element_type3A_20 : i32
    %add3A_22 = arith.constant 28 : i32
    %add3A_23 = arith.addi %arg0, %add3A_22 : i32
    %ge3A_24 = arith.constant 19 : i32
    %ge3A_25 = arith.cmpi sge, %add3A_23, %ge3A_24 : i32
    %convert_element_type3A_26 = arith.extui %ge3A_25 : i1 to i32
    %add3A_27 = arith.addi %add3A_21, %convert_element_type3A_26 : i32
    %add3A_28 = arith.constant 28 : i32
    %add3A_29 = arith.addi %arg0, %add3A_28 : i32
    %ge3A_30 = arith.constant 25 : i32
    %ge3A_31 = arith.cmpi sge, %add3A_29, %ge3A_30 : i32
    %convert_element_type3A_32 = arith.extui %ge3A_31 : i1 to i32
    %add3A_33 = arith.addi %add3A_27, %convert_element_type3A_32 : i32
    %add3A_34 = arith.constant 28 : i32
    %add3A_35 = arith.addi %arg0, %add3A_34 : i32
    %ge3A_36 = arith.constant 28 : i32
    %ge3A_37 = arith.cmpi sge, %add3A_35, %ge3A_36 : i32
    %convert_element_type3A_38 = arith.extui %ge3A_37 : i1 to i32
    %add3A_39 = arith.addi %add3A_33, %convert_element_type3A_38 : i32
    %c0_i32 = arith.constant 0 : i32
    %c0_i32_40 = arith.constant 0 : i32
    %c0_i32_41 = arith.constant 0 : i32
    return %add3A_39, %c0_i32, %c0_i32_40 : i32, i32, i32
  }
  func.func @transform_7(%arg0: i32) -> (i32, i32, i32) {
    %add3A = arith.constant 28 : i32
    %add3A_0 = arith.addi %arg0, %add3A : i32
    %ge3A = arith.constant 12 : i32
    %ge3A_1 = arith.cmpi sge, %add3A_0, %ge3A : i32
    %convert_element_type3A = arith.extui %ge3A_1 : i1 to i32
    %add3A_2 = arith.constant 0 : i32
    %add3A_3 = arith.addi %add3A_2, %convert_element_type3A : i32
    %add3A_4 = arith.constant 28 : i32
    %add3A_5 = arith.addi %arg0, %add3A_4 : i32
    %ge3A_6 = arith.constant 15 : i32
    %ge3A_7 = arith.cmpi sge, %add3A_5, %ge3A_6 : i32
    %convert_element_type3A_8 = arith.extui %ge3A_7 : i1 to i32
    %add3A_9 = arith.addi %add3A_3, %convert_element_type3A_8 : i32
    %add3A_10 = arith.constant 28 : i32
    %add3A_11 = arith.addi %arg0, %add3A_10 : i32
    %ge3A_12 = arith.constant 16 : i32
    %ge3A_13 = arith.cmpi sge, %add3A_11, %ge3A_12 : i32
    %convert_element_type3A_14 = arith.extui %ge3A_13 : i1 to i32
    %add3A_15 = arith.addi %add3A_9, %convert_element_type3A_14 : i32
    %add3A_16 = arith.constant 28 : i32
    %add3A_17 = arith.addi %arg0, %add3A_16 : i32
    %ge3A_18 = arith.constant 18 : i32
    %ge3A_19 = arith.cmpi sge, %add3A_17, %ge3A_18 : i32
    %convert_element_type3A_20 = arith.extui %ge3A_19 : i1 to i32
    %add3A_21 = arith.addi %add3A_15, %convert_element_type3A_20 : i32
    %add3A_22 = arith.constant 28 : i32
    %add3A_23 = arith.addi %arg0, %add3A_22 : i32
    %ge3A_24 = arith.constant 19 : i32
    %ge3A_25 = arith.cmpi sge, %add3A_23, %ge3A_24 : i32
    %convert_element_type3A_26 = arith.extui %ge3A_25 : i1 to i32
    %add3A_27 = arith.addi %add3A_21, %convert_element_type3A_26 : i32
    %add3A_28 = arith.constant 28 : i32
    %add3A_29 = arith.addi %arg0, %add3A_28 : i32
    %ge3A_30 = arith.constant 25 : i32
    %ge3A_31 = arith.cmpi sge, %add3A_29, %ge3A_30 : i32
    %convert_element_type3A_32 = arith.extui %ge3A_31 : i1 to i32
    %add3A_33 = arith.addi %add3A_27, %convert_element_type3A_32 : i32
    %add3A_34 = arith.constant 28 : i32
    %add3A_35 = arith.addi %arg0, %add3A_34 : i32
    %ge3A_36 = arith.constant 28 : i32
    %ge3A_37 = arith.cmpi sge, %add3A_35, %ge3A_36 : i32
    %convert_element_type3A_38 = arith.extui %ge3A_37 : i1 to i32
    %add3A_39 = arith.addi %add3A_33, %convert_element_type3A_38 : i32
    %c0_i32 = arith.constant 0 : i32
    %c0_i32_40 = arith.constant 0 : i32
    %c0_i32_41 = arith.constant 0 : i32
    return %add3A_39, %c0_i32, %c0_i32_40 : i32, i32, i32
  }
  func.func @transform_8(%arg0: i32) -> (i32, i32, i32) {
    %add3A = arith.constant 28 : i32
    %add3A_0 = arith.addi %arg0, %add3A : i32
    %ge3A = arith.constant 12 : i32
    %ge3A_1 = arith.cmpi sge, %add3A_0, %ge3A : i32
    %convert_element_type3A = arith.extui %ge3A_1 : i1 to i32
    %add3A_2 = arith.constant 0 : i32
    %add3A_3 = arith.addi %add3A_2, %convert_element_type3A : i32
    %add3A_4 = arith.constant 28 : i32
    %add3A_5 = arith.addi %arg0, %add3A_4 : i32
    %ge3A_6 = arith.constant 15 : i32
    %ge3A_7 = arith.cmpi sge, %add3A_5, %ge3A_6 : i32
    %convert_element_type3A_8 = arith.extui %ge3A_7 : i1 to i32
    %add3A_9 = arith.addi %add3A_3, %convert_element_type3A_8 : i32
    %add3A_10 = arith.constant 28 : i32
    %add3A_11 = arith.addi %arg0, %add3A_10 : i32
    %ge3A_12 = arith.constant 16 : i32
    %ge3A_13 = arith.cmpi sge, %add3A_11, %ge3A_12 : i32
    %convert_element_type3A_14 = arith.extui %ge3A_13 : i1 to i32
    %add3A_15 = arith.addi %add3A_9, %convert_element_type3A_14 : i32
    %add3A_16 = arith.constant 28 : i32
    %add3A_17 = arith.addi %arg0, %add3A_16 : i32
    %ge3A_18 = arith.constant 18 : i32
    %ge3A_19 = arith.cmpi sge, %add3A_17, %ge3A_18 : i32
    %convert_element_type3A_20 = arith.extui %ge3A_19 : i1 to i32
    %add3A_21 = arith.addi %add3A_15, %convert_element_type3A_20 : i32
    %add3A_22 = arith.constant 28 : i32
    %add3A_23 = arith.addi %arg0, %add3A_22 : i32
    %ge3A_24 = arith.constant 19 : i32
    %ge3A_25 = arith.cmpi sge, %add3A_23, %ge3A_24 : i32
    %convert_element_type3A_26 = arith.extui %ge3A_25 : i1 to i32
    %add3A_27 = arith.addi %add3A_21, %convert_element_type3A_26 : i32
    %add3A_28 = arith.constant 28 : i32
    %add3A_29 = arith.addi %arg0, %add3A_28 : i32
    %ge3A_30 = arith.constant 25 : i32
    %ge3A_31 = arith.cmpi sge, %add3A_29, %ge3A_30 : i32
    %convert_element_type3A_32 = arith.extui %ge3A_31 : i1 to i32
    %add3A_33 = arith.addi %add3A_27, %convert_element_type3A_32 : i32
    %add3A_34 = arith.constant 28 : i32
    %add3A_35 = arith.addi %arg0, %add3A_34 : i32
    %ge3A_36 = arith.constant 28 : i32
    %ge3A_37 = arith.cmpi sge, %add3A_35, %ge3A_36 : i32
    %convert_element_type3A_38 = arith.extui %ge3A_37 : i1 to i32
    %add3A_39 = arith.addi %add3A_33, %convert_element_type3A_38 : i32
    %c0_i32 = arith.constant 0 : i32
    %c0_i32_40 = arith.constant 0 : i32
    %c0_i32_41 = arith.constant 0 : i32
    return %add3A_39, %c0_i32, %c0_i32_40 : i32, i32, i32
  }
  func.func @transform_9(%arg0: i32) -> (i32, i32, i32) {
    %add3A = arith.constant 28 : i32
    %add3A_0 = arith.addi %arg0, %add3A : i32
    %ge3A = arith.constant 12 : i32
    %ge3A_1 = arith.cmpi sge, %add3A_0, %ge3A : i32
    %convert_element_type3A = arith.extui %ge3A_1 : i1 to i32
    %add3A_2 = arith.constant 0 : i32
    %add3A_3 = arith.addi %add3A_2, %convert_element_type3A : i32
    %add3A_4 = arith.constant 28 : i32
    %add3A_5 = arith.addi %arg0, %add3A_4 : i32
    %ge3A_6 = arith.constant 15 : i32
    %ge3A_7 = arith.cmpi sge, %add3A_5, %ge3A_6 : i32
    %convert_element_type3A_8 = arith.extui %ge3A_7 : i1 to i32
    %add3A_9 = arith.addi %add3A_3, %convert_element_type3A_8 : i32
    %add3A_10 = arith.constant 28 : i32
    %add3A_11 = arith.addi %arg0, %add3A_10 : i32
    %ge3A_12 = arith.constant 16 : i32
    %ge3A_13 = arith.cmpi sge, %add3A_11, %ge3A_12 : i32
    %convert_element_type3A_14 = arith.extui %ge3A_13 : i1 to i32
    %add3A_15 = arith.addi %add3A_9, %convert_element_type3A_14 : i32
    %add3A_16 = arith.constant 28 : i32
    %add3A_17 = arith.addi %arg0, %add3A_16 : i32
    %ge3A_18 = arith.constant 18 : i32
    %ge3A_19 = arith.cmpi sge, %add3A_17, %ge3A_18 : i32
    %convert_element_type3A_20 = arith.extui %ge3A_19 : i1 to i32
    %add3A_21 = arith.addi %add3A_15, %convert_element_type3A_20 : i32
    %add3A_22 = arith.constant 28 : i32
    %add3A_23 = arith.addi %arg0, %add3A_22 : i32
    %ge3A_24 = arith.constant 19 : i32
    %ge3A_25 = arith.cmpi sge, %add3A_23, %ge3A_24 : i32
    %convert_element_type3A_26 = arith.extui %ge3A_25 : i1 to i32
    %add3A_27 = arith.addi %add3A_21, %convert_element_type3A_26 : i32
    %add3A_28 = arith.constant 28 : i32
    %add3A_29 = arith.addi %arg0, %add3A_28 : i32
    %ge3A_30 = arith.constant 25 : i32
    %ge3A_31 = arith.cmpi sge, %add3A_29, %ge3A_30 : i32
    %convert_element_type3A_32 = arith.extui %ge3A_31 : i1 to i32
    %add3A_33 = arith.addi %add3A_27, %convert_element_type3A_32 : i32
    %add3A_34 = arith.constant 28 : i32
    %add3A_35 = arith.addi %arg0, %add3A_34 : i32
    %ge3A_36 = arith.constant 28 : i32
    %ge3A_37 = arith.cmpi sge, %add3A_35, %ge3A_36 : i32
    %convert_element_type3A_38 = arith.extui %ge3A_37 : i1 to i32
    %add3A_39 = arith.addi %add3A_33, %convert_element_type3A_38 : i32
    %c0_i32 = arith.constant 0 : i32
    %c0_i32_40 = arith.constant 0 : i32
    %c0_i32_41 = arith.constant 0 : i32
    return %add3A_39, %c0_i32, %c0_i32_40 : i32, i32, i32
  }
  func.func @transform_10(%arg0: i32) -> (i32, i32, i32) {
    %add3A = arith.constant 28 : i32
    %add3A_0 = arith.addi %arg0, %add3A : i32
    %ge3A = arith.constant 12 : i32
    %ge3A_1 = arith.cmpi sge, %add3A_0, %ge3A : i32
    %convert_element_type3A = arith.extui %ge3A_1 : i1 to i32
    %add3A_2 = arith.constant 0 : i32
    %add3A_3 = arith.addi %add3A_2, %convert_element_type3A : i32
    %add3A_4 = arith.constant 28 : i32
    %add3A_5 = arith.addi %arg0, %add3A_4 : i32
    %ge3A_6 = arith.constant 15 : i32
    %ge3A_7 = arith.cmpi sge, %add3A_5, %ge3A_6 : i32
    %convert_element_type3A_8 = arith.extui %ge3A_7 : i1 to i32
    %add3A_9 = arith.addi %add3A_3, %convert_element_type3A_8 : i32
    %add3A_10 = arith.constant 28 : i32
    %add3A_11 = arith.addi %arg0, %add3A_10 : i32
    %ge3A_12 = arith.constant 16 : i32
    %ge3A_13 = arith.cmpi sge, %add3A_11, %ge3A_12 : i32
    %convert_element_type3A_14 = arith.extui %ge3A_13 : i1 to i32
    %add3A_15 = arith.addi %add3A_9, %convert_element_type3A_14 : i32
    %add3A_16 = arith.constant 28 : i32
    %add3A_17 = arith.addi %arg0, %add3A_16 : i32
    %ge3A_18 = arith.constant 18 : i32
    %ge3A_19 = arith.cmpi sge, %add3A_17, %ge3A_18 : i32
    %convert_element_type3A_20 = arith.extui %ge3A_19 : i1 to i32
    %add3A_21 = arith.addi %add3A_15, %convert_element_type3A_20 : i32
    %add3A_22 = arith.constant 28 : i32
    %add3A_23 = arith.addi %arg0, %add3A_22 : i32
    %ge3A_24 = arith.constant 19 : i32
    %ge3A_25 = arith.cmpi sge, %add3A_23, %ge3A_24 : i32
    %convert_element_type3A_26 = arith.extui %ge3A_25 : i1 to i32
    %add3A_27 = arith.addi %add3A_21, %convert_element_type3A_26 : i32
    %add3A_28 = arith.constant 28 : i32
    %add3A_29 = arith.addi %arg0, %add3A_28 : i32
    %ge3A_30 = arith.constant 25 : i32
    %ge3A_31 = arith.cmpi sge, %add3A_29, %ge3A_30 : i32
    %convert_element_type3A_32 = arith.extui %ge3A_31 : i1 to i32
    %add3A_33 = arith.addi %add3A_27, %convert_element_type3A_32 : i32
    %add3A_34 = arith.constant 28 : i32
    %add3A_35 = arith.addi %arg0, %add3A_34 : i32
    %ge3A_36 = arith.constant 28 : i32
    %ge3A_37 = arith.cmpi sge, %add3A_35, %ge3A_36 : i32
    %convert_element_type3A_38 = arith.extui %ge3A_37 : i1 to i32
    %add3A_39 = arith.addi %add3A_33, %convert_element_type3A_38 : i32
    %c0_i32 = arith.constant 0 : i32
    %c0_i32_40 = arith.constant 0 : i32
    %c0_i32_41 = arith.constant 0 : i32
    return %add3A_39, %c0_i32, %c0_i32_40 : i32, i32, i32
  }
  func.func @transform_11(%arg0: i32) -> (i32, i32) {
    %c0_i32 = arith.constant 0 : i32
    %c0_i32_0 = arith.constant 0 : i32
    %c0_i32_1 = arith.constant 0 : i32
    return %c0_i32, %c0_i32_0 : i32, i32
  }
}

module attributes {stable_mosaic.version = 14 : i64} {
  func.func @_head_body(%arg0: i32, %arg1: memref<1000x128xf32, #tpu.memory_space<vmem>>, %arg2: memref<1x8xf32, #tpu.memory_space<smem>>, %arg3: memref<128x256xf32, #tpu.memory_space<vmem>>, %arg4: memref<1x256xf32, #tpu.memory_space<vmem>>, %arg5: memref<1x256xf32, #tpu.memory_space<vmem>>, %arg6: memref<1x1xf32, #tpu.memory_space<smem>>, %arg7: memref<1000x1xf32, #tpu.memory_space<vmem>>) attributes {dimension_semantics = [#tpu.dimension_semantics<arbitrary>], iteration_bounds = array<i64: 10>, scalar_prefetch = 0 : i64, scratch_operands = 0 : i64, tpu.core_type = #tpu.core_type<tc>, window_params = [{transform_indices = @transform_0, window_bounds = array<i64: 1000, 128>}, {transform_indices = @transform_1, window_bounds = array<i64: 1, 8>}, {pipeline_mode = #tpu.pipeline_mode<synchronous>, transform_indices = @transform_2, window_bounds = array<i64: 128, 256>}, {pipeline_mode = #tpu.pipeline_mode<synchronous>, transform_indices = @transform_3, window_bounds = array<i64: 1, 256>}, {pipeline_mode = #tpu.pipeline_mode<synchronous>, transform_indices = @transform_4, window_bounds = array<i64: 1, 256>}, {transform_indices = @transform_5, window_bounds = array<i64: 1, 1>}, {transform_indices = @transform_6, window_bounds = array<i64: 1000, 1>}]} {
    %get3A = arith.constant 0 : index
    %get3A_0 = arith.constant 0 : index
    %get3A_1 = vector.load %arg1[%get3A, %get3A_0] : memref<1000x128xf32, #tpu.memory_space<vmem>>, vector<1000x128xf32>
    %get3A_2 = arith.constant 0 : index
    %get3A_3 = arith.constant 0 : index
    %get3A_4 = memref.load %arg2[%get3A_2, %get3A_3] : memref<1x8xf32, #tpu.memory_space<smem>>
    %add3A = vector.broadcast %get3A_4 : f32 to vector<1000x128xf32>
    %add3A_5 = arith.addf %get3A_1, %add3A : vector<1000x128xf32>
    %max3A = arith.constant 0.000000e+00 : f32
    %max3A_6 = vector.broadcast %max3A : f32 to vector<1000x128xf32>
    %max3A_7 = arith.maximumf %add3A_5, %max3A_6 : vector<1000x128xf32>
    %get3A_8 = arith.constant 0 : index
    %get3A_9 = arith.constant 1 : index
    %get3A_10 = memref.load %arg2[%get3A_8, %get3A_9] : memref<1x8xf32, #tpu.memory_space<smem>>
    %add3A_11 = vector.broadcast %get3A_10 : f32 to vector<1000x128xf32>
    %add3A_12 = arith.addf %max3A_7, %add3A_11 : vector<1000x128xf32>
    %max3A_13 = arith.constant 0.000000e+00 : f32
    %max3A_14 = vector.broadcast %max3A_13 : f32 to vector<1000x128xf32>
    %max3A_15 = arith.maximumf %add3A_12, %max3A_14 : vector<1000x128xf32>
    %get3A_16 = arith.constant 0 : index
    %get3A_17 = arith.constant 2 : index
    %get3A_18 = memref.load %arg2[%get3A_16, %get3A_17] : memref<1x8xf32, #tpu.memory_space<smem>>
    %add3A_19 = vector.broadcast %get3A_18 : f32 to vector<1000x128xf32>
    %add3A_20 = arith.addf %max3A_15, %add3A_19 : vector<1000x128xf32>
    %max3A_21 = arith.constant 0.000000e+00 : f32
    %max3A_22 = vector.broadcast %max3A_21 : f32 to vector<1000x128xf32>
    %max3A_23 = arith.maximumf %add3A_20, %max3A_22 : vector<1000x128xf32>
    %get3A_24 = arith.constant 0 : index
    %get3A_25 = arith.constant 3 : index
    %get3A_26 = memref.load %arg2[%get3A_24, %get3A_25] : memref<1x8xf32, #tpu.memory_space<smem>>
    %add3A_27 = vector.broadcast %get3A_26 : f32 to vector<1000x128xf32>
    %add3A_28 = arith.addf %max3A_23, %add3A_27 : vector<1000x128xf32>
    %max3A_29 = arith.constant 0.000000e+00 : f32
    %max3A_30 = vector.broadcast %max3A_29 : f32 to vector<1000x128xf32>
    %max3A_31 = arith.maximumf %add3A_28, %max3A_30 : vector<1000x128xf32>
    %get3A_32 = arith.constant 0 : index
    %get3A_33 = arith.constant 4 : index
    %get3A_34 = memref.load %arg2[%get3A_32, %get3A_33] : memref<1x8xf32, #tpu.memory_space<smem>>
    %add3A_35 = vector.broadcast %get3A_34 : f32 to vector<1000x128xf32>
    %add3A_36 = arith.addf %max3A_31, %add3A_35 : vector<1000x128xf32>
    %max3A_37 = arith.constant 0.000000e+00 : f32
    %max3A_38 = vector.broadcast %max3A_37 : f32 to vector<1000x128xf32>
    %max3A_39 = arith.maximumf %add3A_36, %max3A_38 : vector<1000x128xf32>
    %get3A_40 = arith.constant 0 : index
    %get3A_41 = arith.constant 5 : index
    %get3A_42 = memref.load %arg2[%get3A_40, %get3A_41] : memref<1x8xf32, #tpu.memory_space<smem>>
    %add3A_43 = vector.broadcast %get3A_42 : f32 to vector<1000x128xf32>
    %add3A_44 = arith.addf %max3A_39, %add3A_43 : vector<1000x128xf32>
    %max3A_45 = arith.constant 0.000000e+00 : f32
    %max3A_46 = vector.broadcast %max3A_45 : f32 to vector<1000x128xf32>
    %max3A_47 = arith.maximumf %add3A_44, %max3A_46 : vector<1000x128xf32>
    %get3A_48 = arith.constant 0 : index
    %get3A_49 = arith.constant 6 : index
    %get3A_50 = memref.load %arg2[%get3A_48, %get3A_49] : memref<1x8xf32, #tpu.memory_space<smem>>
    %add3A_51 = vector.broadcast %get3A_50 : f32 to vector<1000x128xf32>
    %add3A_52 = arith.addf %max3A_47, %add3A_51 : vector<1000x128xf32>
    %max3A_53 = arith.constant 0.000000e+00 : f32
    %max3A_54 = vector.broadcast %max3A_53 : f32 to vector<1000x128xf32>
    %max3A_55 = arith.maximumf %add3A_52, %max3A_54 : vector<1000x128xf32>
    %get3A_56 = arith.constant 0 : index
    %get3A_57 = arith.constant 7 : index
    %get3A_58 = memref.load %arg2[%get3A_56, %get3A_57] : memref<1x8xf32, #tpu.memory_space<smem>>
    %add3A_59 = vector.broadcast %get3A_58 : f32 to vector<1000x128xf32>
    %add3A_60 = arith.addf %max3A_55, %add3A_59 : vector<1000x128xf32>
    %max3A_61 = arith.constant 0.000000e+00 : f32
    %max3A_62 = vector.broadcast %max3A_61 : f32 to vector<1000x128xf32>
    %max3A_63 = arith.maximumf %add3A_60, %max3A_62 : vector<1000x128xf32>
    %get3A_64 = arith.constant 0 : index
    %get3A_65 = arith.constant 0 : index
    %get3A_66 = vector.load %arg3[%get3A_64, %get3A_65] : memref<128x256xf32, #tpu.memory_space<vmem>>, vector<128x256xf32>
    %dot_general3A = arith.constant dense<0.000000e+00> : vector<1000x256xf32>
    %dot_general3A_67 = tpu.matmul %max3A_63, %get3A_66, %dot_general3A {dimension_numbers = #tpu.dot_dimension_numbers<[1], [0], [0], [1], [0, 0, 1, 1], [], []>, transpose_lhs_hint = false} : vector<1000x128xf32>, vector<128x256xf32>, vector<1000x256xf32> -> vector<1000x256xf32>
    %get3A_68 = arith.constant 0 : index
    %get3A_69 = arith.constant 0 : index
    %get3A_70 = vector.load %arg4[%get3A_68, %get3A_69] : memref<1x256xf32, #tpu.memory_space<vmem>>, vector<1x256xf32>
    %add3A_71 = vector.broadcast %get3A_70 : vector<1x256xf32> to vector<1000x256xf32>
    %add3A_72 = arith.addf %dot_general3A_67, %add3A_71 : vector<1000x256xf32>
    %max3A_73 = arith.constant 0.000000e+00 : f32
    %max3A_74 = vector.broadcast %max3A_73 : f32 to vector<1000x256xf32>
    %max3A_75 = arith.maximumf %add3A_72, %max3A_74 : vector<1000x256xf32>
    %get3A_76 = arith.constant 0 : index
    %get3A_77 = arith.constant 0 : index
    %get3A_78 = vector.load %arg5[%get3A_76, %get3A_77] : memref<1x256xf32, #tpu.memory_space<vmem>>, vector<1x256xf32>
    %mul3A = vector.broadcast %get3A_78 : vector<1x256xf32> to vector<1000x256xf32>
    %mul3A_79 = arith.mulf %max3A_75, %mul3A : vector<1000x256xf32>
    %reduce_sum3A = arith.constant dense<0.000000e+00> : vector<1000xf32>
    %reduce_sum3A_80 = vector.multi_reduction <add>, %mul3A_79, %reduce_sum3A [1] : vector<1000x256xf32> to vector<1000xf32>
    %broadcast_in_dim3A = vector.shape_cast %reduce_sum3A_80 : vector<1000xf32> to vector<1000x1xf32>
    %get3A_81 = arith.constant 0 : index
    %get3A_82 = arith.constant 0 : index
    %get3A_83 = memref.load %arg6[%get3A_81, %get3A_82] : memref<1x1xf32, #tpu.memory_space<smem>>
    %add3A_84 = vector.broadcast %get3A_83 : f32 to vector<1000x1xf32>
    %add3A_85 = arith.addf %broadcast_in_dim3A, %add3A_84 : vector<1000x1xf32>
    %swap3A = arith.constant 0 : index
    %swap3A_86 = arith.constant 0 : index
    %swap3A_87 = vector.load %arg7[%swap3A, %swap3A_86] : memref<1000x1xf32, #tpu.memory_space<vmem>>, vector<1000x1xf32>
    tpu.vector_store %arg7[%swap3A, %swap3A_86], %add3A_85 {strides = array<i32>} : memref<1000x1xf32, #tpu.memory_space<vmem>>, vector<1000x1xf32>,
    return
  }
  func.func @transform_0(%arg0: i32) -> (i32, i32) {
    %c0_i32 = arith.constant 0 : i32
    %c0_i32_0 = arith.constant 0 : i32
    return %arg0, %c0_i32 : i32, i32
  }
  func.func @transform_1(%arg0: i32) -> (i32, i32) {
    %c0_i32 = arith.constant 0 : i32
    %c0_i32_0 = arith.constant 0 : i32
    %c0_i32_1 = arith.constant 0 : i32
    return %c0_i32, %c0_i32_0 : i32, i32
  }
  func.func @transform_2(%arg0: i32) -> (i32, i32) {
    %c0_i32 = arith.constant 0 : i32
    %c0_i32_0 = arith.constant 0 : i32
    %c0_i32_1 = arith.constant 0 : i32
    return %c0_i32, %c0_i32_0 : i32, i32
  }
  func.func @transform_3(%arg0: i32) -> (i32, i32) {
    %c0_i32 = arith.constant 0 : i32
    %c0_i32_0 = arith.constant 0 : i32
    %c0_i32_1 = arith.constant 0 : i32
    return %c0_i32, %c0_i32_0 : i32, i32
  }
  func.func @transform_4(%arg0: i32) -> (i32, i32) {
    %c0_i32 = arith.constant 0 : i32
    %c0_i32_0 = arith.constant 0 : i32
    %c0_i32_1 = arith.constant 0 : i32
    return %c0_i32, %c0_i32_0 : i32, i32
  }
  func.func @transform_5(%arg0: i32) -> (i32, i32) {
    %c0_i32 = arith.constant 0 : i32
    %c0_i32_0 = arith.constant 0 : i32
    %c0_i32_1 = arith.constant 0 : i32
    return %c0_i32, %c0_i32_0 : i32, i32
  }
  func.func @transform_6(%arg0: i32) -> (i32, i32) {
    %c0_i32 = arith.constant 0 : i32
    %c0_i32_0 = arith.constant 0 : i32
    return %arg0, %c0_i32 : i32, i32
  }
}

</mosaic_0001>

<sc_bundles>
// kernel: kernel.11.cloned.1.call-start
scs
__scs_entry_jumppad:
0x0: {  	(pc) =	sbr.rel $0x88, $3  }
0x1: {  	(tag) =	ssettag $0x0;
	lr =	simm.s32 $0x1  }
0x2: {  	[smem:$0x3F5E] =	sst lr;
	_ =	strace $0xD0000000  }
0x3: {  	_ = 	snop  }
0x4: {  	_ = 	snop  }
0x5: {  	_ = 	snop  }
0x6: {  	_ = 	snop  }
0x7: {  	_ = 	snop  }
__scs_overlays_trampoline_lowered:
0x8: {  	[smem:$0x3F6D] =	sst s0  }
0x9: {  	[smem:$0x3F6E] =	sst s1  }
0xa: {  	[smem:$0x3F6F] =	sst s2  }
0xb: {  	[smem:$0x3F70] =	sst s3  }
0xc: {  	[smem:$0x3F71] =	sst s4  }
0xd: {  	[smem:$0x3F72] =	sst s5  }
0xe: {  	[smem:$0x3F73] =	sst s6  }
0xf: {  	[smem:$0x3F74] =	sst s7  }
0x10: {  	[smem:$0x3F75] =	sst s8  }
0x11: {  	[smem:$0x3F76] =	sst s9;
	s0 =	simm.s32 @!p0 $0x0  }
0x12: {  	s1 =	sld [smem:$0x3F5C];
	s0 =	simm.s32 @p0 $0x1  }
0x13: {  	[smem:$0x3F77] =	sst s0;
	s0 =	simm.s32 @!p1 $0x0  }
0x14: {  	s2 =	sld [smem:$0x3F5B];
	s0 =	simm.s32 @p1 $0x1  }
0x15: {  	[smem:$0x3F78] =	sst s0;
	s0 =	simm.s32 @!p2 $0x0  }
0x16: {  	s3 =	sld [smem:$0x3FDB];
	s0 =	simm.s32 @p2 $0x1  }
0x17: {  	s4 =	simm.s32 $0x1BF5;
	[smem:$0x3F7A] =	sst s0  }
0x18: {  	s0 =	sld [smem:$0x3F5D];
	_ =	swait.ge [sflag:s4], $0x0  }
0x19: {  	s7 =	sld [smem:$0x3F5E]  }
0x1a: {  	s8 =	sadd.s32 $0xFFFFE003, lr  }
0x1b: {  	s9 =	sadd.s32 $0xFFFFFEF7, lr;
	s5 =	simm.s32 $0xFFFFFFFF;
	p2 =	slt.u32 s8, $0xFFFFF086  }
0x1c: {  	p1 =	slt.u32 s9, $0xF7A;
	s5 =	simm.s32 @!p2 $0x0  }
0x1d: {  	s5 =	simm.s32 @p1 $0x1;
	p0 =	seq.s32 s7, s2  }
0x1e: {  	s7 =	smul.u32 @!p0 $0xF7A, s2;
	p2 =	seq.s32 @!p0 s5, $0x0  }
0x1f: {  	s9 =	smul.u32 $0xF7A, s1;
	s8 =	simm.s32 @!p0 $0x1BF5;
	p2 =	por !p2, p0  }
0x20: {  	[sflag:s8] =	ssyncset.s32 @!p0 $0xFFFFF086;
	s6 =	sadd.s32 @!p0 s3, s7;
	s7 =	simm.s32 @!p0 $0x108  }
0x21: {  	s3 =	sadd.s32 s3, s9;
	s6 =	sadd.s32 @!p0 $0x88, s6;
	s7 =	simm.s32 @p2 $0x1082  }
0x22: {  	[simem:s7], [sflag:s8] =	dma.local @!p0 [hbm:s6], $0xF7A  }
0x23: {  	s9 =	sor.u32 $0xD0000000, s2;
	s6 =	simm.s32 $0x108;
	_ =	swait.ge @!p0 [sflag:s8], $0x0  }
0x24: {  	s3 =	sadd.s32 $0x88, s3;
	s6 =	simm.s32 @!p1 $0x1082;
	[sflag:s4] =	ssyncset.s32 $0xFFFFF086  }
0x25: {  	[simem:s6], [sflag:s4] =	dma.local [hbm:s3], $0xF7A  }
0x26: {  	[smem:$0x3F5E] =	sst s1;
	(tag) =	ssettag s2;
	_ =	strace s9  }
0x27: {  	s1 =	sld [smem:$0x3F6E]  }
0x28: {  	s2 =	sld [smem:$0x3F6F]  }
0x29: {  	s4 =	sld [smem:$0x3F71]  }
0x2a: {  	p0 =	seq.s32 s5, $0x0;
	s5 =	sld [smem:$0x3F72]  }
0x2b: {  	s6 =	sld [smem:$0x3F73]  }
0x2c: {  	s7 =	sld [smem:$0x3F74]  }
0x2d: {  	s3 =	simm.s32 $0x108;
	s8 =	sld [smem:$0x3F75]  }
0x2e: {  	s3 =	simm.s32 @!p0 $0x1082;
	s9 =	sld [smem:$0x3F76]  }
0x2f: {  	lr =	sadd.s32 s0, s3;
	s0 =	sld [smem:$0x3F6D]  }
0x30: {  	s3 =	sld [smem:$0x3F70]  }
0x31: {  	[smem:$0x3F79] =	sst s10  }
0x32: {  	s10 =	sld [smem:$0x3F77];
	_ =	sdelay $0x3  }
0x33: {  	p0 =	seq.s32 s10, $0x1;
	s10 =	sld [smem:$0x3F79];
	_ =	sdelay $0x3  }
0x34: {  	[smem:$0x3F79] =	sst s10  }
0x35: {  	s10 =	sld [smem:$0x3F78];
	_ =	sdelay $0x3  }
0x36: {  	p1 =	seq.s32 s10, $0x1;
	s10 =	sld [smem:$0x3F79];
	_ =	sdelay $0x3  }
0x37: {  	[smem:$0x3F79] =	sst s10  }
0x38: {  	s10 =	sld [smem:$0x3F7A]  }
0x39: {  	_ = 	snop;
	(pc) =	sbr.ind lr, $3  }
0x3a: {  	_ = 	snop  }
0x3b: {  	_ = 	snop  }
0x3c: {  	p2 =	seq.s32 s10, $0x1;
	s10 =	sld [smem:$0x3F79]  }
0x3d: {  	_ =	shalt  }
0x3e: {  	_ =	shalt  }
0x3f: {  	_ =	shalt  }
0x40: {  	_ =	shalt  }
0x41: {  	_ =	shalt  }
0x42: {  	_ =	shalt  }
0x43: {  	_ =	shalt  }
0x44: {  	_ =	shalt  }
0x45: {  	_ =	shalt  }
0x46: {  	_ =	shalt  }
0x47: {  	_ =	shalt  }
0x48: {  	_ =	shalt  }
0x49: {  	_ =	shalt  }
0x4a: {  	_ =	shalt  }
0x4b: {  	_ =	shalt  }
0x4c: {  	_ =	shalt  }
0x4d: {  	_ =	shalt  }
0x4e: {  	_ =	shalt  }
0x4f: {  	_ =	shalt  }
0x50: {  	_ =	shalt  }
0x51: {  	_ =	shalt  }
0x52: {  	_ =	shalt  }
0x53: {  	_ =	shalt  }
0x54: {  	_ =	shalt  }
0x55: {  	_ =	shalt  }
0x56: {  	_ =	shalt  }
0x57: {  	_ =	shalt  }
0x58: {  	_ =	shalt  }
0x59: {  	_ =	shalt  }
0x5a: {  	_ =	shalt  }
0x5b: {  	_ =	shalt  }
0x5c: {  	_ =	shalt  }
0x5d: {  	_ =	shalt  }
0x5e: {  	_ =	shalt  }
0x5f: {  	_ =	shalt  }
0x60: {  	_ =	shalt  }
0x61: {  	_ =	shalt  }
0x62: {  	_ =	shalt  }
0x63: {  	_ =	shalt  }
0x64: {  	_ =	shalt  }
0x65: {  	_ =	shalt  }
0x66: {  	_ =	shalt  }
0x67: {  	_ =	shalt  }
0x68: {  	_ =	shalt  }
0x69: {  	_ =	shalt  }
0x6a: {  	_ =	shalt  }
0x6b: {  	_ =	shalt  }
0x6c: {  	_ =	shalt  }
0x6d: {  	_ =	shalt  }
0x6e: {  	_ =	shalt  }
0x6f: {  	_ =	shalt  }
0x70: {  	_ =	shalt  }
0x71: {  	_ =	shalt  }
0x72: {  	_ =	shalt  }
0x73: {  	_ =	shalt  }
0x74: {  	_ =	shalt  }
0x75: {  	_ =	shalt  }
0x76: {  	_ =	shalt  }
0x77: {  	_ =	shalt  }
0x78: {  	_ =	shalt  }
0x79: {  	_ =	shalt  }
0x7a: {  	_ =	shalt  }
0x7b: {  	_ =	shalt  }
0x7c: {  	_ =	shalt  }
0x7d: {  	_ =	shalt  }
0x7e: {  	_ =	shalt  }
0x7f: {  	_ =	shalt  }
0x80: {  	_ =	shalt  }
0x81: {  	_ =	shalt  }
0x82: {  	_ =	shalt  }
0x83: {  	_ =	shalt  }
0x84: {  	_ =	shalt  }
0x85: {  	_ =	shalt  }
0x86: {  	_ =	shalt  }
0x87: {  	_ =	shalt  }
.Lfunc_end0:
.L_simem_size_0:
called_computation_lowered:
.L_overlay_start_0:
0x88: {  	s2 =	sld [smem:$0x3FD9]  }
0x89: {  	s3 =	sld [smem:$0x3FFE];
	_ =	sdelay $0x1  }
0x8a: {  	s1 =	srdreg.scid  }
0x8b: {  	s0 =	sand.u32 $0x1, s1  }
0x8c: {  	s16 =	sshll.u32 s0, $0xA;
	s2 =	sadd.s32 s3, s2  }
0x8d: {  	s2 =	sadd.s32 s2, s16  }
0x8e: {  	[smem:$0x3F85] =	sst s2  }
0x8f: {  	_ = 	snop  }
0x90: {  	(tm) =	ssettm $0x1  }
0x91: {  	s17 =	sld [smem:$0x3FFB];
	_ =	sdelay $0x3  }
0x92: {  	_ =	strace s17  }
0x93: {  	s2 =	sld [smem:$0x3FFC];
	_ =	sdelay $0x3  }
0x94: {  	_ =	strace s2  }
0x95: {  	s2 =	sld [smem:$0x3FFD];
	_ =	sdelay $0x3  }
0x96: {  	_ =	strace s2  }
0x97: {  	_ =	strace $0x8FFFFFFF  }
0x98: {  	s18 =	sld [smem:$0x3FDB];
	_ =	sdelay $0x1  }
0x99: {  	s19 =	simm.s32 $_scs_section_size  }
0x9a: {  	s4 =	simm.s32 $_size__tile_overlayer_lowered;
	s5 =	simm.s32 $_tile_overlayer_lowered  }
0x9b: {  	s22 =	simm.s32 $0x1BFF;
	s21 =	sshll.u32 s5, $0x1;
	s2 =	sadd.s32 s19, s18  }
0x9c: {  	s6 =	simm.s32 $0x0;
	s20 =	sshll.u32 s4, $0x1;
	s4 =	sadd.s32 s21, s2  }
0x9d: {  	[timem:s6], [sflag:s22] =	dma.local [hbm:s4], s20  }
0x9e: {  	_ =	swait.ge [sflag:s22], s20  }
0x9f: {  	s3 =	ssub.s32 $0x0, s20;
	[sflag:s22] =	ssyncset.done $0x0  }
0xa0: {  	[sflag:s22] =	ssyncadd.s32 s3;
	_ =	sdelay $0x1  }
0xa1: {  	s23 =	simm.s32 $0x1B8B  }
0xa2: {  	_ =	swait.ge [sflag:s23], $0x1  }
0xa3: {  	[sflag:s23] =	ssyncset.done $0x0  }
0xa4: {  	s25 =	simm.s32 $0x1B8E;
	s24 =	sld [smem:$0x3FFE];
	[sflag:s23] =	ssyncadd.s32 $0xFFFFFFFF  }
0xa5: {  	s26 =	simm.s32 $execute0_lowered;
	[smem:$0x3FD2] =	sst s25  }
0xa6: {  	s4 =	sshll.u32 s26, $0x1;
	_ =	strace $0x80000046;
	[dreg:$0x1] =	wrdreg $0xFFFFFFFF  }
0xa7: {  	s28 =	simm.s32 $_size_execute0_lowered;
	s2 =	sadd.s32 s2, s4;
	[dreg:$0x0] =	wrdreg $0x0  }
0xa8: {  	s4 =	sshll.u32 s28, $0x1;
	[dreg:$0x2] =	wrdreg s2  }
0xa9: {  	[dreg:$0x3] =	wrdreg s4  }
0xaa: {  	[dreg:$0x4] =	wrdreg $0xC0  }
0xab: {  	_ =	task [dreg:s6], $0x5FFFF  }
0xac: {  	[dreg:$0x1] =	wrdreg $0xFFFFFFFF  }
0xad: {  	[dreg:$0x0] =	wrdreg $0x60  }
0xae: {  	[dreg:$0x2] =	wrdreg s24  }
0xaf: {  	[dreg:$0x3] =	wrdreg $0x9  }
0xb0: {  	_ =	task.clear_ibuf [dreg:s6], $0x4FFFF;
	_ =	strace $0x90000046  }
0xb1: {  	s29 =	simm.s32 $0x9;
	_ =	strace $0x80000048  }
0xb2: {  	_ =	swait.ge [sflag:s29], $0x1  }
0xb3: {  	[sflag:s29] =	ssyncadd.s32 $0xFFFFFFFF  }
0xb4: {  	_ =	strace $0x90000048  }
0xb5: {  	_ =	sfence  }
0xb6: {  	s30 =	sld [smem:$0x0];
	_ =	sdelay $0x2  }
0xb7: {  	s31 =	sshll.u32 s1, $0xD;
	s1 =	sshrl.u32 s1, $0x2  }
0xb8: {  	s3 =	sand.u32 $0x4000, s31;
	s1 =	sadd.s32 s1, s30  }
0xb9: {  	s0 =	sor.u32 s3, s0;
	s1 =	sshll.u32 s1, $0x11  }
0xba: {  	s0 =	sor.u32 s1, s0  }
0xbb: {  	s0 =	sadd.s32 $0x8F2B, s0  }
0xbc: {  	[sflag:s0] =	ssyncadd.remote.s32 $0x1  }
0xbd: {  	_ =	sfence.sel $0xFFFF  }
0xbe: {  	[dreg:$0x0] =	wrdreg $0xFFFFFFFF;
	(pc) =	sbr.abs _section_cstart, $3  }
0xbf: {  	[dreg:$0x1] =	wrdreg $0xFFFFFFFF  }
0xc0: {  	_ =	task.clear_ibuf [dreg:s6], $0x2FFFF;
	_ =	strace $0x9FFFFFFF  }
0xc1: {  	(tm) =	ssettm $0x7FFFFFFF  }
tec
execute0_lowered:
.L_overlay_start_1:
0x0: {  	(tag) =	ssettag $0x1  }
0x1: {  	s0 =	srdreg.scid  }
0x2: {  	s2 =	stileid.u32;
	s1 =	rddreg [dreg:$0x0];
	s18 =	simm.s32 $0x80  }
0x3: {  	s22 =	simm.s32 $0x400;
	s20 =	simm.s32 $0x4400;
	s29 =	simm.s32 $0x100  }
0x4: {  	s15 =	simm.s32 $0x8400;
	s31 =	simm.s32 $0x180;
	s13 =	simm.s32 $0xC400  }
0x5: {  	s30 =	simm.s32 $0x1;
	s28 =	simm.s32 $0x200;
	s11 =	simm.s32 $0x10400  }
0x6: {  	s10 =	simm.s32 $0x14400;
	s21 =	simm.s32 $0x4;
	s19 =	simm.s32 $0x5  }
0x7: {  	s16 =	simm.s32 $0x6;
	p0 =	por $0x0, $0x0;
	s17 =	simm.s32 $0x7  }
0x8: {  	s14 =	simm.s32 $0x8;
	s12 =	simm.s32 $0x9;
	s9 =	simm.s32 $0xA  }
0x9: {  	s0 =	sand.u32 $0x1, s0;
	s3 =	sshll.u32 s2, $0x1;
	s2 =	simm.s32 $0x0  }
0xa: {  	s8 =	simm.s32 $0xB;
	s3 =	sor.u32 s0, s3;
	[smem:$0x7FF] =	sst s2  }
0xb: {  	s0 =	ssub.s32 $0x2, s0;
	s4 =	smul.u32 $0x3000, s3;
	_ =	strace $0x80000047  }
0xc: {  	s5 =	sshll.u32 s3, $0x7;
	s6 =	smul.u32 $0x18000, s3;
	s3 =	sadd.s32 $0x8C00, s1  }
0xd: {  	s25 =	sshrl.u32 s0, $0x1;
	s5 =	sadd.s32 s5, s1;
	s1 =	sadd.s32 $0x3D400, s1  }
0xe: {  	s0 =	ssub.s32 s0, s25;
	s25 =	simm.s32 $0x2;
	s5 =	sadd.s32 $0x7C00, s5  }
0xf: {  	s7 =	sadd.s32 s1, s4;
	s23 =	sshrl.u32 s6, $0x3;
	s0 =	smax.u32 s0, $0x1  }
0x10: {  	s6 =	simm.s32 $0xC;
	[dreg:$0x2] =	wrdreg s5;
	p1 =	sne.s32 s0, $0x1  }
.Ltmp0:
0x11: {  	s24 =	sadd.s32 $0x800, s7;
	s1 =	sadd.s32 s1, s23;
	(pc) =	sbr.rel @!p1 .LBB2_3-.Ltmp0, $4  }
0x12: {  	s23 =	simm.s32 $0x3;
	[dreg:$0x3] =	wrdreg s24;
	s4 =	sadd.s32 $0x1000, s1  }
0x13: {  	s26 =	sadd.s32 $0x1800, s1;
	s5 =	sadd.s32 $0x2000, s1;
	[dreg:$0x4] =	wrdreg s4  }
0x14: {  	s24 =	simm.s32 $0x280;
	[dreg:$0x5] =	wrdreg s26;
	s4 =	sadd.s32 $0x2800, s1  }
0x15: {  	s26 =	simm.s32 $0xD;
	s1 =	sadd.s32 $0xFFFFFFFF, s0;
	s0 =	rddreg [dreg:$0x2]  }
0x16: {  	[tilespmem:s2], [sflag:$0xD] =	stream.linear.gather [hbm4b:s0+s2], $0x300, $0x38;
	[tilespmem:$0x18400] =	vst v63  }
0x17: {  	_ =	swait.ge [sflag:s26], $0x300  }
0x18: {  	[sflag:s26] =	ssyncset.done $0x0  }
0x19: {  	[sflag:s26] =	ssyncadd.s32 $0xFFFFFD00  }
0x1a: {  	[tilespmem:s22], [sflag:$0x1] =	stream.indirect.gather [hbm4b:s3+s18], $0x80, s2, s18, $0xb8;
	[tilespmem:$0x18400] =	vst v63  }
0x1b: {  	_ = 	snop  }
0x1c: {  	[tilespmem:s20], [sflag:$0x2] =	stream.indirect.gather [hbm4b:s3+s18], $0x80, s18, s18, $0xb8;
	[tilespmem:$0x18400] =	vst v63  }
0x1d: {  	_ = 	snop  }
0x1e: {  	[tilespmem:s15], [sflag:$0x3] =	stream.indirect.gather [hbm4b:s3+s18], $0x80, s29, s18, $0xb8;
	[tilespmem:$0x18400] =	vst v63  }
0x1f: {  	_ = 	snop  }
0x20: {  	[tilespmem:s13], [sflag:$0x4] =	stream.indirect.gather [hbm4b:s3+s18], $0x80, s31, s18, $0xb8;
	[tilespmem:$0x18400] =	vst v63  }
0x21: {  	_ =	swait.ge [sflag:s30], $0x4000  }
0x22: {  	[sflag:s30] =	ssyncset.done $0x0  }
0x23: {  	[sflag:s30] =	ssyncadd.s32 $0xFFFFC000  }
0x24: {  	[hbm4b:s7+s2] =	stream.linear.scatter [tilespmem:s22], [sflag:$0x7], $0x4000, $0x38;
	[tilespmem:$0x18400] =	vst v63  }
0x25: {  	_ = 	snop  }
0x26: {  	[tilespmem:s11], [sflag:$0x5] =	stream.indirect.gather [hbm4b:s3+s18], $0x80, s28, s18, $0xb8;
	[tilespmem:$0x18400] =	vst v63  }
0x27: {  	_ =	swait.ge [sflag:s25], $0x4000  }
0x28: {  	[sflag:s25] =	ssyncset.done $0x0  }
0x29: {  	s0 =	rddreg [dreg:$0x3];
	[sflag:s25] =	ssyncadd.s32 $0xFFFFC000  }
0x2a: {  	[hbm4b:s0+s2] =	stream.linear.scatter [tilespmem:s20], [sflag:$0x8], $0x4000, $0x38;
	[tilespmem:$0x18400] =	vst v63  }
0x2b: {  	_ = 	snop  }
0x2c: {  	[tilespmem:s10], [sflag:$0x6] =	stream.indirect.gather [hbm4b:s3+s18], $0x80, s24, s18, $0xb8;
	[tilespmem:$0x18400] =	vst v63  }
0x2d: {  	_ =	swait.ge [sflag:s23], $0x4000  }
0x2e: {  	[sflag:s23] =	ssyncset.done $0x0  }
0x2f: {  	s0 =	rddreg [dreg:$0x4];
	[sflag:s23] =	ssyncadd.s32 $0xFFFFC000  }
0x30: {  	[hbm4b:s0+s2] =	stream.linear.scatter [tilespmem:s15], [sflag:$0x9], $0x4000, $0x38;
	[tilespmem:$0x18400] =	vst v63  }
0x31: {  	_ =	swait.ge [sflag:s21], $0x4000  }
0x32: {  	[sflag:s21] =	ssyncset.done $0x0  }
0x33: {  	s0 =	rddreg [dreg:$0x5];
	[sflag:s21] =	ssyncadd.s32 $0xFFFFC000  }
0x34: {  	[hbm4b:s0+s2] =	stream.linear.scatter [tilespmem:s13], [sflag:$0xA], $0x4000, $0x38;
	[tilespmem:$0x18400] =	vst v63  }
0x35: {  	_ =	swait.ge [sflag:s19], $0x4000  }
0x36: {  	[sflag:s19] =	ssyncset.done $0x0  }
0x37: {  	[sflag:s19] =	ssyncadd.s32 $0xFFFFC000  }
0x38: {  	[hbm4b:s5+s2] =	stream.linear.scatter [tilespmem:s11], [sflag:$0xB], $0x4000, $0x38;
	[tilespmem:$0x18400] =	vst v63  }
0x39: {  	_ =	swait.ge [sflag:s16], $0x4000  }
0x3a: {  	[sflag:s16] =	ssyncset.done $0x0  }
0x3b: {  	[sflag:s16] =	ssyncadd.s32 $0xFFFFC000  }
0x3c: {  	[hbm4b:s4+s2] =	stream.linear.scatter [tilespmem:s10], [sflag:$0xC], $0x4000, $0x38;
	[tilespmem:$0x18400] =	vst v63  }
0x3d: {  	_ =	swait.ge [sflag:s17], $0x4000  }
0x3e: {  	[sflag:s17] =	ssyncset.done $0x0  }
0x3f: {  	[sflag:s17] =	ssyncadd.s32 $0xFFFFC000  }
0x40: {  	_ =	swait.ge [sflag:s14], $0x4000  }
0x41: {  	[sflag:s14] =	ssyncset.done $0x0  }
0x42: {  	[sflag:s14] =	ssyncadd.s32 $0xFFFFC000  }
0x43: {  	_ =	swait.ge [sflag:s12], $0x4000  }
0x44: {  	[sflag:s12] =	ssyncset.done $0x0  }
0x45: {  	[sflag:s12] =	ssyncadd.s32 $0xFFFFC000  }
0x46: {  	_ =	swait.ge [sflag:s9], $0x4000  }
0x47: {  	[sflag:s9] =	ssyncset.done $0x0  }
0x48: {  	p1 =	sne.s32 s1, $0x1;
	[sflag:s9] =	ssyncadd.s32 $0xFFFFC000  }
.Ltmp1:
0x49: {  	_ =	swait.ge [sflag:s8], $0x4000;
	(pc) =	sbr.rel @!p1 .LBB2_3-.Ltmp1, $4  }
0x4a: {  	[sflag:s8] =	ssyncset.done $0x0  }
0x4b: {  	[sflag:s8] =	ssyncadd.s32 $0xFFFFC000  }
0x4c: {  	s1 =	sadd.s32 $0xFFFFFFFF, s1;
	_ =	swait.ge [sflag:s6], $0x4000  }
0x4d: {  	p0 =	por $0x1, $0x1;
	s0 =	rddreg [dreg:$0x2];
	[sflag:s6] =	ssyncset.done $0x0  }
.LBB2_2:
0x4e: {  	[sflag:s6] =	ssyncadd.s32 $0xFFFFC000  }
0x4f: {  	[tilespmem:s2], [sflag:$0xD] =	stream.linear.gather [hbm4b:s0+s2], $0x300, $0x38;
	[tilespmem:$0x18400] =	vst v63  }
0x50: {  	_ =	swait.ge [sflag:s26], $0x300  }
0x51: {  	[sflag:s26] =	ssyncset.done $0x0  }
0x52: {  	[sflag:s26] =	ssyncadd.s32 $0xFFFFFD00  }
0x53: {  	[tilespmem:s22], [sflag:$0x1] =	stream.indirect.gather [hbm4b:s3+s18], $0x80, s2, s18, $0xb8;
	[tilespmem:$0x18400] =	vst v63  }
0x54: {  	_ = 	snop  }
0x55: {  	[tilespmem:s20], [sflag:$0x2] =	stream.indirect.gather [hbm4b:s3+s18], $0x80, s18, s18, $0xb8;
	[tilespmem:$0x18400] =	vst v63  }
0x56: {  	_ = 	snop  }
0x57: {  	[tilespmem:s15], [sflag:$0x3] =	stream.indirect.gather [hbm4b:s3+s18], $0x80, s29, s18, $0xb8;
	[tilespmem:$0x18400] =	vst v63  }
0x58: {  	_ = 	snop  }
0x59: {  	[tilespmem:s13], [sflag:$0x4] =	stream.indirect.gather [hbm4b:s3+s18], $0x80, s31, s18, $0xb8;
	[tilespmem:$0x18400] =	vst v63  }
0x5a: {  	_ =	swait.ge [sflag:s30], $0x4000  }
0x5b: {  	[sflag:s30] =	ssyncset.done $0x0  }
0x5c: {  	[sflag:s30] =	ssyncadd.s32 $0xFFFFC000  }
0x5d: {  	[hbm4b:s7+s2] =	stream.linear.scatter [tilespmem:s22], [sflag:$0x7], $0x4000, $0x38;
	[tilespmem:$0x18400] =	vst v63  }
0x5e: {  	_ = 	snop  }
0x5f: {  	[tilespmem:s11], [sflag:$0x5] =	stream.indirect.gather [hbm4b:s3+s18], $0x80, s28, s18, $0xb8;
	[tilespmem:$0x18400] =	vst v63  }
0x60: {  	_ =	swait.ge [sflag:s25], $0x4000  }
0x61: {  	[sflag:s25] =	ssyncset.done $0x0  }
0x62: {  	s0 =	rddreg [dreg:$0x3];
	[sflag:s25] =	ssyncadd.s32 $0xFFFFC000  }
0x63: {  	[hbm4b:s0+s2] =	stream.linear.scatter [tilespmem:s20], [sflag:$0x8], $0x4000, $0x38;
	[tilespmem:$0x18400] =	vst v63  }
0x64: {  	_ = 	snop  }
0x65: {  	[tilespmem:s10], [sflag:$0x6] =	stream.indirect.gather [hbm4b:s3+s18], $0x80, s24, s18, $0xb8;
	[tilespmem:$0x18400] =	vst v63  }
0x66: {  	_ =	swait.ge [sflag:s23], $0x4000  }
0x67: {  	[sflag:s23] =	ssyncset.done $0x0  }
0x68: {  	s0 =	rddreg [dreg:$0x4];
	[sflag:s23] =	ssyncadd.s32 $0xFFFFC000  }
0x69: {  	[hbm4b:s0+s2] =	stream.linear.scatter [tilespmem:s15], [sflag:$0x9], $0x4000, $0x38;
	[tilespmem:$0x18400] =	vst v63  }
0x6a: {  	_ =	swait.ge [sflag:s21], $0x4000  }
0x6b: {  	[sflag:s21] =	ssyncset.done $0x0  }
0x6c: {  	s0 =	rddreg [dreg:$0x5];
	[sflag:s21] =	ssyncadd.s32 $0xFFFFC000  }
0x6d: {  	[hbm4b:s0+s2] =	stream.linear.scatter [tilespmem:s13], [sflag:$0xA], $0x4000, $0x38;
	[tilespmem:$0x18400] =	vst v63  }
0x6e: {  	_ =	swait.ge [sflag:s19], $0x4000  }
0x6f: {  	[sflag:s19] =	ssyncset.done $0x0  }
0x70: {  	[sflag:s19] =	ssyncadd.s32 $0xFFFFC000  }
0x71: {  	[hbm4b:s5+s2] =	stream.linear.scatter [tilespmem:s11], [sflag:$0xB], $0x4000, $0x38;
	[tilespmem:$0x18400] =	vst v63  }
0x72: {  	_ =	swait.ge [sflag:s16], $0x4000  }
0x73: {  	[sflag:s16] =	ssyncset.done $0x0  }
0x74: {  	[sflag:s16] =	ssyncadd.s32 $0xFFFFC000  }
0x75: {  	[hbm4b:s4+s2] =	stream.linear.scatter [tilespmem:s10], [sflag:$0xC], $0x4000, $0x38;
	[tilespmem:$0x18400] =	vst v63  }
0x76: {  	_ =	swait.ge [sflag:s17], $0x4000  }
0x77: {  	[sflag:s17] =	ssyncset.done $0x0  }
0x78: {  	[sflag:s17] =	ssyncadd.s32 $0xFFFFC000  }
0x79: {  	_ =	swait.ge [sflag:s14], $0x4000  }
0x7a: {  	[sflag:s14] =	ssyncset.done $0x0  }
0x7b: {  	[sflag:s14] =	ssyncadd.s32 $0xFFFFC000  }
0x7c: {  	_ =	swait.ge [sflag:s12], $0x4000  }
0x7d: {  	[sflag:s12] =	ssyncset.done $0x0  }
0x7e: {  	[sflag:s12] =	ssyncadd.s32 $0xFFFFC000  }
0x7f: {  	_ =	swait.ge [sflag:s9], $0x4000  }
0x80: {  	[sflag:s9] =	ssyncset.done $0x0  }
0x81: {  	p1 =	sne.s32 s1, $0x1;
	[sflag:s9] =	ssyncadd.s32 $0xFFFFC000  }
.Ltmp2:
0x82: {  	_ =	swait.ge [sflag:s8], $0x4000;
	(pc) =	sbr.rel @p1 .LBB2_2-.Ltmp2, $4  }
0x83: {  	[sflag:s8] =	ssyncset.done $0x0  }
0x84: {  	[sflag:s8] =	ssyncadd.s32 $0xFFFFC000  }
0x85: {  	_ =	swait.ge [sflag:s6], $0x4000  }
0x86: {  	s1 =	sadd.s32 $0xFFFFFFFF, s1;
	s0 =	rddreg [dreg:$0x2];
	[sflag:s6] =	ssyncset.done $0x0  }
.LBB2_3:
0x87: {  	[sflag:s6] =	ssyncadd.s32 @p0 $0xFFFFC000  }
0x88: {  	[tilespmem:s2], [sflag:$0xD] =	stream.linear.gather [hbm4b:s0+s2], $0x300, $0x38;
	[tilespmem:$0x18400] =	vst v63  }
0x89: {  	_ =	swait.ge [sflag:s26], $0x300  }
0x8a: {  	[sflag:s26] =	ssyncset.done $0x0  }
0x8b: {  	[sflag:s26] =	ssyncadd.s32 $0xFFFFFD00  }
0x8c: {  	[tilespmem:s22], [sflag:$0x1] =	stream.indirect.gather [hbm4b:s3+s18], $0x80, s2, s18, $0xb8;
	[tilespmem:$0x18400] =	vst v63  }
0x8d: {  	_ = 	snop  }
0x8e: {  	[tilespmem:s20], [sflag:$0x2] =	stream.indirect.gather [hbm4b:s3+s18], $0x80, s18, s18, $0xb8;
	[tilespmem:$0x18400] =	vst v63  }
0x8f: {  	_ = 	snop  }
0x90: {  	[tilespmem:s15], [sflag:$0x3] =	stream.indirect.gather [hbm4b:s3+s18], $0x80, s29, s18, $0xb8;
	[tilespmem:$0x18400] =	vst v63  }
0x91: {  	_ = 	snop  }
0x92: {  	[tilespmem:s13], [sflag:$0x4] =	stream.indirect.gather [hbm4b:s3+s18], $0x80, s31, s18, $0xb8;
	[tilespmem:$0x18400] =	vst v63  }
0x93: {  	_ =	swait.ge [sflag:s30], $0x4000  }
0x94: {  	[sflag:s30] =	ssyncset.done $0x0  }
0x95: {  	[sflag:s30] =	ssyncadd.s32 $0xFFFFC000  }
0x96: {  	[hbm4b:s7+s2] =	stream.linear.scatter [tilespmem:s22], [sflag:$0x7], $0x4000, $0x38;
	[tilespmem:$0x18400] =	vst v63  }
0x97: {  	_ = 	snop  }
0x98: {  	[tilespmem:s11], [sflag:$0x5] =	stream.indirect.gather [hbm4b:s3+s18], $0x80, s28, s18, $0xb8;
	[tilespmem:$0x18400] =	vst v63  }
0x99: {  	_ =	swait.ge [sflag:s25], $0x4000  }
0x9a: {  	[sflag:s25] =	ssyncset.done $0x0  }
0x9b: {  	s28 =	rddreg [dreg:$0x3];
	[sflag:s25] =	ssyncadd.s32 $0xFFFFC000  }
0x9c: {  	[hbm4b:s28+s2] =	stream.linear.scatter [tilespmem:s20], [sflag:$0x8], $0x4000, $0x38;
	[tilespmem:$0x18400] =	vst v63  }
0x9d: {  	_ = 	snop  }
0x9e: {  	[tilespmem:s10], [sflag:$0x6] =	stream.indirect.gather [hbm4b:s3+s18], $0x80, s24, s18, $0xb8;
	[tilespmem:$0x18400] =	vst v63  }
0x9f: {  	_ =	swait.ge [sflag:s23], $0x4000  }
0xa0: {  	[sflag:s23] =	ssyncset.done $0x0  }
0xa1: {  	s29 =	rddreg [dreg:$0x4];
	[sflag:s23] =	ssyncadd.s32 $0xFFFFC000  }
0xa2: {  	[hbm4b:s29+s2] =	stream.linear.scatter [tilespmem:s15], [sflag:$0x9], $0x4000, $0x38;
	[tilespmem:$0x18400] =	vst v63  }
0xa3: {  	_ =	swait.ge [sflag:s21], $0x4000  }
0xa4: {  	[sflag:s21] =	ssyncset.done $0x0  }
0xa5: {  	s30 =	rddreg [dreg:$0x5];
	[sflag:s21] =	ssyncadd.s32 $0xFFFFC000  }
0xa6: {  	[hbm4b:s30+s2] =	stream.linear.scatter [tilespmem:s13], [sflag:$0xA], $0x4000, $0x38;
	[tilespmem:$0x18400] =	vst v63  }
0xa7: {  	_ =	swait.ge [sflag:s19], $0x4000  }
0xa8: {  	[sflag:s19] =	ssyncset.done $0x0  }
0xa9: {  	[sflag:s19] =	ssyncadd.s32 $0xFFFFC000  }
0xaa: {  	[hbm4b:s5+s2] =	stream.linear.scatter [tilespmem:s11], [sflag:$0xB], $0x4000, $0x38;
	[tilespmem:$0x18400] =	vst v63  }
0xab: {  	_ =	swait.ge [sflag:s16], $0x4000  }
0xac: {  	[sflag:s16] =	ssyncset.done $0x0  }
0xad: {  	[sflag:s16] =	ssyncadd.s32 $0xFFFFC000  }
0xae: {  	[hbm4b:s4+s2] =	stream.linear.scatter [tilespmem:s10], [sflag:$0xC], $0x4000, $0x38;
	[tilespmem:$0x18400] =	vst v63  }
0xaf: {  	_ =	swait.ge [sflag:s17], $0x4000  }
0xb0: {  	[sflag:s17] =	ssyncset.done $0x0  }
0xb1: {  	[sflag:s17] =	ssyncadd.s32 $0xFFFFC000  }
0xb2: {  	_ =	swait.ge [sflag:s14], $0x4000  }
0xb3: {  	[sflag:s14] =	ssyncset.done $0x0  }
0xb4: {  	[sflag:s14] =	ssyncadd.s32 $0xFFFFC000  }
0xb5: {  	_ =	swait.ge [sflag:s12], $0x4000  }
0xb6: {  	[sflag:s12] =	ssyncset.done $0x0  }
0xb7: {  	[sflag:s12] =	ssyncadd.s32 $0xFFFFC000  }
0xb8: {  	_ =	swait.ge [sflag:s9], $0x4000  }
0xb9: {  	[sflag:s9] =	ssyncset.done $0x0  }
0xba: {  	[sflag:s9] =	ssyncadd.s32 $0xFFFFC000  }
0xbb: {  	_ =	swait.ge [sflag:s8], $0x4000  }
0xbc: {  	[sflag:s8] =	ssyncset.done $0x0  }
0xbd: {  	[sflag:s8] =	ssyncadd.s32 $0xFFFFC000  }
0xbe: {  	_ =	swait.ge [sflag:s6], $0x4000  }
0xbf: {  	[sflag:s6] =	ssyncset.done $0x0  }
0xc0: {  	[sflag:s6] =	ssyncadd.s32 $0xFFFFC000  }
0xc1: {  	_ =	sfence.sel $0x180000  }
0xc2: {  	[bflag:$0x0] =	sbarrier.arrive $0xFFFF  }
0xc3: {  	_ =	strace $0x90000047  }
0xc4: {  	s31 =	stileid.u32;
	[bflag:$0x2] =	sbarrier.arrive $0xFFFF  }
0xc5: {  	p0 =	sne.s32 s31, $0x0;
	s0 =	rddreg [dreg:$0x1]  }
0xc6: {  	s0 =	sadd.s32 @!p0 $0x100000, s0  }
0xc7: {  	[sflag:s0] =	ssyncadd.tile.s32 @!p0 $0x1;
	_ =	shalt  }
.Lfunc_end2:
_tile_overlayer_lowered:
.L_overlay_start_2:
0xc8: {  	(tag) =	ssettag $0x2  }
0xc9: {  	s0 =	rddreg [dreg:$0x0];
	s2 =	stileid.u32  }
0xca: {  	s1 =	rddreg [dreg:$0x1];
	p0 =	sne.s32 s2, $0x0  }
0xcb: {  	s3 =	rddreg [dreg:$0x2];
	[bflag:$0x3] =	sbarrier.arrive $0xFFFF;
	s2 =	simm.s32 @!p0 $0x1C0D  }
0xcc: {  	[timem:s3], [sflag:s2] =	dma.local @!p0 [hbm:s0], s1  }
0xcd: {  	s0 =	simm.s32 @!p0 $0xD  }
0xce: {  	_ =	swait.ge @!p0 [sflag:s0], s1  }
0xcf: {  	s1 =	ssub.s32 @!p0 $0x0, s1;
	[sflag:s0] =	ssyncset.done @!p0 $0x0  }
0xd0: {  	[sflag:s0] =	ssyncadd.s32 @!p0 s1  }
0xd1: {  	[bflag:$0x3] =	sbarrier.arrive $0xFFFF  }
0xd2: {  	_ =	shalt  }

// kernel: kernel.14.cloned.1.call-start
scs
__scs_entry_jumppad:
0x0: {  	(pc) =	sbr.rel $0x88, $3  }
0x1: {  	(tag) =	ssettag $0x0;
	lr =	simm.s32 $0x1  }
0x2: {  	[smem:$0x3F5E] =	sst lr;
	_ =	strace $0xD0000000  }
0x3: {  	_ = 	snop  }
0x4: {  	_ = 	snop  }
0x5: {  	_ = 	snop  }
0x6: {  	_ = 	snop  }
0x7: {  	_ = 	snop  }
__scs_overlays_trampoline_lowered:
0x8: {  	[smem:$0x3F6D] =	sst s0  }
0x9: {  	[smem:$0x3F6E] =	sst s1  }
0xa: {  	[smem:$0x3F6F] =	sst s2  }
0xb: {  	[smem:$0x3F70] =	sst s3  }
0xc: {  	[smem:$0x3F71] =	sst s4  }
0xd: {  	[smem:$0x3F72] =	sst s5  }
0xe: {  	[smem:$0x3F73] =	sst s6  }
0xf: {  	[smem:$0x3F74] =	sst s7  }
0x10: {  	[smem:$0x3F75] =	sst s8  }
0x11: {  	[smem:$0x3F76] =	sst s9;
	s0 =	simm.s32 @!p0 $0x0  }
0x12: {  	s1 =	sld [smem:$0x3F5C];
	s0 =	simm.s32 @p0 $0x1  }
0x13: {  	[smem:$0x3F77] =	sst s0;
	s0 =	simm.s32 @!p1 $0x0  }
0x14: {  	s2 =	sld [smem:$0x3F5B];
	s0 =	simm.s32 @p1 $0x1  }
0x15: {  	[smem:$0x3F78] =	sst s0;
	s0 =	simm.s32 @!p2 $0x0  }
0x16: {  	s3 =	sld [smem:$0x3FDB];
	s0 =	simm.s32 @p2 $0x1  }
0x17: {  	s4 =	simm.s32 $0x1BF5;
	[smem:$0x3F7A] =	sst s0  }
0x18: {  	s0 =	sld [smem:$0x3F5D];
	_ =	swait.ge [sflag:s4], $0x0  }
0x19: {  	s7 =	sld [smem:$0x3F5E]  }
0x1a: {  	s8 =	sadd.s32 $0xFFFFE003, lr  }
0x1b: {  	s9 =	sadd.s32 $0xFFFFFEF7, lr;
	s5 =	simm.s32 $0xFFFFFFFF;
	p2 =	slt.u32 s8, $0xFFFFF086  }
0x1c: {  	p1 =	slt.u32 s9, $0xF7A;
	s5 =	simm.s32 @!p2 $0x0  }
0x1d: {  	s5 =	simm.s32 @p1 $0x1;
	p0 =	seq.s32 s7, s2  }
0x1e: {  	s7 =	smul.u32 @!p0 $0xF7A, s2;
	p2 =	seq.s32 @!p0 s5, $0x0  }
0x1f: {  	s9 =	smul.u32 $0xF7A, s1;
	s8 =	simm.s32 @!p0 $0x1BF5;
	p2 =	por !p2, p0  }
0x20: {  	[sflag:s8] =	ssyncset.s32 @!p0 $0xFFFFF086;
	s6 =	sadd.s32 @!p0 s3, s7;
	s7 =	simm.s32 @!p0 $0x108  }
0x21: {  	s3 =	sadd.s32 s3, s9;
	s6 =	sadd.s32 @!p0 $0x88, s6;
	s7 =	simm.s32 @p2 $0x1082  }
0x22: {  	[simem:s7], [sflag:s8] =	dma.local @!p0 [hbm:s6], $0xF7A  }
0x23: {  	s9 =	sor.u32 $0xD0000000, s2;
	s6 =	simm.s32 $0x108;
	_ =	swait.ge @!p0 [sflag:s8], $0x0  }
0x24: {  	s3 =	sadd.s32 $0x88, s3;
	s6 =	simm.s32 @!p1 $0x1082;
	[sflag:s4] =	ssyncset.s32 $0xFFFFF086  }
0x25: {  	[simem:s6], [sflag:s4] =	dma.local [hbm:s3], $0xF7A  }
0x26: {  	[smem:$0x3F5E] =	sst s1;
	(tag) =	ssettag s2;
	_ =	strace s9  }
0x27: {  	s1 =	sld [smem:$0x3F6E]  }
0x28: {  	s2 =	sld [smem:$0x3F6F]  }
0x29: {  	s4 =	sld [smem:$0x3F71]  }
0x2a: {  	p0 =	seq.s32 s5, $0x0;
	s5 =	sld [smem:$0x3F72]  }
0x2b: {  	s6 =	sld [smem:$0x3F73]  }
0x2c: {  	s7 =	sld [smem:$0x3F74]  }
0x2d: {  	s3 =	simm.s32 $0x108;
	s8 =	sld [smem:$0x3F75]  }
0x2e: {  	s3 =	simm.s32 @!p0 $0x1082;
	s9 =	sld [smem:$0x3F76]  }
0x2f: {  	lr =	sadd.s32 s0, s3;
	s0 =	sld [smem:$0x3F6D]  }
0x30: {  	s3 =	sld [smem:$0x3F70]  }
0x31: {  	[smem:$0x3F79] =	sst s10  }
0x32: {  	s10 =	sld [smem:$0x3F77];
	_ =	sdelay $0x3  }
0x33: {  	p0 =	seq.s32 s10, $0x1;
	s10 =	sld [smem:$0x3F79];
	_ =	sdelay $0x3  }
0x34: {  	[smem:$0x3F79] =	sst s10  }
0x35: {  	s10 =	sld [smem:$0x3F78];
	_ =	sdelay $0x3  }
0x36: {  	p1 =	seq.s32 s10, $0x1;
	s10 =	sld [smem:$0x3F79];
	_ =	sdelay $0x3  }
0x37: {  	[smem:$0x3F79] =	sst s10  }
0x38: {  	s10 =	sld [smem:$0x3F7A]  }
0x39: {  	_ = 	snop;
	(pc) =	sbr.ind lr, $3  }
0x3a: {  	_ = 	snop  }
0x3b: {  	_ = 	snop  }
0x3c: {  	p2 =	seq.s32 s10, $0x1;
	s10 =	sld [smem:$0x3F79]  }
0x3d: {  	_ =	shalt  }
0x3e: {  	_ =	shalt  }
0x3f: {  	_ =	shalt  }
0x40: {  	_ =	shalt  }
0x41: {  	_ =	shalt  }
0x42: {  	_ =	shalt  }
0x43: {  	_ =	shalt  }
0x44: {  	_ =	shalt  }
0x45: {  	_ =	shalt  }
0x46: {  	_ =	shalt  }
0x47: {  	_ =	shalt  }
0x48: {  	_ =	shalt  }
0x49: {  	_ =	shalt  }
0x4a: {  	_ =	shalt  }
0x4b: {  	_ =	shalt  }
0x4c: {  	_ =	shalt  }
0x4d: {  	_ =	shalt  }
0x4e: {  	_ =	shalt  }
0x4f: {  	_ =	shalt  }
0x50: {  	_ =	shalt  }
0x51: {  	_ =	shalt  }
0x52: {  	_ =	shalt  }
0x53: {  	_ =	shalt  }
0x54: {  	_ =	shalt  }
0x55: {  	_ =	shalt  }
0x56: {  	_ =	shalt  }
0x57: {  	_ =	shalt  }
0x58: {  	_ =	shalt  }
0x59: {  	_ =	shalt  }
0x5a: {  	_ =	shalt  }
0x5b: {  	_ =	shalt  }
0x5c: {  	_ =	shalt  }
0x5d: {  	_ =	shalt  }
0x5e: {  	_ =	shalt  }
0x5f: {  	_ =	shalt  }
0x60: {  	_ =	shalt  }
0x61: {  	_ =	shalt  }
0x62: {  	_ =	shalt  }
0x63: {  	_ =	shalt  }
0x64: {  	_ =	shalt  }
0x65: {  	_ =	shalt  }
0x66: {  	_ =	shalt  }
0x67: {  	_ =	shalt  }
0x68: {  	_ =	shalt  }
0x69: {  	_ =	shalt  }
0x6a: {  	_ =	shalt  }
0x6b: {  	_ =	shalt  }
0x6c: {  	_ =	shalt  }
0x6d: {  	_ =	shalt  }
0x6e: {  	_ =	shalt  }
0x6f: {  	_ =	shalt  }
0x70: {  	_ =	shalt  }
0x71: {  	_ =	shalt  }
0x72: {  	_ =	shalt  }
0x73: {  	_ =	shalt  }
0x74: {  	_ =	shalt  }
0x75: {  	_ =	shalt  }
0x76: {  	_ =	shalt  }
0x77: {  	_ =	shalt  }
0x78: {  	_ =	shalt  }
0x79: {  	_ =	shalt  }
0x7a: {  	_ =	shalt  }
0x7b: {  	_ =	shalt  }
0x7c: {  	_ =	shalt  }
0x7d: {  	_ =	shalt  }
0x7e: {  	_ =	shalt  }
0x7f: {  	_ =	shalt  }
0x80: {  	_ =	shalt  }
0x81: {  	_ =	shalt  }
0x82: {  	_ =	shalt  }
0x83: {  	_ =	shalt  }
0x84: {  	_ =	shalt  }
0x85: {  	_ =	shalt  }
0x86: {  	_ =	shalt  }
0x87: {  	_ =	shalt  }
.Lfunc_end0:
.L_simem_size_0:
called_computation.1_lowered:
.L_overlay_start_0:
0x88: {  	s2 =	sld [smem:$0x3FD9]  }
0x89: {  	s3 =	sld [smem:$0x3FFE];
	_ =	sdelay $0x1  }
0x8a: {  	s1 =	srdreg.scid  }
0x8b: {  	s0 =	sand.u32 $0x1, s1  }
0x8c: {  	s17 =	sshll.u32 s0, $0xA;
	s2 =	sadd.s32 s3, s2  }
0x8d: {  	s2 =	sadd.s32 s2, s17  }
0x8e: {  	[smem:$0x3F85] =	sst s2  }
0x8f: {  	_ = 	snop  }
0x90: {  	(tm) =	ssettm $0x1  }
0x91: {  	s18 =	sld [smem:$0x3FFB];
	_ =	sdelay $0x3  }
0x92: {  	_ =	strace s18  }
0x93: {  	s2 =	sld [smem:$0x3FFC];
	_ =	sdelay $0x3  }
0x94: {  	_ =	strace s2  }
0x95: {  	s2 =	sld [smem:$0x3FFD];
	_ =	sdelay $0x3  }
0x96: {  	_ =	strace s2  }
0x97: {  	_ =	strace $0x8FFFFFFF  }
0x98: {  	s19 =	sld [smem:$0x3FDB];
	_ =	sdelay $0x1  }
0x99: {  	s20 =	simm.s32 $_scs_section_size  }
0x9a: {  	s4 =	simm.s32 $_size__tile_overlayer_lowered;
	s5 =	simm.s32 $_tile_overlayer_lowered  }
0x9b: {  	s6 =	simm.s32 $0x1BFF;
	s21 =	sshll.u32 s5, $0x1;
	s3 =	sadd.s32 s20, s19  }
0x9c: {  	s22 =	simm.s32 $0x0;
	s4 =	sshll.u32 s4, $0x1;
	s5 =	sadd.s32 s21, s3  }
0x9d: {  	[timem:s22], [sflag:s6] =	dma.local [hbm:s5], s4  }
0x9e: {  	_ =	swait.ge [sflag:s6], s4  }
0x9f: {  	s4 =	ssub.s32 $0x0, s4;
	[sflag:s6] =	ssyncset.done $0x0  }
0xa0: {  	[sflag:s6] =	ssyncadd.s32 s4;
	_ =	sdelay $0x1  }
0xa1: {  	s23 =	simm.s32 $0x1B8B  }
0xa2: {  	_ =	swait.ge [sflag:s23], $0x1  }
0xa3: {  	[sflag:s23] =	ssyncset.done $0x0  }
0xa4: {  	[sflag:s23] =	ssyncadd.s32 $0xFFFFFFFF  }
0xa5: {  	s4 =	sld [smem:$0x0]  }
0xa6: {  	s5 =	sand.u32 $0xFFFFFFFE, s1  }
0xa7: {  	p0 =	sne.s32 s1, s5  }
0xa8: {  	s5 =	sshll.u32 @p0 s5, $0xE  }
0xa9: {  	s5 =	sadd.s32 @p0 $0x11B8D, s5;
	s6 =	sshll.u32 @p0 s4, $0x11  }
0xaa: {  	s5 =	sor.u32 @p0 s6, s5  }
0xab: {  	[sflag:s5] =	ssyncadd.remote.s32 @p0 $0x1;
	_ =	sdelay $0x1  }
0xac: {  	s5 =	simm.s32 @p0 $0x1B8D  }
0xad: {  	_ =	swait.eq @p0 [sflag:s5], $0x1  }
0xae: {  	[sflag:s5] =	ssyncadd.s32 @p0 $0xFFFFFFFF  }
0xaf: {  	s6 =	sshll.u32 @!p0 s1, $0xE  }
0xb0: {  	s6 =	sor.u32 @!p0 $0x4000, s6;
	s5 =	simm.s32 @!p0 $0x1B8D  }
0xb1: {  	s4 =	sshll.u32 @!p0 s4, $0x11;
	s6 =	sadd.s32 @!p0 $0x11B8D, s6;
	_ =	swait.eq @!p0 [sflag:s5], $0x1  }
0xb2: {  	s4 =	sor.u32 @!p0 s4, s6;
	[sflag:s5] =	ssyncadd.s32 @!p0 $0xFFFFFFFF  }
0xb3: {  	s25 =	simm.s32 $0x1B8E;
	s24 =	sld [smem:$0x3FFE];
	[sflag:s4] =	ssyncadd.remote.s32 @!p0 $0x1  }
0xb4: {  	s26 =	simm.s32 $execute0_lowered;
	[smem:$0x3FD2] =	sst s25  }
0xb5: {  	s5 =	sshll.u32 s26, $0x1;
	_ =	strace $0x80000049;
	[dreg:$0x1] =	wrdreg $0xFFFFFFFF  }
0xb6: {  	s28 =	simm.s32 $_size_execute0_lowered;
	s3 =	sadd.s32 s3, s5;
	[dreg:$0x0] =	wrdreg $0x0  }
0xb7: {  	s5 =	sshll.u32 s28, $0x1;
	[dreg:$0x2] =	wrdreg s3  }
0xb8: {  	[dreg:$0x3] =	wrdreg s5  }
0xb9: {  	[dreg:$0x4] =	wrdreg $0xC0  }
0xba: {  	_ =	task [dreg:s22], $0x5FFFF  }
0xbb: {  	[dreg:$0x1] =	wrdreg $0xFFFFFFFF  }
0xbc: {  	[dreg:$0x0] =	wrdreg $0x60  }
0xbd: {  	[dreg:$0x2] =	wrdreg s24  }
0xbe: {  	[dreg:$0x3] =	wrdreg $0xA  }
0xbf: {  	_ =	task.clear_ibuf [dreg:s22], $0x4FFFF;
	_ =	strace $0x90000049  }
0xc0: {  	s29 =	simm.s32 $0xA;
	_ =	strace $0x8000004B  }
0xc1: {  	_ =	swait.ge [sflag:s29], $0x1  }
0xc2: {  	[sflag:s29] =	ssyncadd.s32 $0xFFFFFFFF  }
0xc3: {  	_ =	strace $0x9000004B  }
0xc4: {  	_ =	sfence  }
0xc5: {  	s30 =	sld [smem:$0x0];
	_ =	sdelay $0x2  }
0xc6: {  	s31 =	sshll.u32 s1, $0xD;
	s1 =	sshrl.u32 s1, $0x2  }
0xc7: {  	s4 =	sand.u32 $0x4000, s31;
	s1 =	sadd.s32 s1, s30  }
0xc8: {  	s0 =	sor.u32 s4, s0;
	s1 =	sshll.u32 s1, $0x11  }
0xc9: {  	s0 =	sor.u32 s1, s0  }
0xca: {  	s0 =	sadd.s32 $0x8F2B, s0  }
0xcb: {  	[sflag:s0] =	ssyncadd.remote.s32 $0x1  }
0xcc: {  	_ =	sfence.sel $0xFFFF  }
0xcd: {  	[dreg:$0x0] =	wrdreg $0xFFFFFFFF;
	(pc) =	sbr.abs _section_cstart, $3  }
0xce: {  	[dreg:$0x1] =	wrdreg $0xFFFFFFFF  }
0xcf: {  	_ =	task.clear_ibuf [dreg:s22], $0x2FFFF;
	_ =	strace $0x9FFFFFFF  }
0xd0: {  	(tm) =	ssettm $0x7FFFFFFF  }
0xd1: {  	_ =	shalt  }
tec
execute0_lowered:
.L_overlay_start_1:
0x0: {  	(tag) =	ssettag $0x1  }
0x1: {  	s0 =	srdreg.scid  }
0x2: {  	s1 =	stileid.u32;
	s3 =	rddreg [dreg:$0x0];
	s29 =	simm.s32 $0xD  }
0x3: {  	s13 =	simm.s32 $0x80;
	s8 =	simm.s32 $0x400;
	s6 =	simm.s32 $0x4400  }
0x4: {  	s30 =	simm.s32 $0x100;
	s31 =	simm.s32 $0x180;
	s18 =	simm.s32 $0xC400  }
0x5: {  	s10 =	simm.s32 $0x1;
	s28 =	simm.s32 $0x200;
	s17 =	simm.s32 $0x10400  }
0x6: {  	s9 =	simm.s32 $0x2;
	s15 =	simm.s32 $0x14400;
	s5 =	simm.s32 $0x8  }
0x7: {  	p0 =	por $0x0, $0x0;
	s16 =	simm.s32 $0x9;
	s0 =	sand.u32 $0x1, s0  }
0x8: {  	s14 =	simm.s32 $0xA;
	s1 =	sshll.u32 s1, $0xB;
	s2 =	sshll.u32 s0, $0xA  }
0x9: {  	s12 =	simm.s32 $0xB;
	s11 =	simm.s32 $0xC;
	s1 =	sor.u32 s2, s1  }
0xa: {  	s7 =	sadd.s32 $0x8C00, s3;
	s0 =	ssub.s32 $0x2, s0;
	s4 =	sshrl.u32 s1, $0x3  }
0xb: {  	s2 =	simm.s32 $0x0;
	s1 =	sshll.u32 s1, $0x4;
	s4 =	sadd.s32 s4, s3  }
0xc: {  	[smem:$0x7FF] =	sst s2;
	s1 =	sadd.s32 s1, s3;
	s4 =	sadd.s32 $0x9D400, s4  }
0xd: {  	_ =	strace $0x8000004A;
	s19 =	sadd.s32 $0x9E400, s1;
	[dreg:$0x2] =	wrdreg s4  }
0xe: {  	s24 =	sshrl.u32 s0, $0x1;
	s20 =	sadd.s32 $0x9EC00, s1;
	[dreg:$0x3] =	wrdreg s19  }
0xf: {  	s0 =	ssub.s32 s0, s24;
	s21 =	sadd.s32 $0x9F400, s1;
	[dreg:$0x4] =	wrdreg s20  }
0x10: {  	s24 =	simm.s32 $0x300;
	s22 =	sadd.s32 $0x9FC00, s1;
	[dreg:$0x5] =	wrdreg s21  }
0x11: {  	s0 =	smax.u32 s0, $0x1;
	s23 =	sadd.s32 $0xA0400, s1;
	[dreg:$0x6] =	wrdreg s22  }
0x12: {  	s25 =	sadd.s32 $0xA0C00, s1;
	p1 =	sne.s32 s0, $0x1;
	[dreg:$0x7] =	wrdreg s23  }
.Ltmp0:
0x13: {  	s26 =	sadd.s32 $0xA1400, s1;
	[dreg:$0x8] =	wrdreg s25;
	(pc) =	sbr.rel @!p1 .LBB2_3-.Ltmp0, $4  }
0x14: {  	s3 =	sadd.s32 $0xA1C00, s1;
	s1 =	sadd.s32 $0xFFFFFFFF, s0;
	[dreg:$0x9] =	wrdreg s26  }
0x15: {  	s20 =	simm.s32 $0x8400;
	s26 =	simm.s32 $0x280;
	s25 =	simm.s32 $0x3  }
0x16: {  	s4 =	simm.s32 $0x7;
	s23 =	simm.s32 $0x4;
	s21 =	simm.s32 $0x380  }
0x17: {  	s22 =	simm.s32 $0x5;
	s19 =	simm.s32 $0x6;
	s0 =	rddreg [dreg:$0x2]  }
0x18: {  	[tilespmem:s2], [sflag:$0xD] =	stream.linear.gather [hbm4b:s0+s2], $0x400, $0x38;
	[tilespmem:$0x18400] =	vst v63  }
0x19: {  	_ =	swait.ge [sflag:s29], $0x400  }
0x1a: {  	[sflag:s29] =	ssyncset.done $0x0  }
0x1b: {  	[sflag:s29] =	ssyncadd.s32 $0xFFFFFC00  }
0x1c: {  	[tilespmem:s8], [sflag:$0x1] =	stream.indirect.gather [hbm4b:s7+s13], $0x80, s2, s13, $0xb8;
	[tilespmem:$0x18400] =	vst v63  }
0x1d: {  	_ = 	snop  }
0x1e: {  	[tilespmem:s6], [sflag:$0x2] =	stream.indirect.gather [hbm4b:s7+s13], $0x80, s13, s13, $0xb8;
	[tilespmem:$0x18400] =	vst v63  }
0x1f: {  	_ = 	snop  }
0x20: {  	[tilespmem:s20], [sflag:$0x3] =	stream.indirect.gather [hbm4b:s7+s13], $0x80, s30, s13, $0xb8;
	[tilespmem:$0x18400] =	vst v63  }
0x21: {  	_ = 	snop  }
0x22: {  	[tilespmem:s18], [sflag:$0x4] =	stream.indirect.gather [hbm4b:s7+s13], $0x80, s31, s13, $0xb8;
	[tilespmem:$0x18400] =	vst v63  }
0x23: {  	_ =	swait.ge [sflag:s10], $0x4000  }
0x24: {  	[sflag:s10] =	ssyncset.done $0x0  }
0x25: {  	s0 =	rddreg [dreg:$0x3];
	[sflag:s10] =	ssyncadd.s32 $0xFFFFC000  }
0x26: {  	[hbm4b:s0+s2] =	stream.linear.scatter [tilespmem:s8], [sflag:$0x7], $0x4000, $0x38;
	[tilespmem:$0x18400] =	vst v63  }
0x27: {  	_ = 	snop  }
0x28: {  	[tilespmem:s17], [sflag:$0x5] =	stream.indirect.gather [hbm4b:s7+s13], $0x80, s28, s13, $0xb8;
	[tilespmem:$0x18400] =	vst v63  }
0x29: {  	_ =	swait.ge [sflag:s9], $0x4000  }
0x2a: {  	[sflag:s9] =	ssyncset.done $0x0  }
0x2b: {  	s0 =	rddreg [dreg:$0x4];
	[sflag:s9] =	ssyncadd.s32 $0xFFFFC000  }
0x2c: {  	[hbm4b:s0+s2] =	stream.linear.scatter [tilespmem:s6], [sflag:$0x8], $0x4000, $0x38;
	[tilespmem:$0x18400] =	vst v63  }
0x2d: {  	_ = 	snop  }
0x2e: {  	[tilespmem:s15], [sflag:$0x6] =	stream.indirect.gather [hbm4b:s7+s13], $0x80, s26, s13, $0xb8;
	[tilespmem:$0x18400] =	vst v63  }
0x2f: {  	_ =	swait.ge [sflag:s25], $0x4000  }
0x30: {  	[sflag:s25] =	ssyncset.done $0x0  }
0x31: {  	s0 =	rddreg [dreg:$0x5];
	[sflag:s25] =	ssyncadd.s32 $0xFFFFC000  }
0x32: {  	[hbm4b:s0+s2] =	stream.linear.scatter [tilespmem:s20], [sflag:$0x9], $0x4000, $0x38;
	[tilespmem:$0x18400] =	vst v63  }
0x33: {  	_ =	swait.ge [sflag:s4], $0x4000  }
0x34: {  	[sflag:s4] =	ssyncset.done $0x0  }
0x35: {  	[sflag:s4] =	ssyncadd.s32 $0xFFFFC000  }
0x36: {  	[tilespmem:s8], [sflag:$0x1] =	stream.indirect.gather [hbm4b:s7+s13], $0x80, s24, s13, $0xb8;
	[tilespmem:$0x18400] =	vst v63  }
0x37: {  	_ =	swait.ge [sflag:s23], $0x4000  }
0x38: {  	[sflag:s23] =	ssyncset.done $0x0  }
0x39: {  	s0 =	rddreg [dreg:$0x6];
	[sflag:s23] =	ssyncadd.s32 $0xFFFFC000  }
0x3a: {  	[hbm4b:s0+s2] =	stream.linear.scatter [tilespmem:s18], [sflag:$0xA], $0x4000, $0x38;
	[tilespmem:$0x18400] =	vst v63  }
0x3b: {  	_ =	swait.ge [sflag:s5], $0x4000  }
0x3c: {  	[sflag:s5] =	ssyncset.done $0x0  }
0x3d: {  	[sflag:s5] =	ssyncadd.s32 $0xFFFFC000  }
0x3e: {  	[tilespmem:s6], [sflag:$0x2] =	stream.indirect.gather [hbm4b:s7+s13], $0x80, s21, s13, $0xb8;
	[tilespmem:$0x18400] =	vst v63  }
0x3f: {  	_ =	swait.ge [sflag:s22], $0x4000  }
0x40: {  	[sflag:s22] =	ssyncset.done $0x0  }
0x41: {  	s0 =	rddreg [dreg:$0x7];
	[sflag:s22] =	ssyncadd.s32 $0xFFFFC000  }
0x42: {  	[hbm4b:s0+s2] =	stream.linear.scatter [tilespmem:s17], [sflag:$0xB], $0x4000, $0x38;
	[tilespmem:$0x18400] =	vst v63  }
0x43: {  	_ =	swait.ge [sflag:s19], $0x4000  }
0x44: {  	[sflag:s19] =	ssyncset.done $0x0  }
0x45: {  	s0 =	rddreg [dreg:$0x8];
	[sflag:s19] =	ssyncadd.s32 $0xFFFFC000  }
0x46: {  	[hbm4b:s0+s2] =	stream.linear.scatter [tilespmem:s15], [sflag:$0xC], $0x4000, $0x38;
	[tilespmem:$0x18400] =	vst v63  }
0x47: {  	_ =	swait.ge [sflag:s10], $0x4000  }
0x48: {  	[sflag:s10] =	ssyncset.done $0x0  }
0x49: {  	s0 =	rddreg [dreg:$0x9];
	[sflag:s10] =	ssyncadd.s32 $0xFFFFC000  }
0x4a: {  	[hbm4b:s0+s2] =	stream.linear.scatter [tilespmem:s8], [sflag:$0x7], $0x4000, $0x38;
	[tilespmem:$0x18400] =	vst v63  }
0x4b: {  	_ =	swait.ge [sflag:s9], $0x4000  }
0x4c: {  	[sflag:s9] =	ssyncset.done $0x0  }
0x4d: {  	[sflag:s9] =	ssyncadd.s32 $0xFFFFC000  }
0x4e: {  	[hbm4b:s3+s2] =	stream.linear.scatter [tilespmem:s6], [sflag:$0x8], $0x4000, $0x38;
	[tilespmem:$0x18400] =	vst v63  }
0x4f: {  	_ =	swait.ge [sflag:s16], $0x4000  }
0x50: {  	[sflag:s16] =	ssyncset.done $0x0  }
0x51: {  	[sflag:s16] =	ssyncadd.s32 $0xFFFFC000  }
0x52: {  	_ =	swait.ge [sflag:s14], $0x4000  }
0x53: {  	[sflag:s14] =	ssyncset.done $0x0  }
0x54: {  	[sflag:s14] =	ssyncadd.s32 $0xFFFFC000  }
0x55: {  	_ =	swait.ge [sflag:s12], $0x4000  }
0x56: {  	[sflag:s12] =	ssyncset.done $0x0  }
0x57: {  	[sflag:s12] =	ssyncadd.s32 $0xFFFFC000  }
0x58: {  	_ =	swait.ge [sflag:s11], $0x4000  }
0x59: {  	[sflag:s11] =	ssyncset.done $0x0  }
0x5a: {  	p1 =	sne.s32 s1, $0x1;
	[sflag:s11] =	ssyncadd.s32 $0xFFFFC000  }
.Ltmp1:
0x5b: {  	_ =	swait.ge [sflag:s4], $0x4000;
	(pc) =	sbr.rel @!p1 .LBB2_3-.Ltmp1, $4  }
0x5c: {  	[sflag:s4] =	ssyncset.done $0x0  }
0x5d: {  	[sflag:s4] =	ssyncadd.s32 $0xFFFFC000  }
0x5e: {  	s1 =	sadd.s32 $0xFFFFFFFF, s1;
	_ =	swait.ge [sflag:s5], $0x4000  }
0x5f: {  	p0 =	por $0x1, $0x1;
	s0 =	rddreg [dreg:$0x2];
	[sflag:s5] =	ssyncset.done $0x0  }
.LBB2_2:
0x60: {  	[sflag:s5] =	ssyncadd.s32 $0xFFFFC000  }
0x61: {  	[tilespmem:s2], [sflag:$0xD] =	stream.linear.gather [hbm4b:s0+s2], $0x400, $0x38;
	[tilespmem:$0x18400] =	vst v63  }
0x62: {  	_ =	swait.ge [sflag:s29], $0x400  }
0x63: {  	[sflag:s29] =	ssyncset.done $0x0  }
0x64: {  	[sflag:s29] =	ssyncadd.s32 $0xFFFFFC00  }
0x65: {  	[tilespmem:s8], [sflag:$0x1] =	stream.indirect.gather [hbm4b:s7+s13], $0x80, s2, s13, $0xb8;
	[tilespmem:$0x18400] =	vst v63  }
0x66: {  	_ = 	snop  }
0x67: {  	[tilespmem:s6], [sflag:$0x2] =	stream.indirect.gather [hbm4b:s7+s13], $0x80, s13, s13, $0xb8;
	[tilespmem:$0x18400] =	vst v63  }
0x68: {  	_ = 	snop  }
0x69: {  	[tilespmem:s20], [sflag:$0x3] =	stream.indirect.gather [hbm4b:s7+s13], $0x80, s30, s13, $0xb8;
	[tilespmem:$0x18400] =	vst v63  }
0x6a: {  	_ = 	snop  }
0x6b: {  	[tilespmem:s18], [sflag:$0x4] =	stream.indirect.gather [hbm4b:s7+s13], $0x80, s31, s13, $0xb8;
	[tilespmem:$0x18400] =	vst v63  }
0x6c: {  	_ =	swait.ge [sflag:s10], $0x4000  }
0x6d: {  	[sflag:s10] =	ssyncset.done $0x0  }
0x6e: {  	s0 =	rddreg [dreg:$0x3];
	[sflag:s10] =	ssyncadd.s32 $0xFFFFC000  }
0x6f: {  	[hbm4b:s0+s2] =	stream.linear.scatter [tilespmem:s8], [sflag:$0x7], $0x4000, $0x38;
	[tilespmem:$0x18400] =	vst v63  }
0x70: {  	_ = 	snop  }
0x71: {  	[tilespmem:s17], [sflag:$0x5] =	stream.indirect.gather [hbm4b:s7+s13], $0x80, s28, s13, $0xb8;
	[tilespmem:$0x18400] =	vst v63  }
0x72: {  	_ =	swait.ge [sflag:s9], $0x4000  }
0x73: {  	[sflag:s9] =	ssyncset.done $0x0  }
0x74: {  	s0 =	rddreg [dreg:$0x4];
	[sflag:s9] =	ssyncadd.s32 $0xFFFFC000  }
0x75: {  	[hbm4b:s0+s2] =	stream.linear.scatter [tilespmem:s6], [sflag:$0x8], $0x4000, $0x38;
	[tilespmem:$0x18400] =	vst v63  }
0x76: {  	_ = 	snop  }
0x77: {  	[tilespmem:s15], [sflag:$0x6] =	stream.indirect.gather [hbm4b:s7+s13], $0x80, s26, s13, $0xb8;
	[tilespmem:$0x18400] =	vst v63  }
0x78: {  	_ =	swait.ge [sflag:s25], $0x4000  }
0x79: {  	[sflag:s25] =	ssyncset.done $0x0  }
0x7a: {  	s0 =	rddreg [dreg:$0x5];
	[sflag:s25] =	ssyncadd.s32 $0xFFFFC000  }
0x7b: {  	[hbm4b:s0+s2] =	stream.linear.scatter [tilespmem:s20], [sflag:$0x9], $0x4000, $0x38;
	[tilespmem:$0x18400] =	vst v63  }
0x7c: {  	_ =	swait.ge [sflag:s4], $0x4000  }
0x7d: {  	[sflag:s4] =	ssyncset.done $0x0  }
0x7e: {  	[sflag:s4] =	ssyncadd.s32 $0xFFFFC000  }
0x7f: {  	[tilespmem:s8], [sflag:$0x1] =	stream.indirect.gather [hbm4b:s7+s13], $0x80, s24, s13, $0xb8;
	[tilespmem:$0x18400] =	vst v63  }
0x80: {  	_ =	swait.ge [sflag:s23], $0x4000  }
0x81: {  	[sflag:s23] =	ssyncset.done $0x0  }
0x82: {  	s0 =	rddreg [dreg:$0x6];
	[sflag:s23] =	ssyncadd.s32 $0xFFFFC000  }
0x83: {  	[hbm4b:s0+s2] =	stream.linear.scatter [tilespmem:s18], [sflag:$0xA], $0x4000, $0x38;
	[tilespmem:$0x18400] =	vst v63  }
0x84: {  	_ =	swait.ge [sflag:s5], $0x4000  }
0x85: {  	[sflag:s5] =	ssyncset.done $0x0  }
0x86: {  	[sflag:s5] =	ssyncadd.s32 $0xFFFFC000  }
0x87: {  	[tilespmem:s6], [sflag:$0x2] =	stream.indirect.gather [hbm4b:s7+s13], $0x80, s21, s13, $0xb8;
	[tilespmem:$0x18400] =	vst v63  }
0x88: {  	_ =	swait.ge [sflag:s22], $0x4000  }
0x89: {  	[sflag:s22] =	ssyncset.done $0x0  }
0x8a: {  	s0 =	rddreg [dreg:$0x7];
	[sflag:s22] =	ssyncadd.s32 $0xFFFFC000  }
0x8b: {  	[hbm4b:s0+s2] =	stream.linear.scatter [tilespmem:s17], [sflag:$0xB], $0x4000, $0x38;
	[tilespmem:$0x18400] =	vst v63  }
0x8c: {  	_ =	swait.ge [sflag:s19], $0x4000  }
0x8d: {  	[sflag:s19] =	ssyncset.done $0x0  }
0x8e: {  	s0 =	rddreg [dreg:$0x8];
	[sflag:s19] =	ssyncadd.s32 $0xFFFFC000  }
0x8f: {  	[hbm4b:s0+s2] =	stream.linear.scatter [tilespmem:s15], [sflag:$0xC], $0x4000, $0x38;
	[tilespmem:$0x18400] =	vst v63  }
0x90: {  	_ =	swait.ge [sflag:s10], $0x4000  }
0x91: {  	[sflag:s10] =	ssyncset.done $0x0  }
0x92: {  	s0 =	rddreg [dreg:$0x9];
	[sflag:s10] =	ssyncadd.s32 $0xFFFFC000  }
0x93: {  	[hbm4b:s0+s2] =	stream.linear.scatter [tilespmem:s8], [sflag:$0x7], $0x4000, $0x38;
	[tilespmem:$0x18400] =	vst v63  }
0x94: {  	_ =	swait.ge [sflag:s9], $0x4000  }
0x95: {  	[sflag:s9] =	ssyncset.done $0x0  }
0x96: {  	[sflag:s9] =	ssyncadd.s32 $0xFFFFC000  }
0x97: {  	[hbm4b:s3+s2] =	stream.linear.scatter [tilespmem:s6], [sflag:$0x8], $0x4000, $0x38;
	[tilespmem:$0x18400] =	vst v63  }
0x98: {  	_ =	swait.ge [sflag:s16], $0x4000  }
0x99: {  	[sflag:s16] =	ssyncset.done $0x0  }
0x9a: {  	[sflag:s16] =	ssyncadd.s32 $0xFFFFC000  }
0x9b: {  	_ =	swait.ge [sflag:s14], $0x4000  }
0x9c: {  	[sflag:s14] =	ssyncset.done $0x0  }
0x9d: {  	[sflag:s14] =	ssyncadd.s32 $0xFFFFC000  }
0x9e: {  	_ =	swait.ge [sflag:s12], $0x4000  }
0x9f: {  	[sflag:s12] =	ssyncset.done $0x0  }
0xa0: {  	[sflag:s12] =	ssyncadd.s32 $0xFFFFC000  }
0xa1: {  	_ =	swait.ge [sflag:s11], $0x4000  }
0xa2: {  	[sflag:s11] =	ssyncset.done $0x0  }
0xa3: {  	p1 =	sne.s32 s1, $0x1;
	[sflag:s11] =	ssyncadd.s32 $0xFFFFC000  }
.Ltmp2:
0xa4: {  	_ =	swait.ge [sflag:s4], $0x4000;
	(pc) =	sbr.rel @p1 .LBB2_2-.Ltmp2, $4  }
0xa5: {  	[sflag:s4] =	ssyncset.done $0x0  }
0xa6: {  	[sflag:s4] =	ssyncadd.s32 $0xFFFFC000  }
0xa7: {  	_ =	swait.ge [sflag:s5], $0x4000  }
0xa8: {  	s1 =	sadd.s32 $0xFFFFFFFF, s1;
	s0 =	rddreg [dreg:$0x2];
	[sflag:s5] =	ssyncset.done $0x0  }
.LBB2_3:
0xa9: {  	[sflag:s5] =	ssyncadd.s32 @p0 $0xFFFFC000  }
0xaa: {  	[tilespmem:s2], [sflag:$0xD] =	stream.linear.gather [hbm4b:s0+s2], $0x400, $0x38;
	[tilespmem:$0x18400] =	vst v63  }
0xab: {  	_ =	swait.ge [sflag:s29], $0x400  }
0xac: {  	[sflag:s29] =	ssyncset.done $0x0  }
0xad: {  	[sflag:s29] =	ssyncadd.s32 $0xFFFFFC00  }
0xae: {  	[tilespmem:s8], [sflag:$0x1] =	stream.indirect.gather [hbm4b:s7+s13], $0x80, s2, s13, $0xb8;
	[tilespmem:$0x18400] =	vst v63  }
0xaf: {  	_ = 	snop  }
0xb0: {  	[tilespmem:s6], [sflag:$0x2] =	stream.indirect.gather [hbm4b:s7+s13], $0x80, s13, s13, $0xb8;
	[tilespmem:$0x18400] =	vst v63  }
0xb1: {  	_ = 	snop  }
0xb2: {  	[tilespmem:s20], [sflag:$0x3] =	stream.indirect.gather [hbm4b:s7+s13], $0x80, s30, s13, $0xb8;
	[tilespmem:$0x18400] =	vst v63  }
0xb3: {  	_ = 	snop  }
0xb4: {  	[tilespmem:s18], [sflag:$0x4] =	stream.indirect.gather [hbm4b:s7+s13], $0x80, s31, s13, $0xb8;
	[tilespmem:$0x18400] =	vst v63  }
0xb5: {  	_ =	swait.ge [sflag:s10], $0x4000  }
0xb6: {  	[sflag:s10] =	ssyncset.done $0x0  }
0xb7: {  	s30 =	rddreg [dreg:$0x3];
	[sflag:s10] =	ssyncadd.s32 $0xFFFFC000  }
0xb8: {  	[hbm4b:s30+s2] =	stream.linear.scatter [tilespmem:s8], [sflag:$0x7], $0x4000, $0x38;
	[tilespmem:$0x18400] =	vst v63  }
0xb9: {  	_ = 	snop  }
0xba: {  	[tilespmem:s17], [sflag:$0x5] =	stream.indirect.gather [hbm4b:s7+s13], $0x80, s28, s13, $0xb8;
	[tilespmem:$0x18400] =	vst v63  }
0xbb: {  	_ =	swait.ge [sflag:s9], $0x4000  }
0xbc: {  	[sflag:s9] =	ssyncset.done $0x0  }
0xbd: {  	s31 =	rddreg [dreg:$0x4];
	[sflag:s9] =	ssyncadd.s32 $0xFFFFC000  }
0xbe: {  	[hbm4b:s31+s2] =	stream.linear.scatter [tilespmem:s6], [sflag:$0x8], $0x4000, $0x38;
	[tilespmem:$0x18400] =	vst v63  }
0xbf: {  	_ = 	snop  }
0xc0: {  	[tilespmem:s15], [sflag:$0x6] =	stream.indirect.gather [hbm4b:s7+s13], $0x80, s26, s13, $0xb8;
	[tilespmem:$0x18400] =	vst v63  }
0xc1: {  	_ =	swait.ge [sflag:s25], $0x4000  }
0xc2: {  	[sflag:s25] =	ssyncset.done $0x0  }
0xc3: {  	s1 =	rddreg [dreg:$0x5];
	[sflag:s25] =	ssyncadd.s32 $0xFFFFC000  }
0xc4: {  	[hbm4b:s1+s2] =	stream.linear.scatter [tilespmem:s20], [sflag:$0x9], $0x4000, $0x38;
	[tilespmem:$0x18400] =	vst v63  }
0xc5: {  	_ =	swait.ge [sflag:s4], $0x4000  }
0xc6: {  	[sflag:s4] =	ssyncset.done $0x0  }
0xc7: {  	[sflag:s4] =	ssyncadd.s32 $0xFFFFC000  }
0xc8: {  	[tilespmem:s8], [sflag:$0x1] =	stream.indirect.gather [hbm4b:s7+s13], $0x80, s24, s13, $0xb8;
	[tilespmem:$0x18400] =	vst v63  }
0xc9: {  	_ =	swait.ge [sflag:s23], $0x4000  }
0xca: {  	[sflag:s23] =	ssyncset.done $0x0  }
0xcb: {  	s26 =	rddreg [dreg:$0x6];
	[sflag:s23] =	ssyncadd.s32 $0xFFFFC000  }
0xcc: {  	[hbm4b:s26+s2] =	stream.linear.scatter [tilespmem:s18], [sflag:$0xA], $0x4000, $0x38;
	[tilespmem:$0x18400] =	vst v63  }
0xcd: {  	_ =	swait.ge [sflag:s5], $0x4000  }
0xce: {  	[sflag:s5] =	ssyncset.done $0x0  }
0xcf: {  	[sflag:s5] =	ssyncadd.s32 $0xFFFFC000  }
0xd0: {  	[tilespmem:s6], [sflag:$0x2] =	stream.indirect.gather [hbm4b:s7+s13], $0x80, s21, s13, $0xb8;
	[tilespmem:$0x18400] =	vst v63  }
0xd1: {  	_ =	swait.ge [sflag:s22], $0x4000  }
0xd2: {  	[sflag:s22] =	ssyncset.done $0x0  }
0xd3: {  	s28 =	rddreg [dreg:$0x7];
	[sflag:s22] =	ssyncadd.s32 $0xFFFFC000  }
0xd4: {  	[hbm4b:s28+s2] =	stream.linear.scatter [tilespmem:s17], [sflag:$0xB], $0x4000, $0x38;
	[tilespmem:$0x18400] =	vst v63  }
0xd5: {  	_ =	swait.ge [sflag:s19], $0x4000  }
0xd6: {  	[sflag:s19] =	ssyncset.done $0x0  }
0xd7: {  	s29 =	rddreg [dreg:$0x8];
	[sflag:s19] =	ssyncadd.s32 $0xFFFFC000  }
0xd8: {  	[hbm4b:s29+s2] =	stream.linear.scatter [tilespmem:s15], [sflag:$0xC], $0x4000, $0x38;
	[tilespmem:$0x18400] =	vst v63  }
0xd9: {  	_ =	swait.ge [sflag:s10], $0x4000  }
0xda: {  	[sflag:s10] =	ssyncset.done $0x0  }
0xdb: {  	s30 =	rddreg [dreg:$0x9];
	[sflag:s10] =	ssyncadd.s32 $0xFFFFC000  }
0xdc: {  	[hbm4b:s30+s2] =	stream.linear.scatter [tilespmem:s8], [sflag:$0x7], $0x4000, $0x38;
	[tilespmem:$0x18400] =	vst v63  }
0xdd: {  	_ =	swait.ge [sflag:s9], $0x4000  }
0xde: {  	[sflag:s9] =	ssyncset.done $0x0  }
0xdf: {  	[sflag:s9] =	ssyncadd.s32 $0xFFFFC000  }
0xe0: {  	[hbm4b:s3+s2] =	stream.linear.scatter [tilespmem:s6], [sflag:$0x8], $0x4000, $0x38;
	[tilespmem:$0x18400] =	vst v63  }
0xe1: {  	_ =	swait.ge [sflag:s16], $0x4000  }
0xe2: {  	[sflag:s16] =	ssyncset.done $0x0  }
0xe3: {  	[sflag:s16] =	ssyncadd.s32 $0xFFFFC000  }
0xe4: {  	_ =	swait.ge [sflag:s14], $0x4000  }
0xe5: {  	[sflag:s14] =	ssyncset.done $0x0  }
0xe6: {  	[sflag:s14] =	ssyncadd.s32 $0xFFFFC000  }
0xe7: {  	_ =	swait.ge [sflag:s12], $0x4000  }
0xe8: {  	[sflag:s12] =	ssyncset.done $0x0  }
0xe9: {  	[sflag:s12] =	ssyncadd.s32 $0xFFFFC000  }
0xea: {  	_ =	swait.ge [sflag:s11], $0x4000  }
0xeb: {  	[sflag:s11] =	ssyncset.done $0x0  }
0xec: {  	[sflag:s11] =	ssyncadd.s32 $0xFFFFC000  }
0xed: {  	_ =	swait.ge [sflag:s4], $0x4000  }
0xee: {  	[sflag:s4] =	ssyncset.done $0x0  }
0xef: {  	[sflag:s4] =	ssyncadd.s32 $0xFFFFC000  }
0xf0: {  	_ =	swait.ge [sflag:s5], $0x4000  }
0xf1: {  	[sflag:s5] =	ssyncset.done $0x0  }
0xf2: {  	[sflag:s5] =	ssyncadd.s32 $0xFFFFC000  }
0xf3: {  	_ =	sfence.sel $0x180000  }
0xf4: {  	[bflag:$0x0] =	sbarrier.arrive $0xFFFF  }
0xf5: {  	_ =	strace $0x9000004A  }
0xf6: {  	s31 =	stileid.u32;
	[bflag:$0x2] =	sbarrier.arrive $0xFFFF  }
0xf7: {  	p0 =	sne.s32 s31, $0x0;
	s0 =	rddreg [dreg:$0x1]  }
0xf8: {  	s0 =	sadd.s32 @!p0 $0x100000, s0  }
0xf9: {  	[sflag:s0] =	ssyncadd.tile.s32 @!p0 $0x1;
	_ =	shalt  }
.Lfunc_end2:
_tile_overlayer_lowered:
.L_overlay_start_2:
0xfa: {  	(tag) =	ssettag $0x2  }
0xfb: {  	s0 =	rddreg [dreg:$0x0];
	s2 =	stileid.u32  }
0xfc: {  	s1 =	rddreg [dreg:$0x1];
	p0 =	sne.s32 s2, $0x0  }
0xfd: {  	s3 =	rddreg [dreg:$0x2];
	[bflag:$0x3] =	sbarrier.arrive $0xFFFF;
	s2 =	simm.s32 @!p0 $0x1C0D  }
0xfe: {  	[timem:s3], [sflag:s2] =	dma.local @!p0 [hbm:s0], s1  }
0xff: {  	s0 =	simm.s32 @!p0 $0xD  }
0x100: {  	_ =	swait.ge @!p0 [sflag:s0], s1  }
0x101: {  	s1 =	ssub.s32 @!p0 $0x0, s1;
	[sflag:s0] =	ssyncset.done @!p0 $0x0  }
0x102: {  	[sflag:s0] =	ssyncadd.s32 @!p0 s1  }
0x103: {  	[bflag:$0x3] =	sbarrier.arrive $0xFFFF  }
0x104: {  	_ =	shalt  }

// kernel: kernel.17.cloned.1.call-start
scs
__scs_entry_jumppad:
0x0: {  	(pc) =	sbr.rel $0x88, $3  }
0x1: {  	(tag) =	ssettag $0x0;
	lr =	simm.s32 $0x1  }
0x2: {  	[smem:$0x3F5E] =	sst lr;
	_ =	strace $0xD0000000  }
0x3: {  	_ = 	snop  }
0x4: {  	_ = 	snop  }
0x5: {  	_ = 	snop  }
0x6: {  	_ = 	snop  }
0x7: {  	_ = 	snop  }
__scs_overlays_trampoline_lowered:
0x8: {  	[smem:$0x3F6D] =	sst s0  }
0x9: {  	[smem:$0x3F6E] =	sst s1  }
0xa: {  	[smem:$0x3F6F] =	sst s2  }
0xb: {  	[smem:$0x3F70] =	sst s3  }
0xc: {  	[smem:$0x3F71] =	sst s4  }
0xd: {  	[smem:$0x3F72] =	sst s5  }
0xe: {  	[smem:$0x3F73] =	sst s6  }
0xf: {  	[smem:$0x3F74] =	sst s7  }
0x10: {  	[smem:$0x3F75] =	sst s8  }
0x11: {  	[smem:$0x3F76] =	sst s9;
	s0 =	simm.s32 @!p0 $0x0  }
0x12: {  	s1 =	sld [smem:$0x3F5C];
	s0 =	simm.s32 @p0 $0x1  }
0x13: {  	[smem:$0x3F77] =	sst s0;
	s0 =	simm.s32 @!p1 $0x0  }
0x14: {  	s2 =	sld [smem:$0x3F5B];
	s0 =	simm.s32 @p1 $0x1  }
0x15: {  	[smem:$0x3F78] =	sst s0;
	s0 =	simm.s32 @!p2 $0x0  }
0x16: {  	s3 =	sld [smem:$0x3FDB];
	s0 =	simm.s32 @p2 $0x1  }
0x17: {  	s4 =	simm.s32 $0x1BF5;
	[smem:$0x3F7A] =	sst s0  }
0x18: {  	s0 =	sld [smem:$0x3F5D];
	_ =	swait.ge [sflag:s4], $0x0  }
0x19: {  	s7 =	sld [smem:$0x3F5E]  }
0x1a: {  	s8 =	sadd.s32 $0xFFFFE003, lr  }
0x1b: {  	s9 =	sadd.s32 $0xFFFFFEF7, lr;
	s5 =	simm.s32 $0xFFFFFFFF;
	p2 =	slt.u32 s8, $0xFFFFF086  }
0x1c: {  	p1 =	slt.u32 s9, $0xF7A;
	s5 =	simm.s32 @!p2 $0x0  }
0x1d: {  	s5 =	simm.s32 @p1 $0x1;
	p0 =	seq.s32 s7, s2  }
0x1e: {  	s7 =	smul.u32 @!p0 $0xF7A, s2;
	p2 =	seq.s32 @!p0 s5, $0x0  }
0x1f: {  	s9 =	smul.u32 $0xF7A, s1;
	s8 =	simm.s32 @!p0 $0x1BF5;
	p2 =	por !p2, p0  }
0x20: {  	[sflag:s8] =	ssyncset.s32 @!p0 $0xFFFFF086;
	s6 =	sadd.s32 @!p0 s3, s7;
	s7 =	simm.s32 @!p0 $0x108  }
0x21: {  	s3 =	sadd.s32 s3, s9;
	s6 =	sadd.s32 @!p0 $0x88, s6;
	s7 =	simm.s32 @p2 $0x1082  }
0x22: {  	[simem:s7], [sflag:s8] =	dma.local @!p0 [hbm:s6], $0xF7A  }
0x23: {  	s9 =	sor.u32 $0xD0000000, s2;
	s6 =	simm.s32 $0x108;
	_ =	swait.ge @!p0 [sflag:s8], $0x0  }
0x24: {  	s3 =	sadd.s32 $0x88, s3;
	s6 =	simm.s32 @!p1 $0x1082;
	[sflag:s4] =	ssyncset.s32 $0xFFFFF086  }
0x25: {  	[simem:s6], [sflag:s4] =	dma.local [hbm:s3], $0xF7A  }
0x26: {  	[smem:$0x3F5E] =	sst s1;
	(tag) =	ssettag s2;
	_ =	strace s9  }
0x27: {  	s1 =	sld [smem:$0x3F6E]  }
0x28: {  	s2 =	sld [smem:$0x3F6F]  }
0x29: {  	s4 =	sld [smem:$0x3F71]  }
0x2a: {  	p0 =	seq.s32 s5, $0x0;
	s5 =	sld [smem:$0x3F72]  }
0x2b: {  	s6 =	sld [smem:$0x3F73]  }
0x2c: {  	s7 =	sld [smem:$0x3F74]  }
0x2d: {  	s3 =	simm.s32 $0x108;
	s8 =	sld [smem:$0x3F75]  }
0x2e: {  	s3 =	simm.s32 @!p0 $0x1082;
	s9 =	sld [smem:$0x3F76]  }
0x2f: {  	lr =	sadd.s32 s0, s3;
	s0 =	sld [smem:$0x3F6D]  }
0x30: {  	s3 =	sld [smem:$0x3F70]  }
0x31: {  	[smem:$0x3F79] =	sst s10  }
0x32: {  	s10 =	sld [smem:$0x3F77];
	_ =	sdelay $0x3  }
0x33: {  	p0 =	seq.s32 s10, $0x1;
	s10 =	sld [smem:$0x3F79];
	_ =	sdelay $0x3  }
0x34: {  	[smem:$0x3F79] =	sst s10  }
0x35: {  	s10 =	sld [smem:$0x3F78];
	_ =	sdelay $0x3  }
0x36: {  	p1 =	seq.s32 s10, $0x1;
	s10 =	sld [smem:$0x3F79];
	_ =	sdelay $0x3  }
0x37: {  	[smem:$0x3F79] =	sst s10  }
0x38: {  	s10 =	sld [smem:$0x3F7A]  }
0x39: {  	_ = 	snop;
	(pc) =	sbr.ind lr, $3  }
0x3a: {  	_ = 	snop  }
0x3b: {  	_ = 	snop  }
0x3c: {  	p2 =	seq.s32 s10, $0x1;
	s10 =	sld [smem:$0x3F79]  }
0x3d: {  	_ =	shalt  }
0x3e: {  	_ =	shalt  }
0x3f: {  	_ =	shalt  }
0x40: {  	_ =	shalt  }
0x41: {  	_ =	shalt  }
0x42: {  	_ =	shalt  }
0x43: {  	_ =	shalt  }
0x44: {  	_ =	shalt  }
0x45: {  	_ =	shalt  }
0x46: {  	_ =	shalt  }
0x47: {  	_ =	shalt  }
0x48: {  	_ =	shalt  }
0x49: {  	_ =	shalt  }
0x4a: {  	_ =	shalt  }
0x4b: {  	_ =	shalt  }
0x4c: {  	_ =	shalt  }
0x4d: {  	_ =	shalt  }
0x4e: {  	_ =	shalt  }
0x4f: {  	_ =	shalt  }
0x50: {  	_ =	shalt  }
0x51: {  	_ =	shalt  }
0x52: {  	_ =	shalt  }
0x53: {  	_ =	shalt  }
0x54: {  	_ =	shalt  }
0x55: {  	_ =	shalt  }
0x56: {  	_ =	shalt  }
0x57: {  	_ =	shalt  }
0x58: {  	_ =	shalt  }
0x59: {  	_ =	shalt  }
0x5a: {  	_ =	shalt  }
0x5b: {  	_ =	shalt  }
0x5c: {  	_ =	shalt  }
0x5d: {  	_ =	shalt  }
0x5e: {  	_ =	shalt  }
0x5f: {  	_ =	shalt  }
0x60: {  	_ =	shalt  }
0x61: {  	_ =	shalt  }
0x62: {  	_ =	shalt  }
0x63: {  	_ =	shalt  }
0x64: {  	_ =	shalt  }
0x65: {  	_ =	shalt  }
0x66: {  	_ =	shalt  }
0x67: {  	_ =	shalt  }
0x68: {  	_ =	shalt  }
0x69: {  	_ =	shalt  }
0x6a: {  	_ =	shalt  }
0x6b: {  	_ =	shalt  }
0x6c: {  	_ =	shalt  }
0x6d: {  	_ =	shalt  }
0x6e: {  	_ =	shalt  }
0x6f: {  	_ =	shalt  }
0x70: {  	_ =	shalt  }
0x71: {  	_ =	shalt  }
0x72: {  	_ =	shalt  }
0x73: {  	_ =	shalt  }
0x74: {  	_ =	shalt  }
0x75: {  	_ =	shalt  }
0x76: {  	_ =	shalt  }
0x77: {  	_ =	shalt  }
0x78: {  	_ =	shalt  }
0x79: {  	_ =	shalt  }
0x7a: {  	_ =	shalt  }
0x7b: {  	_ =	shalt  }
0x7c: {  	_ =	shalt  }
0x7d: {  	_ =	shalt  }
0x7e: {  	_ =	shalt  }
0x7f: {  	_ =	shalt  }
0x80: {  	_ =	shalt  }
0x81: {  	_ =	shalt  }
0x82: {  	_ =	shalt  }
0x83: {  	_ =	shalt  }
0x84: {  	_ =	shalt  }
0x85: {  	_ =	shalt  }
0x86: {  	_ =	shalt  }
0x87: {  	_ =	shalt  }
.Lfunc_end0:
.L_simem_size_0:
called_computation.2_lowered:
.L_overlay_start_0:
0x88: {  	s2 =	sld [smem:$0x3FD9]  }
0x89: {  	s3 =	sld [smem:$0x3FFE];
	_ =	sdelay $0x1  }
0x8a: {  	s1 =	srdreg.scid  }
0x8b: {  	s0 =	sand.u32 $0x1, s1  }
0x8c: {  	s17 =	sshll.u32 s0, $0xA;
	s2 =	sadd.s32 s3, s2  }
0x8d: {  	s2 =	sadd.s32 s2, s17  }
0x8e: {  	[smem:$0x3F85] =	sst s2  }
0x8f: {  	_ = 	snop  }
0x90: {  	(tm) =	ssettm $0x1  }
0x91: {  	s18 =	sld [smem:$0x3FFB];
	_ =	sdelay $0x3  }
0x92: {  	_ =	strace s18  }
0x93: {  	s2 =	sld [smem:$0x3FFC];
	_ =	sdelay $0x3  }
0x94: {  	_ =	strace s2  }
0x95: {  	s2 =	sld [smem:$0x3FFD];
	_ =	sdelay $0x3  }
0x96: {  	_ =	strace s2  }
0x97: {  	_ =	strace $0x8FFFFFFF  }
0x98: {  	s19 =	sld [smem:$0x3FDB];
	_ =	sdelay $0x1  }
0x99: {  	s20 =	simm.s32 $_scs_section_size  }
0x9a: {  	s4 =	simm.s32 $_size__tile_overlayer_lowered;
	s5 =	simm.s32 $_tile_overlayer_lowered  }
0x9b: {  	s6 =	simm.s32 $0x1BFF;
	s21 =	sshll.u32 s5, $0x1;
	s3 =	sadd.s32 s20, s19  }
0x9c: {  	s22 =	simm.s32 $0x0;
	s4 =	sshll.u32 s4, $0x1;
	s5 =	sadd.s32 s21, s3  }
0x9d: {  	[timem:s22], [sflag:s6] =	dma.local [hbm:s5], s4  }
0x9e: {  	_ =	swait.ge [sflag:s6], s4  }
0x9f: {  	s4 =	ssub.s32 $0x0, s4;
	[sflag:s6] =	ssyncset.done $0x0  }
0xa0: {  	[sflag:s6] =	ssyncadd.s32 s4;
	_ =	sdelay $0x1  }
0xa1: {  	s23 =	simm.s32 $0x1B8B  }
0xa2: {  	_ =	swait.ge [sflag:s23], $0x1  }
0xa3: {  	[sflag:s23] =	ssyncset.done $0x0  }
0xa4: {  	[sflag:s23] =	ssyncadd.s32 $0xFFFFFFFF  }
0xa5: {  	s4 =	sld [smem:$0x0]  }
0xa6: {  	s5 =	sand.u32 $0xFFFFFFFE, s1  }
0xa7: {  	p0 =	sne.s32 s1, s5  }
0xa8: {  	s5 =	sshll.u32 @p0 s5, $0xE  }
0xa9: {  	s5 =	sadd.s32 @p0 $0x11B8D, s5;
	s6 =	sshll.u32 @p0 s4, $0x11  }
0xaa: {  	s5 =	sor.u32 @p0 s6, s5  }
0xab: {  	[sflag:s5] =	ssyncadd.remote.s32 @p0 $0x1;
	_ =	sdelay $0x1  }
0xac: {  	s5 =	simm.s32 @p0 $0x1B8D  }
0xad: {  	_ =	swait.eq @p0 [sflag:s5], $0x1  }
0xae: {  	[sflag:s5] =	ssyncadd.s32 @p0 $0xFFFFFFFF  }
0xaf: {  	s6 =	sshll.u32 @!p0 s1, $0xE  }
0xb0: {  	s6 =	sor.u32 @!p0 $0x4000, s6;
	s5 =	simm.s32 @!p0 $0x1B8D  }
0xb1: {  	s4 =	sshll.u32 @!p0 s4, $0x11;
	s6 =	sadd.s32 @!p0 $0x11B8D, s6;
	_ =	swait.eq @!p0 [sflag:s5], $0x1  }
0xb2: {  	s4 =	sor.u32 @!p0 s4, s6;
	[sflag:s5] =	ssyncadd.s32 @!p0 $0xFFFFFFFF  }
0xb3: {  	s25 =	simm.s32 $0x1B8E;
	s24 =	sld [smem:$0x3FFE];
	[sflag:s4] =	ssyncadd.remote.s32 @!p0 $0x1  }
0xb4: {  	s26 =	simm.s32 $execute0_lowered;
	[smem:$0x3FD2] =	sst s25  }
0xb5: {  	s5 =	sshll.u32 s26, $0x1;
	_ =	strace $0x8000004C;
	[dreg:$0x1] =	wrdreg $0xFFFFFFFF  }
0xb6: {  	s28 =	simm.s32 $_size_execute0_lowered;
	s3 =	sadd.s32 s3, s5;
	[dreg:$0x0] =	wrdreg $0x0  }
0xb7: {  	s5 =	sshll.u32 s28, $0x1;
	[dreg:$0x2] =	wrdreg s3  }
0xb8: {  	[dreg:$0x3] =	wrdreg s5  }
0xb9: {  	[dreg:$0x4] =	wrdreg $0xC0  }
0xba: {  	_ =	task [dreg:s22], $0x5FFFF  }
0xbb: {  	[dreg:$0x1] =	wrdreg $0xFFFFFFFF  }
0xbc: {  	[dreg:$0x0] =	wrdreg $0x60  }
0xbd: {  	[dreg:$0x2] =	wrdreg s24  }
0xbe: {  	[dreg:$0x3] =	wrdreg $0xB  }
0xbf: {  	_ =	task.clear_ibuf [dreg:s22], $0x4FFFF;
	_ =	strace $0x9000004C  }
0xc0: {  	s29 =	simm.s32 $0xB;
	_ =	strace $0x8000004E  }
0xc1: {  	_ =	swait.ge [sflag:s29], $0x1  }
0xc2: {  	[sflag:s29] =	ssyncadd.s32 $0xFFFFFFFF  }
0xc3: {  	_ =	strace $0x9000004E  }
0xc4: {  	_ =	sfence  }
0xc5: {  	s30 =	sld [smem:$0x0];
	_ =	sdelay $0x2  }
0xc6: {  	s31 =	sshll.u32 s1, $0xD;
	s1 =	sshrl.u32 s1, $0x2  }
0xc7: {  	s4 =	sand.u32 $0x4000, s31;
	s1 =	sadd.s32 s1, s30  }
0xc8: {  	s0 =	sor.u32 s4, s0;
	s1 =	sshll.u32 s1, $0x11  }
0xc9: {  	s0 =	sor.u32 s1, s0  }
0xca: {  	s0 =	sadd.s32 $0x8F2B, s0  }
0xcb: {  	[sflag:s0] =	ssyncadd.remote.s32 $0x1  }
0xcc: {  	_ =	sfence.sel $0xFFFF  }
0xcd: {  	[dreg:$0x0] =	wrdreg $0xFFFFFFFF;
	(pc) =	sbr.abs _section_cstart, $3  }
0xce: {  	[dreg:$0x1] =	wrdreg $0xFFFFFFFF  }
0xcf: {  	_ =	task.clear_ibuf [dreg:s22], $0x2FFFF;
	_ =	strace $0x9FFFFFFF  }
0xd0: {  	(tm) =	ssettm $0x7FFFFFFF  }
0xd1: {  	_ =	shalt  }
tec
execute0_lowered:
.L_overlay_start_1:
0x0: {  	(tag) =	ssettag $0x1  }
0x1: {  	s0 =	srdreg.scid  }
0x2: {  	s2 =	stileid.u32;
	s1 =	rddreg [dreg:$0x0]  }
0x3: {  	s31 =	simm.s32 $0xD;
	s22 =	simm.s32 $0x100;
	s24 =	simm.s32 $0x180  }
0x4: {  	s25 =	simm.s32 $0x200;
	s26 =	simm.s32 $0x280;
	s7 =	simm.s32 $0x14800  }
0x5: {  	s30 =	simm.s32 $0x380;
	s29 =	simm.s32 $0x400;
	p0 =	por $0x0, $0x0  }
0x6: {  	s28 =	simm.s32 $0x480;
	s9 =	simm.s32 $0xB;
	s8 =	simm.s32 $0xC  }
0x7: {  	s0 =	sand.u32 $0x1, s0;
	s3 =	sshll.u32 s2, $0x1;
	s2 =	simm.s32 $0x0  }
0x8: {  	s6 =	sadd.s32 $0x120400, s1;
	s3 =	sor.u32 s0, s3;
	[smem:$0x7FF] =	sst s2  }
0x9: {  	s0 =	ssub.s32 $0x2, s0;
	_ =	strace $0x8000004D;
	[dreg:$0xe] =	wrdreg s22  }
0xa: {  	s4 =	sshll.u32 s3, $0x8;
	s5 =	smul.u32 $0x6000, s3;
	[dreg:$0xf] =	wrdreg s24  }
0xb: {  	s3 =	smul.u32 $0x30000, s3;
	s20 =	sshrl.u32 s0, $0x1;
	[dreg:$0x10] =	wrdreg s25  }
0xc: {  	s22 =	simm.s32 $0x1;
	[dreg:$0x11] =	wrdreg s26;
	s26 =	simm.s32 $0x500  }
0xd: {  	s25 =	simm.s32 $0x580;
	s4 =	sadd.s32 s4, s1;
	s0 =	ssub.s32 s0, s20  }
0xe: {  	s20 =	simm.s32 $0x800;
	s4 =	sadd.s32 $0x11E400, s4;
	s23 =	sadd.s32 s6, s5  }
0xf: {  	s3 =	sshrl.u32 s3, $0x3;
	[dreg:$0x2] =	wrdreg s4;
	s10 =	sadd.s32 $0x800, s23  }
0x10: {  	s0 =	smax.u32 s0, $0x1;
	s11 =	sadd.s32 $0x1000, s23;
	[dreg:$0x3] =	wrdreg s10  }
0x11: {  	s5 =	simm.s32 $0x8;
	s12 =	sadd.s32 $0x1800, s23;
	[dreg:$0x4] =	wrdreg s11  }
0x12: {  	s3 =	sadd.s32 s6, s3;
	p1 =	sne.s32 s0, $0x1;
	[dreg:$0x5] =	wrdreg s12  }
0x13: {  	s24 =	sadd.s32 $0xFFFFFFFF, s0;
	s13 =	sadd.s32 $0x2000, s3;
	s0 =	rddreg [dreg:$0x2]  }
0x14: {  	s4 =	simm.s32 $0x7;
	s14 =	sadd.s32 $0x2800, s3;
	[dreg:$0x6] =	wrdreg s13  }
0x15: {  	s6 =	simm.s32 $0x9;
	s15 =	sadd.s32 $0x3000, s3;
	[dreg:$0x7] =	wrdreg s14  }
0x16: {  	s16 =	sadd.s32 $0x3800, s3;
	s17 =	sadd.s32 $0x4000, s3;
	[dreg:$0x8] =	wrdreg s15  }
0x17: {  	s18 =	sadd.s32 $0x4800, s3;
	s19 =	sadd.s32 $0x5000, s3;
	[dreg:$0x9] =	wrdreg s16  }
0x18: {  	s21 =	sadd.s32 $0x5800, s3;
	s3 =	sadd.s32 $0x8C00, s1;
	[dreg:$0xa] =	wrdreg s17  }
.Ltmp0:
0x19: {  	s10 =	simm.s32 $0xC800;
	[dreg:$0xb] =	wrdreg s18;
	(pc) =	sbr.rel @!p1 .LBB2_1-.Ltmp0, $4  }
0x1a: {  	s11 =	simm.s32 $0x10800;
	s12 =	simm.s32 $0xA;
	[dreg:$0xc] =	wrdreg s19  }
0x1b: {  	[dreg:$0xd] =	wrdreg s21;
	s13 =	simm.s32 $0x80;
	s15 =	simm.s32 $0x4800  }
0x1c: {  	s14 =	simm.s32 $0x8800;
	s21 =	simm.s32 $0x2;
	s19 =	simm.s32 $0x3  }
0x1d: {  	s18 =	simm.s32 $0x4;
	s17 =	simm.s32 $0x5;
	s16 =	simm.s32 $0x6  }
0x1e: {  	[tilespmem:s2], [sflag:$0xD] =	stream.linear.gather [hbm4b:s0+s2], $0x600, $0x38;
	[tilespmem:$0x18800] =	vst v63  }
0x1f: {  	_ =	swait.ge [sflag:s31], $0x600  }
0x20: {  	[sflag:s31] =	ssyncset.done $0x0  }
0x21: {  	[sflag:s31] =	ssyncadd.s32 $0xFFFFFA00  }
0x22: {  	[tilespmem:s20], [sflag:$0x1] =	stream.indirect.gather [hbm4b:s3+s13], $0x80, s2, s13, $0xb8;
	[tilespmem:$0x18800] =	vst v63  }
0x23: {  	_ = 	snop  }
0x24: {  	[tilespmem:s15], [sflag:$0x2] =	stream.indirect.gather [hbm4b:s3+s13], $0x80, s13, s13, $0xb8;
	[tilespmem:$0x18800] =	vst v63  }
0x25: {  	s0 =	rddreg [dreg:$0xe]  }
0x26: {  	[tilespmem:s14], [sflag:$0x3] =	stream.indirect.gather [hbm4b:s3+s13], $0x80, s0, s13, $0xb8;
	[tilespmem:$0x18800] =	vst v63  }
0x27: {  	s1 =	rddreg [dreg:$0xf]  }
0x28: {  	[tilespmem:s10], [sflag:$0x4] =	stream.indirect.gather [hbm4b:s3+s13], $0x80, s1, s13, $0xb8;
	[tilespmem:$0x18800] =	vst v63  }
0x29: {  	_ =	swait.ge [sflag:s22], $0x4000  }
0x2a: {  	[sflag:s22] =	ssyncset.done $0x0  }
0x2b: {  	[sflag:s22] =	ssyncadd.s32 $0xFFFFC000  }
0x2c: {  	[hbm4b:s23+s2] =	stream.linear.scatter [tilespmem:s20], [sflag:$0x7], $0x4000, $0x38;
	[tilespmem:$0x18800] =	vst v63  }
0x2d: {  	s1 =	rddreg [dreg:$0x10]  }
0x2e: {  	[tilespmem:s11], [sflag:$0x5] =	stream.indirect.gather [hbm4b:s3+s13], $0x80, s1, s13, $0xb8;
	[tilespmem:$0x18800] =	vst v63  }
0x2f: {  	_ =	swait.ge [sflag:s21], $0x4000  }
0x30: {  	[sflag:s21] =	ssyncset.done $0x0  }
0x31: {  	s0 =	rddreg [dreg:$0x3];
	[sflag:s21] =	ssyncadd.s32 $0xFFFFC000  }
0x32: {  	[hbm4b:s0+s2] =	stream.linear.scatter [tilespmem:s15], [sflag:$0x8], $0x4000, $0x38;
	[tilespmem:$0x18800] =	vst v63  }
0x33: {  	s1 =	rddreg [dreg:$0x11]  }
0x34: {  	[tilespmem:s7], [sflag:$0x6] =	stream.indirect.gather [hbm4b:s3+s13], $0x80, s1, s13, $0xb8;
	[tilespmem:$0x18800] =	vst v63  }
0x35: {  	_ =	swait.ge [sflag:s19], $0x4000  }
0x36: {  	[sflag:s19] =	ssyncset.done $0x0  }
0x37: {  	s1 =	rddreg [dreg:$0x4];
	[sflag:s19] =	ssyncadd.s32 $0xFFFFC000  }
0x38: {  	[hbm4b:s1+s2] =	stream.linear.scatter [tilespmem:s14], [sflag:$0x9], $0x4000, $0x38;
	[tilespmem:$0x18800] =	vst v63  }
0x39: {  	_ =	swait.ge [sflag:s4], $0x4000  }
0x3a: {  	[sflag:s4] =	ssyncset.done $0x0  }
0x3b: {  	s1 =	simm.s32 $0x300;
	[sflag:s4] =	ssyncadd.s32 $0xFFFFC000  }
0x3c: {  	[tilespmem:s20], [sflag:$0x1] =	stream.indirect.gather [hbm4b:s3+s13], $0x80, s1, s13, $0xb8;
	[tilespmem:$0x18800] =	vst v63  }
0x3d: {  	_ =	swait.ge [sflag:s18], $0x4000  }
0x3e: {  	[sflag:s18] =	ssyncset.done $0x0  }
0x3f: {  	s1 =	rddreg [dreg:$0x5];
	[sflag:s18] =	ssyncadd.s32 $0xFFFFC000  }
0x40: {  	[hbm4b:s1+s2] =	stream.linear.scatter [tilespmem:s10], [sflag:$0xA], $0x4000, $0x38;
	[tilespmem:$0x18800] =	vst v63  }
0x41: {  	_ =	swait.ge [sflag:s5], $0x4000  }
0x42: {  	[sflag:s5] =	ssyncset.done $0x0  }
0x43: {  	[sflag:s5] =	ssyncadd.s32 $0xFFFFC000  }
0x44: {  	[tilespmem:s15], [sflag:$0x2] =	stream.indirect.gather [hbm4b:s3+s13], $0x80, s30, s13, $0xb8;
	[tilespmem:$0x18800] =	vst v63  }
0x45: {  	_ =	swait.ge [sflag:s17], $0x4000  }
0x46: {  	[sflag:s17] =	ssyncset.done $0x0  }
0x47: {  	s1 =	rddreg [dreg:$0x6];
	[sflag:s17] =	ssyncadd.s32 $0xFFFFC000  }
0x48: {  	[hbm4b:s1+s2] =	stream.linear.scatter [tilespmem:s11], [sflag:$0xB], $0x4000, $0x38;
	[tilespmem:$0x18800] =	vst v63  }
0x49: {  	_ =	swait.ge [sflag:s6], $0x4000  }
0x4a: {  	[sflag:s6] =	ssyncset.done $0x0  }
0x4b: {  	[sflag:s6] =	ssyncadd.s32 $0xFFFFC000  }
0x4c: {  	[tilespmem:s14], [sflag:$0x3] =	stream.indirect.gather [hbm4b:s3+s13], $0x80, s29, s13, $0xb8;
	[tilespmem:$0x18800] =	vst v63  }
0x4d: {  	_ =	swait.ge [sflag:s16], $0x4000  }
0x4e: {  	[sflag:s16] =	ssyncset.done $0x0  }
0x4f: {  	s1 =	rddreg [dreg:$0x7];
	[sflag:s16] =	ssyncadd.s32 $0xFFFFC000  }
0x50: {  	[hbm4b:s1+s2] =	stream.linear.scatter [tilespmem:s7], [sflag:$0xC], $0x4000, $0x38;
	[tilespmem:$0x18800] =	vst v63  }
0x51: {  	_ =	swait.ge [sflag:s12], $0x4000  }
0x52: {  	[sflag:s12] =	ssyncset.done $0x0  }
0x53: {  	[sflag:s12] =	ssyncadd.s32 $0xFFFFC000  }
0x54: {  	[tilespmem:s10], [sflag:$0x4] =	stream.indirect.gather [hbm4b:s3+s13], $0x80, s28, s13, $0xb8;
	[tilespmem:$0x18800] =	vst v63  }
0x55: {  	_ =	swait.ge [sflag:s22], $0x4000  }
0x56: {  	[sflag:s22] =	ssyncset.done $0x0  }
0x57: {  	s1 =	rddreg [dreg:$0x8];
	[sflag:s22] =	ssyncadd.s32 $0xFFFFC000  }
0x58: {  	[hbm4b:s1+s2] =	stream.linear.scatter [tilespmem:s20], [sflag:$0x7], $0x4000, $0x38;
	[tilespmem:$0x18800] =	vst v63  }
0x59: {  	_ =	swait.ge [sflag:s9], $0x4000  }
0x5a: {  	[sflag:s9] =	ssyncset.done $0x0  }
0x5b: {  	[sflag:s9] =	ssyncadd.s32 $0xFFFFC000  }
0x5c: {  	[tilespmem:s11], [sflag:$0x5] =	stream.indirect.gather [hbm4b:s3+s13], $0x80, s26, s13, $0xb8;
	[tilespmem:$0x18800] =	vst v63  }
0x5d: {  	_ =	swait.ge [sflag:s21], $0x4000  }
0x5e: {  	[sflag:s21] =	ssyncset.done $0x0  }
0x5f: {  	s1 =	rddreg [dreg:$0x9];
	[sflag:s21] =	ssyncadd.s32 $0xFFFFC000  }
0x60: {  	[hbm4b:s1+s2] =	stream.linear.scatter [tilespmem:s15], [sflag:$0x8], $0x4000, $0x38;
	[tilespmem:$0x18800] =	vst v63  }
0x61: {  	_ =	swait.ge [sflag:s8], $0x4000  }
0x62: {  	[sflag:s8] =	ssyncset.done $0x0  }
0x63: {  	[sflag:s8] =	ssyncadd.s32 $0xFFFFC000  }
0x64: {  	[tilespmem:s7], [sflag:$0x6] =	stream.indirect.gather [hbm4b:s3+s13], $0x80, s25, s13, $0xb8;
	[tilespmem:$0x18800] =	vst v63  }
0x65: {  	_ =	swait.ge [sflag:s19], $0x4000  }
0x66: {  	[sflag:s19] =	ssyncset.done $0x0  }
0x67: {  	s1 =	rddreg [dreg:$0xa];
	[sflag:s19] =	ssyncadd.s32 $0xFFFFC000  }
0x68: {  	[hbm4b:s1+s2] =	stream.linear.scatter [tilespmem:s14], [sflag:$0x9], $0x4000, $0x38;
	[tilespmem:$0x18800] =	vst v63  }
0x69: {  	_ =	swait.ge [sflag:s18], $0x4000  }
0x6a: {  	[sflag:s18] =	ssyncset.done $0x0  }
0x6b: {  	s1 =	rddreg [dreg:$0xb];
	[sflag:s18] =	ssyncadd.s32 $0xFFFFC000  }
0x6c: {  	[hbm4b:s1+s2] =	stream.linear.scatter [tilespmem:s10], [sflag:$0xA], $0x4000, $0x38;
	[tilespmem:$0x18800] =	vst v63  }
0x6d: {  	_ =	swait.ge [sflag:s17], $0x4000  }
0x6e: {  	[sflag:s17] =	ssyncset.done $0x0  }
0x6f: {  	s1 =	rddreg [dreg:$0xc];
	[sflag:s17] =	ssyncadd.s32 $0xFFFFC000  }
0x70: {  	[hbm4b:s1+s2] =	stream.linear.scatter [tilespmem:s11], [sflag:$0xB], $0x4000, $0x38;
	[tilespmem:$0x18800] =	vst v63  }
0x71: {  	_ =	swait.ge [sflag:s16], $0x4000  }
0x72: {  	[sflag:s16] =	ssyncset.done $0x0  }
0x73: {  	s1 =	rddreg [dreg:$0xd];
	[sflag:s16] =	ssyncadd.s32 $0xFFFFC000  }
0x74: {  	[hbm4b:s1+s2] =	stream.linear.scatter [tilespmem:s7], [sflag:$0xC], $0x4000, $0x38;
	[tilespmem:$0x18800] =	vst v63  }
0x75: {  	_ =	swait.ge [sflag:s4], $0x4000  }
0x76: {  	[sflag:s4] =	ssyncset.done $0x0  }
0x77: {  	[sflag:s4] =	ssyncadd.s32 $0xFFFFC000  }
0x78: {  	_ =	swait.ge [sflag:s5], $0x4000  }
0x79: {  	[sflag:s5] =	ssyncset.done $0x0  }
0x7a: {  	[sflag:s5] =	ssyncadd.s32 $0xFFFFC000  }
0x7b: {  	_ =	swait.ge [sflag:s6], $0x4000  }
0x7c: {  	[sflag:s6] =	ssyncset.done $0x0  }
0x7d: {  	[sflag:s6] =	ssyncadd.s32 $0xFFFFC000  }
0x7e: {  	_ =	swait.ge [sflag:s12], $0x4000  }
0x7f: {  	[sflag:s12] =	ssyncset.done $0x0  }
0x80: {  	p1 =	sne.s32 s24, $0x1;
	[sflag:s12] =	ssyncadd.s32 $0xFFFFC000  }
.Ltmp1:
0x81: {  	_ =	swait.ge [sflag:s9], $0x4000;
	(pc) =	sbr.rel @!p1 .LBB2_3-.Ltmp1, $4  }
0x82: {  	[sflag:s9] =	ssyncset.done $0x0  }
0x83: {  	[sflag:s9] =	ssyncadd.s32 $0xFFFFC000  }
0x84: {  	p0 =	por $0x1, $0x1;
	_ =	swait.ge [sflag:s8], $0x4000  }
0x85: {  	s1 =	sadd.s32 $0xFFFFFFFF, s24;
	s0 =	rddreg [dreg:$0x2];
	[sflag:s8] =	ssyncset.done $0x0  }
.LBB2_4:
0x86: {  	[sflag:s8] =	ssyncadd.s32 $0xFFFFC000  }
0x87: {  	[tilespmem:s2], [sflag:$0xD] =	stream.linear.gather [hbm4b:s0+s2], $0x600, $0x38;
	[tilespmem:$0x18800] =	vst v63  }
0x88: {  	_ =	swait.ge [sflag:s31], $0x600  }
0x89: {  	[sflag:s31] =	ssyncset.done $0x0  }
0x8a: {  	[sflag:s31] =	ssyncadd.s32 $0xFFFFFA00  }
0x8b: {  	[tilespmem:s20], [sflag:$0x1] =	stream.indirect.gather [hbm4b:s3+s13], $0x80, s2, s13, $0xb8;
	[tilespmem:$0x18800] =	vst v63  }
0x8c: {  	_ = 	snop  }
0x8d: {  	[tilespmem:s15], [sflag:$0x2] =	stream.indirect.gather [hbm4b:s3+s13], $0x80, s13, s13, $0xb8;
	[tilespmem:$0x18800] =	vst v63  }
0x8e: {  	s0 =	rddreg [dreg:$0xe]  }
0x8f: {  	[tilespmem:s14], [sflag:$0x3] =	stream.indirect.gather [hbm4b:s3+s13], $0x80, s0, s13, $0xb8;
	[tilespmem:$0x18800] =	vst v63  }
0x90: {  	s24 =	rddreg [dreg:$0xf]  }
0x91: {  	[tilespmem:s10], [sflag:$0x4] =	stream.indirect.gather [hbm4b:s3+s13], $0x80, s24, s13, $0xb8;
	[tilespmem:$0x18800] =	vst v63  }
0x92: {  	_ =	swait.ge [sflag:s22], $0x4000  }
0x93: {  	[sflag:s22] =	ssyncset.done $0x0  }
0x94: {  	[sflag:s22] =	ssyncadd.s32 $0xFFFFC000  }
0x95: {  	[hbm4b:s23+s2] =	stream.linear.scatter [tilespmem:s20], [sflag:$0x7], $0x4000, $0x38;
	[tilespmem:$0x18800] =	vst v63  }
0x96: {  	s24 =	rddreg [dreg:$0x10]  }
0x97: {  	[tilespmem:s11], [sflag:$0x5] =	stream.indirect.gather [hbm4b:s3+s13], $0x80, s24, s13, $0xb8;
	[tilespmem:$0x18800] =	vst v63  }
0x98: {  	_ =	swait.ge [sflag:s21], $0x4000  }
0x99: {  	[sflag:s21] =	ssyncset.done $0x0  }
0x9a: {  	s0 =	rddreg [dreg:$0x3];
	[sflag:s21] =	ssyncadd.s32 $0xFFFFC000  }
0x9b: {  	[hbm4b:s0+s2] =	stream.linear.scatter [tilespmem:s15], [sflag:$0x8], $0x4000, $0x38;
	[tilespmem:$0x18800] =	vst v63  }
0x9c: {  	s24 =	rddreg [dreg:$0x11]  }
0x9d: {  	[tilespmem:s7], [sflag:$0x6] =	stream.indirect.gather [hbm4b:s3+s13], $0x80, s24, s13, $0xb8;
	[tilespmem:$0x18800] =	vst v63  }
0x9e: {  	_ =	swait.ge [sflag:s19], $0x4000  }
0x9f: {  	[sflag:s19] =	ssyncset.done $0x0  }
0xa0: {  	s24 =	rddreg [dreg:$0x4];
	[sflag:s19] =	ssyncadd.s32 $0xFFFFC000  }
0xa1: {  	[hbm4b:s24+s2] =	stream.linear.scatter [tilespmem:s14], [sflag:$0x9], $0x4000, $0x38;
	[tilespmem:$0x18800] =	vst v63  }
0xa2: {  	_ =	swait.ge [sflag:s4], $0x4000  }
0xa3: {  	[sflag:s4] =	ssyncset.done $0x0  }
0xa4: {  	s24 =	simm.s32 $0x300;
	[sflag:s4] =	ssyncadd.s32 $0xFFFFC000  }
0xa5: {  	[tilespmem:s20], [sflag:$0x1] =	stream.indirect.gather [hbm4b:s3+s13], $0x80, s24, s13, $0xb8;
	[tilespmem:$0x18800] =	vst v63  }
0xa6: {  	_ =	swait.ge [sflag:s18], $0x4000  }
0xa7: {  	[sflag:s18] =	ssyncset.done $0x0  }
0xa8: {  	s24 =	rddreg [dreg:$0x5];
	[sflag:s18] =	ssyncadd.s32 $0xFFFFC000  }
0xa9: {  	[hbm4b:s24+s2] =	stream.linear.scatter [tilespmem:s10], [sflag:$0xA], $0x4000, $0x38;
	[tilespmem:$0x18800] =	vst v63  }
0xaa: {  	_ =	swait.ge [sflag:s5], $0x4000  }
0xab: {  	[sflag:s5] =	ssyncset.done $0x0  }
0xac: {  	[sflag:s5] =	ssyncadd.s32 $0xFFFFC000  }
0xad: {  	[tilespmem:s15], [sflag:$0x2] =	stream.indirect.gather [hbm4b:s3+s13], $0x80, s30, s13, $0xb8;
	[tilespmem:$0x18800] =	vst v63  }
0xae: {  	_ =	swait.ge [sflag:s17], $0x4000  }
0xaf: {  	[sflag:s17] =	ssyncset.done $0x0  }
0xb0: {  	s24 =	rddreg [dreg:$0x6];
	[sflag:s17] =	ssyncadd.s32 $0xFFFFC000  }
0xb1: {  	[hbm4b:s24+s2] =	stream.linear.scatter [tilespmem:s11], [sflag:$0xB], $0x4000, $0x38;
	[tilespmem:$0x18800] =	vst v63  }
0xb2: {  	_ =	swait.ge [sflag:s6], $0x4000  }
0xb3: {  	[sflag:s6] =	ssyncset.done $0x0  }
0xb4: {  	[sflag:s6] =	ssyncadd.s32 $0xFFFFC000  }
0xb5: {  	[tilespmem:s14], [sflag:$0x3] =	stream.indirect.gather [hbm4b:s3+s13], $0x80, s29, s13, $0xb8;
	[tilespmem:$0x18800] =	vst v63  }
0xb6: {  	_ =	swait.ge [sflag:s16], $0x4000  }
0xb7: {  	[sflag:s16] =	ssyncset.done $0x0  }
0xb8: {  	s24 =	rddreg [dreg:$0x7];
	[sflag:s16] =	ssyncadd.s32 $0xFFFFC000  }
0xb9: {  	[hbm4b:s24+s2] =	stream.linear.scatter [tilespmem:s7], [sflag:$0xC], $0x4000, $0x38;
	[tilespmem:$0x18800] =	vst v63  }
0xba: {  	_ =	swait.ge [sflag:s12], $0x4000  }
0xbb: {  	[sflag:s12] =	ssyncset.done $0x0  }
0xbc: {  	[sflag:s12] =	ssyncadd.s32 $0xFFFFC000  }
0xbd: {  	[tilespmem:s10], [sflag:$0x4] =	stream.indirect.gather [hbm4b:s3+s13], $0x80, s28, s13, $0xb8;
	[tilespmem:$0x18800] =	vst v63  }
0xbe: {  	_ =	swait.ge [sflag:s22], $0x4000  }
0xbf: {  	[sflag:s22] =	ssyncset.done $0x0  }
0xc0: {  	s24 =	rddreg [dreg:$0x8];
	[sflag:s22] =	ssyncadd.s32 $0xFFFFC000  }
0xc1: {  	[hbm4b:s24+s2] =	stream.linear.scatter [tilespmem:s20], [sflag:$0x7], $0x4000, $0x38;
	[tilespmem:$0x18800] =	vst v63  }
0xc2: {  	_ =	swait.ge [sflag:s9], $0x4000  }
0xc3: {  	[sflag:s9] =	ssyncset.done $0x0  }
0xc4: {  	[sflag:s9] =	ssyncadd.s32 $0xFFFFC000  }
0xc5: {  	[tilespmem:s11], [sflag:$0x5] =	stream.indirect.gather [hbm4b:s3+s13], $0x80, s26, s13, $0xb8;
	[tilespmem:$0x18800] =	vst v63  }
0xc6: {  	_ =	swait.ge [sflag:s21], $0x4000  }
0xc7: {  	[sflag:s21] =	ssyncset.done $0x0  }
0xc8: {  	s24 =	rddreg [dreg:$0x9];
	[sflag:s21] =	ssyncadd.s32 $0xFFFFC000  }
0xc9: {  	[hbm4b:s24+s2] =	stream.linear.scatter [tilespmem:s15], [sflag:$0x8], $0x4000, $0x38;
	[tilespmem:$0x18800] =	vst v63  }
0xca: {  	_ =	swait.ge [sflag:s8], $0x4000  }
0xcb: {  	[sflag:s8] =	ssyncset.done $0x0  }
0xcc: {  	[sflag:s8] =	ssyncadd.s32 $0xFFFFC000  }
0xcd: {  	[tilespmem:s7], [sflag:$0x6] =	stream.indirect.gather [hbm4b:s3+s13], $0x80, s25, s13, $0xb8;
	[tilespmem:$0x18800] =	vst v63  }
0xce: {  	_ =	swait.ge [sflag:s19], $0x4000  }
0xcf: {  	[sflag:s19] =	ssyncset.done $0x0  }
0xd0: {  	s24 =	rddreg [dreg:$0xa];
	[sflag:s19] =	ssyncadd.s32 $0xFFFFC000  }
0xd1: {  	[hbm4b:s24+s2] =	stream.linear.scatter [tilespmem:s14], [sflag:$0x9], $0x4000, $0x38;
	[tilespmem:$0x18800] =	vst v63  }
0xd2: {  	_ =	swait.ge [sflag:s18], $0x4000  }
0xd3: {  	[sflag:s18] =	ssyncset.done $0x0  }
0xd4: {  	s24 =	rddreg [dreg:$0xb];
	[sflag:s18] =	ssyncadd.s32 $0xFFFFC000  }
0xd5: {  	[hbm4b:s24+s2] =	stream.linear.scatter [tilespmem:s10], [sflag:$0xA], $0x4000, $0x38;
	[tilespmem:$0x18800] =	vst v63  }
0xd6: {  	_ =	swait.ge [sflag:s17], $0x4000  }
0xd7: {  	[sflag:s17] =	ssyncset.done $0x0  }
0xd8: {  	s24 =	rddreg [dreg:$0xc];
	[sflag:s17] =	ssyncadd.s32 $0xFFFFC000  }
0xd9: {  	[hbm4b:s24+s2] =	stream.linear.scatter [tilespmem:s11], [sflag:$0xB], $0x4000, $0x38;
	[tilespmem:$0x18800] =	vst v63  }
0xda: {  	_ =	swait.ge [sflag:s16], $0x4000  }
0xdb: {  	[sflag:s16] =	ssyncset.done $0x0  }
0xdc: {  	s24 =	rddreg [dreg:$0xd];
	[sflag:s16] =	ssyncadd.s32 $0xFFFFC000  }
0xdd: {  	[hbm4b:s24+s2] =	stream.linear.scatter [tilespmem:s7], [sflag:$0xC], $0x4000, $0x38;
	[tilespmem:$0x18800] =	vst v63  }
0xde: {  	_ =	swait.ge [sflag:s4], $0x4000  }
0xdf: {  	[sflag:s4] =	ssyncset.done $0x0  }
0xe0: {  	[sflag:s4] =	ssyncadd.s32 $0xFFFFC000  }
0xe1: {  	_ =	swait.ge [sflag:s5], $0x4000  }
0xe2: {  	[sflag:s5] =	ssyncset.done $0x0  }
0xe3: {  	[sflag:s5] =	ssyncadd.s32 $0xFFFFC000  }
0xe4: {  	_ =	swait.ge [sflag:s6], $0x4000  }
0xe5: {  	[sflag:s6] =	ssyncset.done $0x0  }
0xe6: {  	[sflag:s6] =	ssyncadd.s32 $0xFFFFC000  }
0xe7: {  	_ =	swait.ge [sflag:s12], $0x4000  }
0xe8: {  	[sflag:s12] =	ssyncset.done $0x0  }
0xe9: {  	p1 =	sne.s32 s1, $0x1;
	[sflag:s12] =	ssyncadd.s32 $0xFFFFC000  }
.Ltmp2:
0xea: {  	_ =	swait.ge [sflag:s9], $0x4000;
	(pc) =	sbr.rel @p1 .LBB2_4-.Ltmp2, $4  }
0xeb: {  	[sflag:s9] =	ssyncset.done $0x0  }
0xec: {  	[sflag:s9] =	ssyncadd.s32 $0xFFFFC000  }
0xed: {  	_ =	swait.ge [sflag:s8], $0x4000  }
0xee: {  	s1 =	sadd.s32 $0xFFFFFFFF, s1;
	s0 =	rddreg [dreg:$0x2];
	[sflag:s8] =	ssyncset.done $0x0  }
0xef: {  	s24 =	simm.s32 $0x300;
	s30 =	simm.s32 $0x380;
	s29 =	simm.s32 $0x400  }
0xf0: {  	s28 =	simm.s32 $0x480;
	s26 =	simm.s32 $0x500;
	s25 =	simm.s32 $0x580  }
.LBB2_6:
0xf1: {  	[sflag:s8] =	ssyncadd.s32 @p0 $0xFFFFC000  }
0xf2: {  	[tilespmem:s2], [sflag:$0xD] =	stream.linear.gather [hbm4b:s0+s2], $0x600, $0x38;
	[tilespmem:$0x18800] =	vst v63  }
0xf3: {  	_ =	swait.ge [sflag:s31], $0x600  }
0xf4: {  	[sflag:s31] =	ssyncset.done $0x0  }
0xf5: {  	[sflag:s31] =	ssyncadd.s32 $0xFFFFFA00  }
0xf6: {  	[tilespmem:s20], [sflag:$0x1] =	stream.indirect.gather [hbm4b:s3+s13], $0x80, s2, s13, $0xb8;
	[tilespmem:$0x18800] =	vst v63  }
0xf7: {  	_ = 	snop  }
0xf8: {  	[tilespmem:s15], [sflag:$0x2] =	stream.indirect.gather [hbm4b:s3+s13], $0x80, s13, s13, $0xb8;
	[tilespmem:$0x18800] =	vst v63  }
0xf9: {  	s31 =	rddreg [dreg:$0xe]  }
0xfa: {  	[tilespmem:s14], [sflag:$0x3] =	stream.indirect.gather [hbm4b:s3+s13], $0x80, s31, s13, $0xb8;
	[tilespmem:$0x18800] =	vst v63  }
0xfb: {  	s1 =	rddreg [dreg:$0xf]  }
0xfc: {  	[tilespmem:s10], [sflag:$0x4] =	stream.indirect.gather [hbm4b:s3+s13], $0x80, s1, s13, $0xb8;
	[tilespmem:$0x18800] =	vst v63  }
0xfd: {  	_ =	swait.ge [sflag:s22], $0x4000  }
0xfe: {  	[sflag:s22] =	ssyncset.done $0x0  }
0xff: {  	[sflag:s22] =	ssyncadd.s32 $0xFFFFC000  }
0x100: {  	[hbm4b:s23+s2] =	stream.linear.scatter [tilespmem:s20], [sflag:$0x7], $0x4000, $0x38;
	[tilespmem:$0x18800] =	vst v63  }
0x101: {  	s1 =	rddreg [dreg:$0x10]  }
0x102: {  	[tilespmem:s11], [sflag:$0x5] =	stream.indirect.gather [hbm4b:s3+s13], $0x80, s1, s13, $0xb8;
	[tilespmem:$0x18800] =	vst v63  }
0x103: {  	_ =	swait.ge [sflag:s21], $0x4000  }
0x104: {  	[sflag:s21] =	ssyncset.done $0x0  }
0x105: {  	s23 =	rddreg [dreg:$0x3];
	[sflag:s21] =	ssyncadd.s32 $0xFFFFC000  }
0x106: {  	[hbm4b:s23+s2] =	stream.linear.scatter [tilespmem:s15], [sflag:$0x8], $0x4000, $0x38;
	[tilespmem:$0x18800] =	vst v63  }
0x107: {  	s31 =	rddreg [dreg:$0x11]  }
0x108: {  	[tilespmem:s7], [sflag:$0x6] =	stream.indirect.gather [hbm4b:s3+s13], $0x80, s31, s13, $0xb8;
	[tilespmem:$0x18800] =	vst v63  }
0x109: {  	_ =	swait.ge [sflag:s19], $0x4000  }
0x10a: {  	[sflag:s19] =	ssyncset.done $0x0  }
0x10b: {  	s23 =	rddreg [dreg:$0x4];
	[sflag:s19] =	ssyncadd.s32 $0xFFFFC000  }
0x10c: {  	[hbm4b:s23+s2] =	stream.linear.scatter [tilespmem:s14], [sflag:$0x9], $0x4000, $0x38;
	[tilespmem:$0x18800] =	vst v63  }
0x10d: {  	_ =	swait.ge [sflag:s4], $0x4000  }
0x10e: {  	[sflag:s4] =	ssyncset.done $0x0  }
0x10f: {  	[sflag:s4] =	ssyncadd.s32 $0xFFFFC000  }
0x110: {  	[tilespmem:s20], [sflag:$0x1] =	stream.indirect.gather [hbm4b:s3+s13], $0x80, s24, s13, $0xb8;
	[tilespmem:$0x18800] =	vst v63  }
0x111: {  	_ =	swait.ge [sflag:s18], $0x4000  }
0x112: {  	[sflag:s18] =	ssyncset.done $0x0  }
0x113: {  	s24 =	rddreg [dreg:$0x5];
	[sflag:s18] =	ssyncadd.s32 $0xFFFFC000  }
0x114: {  	[hbm4b:s24+s2] =	stream.linear.scatter [tilespmem:s10], [sflag:$0xA], $0x4000, $0x38;
	[tilespmem:$0x18800] =	vst v63  }
0x115: {  	_ =	swait.ge [sflag:s5], $0x4000  }
0x116: {  	[sflag:s5] =	ssyncset.done $0x0  }
0x117: {  	[sflag:s5] =	ssyncadd.s32 $0xFFFFC000  }
0x118: {  	[tilespmem:s15], [sflag:$0x2] =	stream.indirect.gather [hbm4b:s3+s13], $0x80, s30, s13, $0xb8;
	[tilespmem:$0x18800] =	vst v63  }
0x119: {  	_ =	swait.ge [sflag:s17], $0x4000  }
0x11a: {  	[sflag:s17] =	ssyncset.done $0x0  }
0x11b: {  	s31 =	rddreg [dreg:$0x6];
	[sflag:s17] =	ssyncadd.s32 $0xFFFFC000  }
0x11c: {  	[hbm4b:s31+s2] =	stream.linear.scatter [tilespmem:s11], [sflag:$0xB], $0x4000, $0x38;
	[tilespmem:$0x18800] =	vst v63  }
0x11d: {  	_ =	swait.ge [sflag:s6], $0x4000  }
0x11e: {  	[sflag:s6] =	ssyncset.done $0x0  }
0x11f: {  	[sflag:s6] =	ssyncadd.s32 $0xFFFFC000  }
0x120: {  	[tilespmem:s14], [sflag:$0x3] =	stream.indirect.gather [hbm4b:s3+s13], $0x80, s29, s13, $0xb8;
	[tilespmem:$0x18800] =	vst v63  }
0x121: {  	_ =	swait.ge [sflag:s16], $0x4000  }
0x122: {  	[sflag:s16] =	ssyncset.done $0x0  }
0x123: {  	s1 =	rddreg [dreg:$0x7];
	[sflag:s16] =	ssyncadd.s32 $0xFFFFC000  }
0x124: {  	[hbm4b:s1+s2] =	stream.linear.scatter [tilespmem:s7], [sflag:$0xC], $0x4000, $0x38;
	[tilespmem:$0x18800] =	vst v63  }
0x125: {  	_ =	swait.ge [sflag:s12], $0x4000  }
0x126: {  	[sflag:s12] =	ssyncset.done $0x0  }
0x127: {  	[sflag:s12] =	ssyncadd.s32 $0xFFFFC000  }
0x128: {  	[tilespmem:s10], [sflag:$0x4] =	stream.indirect.gather [hbm4b:s3+s13], $0x80, s28, s13, $0xb8;
	[tilespmem:$0x18800] =	vst v63  }
0x129: {  	_ =	swait.ge [sflag:s22], $0x4000  }
0x12a: {  	[sflag:s22] =	ssyncset.done $0x0  }
0x12b: {  	s23 =	rddreg [dreg:$0x8];
	[sflag:s22] =	ssyncadd.s32 $0xFFFFC000  }
0x12c: {  	[hbm4b:s23+s2] =	stream.linear.scatter [tilespmem:s20], [sflag:$0x7], $0x4000, $0x38;
	[tilespmem:$0x18800] =	vst v63  }
0x12d: {  	_ =	swait.ge [sflag:s9], $0x4000  }
0x12e: {  	[sflag:s9] =	ssyncset.done $0x0  }
0x12f: {  	[sflag:s9] =	ssyncadd.s32 $0xFFFFC000  }
0x130: {  	[tilespmem:s11], [sflag:$0x5] =	stream.indirect.gather [hbm4b:s3+s13], $0x80, s26, s13, $0xb8;
	[tilespmem:$0x18800] =	vst v63  }
0x131: {  	_ =	swait.ge [sflag:s21], $0x4000  }
0x132: {  	[sflag:s21] =	ssyncset.done $0x0  }
0x133: {  	s24 =	rddreg [dreg:$0x9];
	[sflag:s21] =	ssyncadd.s32 $0xFFFFC000  }
0x134: {  	[hbm4b:s24+s2] =	stream.linear.scatter [tilespmem:s15], [sflag:$0x8], $0x4000, $0x38;
	[tilespmem:$0x18800] =	vst v63  }
0x135: {  	_ =	swait.ge [sflag:s8], $0x4000  }
0x136: {  	[sflag:s8] =	ssyncset.done $0x0  }
0x137: {  	[sflag:s8] =	ssyncadd.s32 $0xFFFFC000  }
0x138: {  	[tilespmem:s7], [sflag:$0x6] =	stream.indirect.gather [hbm4b:s3+s13], $0x80, s25, s13, $0xb8;
	[tilespmem:$0x18800] =	vst v63  }
0x139: {  	_ =	swait.ge [sflag:s19], $0x4000  }
0x13a: {  	[sflag:s19] =	ssyncset.done $0x0  }
0x13b: {  	s26 =	rddreg [dreg:$0xa];
	[sflag:s19] =	ssyncadd.s32 $0xFFFFC000  }
0x13c: {  	[hbm4b:s26+s2] =	stream.linear.scatter [tilespmem:s14], [sflag:$0x9], $0x4000, $0x38;
	[tilespmem:$0x18800] =	vst v63  }
0x13d: {  	_ =	swait.ge [sflag:s18], $0x4000  }
0x13e: {  	[sflag:s18] =	ssyncset.done $0x0  }
0x13f: {  	s28 =	rddreg [dreg:$0xb];
	[sflag:s18] =	ssyncadd.s32 $0xFFFFC000  }
0x140: {  	[hbm4b:s28+s2] =	stream.linear.scatter [tilespmem:s10], [sflag:$0xA], $0x4000, $0x38;
	[tilespmem:$0x18800] =	vst v63  }
0x141: {  	_ =	swait.ge [sflag:s17], $0x4000  }
0x142: {  	[sflag:s17] =	ssyncset.done $0x0  }
0x143: {  	s29 =	rddreg [dreg:$0xc];
	[sflag:s17] =	ssyncadd.s32 $0xFFFFC000  }
0x144: {  	[hbm4b:s29+s2] =	stream.linear.scatter [tilespmem:s11], [sflag:$0xB], $0x4000, $0x38;
	[tilespmem:$0x18800] =	vst v63  }
0x145: {  	_ =	swait.ge [sflag:s16], $0x4000  }
0x146: {  	[sflag:s16] =	ssyncset.done $0x0  }
0x147: {  	s30 =	rddreg [dreg:$0xd];
	[sflag:s16] =	ssyncadd.s32 $0xFFFFC000  }
0x148: {  	[hbm4b:s30+s2] =	stream.linear.scatter [tilespmem:s7], [sflag:$0xC], $0x4000, $0x38;
	[tilespmem:$0x18800] =	vst v63  }
0x149: {  	_ =	swait.ge [sflag:s4], $0x4000  }
0x14a: {  	[sflag:s4] =	ssyncset.done $0x0  }
0x14b: {  	[sflag:s4] =	ssyncadd.s32 $0xFFFFC000  }
0x14c: {  	_ =	swait.ge [sflag:s5], $0x4000  }
0x14d: {  	[sflag:s5] =	ssyncset.done $0x0  }
0x14e: {  	[sflag:s5] =	ssyncadd.s32 $0xFFFFC000  }
0x14f: {  	_ =	swait.ge [sflag:s6], $0x4000  }
0x150: {  	[sflag:s6] =	ssyncset.done $0x0  }
0x151: {  	[sflag:s6] =	ssyncadd.s32 $0xFFFFC000  }
0x152: {  	_ =	swait.ge [sflag:s12], $0x4000  }
0x153: {  	[sflag:s12] =	ssyncset.done $0x0  }
0x154: {  	[sflag:s12] =	ssyncadd.s32 $0xFFFFC000  }
0x155: {  	_ =	swait.ge [sflag:s9], $0x4000  }
0x156: {  	[sflag:s9] =	ssyncset.done $0x0  }
0x157: {  	[sflag:s9] =	ssyncadd.s32 $0xFFFFC000  }
0x158: {  	_ =	swait.ge [sflag:s8], $0x4000  }
0x159: {  	[sflag:s8] =	ssyncset.done $0x0  }
0x15a: {  	[sflag:s8] =	ssyncadd.s32 $0xFFFFC000  }
0x15b: {  	_ =	sfence.sel $0x180000  }
0x15c: {  	[bflag:$0x0] =	sbarrier.arrive $0xFFFF  }
0x15d: {  	_ =	strace $0x9000004D  }
0x15e: {  	s31 =	stileid.u32;
	[bflag:$0x2] =	sbarrier.arrive $0xFFFF  }
0x15f: {  	p0 =	sne.s32 s31, $0x0;
	s0 =	rddreg [dreg:$0x1]  }
0x160: {  	s0 =	sadd.s32 @!p0 $0x100000, s0  }
0x161: {  	[sflag:s0] =	ssyncadd.tile.s32 @!p0 $0x1;
	_ =	shalt  }
.LBB2_1:
.Ltmp3:
0x162: {  	(pc) =	sbr.rel .LBB2_6-.Ltmp3, $3  }
0x163: {  	_ =	sdelay $0x1  }
0x164: {  	s24 =	simm.s32 $0x300;
	s30 =	simm.s32 $0x380;
	s29 =	simm.s32 $0x400  }
0x165: {  	s28 =	simm.s32 $0x480;
	s26 =	simm.s32 $0x500;
	s25 =	simm.s32 $0x580  }
.LBB2_3:
.Ltmp4:
0x166: {  	(pc) =	sbr.rel .LBB2_6-.Ltmp4, $3  }
0x167: {  	_ =	sdelay $0x1  }
0x168: {  	s24 =	simm.s32 $0x300;
	s30 =	simm.s32 $0x380;
	s29 =	simm.s32 $0x400  }
0x169: {  	s28 =	simm.s32 $0x480;
	s26 =	simm.s32 $0x500;
	s25 =	simm.s32 $0x580  }
.Lfunc_end2:
_tile_overlayer_lowered:
.L_overlay_start_2:
0x16a: {  	(tag) =	ssettag $0x2  }
0x16b: {  	s0 =	rddreg [dreg:$0x0];
	s2 =	stileid.u32  }
0x16c: {  	s1 =	rddreg [dreg:$0x1];
	p0 =	sne.s32 s2, $0x0  }
0x16d: {  	s3 =	rddreg [dreg:$0x2];
	[bflag:$0x3] =	sbarrier.arrive $0xFFFF;
	s2 =	simm.s32 @!p0 $0x1C0D  }
0x16e: {  	[timem:s3], [sflag:s2] =	dma.local @!p0 [hbm:s0], s1  }
0x16f: {  	s0 =	simm.s32 @!p0 $0xD  }
0x170: {  	_ =	swait.ge @!p0 [sflag:s0], s1  }
0x171: {  	s1 =	ssub.s32 @!p0 $0x0, s1;
	[sflag:s0] =	ssyncset.done @!p0 $0x0  }
0x172: {  	[sflag:s0] =	ssyncadd.s32 @!p0 s1  }
0x173: {  	[bflag:$0x3] =	sbarrier.arrive $0xFFFF  }
0x174: {  	_ =	shalt  }

</sc_bundles>
